<compile_context>
chip_gen: v7x
topology: tpu7x:2x2x1
jax: 0.10.2.dev20260603
libtpu: 0.0.44.dev20260713+nightly
codegen_flags: <defaults>
</compile_context>

<pallas_src>
import functools

import jax
import jax.numpy as jnp
from jax import lax
from jax.experimental import pallas as pl
from jax.experimental.pallas import tpu as pltpu
from jax.experimental.pallas import tpu_sc as plsc

N = 10000
E = 160000
H = 32
N_ATOM = 16
ITERS = 2

NQ = 2504
NP = 4 * NQ

GW = 256
NWIN = E // GW
Q = E // 4
BR = 1600

_NC = 2
_NS = 16


@functools.lru_cache(maxsize=1)
def _vector_mesh():
  return plsc.VectorSubcoreMesh(
      core_axis_name="core", subcore_axis_name="subcore",
      num_cores=_NC, num_subcores=_NS)


def _sc_gather(table, idx2d):

  @functools.partial(
      pl.kernel,
      out_type=jax.ShapeDtypeStruct((E, H), jnp.float32),
      mesh=_vector_mesh(),
      compiler_params=pltpu.CompilerParams(use_tc_tiling_on_sc=False),
  )
  def gk(tab_hbm, i_hbm, o_hbm):
    def body(i_vmem, o_vmem):
      pltpu.sync_copy(tab_hbm.at[i_vmem.at[0]], o_vmem)

    pltpu.emit_pipeline(
        body,
        grid=(NWIN,),
        in_specs=[pl.BlockSpec((1, GW), lambda i: (0, i))],
        out_specs=[pl.BlockSpec((GW, H), lambda i: (i, 0))],
        core_axis_name=("core", "subcore"),
        dimension_semantics=(pltpu.PARALLEL,),
    )(i_hbm, o_hbm)

  return gk(table, idx2d)


def _sc_scatter_add(msg, idx2d, zeros_tab):

  @functools.partial(
      pl.kernel,
      out_type=jax.ShapeDtypeStruct((_NC, NP, H), jnp.float32),
      mesh=_vector_mesh(),
      scratch_types=[pltpu.VMEM_SHARED((NP, H), jnp.float32)],
      compiler_params=pltpu.CompilerParams(use_tc_tiling_on_sc=False),
  )
  def sk(m_hbm, i_hbm, z_hbm, o_hbm, acc_shared):
    cid = lax.axis_index("core")
    sid = lax.axis_index("subcore")
    rows = NP // _NS
    sl = pl.ds(sid * rows, rows)
    pltpu.sync_copy(z_hbm, acc_shared.at[sl])
    plsc.subcore_barrier()

    def body(m_vmem, i_vmem):
      pltpu.sync_copy(m_vmem, acc_shared.at[i_vmem.at[0]], add=True)

    pltpu.emit_pipeline(
        body,
        grid=(NWIN,),
        in_specs=[
            pl.BlockSpec((GW, H), lambda i: (i, 0)),
            pl.BlockSpec((1, GW), lambda i: (0, i)),
        ],
        out_specs=[],
        core_axis_name=("core", "subcore"),
        dimension_semantics=(pltpu.PARALLEL,),
    )(m_hbm, i_hbm)

    plsc.subcore_barrier()
    pltpu.sync_copy(acc_shared.at[sl], o_hbm.at[cid].at[sl])

  return sk(msg, idx2d, zeros_tab)


def _msg_body(ea_ref, xs_ref, w1_ref, b1_ref, w2o_ref, rsum_ref, o_ref):
  accs = []
  for q in range(4):
    eh = jnp.maximum(
        jnp.dot(ea_ref[:, 4 * q:4 * (q + 1)], w1_ref[...],
                preferred_element_type=jnp.float32)
        + b1_ref[...], 0.0)
    ehc = jnp.concatenate(
        [eh.astype(jnp.bfloat16),
         jnp.ones((eh.shape[0], 1), jnp.bfloat16)], axis=1)
    we = jnp.dot(ehc, w2o_ref[...],
                 preferred_element_type=jnp.float32).astype(jnp.bfloat16)
    xs_q = xs_ref[:, q * H:(q + 1) * H]
    xsrep = pltpu.repeat(xs_q.astype(jnp.bfloat16), H, axis=1)
    accs.append(jnp.dot(we * xsrep, rsum_ref[...],
                        preferred_element_type=jnp.float32))
  o_ref[...] = jnp.concatenate(accs, axis=1)


def _tc_msg(ea16, xs_p, W1, b1r, W2o, rsum):
  return pl.pallas_call(
      _msg_body,
      grid=(Q // BR,),
      in_specs=[
          pl.BlockSpec((BR, 16), lambda i: (i, 0)),
          pl.BlockSpec((BR, 128), lambda i: (i, 0)),
          pl.BlockSpec((4, 128), lambda i: (0, 0)),
          pl.BlockSpec((1, 128), lambda i: (0, 0)),
          pl.BlockSpec((129, H * H), lambda i: (0, 0)),
          pl.BlockSpec((H * H, H), lambda i: (0, 0)),
      ],
      out_specs=pl.BlockSpec((BR, 128), lambda i: (i, 0)),
      out_shape=jax.ShapeDtypeStruct((Q, 128), jnp.float32),
  )(ea16, xs_p, W1, b1r, W2o, rsum)


def _node_body(agg2_ref, out_ref, h_ref, wr_ref, wir_ref, wiz_ref, win_ref,
               whr_ref, whz_ref, whn_ref, bc_ref, bir_ref, biz_ref, bin_ref,
               bhr_ref, bhz_ref, bhn_ref, o_ref):
  agg = agg2_ref[0] + agg2_ref[1]
  out = out_ref[...]
  h = h_ref[...]
  dot = lambda a, w: jnp.dot(a, w[...], preferred_element_type=jnp.float32)
  m = jnp.maximum(agg + dot(out, wr_ref) + bc_ref[...], 0.0)
  r = jax.nn.sigmoid(dot(m, wir_ref) + bir_ref[...]
                     + dot(h, whr_ref) + bhr_ref[...])
  z = jax.nn.sigmoid(dot(m, wiz_ref) + biz_ref[...]
                     + dot(h, whz_ref) + bhz_ref[...])
  n = jnp.tanh(dot(m, win_ref) + bin_ref[...]
               + r * (dot(h, whn_ref) + bhn_ref[...]))
  o_ref[...] = (1.0 - z) * n + z * h


def _tc_node_update(agg2p, outp, hp, bd_weights, biases):
  return pl.pallas_call(
      _node_body,
      out_shape=jax.ShapeDtypeStruct((NQ, 128), jnp.float32),
  )(agg2p, outp, hp, *bd_weights, *biases)


def _emb_body(x_ref, emb_ref, o_ref):
  outs = []
  for q in range(4):
    a = x_ref[:, q:q + 1]
    oh = (a == lax.broadcasted_iota(jnp.int32, (NQ, N_ATOM), 1)
          ).astype(jnp.float32)
    outs.append(jnp.maximum(
        jnp.dot(oh, emb_ref[...], preferred_element_type=jnp.float32), 0.0))
  o_ref[...] = jnp.concatenate(outs, axis=1)


def _tc_embed(x_packed, emb):
  return pl.pallas_call(
      _emb_body,
      out_shape=jax.ShapeDtypeStruct((NQ, 128), jnp.float32),
  )(x_packed, emb)


def _final_body(h_ref, x_ref, wo1_ref, bo1_ref, wo2_ref, bo2_ref, o_ref):
  for q in range(4):
    hq = h_ref[:, q * H:(q + 1) * H]
    t = jnp.maximum(
        jnp.dot(hq, wo1_ref[...], preferred_element_type=jnp.float32)
        + bo1_ref[...], 0.0)
    o = jnp.dot(t, wo2_ref[...], preferred_element_type=jnp.float32) \
        + bo2_ref[...]
    a = x_ref[:, q:q + 1]
    oh = (a == lax.broadcasted_iota(jnp.int32, (NQ, N_ATOM), 1)
          ).astype(jnp.float32)
    feat = jnp.concatenate([o, oh], axis=1)
    nrm = jnp.sqrt(jnp.sum(feat * feat, axis=1, keepdims=True))
    o_ref[q] = feat / jnp.maximum(nrm, 1e-12)


def _tc_final(hp, x_packed, Wo1, bo1, Wo2, bo2):
  return pl.pallas_call(
      _final_body,
      out_shape=jax.ShapeDtypeStruct((4, NQ, H + N_ATOM), jnp.float32),
  )(hp, x_packed, Wo1, bo1, Wo2, bo2)


def kernel(x, edge_index, edge_attr, emb, W1, b1, W2, b2, W_root, b_conv,
           W_ih, W_hh, b_ih, b_hh, Wo1, bo1, Wo2, bo2):
  f32 = jnp.float32
  src2 = edge_index[0].reshape(1, E)
  dst2 = edge_index[1].reshape(1, E)
  ea16 = edge_attr.reshape(Q, 16)
  zeros_tab = jnp.zeros((NP // _NS, H), f32)

  xpad = jnp.concatenate([x[:, 0], jnp.zeros((NP - N,), jnp.int32)])
  x_packed = xpad.reshape(NQ, 4)

  b1r = b1.reshape(1, 128)
  W2o = jnp.concatenate([
      W2.reshape(128, H, H).transpose(0, 2, 1).reshape(128, H * H),
      b2.reshape(H, H).T.reshape(1, H * H)], axis=0).astype(jnp.bfloat16)
  rsum = (jnp.arange(H * H, dtype=jnp.int32)[:, None] // H
          == jnp.arange(H, dtype=jnp.int32)[None, :]).astype(jnp.bfloat16)

  eye4 = jnp.eye(4, dtype=f32)
  bd = lambda w: jnp.kron(eye4, w)
  tile4 = lambda v: jnp.tile(v.reshape(1, H), (1, 4))
  W_ihT = W_ih.T
  W_hhT = W_hh.T
  bd_weights = (
      bd(W_root),
      bd(W_ihT[:, :H]), bd(W_ihT[:, H:2 * H]), bd(W_ihT[:, 2 * H:]),
      bd(W_hhT[:, :H]), bd(W_hhT[:, H:2 * H]), bd(W_hhT[:, 2 * H:]),
  )
  biases = (
      tile4(b_conv),
      tile4(b_ih[:H]), tile4(b_ih[H:2 * H]), tile4(b_ih[2 * H:]),
      tile4(b_hh[:H]), tile4(b_hh[H:2 * H]), tile4(b_hh[2 * H:]),
  )
  bo1r = bo1.reshape(1, H)
  bo2r = bo2.reshape(1, H)

  outp = _tc_embed(x_packed, emb)
  hp = outp
  for _ in range(ITERS):
    xs = _sc_gather(jnp.reshape(outp, (NP, H)), src2)
    xs_p = jnp.reshape(xs, (Q, 128))
    msg_p = _tc_msg(ea16, xs_p, W1, b1r, W2o, rsum)
    msg = jnp.reshape(msg_p, (E, H))
    agg2 = _sc_scatter_add(msg, dst2, zeros_tab)
    agg2p = jnp.reshape(agg2, (_NC, NQ, 128))
    hp = _tc_node_update(agg2p, outp, hp, bd_weights, biases)
    outp = hp
  fg4 = _tc_final(hp, x_packed, Wo1, bo1r, Wo2, bo2r)
  return jnp.reshape(jnp.transpose(fg4, (1, 0, 2)), (NP, H + N_ATOM))[:N]

# --- scband reference (transcript-rebuilt; emitter-appended) ---
"""Pipeline reference for scband-dsgpm-61967788147234 (READ-ONLY COPY).

The authoritative reference and input builder live on the scoring server;
editing this copy changes nothing except your own understanding.
"""

import jax, jax.numpy as jnp
import numpy as np

N = 10000
E = 160000
H = 32
D_EMB = 32
N_ATOM = 16
ITERS = 2

def setup_inputs(seed: int = 0) -> dict:
    key = jax.random.key(seed)
    ks = jax.random.split(key, 16)
    x = jax.random.randint(ks[0], (N, 1), 0, N_ATOM, dtype=jnp.int32)
    edge_index = jax.random.randint(ks[1], (2, E), 0, N, dtype=jnp.int32)
    edge_attr = jax.random.uniform(ks[2], (E, 4), dtype=jnp.float32)
    emb = jax.random.normal(ks[3], (N_ATOM, H), dtype=jnp.float32) * 0.1
    W1 = jax.random.normal(ks[4], (4, 128), dtype=jnp.float32) * 0.1
    b1 = jnp.zeros((128,), dtype=jnp.float32)
    W2 = jax.random.normal(ks[5], (128, H * H), dtype=jnp.float32) * 0.02
    b2 = jnp.zeros((H * H,), dtype=jnp.float32)
    W_root = jax.random.normal(ks[6], (H, H), dtype=jnp.float32) * 0.1
    b_conv = jnp.zeros((H,), dtype=jnp.float32)
    W_ih = jax.random.normal(ks[7], (3 * H, H), dtype=jnp.float32) * 0.1
    W_hh = jax.random.normal(ks[8], (3 * H, H), dtype=jnp.float32) * 0.1
    b_ih = jnp.zeros((3 * H,), dtype=jnp.float32)
    b_hh = jnp.zeros((3 * H,), dtype=jnp.float32)
    Wo1 = jax.random.normal(ks[9], (H, H), dtype=jnp.float32) * 0.1
    bo1 = jnp.zeros((H,), dtype=jnp.float32)
    Wo2 = jax.random.normal(ks[10], (H, D_EMB), dtype=jnp.float32) * 0.1
    bo2 = jnp.zeros((D_EMB,), dtype=jnp.float32)
    return {"x": x, "edge_index": edge_index, "edge_attr": edge_attr, "emb": emb,
            "W1": W1, "b1": b1, "W2": W2, "b2": b2, "W_root": W_root, "b_conv": b_conv,
            "W_ih": W_ih, "W_hh": W_hh, "b_ih": b_ih, "b_hh": b_hh,
            "Wo1": Wo1, "bo1": bo1, "Wo2": Wo2, "bo2": bo2}

def reference(x, edge_index, edge_attr, emb, W1, b1, W2, b2, W_root, b_conv,
              W_ih, W_hh, b_ih, b_hh, Wo1, bo1, Wo2, bo2):
    src = edge_index[0]
    dst = edge_index[1]
    # input_fc embedding + relu, squeeze(1)
    out = jax.nn.relu(jnp.take(emb, x[:, 0], axis=0))  # [N, H]
    h = out
    for _ in range(ITERS):
        # edge_nn: Linear(4,128) -> ReLU -> Linear(128, H*H)
        eh = jax.nn.relu(edge_attr @ W1 + b1)
        We = (eh @ W2 + b2).reshape(E, H, H)  # per-edge weight matrices
        # NNConv message: x_src @ We, aggregated by add at dst; plus root weight and bias
        msg = jnp.einsum('eh,eho->eo', jnp.take(out, src, axis=0), We)
        agg = jax.ops.segment_sum(msg, dst, num_segments=N)
        m = jax.nn.relu(agg + out @ W_root + b_conv)
        # GRU step (single layer, seq_len=1): gates ordered (r, z, n)
        gi = m @ W_ih.T + b_ih
        gh = h @ W_hh.T + b_hh
        r = jax.nn.sigmoid(gi[:, :H] + gh[:, :H])
        z = jax.nn.sigmoid(gi[:, H:2 * H] + gh[:, H:2 * H])
        n = jnp.tanh(gi[:, 2 * H:] + r * gh[:, 2 * H:])
        h = (1.0 - z) * n + z * h
        out = h
    o = jax.nn.relu(out @ Wo1 + bo1) @ Wo2 + bo2  # [N, D_EMB]
    # one-hot atom types via scatter-overwrite
    onehot = jnp.zeros((N, N_ATOM), dtype=o.dtype).at[jnp.arange(N), x[:, 0]].set(1.0)
    feat = jnp.concatenate([o, onehot], axis=1)  # [N, D_EMB + N_ATOM]
    nrm = jnp.linalg.norm(feat, axis=1, keepdims=True)
    fg_embed = feat / jnp.maximum(nrm, 1e-12)
    return fg_embed

if __name__ == "__main__":
    import jax
    _d = setup_inputs()
    print(jax.jit(kernel)(*tuple(_d.values())))

</pallas_src>

<mosaic_0001>
#map = affine_map<(d0, d1) -> (0, 0)>
#map1 = affine_map<(d0, d1) -> (0, 0, 0)>
module attributes {stable_mosaic.version = 14 : i64} {
  func.func @sk(%arg0: i32, %arg1: i32, %arg2: memref<160000x32xf32, #tpu.memory_space<hbm>>, %arg3: memref<1x160000xi32, #tpu.memory_space<hbm>>, %arg4: memref<626x32xf32, #tpu.memory_space<hbm>>, %arg5: memref<2x10016x32xf32, #tpu.memory_space<hbm>>, %arg6: memref<10016x32xf32, #tpu.memory_space<vmem_shared>>) attributes {dimension_semantics = [#tpu.dimension_semantics<core_parallel>, #tpu.dimension_semantics<subcore_parallel>], iteration_bounds = array<i64: 2, 16>, scalar_prefetch = 0 : i64, scratch_operands = 1 : i64, tpu.core_type = #tpu.core_type<sc_vector_subcore>, window_params = [{transform_indices = #map}, {transform_indices = #map}, {transform_indices = #map}, {transform_indices = #map1}]} {
    %mul3A = arith.constant 626 : i32
    %mul3A_0 = arith.muli %arg1, %mul3A : i32
    "tpu.region"() ({
      %run_scoped3A = tpu.sem_alloc : memref<!tpu.dma_semaphore, #tpu.memory_space<semaphore_mem>>
      %dma_start3A = arith.constant 0 : i32
      %dma_start3A_20 = tpu.memref_slice %arg6[%mul3A_0, %dma_start3A] : memref<10016x32xf32, #tpu.memory_space<vmem_shared>> -> memref<626x32xf32, #tpu.memory_space<vmem_shared>>
      tpu.enqueue_dma source(%arg4 : memref<626x32xf32, #tpu.memory_space<hbm>>) target(%dma_start3A_20 : memref<626x32xf32, #tpu.memory_space<vmem_shared>>) target_semaphore(%run_scoped3A : memref<!tpu.dma_semaphore, #tpu.memory_space<semaphore_mem>>)
      %dma_wait3A = arith.constant 0 : i32
      %dma_wait3A_21 = tpu.memref_slice %arg6[%mul3A_0, %dma_wait3A] : memref<10016x32xf32, #tpu.memory_space<vmem_shared>> -> memref<626x32xf32, #tpu.memory_space<vmem_shared>>
      tpu.wait_dma2 semaphore(%run_scoped3A : memref<!tpu.dma_semaphore, #tpu.memory_space<semaphore_mem>>) src(%arg4 : memref<626x32xf32, #tpu.memory_space<hbm>>) dst(%dma_wait3A_21 : memref<626x32xf32, #tpu.memory_space<vmem_shared>>)
      tpu.yield
    }) : () -> ()
    %barrier3A = arith.constant 0 : index
    tpu.barrier barrier_id(%barrier3A)
    %mul3A_1 = arith.constant 1 : i32
    %mul3A_2 = arith.muli %arg1, %mul3A_1 : i32
    %add3A = arith.constant 0 : i32
    %add3A_3 = arith.addi %add3A, %mul3A_2 : i32
    %mul3A_4 = arith.constant 16 : i32
    %mul3A_5 = arith.muli %arg0, %mul3A_4 : i32
    %add3A_6 = arith.addi %add3A_3, %mul3A_5 : i32
    %lt3A = arith.constant 17 : i32
    %lt3A_7 = arith.cmpi slt, %add3A_6, %lt3A : i32
    %jit3A = arith.constant 20 : i32
    %jit3A_8 = arith.constant 19 : i32
    %select_n3A = arith.select %lt3A_7, %jit3A, %jit3A_8 : i32
    %lt3A_9 = arith.constant 17 : i32
    %lt3A_10 = arith.cmpi slt, %add3A_6, %lt3A_9 : i32
    %mul3A_11 = arith.muli %add3A_6, %select_n3A : i32
    %mul3A_12 = arith.constant 19 : i32
    %mul3A_13 = arith.muli %add3A_6, %mul3A_12 : i32
    %add3A_14 = arith.constant 17 : i32
    %add3A_15 = arith.addi %mul3A_13, %add3A_14 : i32
    %select_n3A_16 = arith.select %lt3A_10, %mul3A_11, %add3A_15 : i32
    %mul3A_17 = arith.constant 1 : i32
    %mul3A_18 = arith.muli %mul3A_17, %select_n3A : i32
    "tpu.region"() ({
      %run_scoped3A = memref.alloca() : memref<2x256x32xf32, #tpu.memory_space<vmem>>
      %run_scoped3A_20 = tpu.sem_alloc : memref<2x!tpu.dma_semaphore, #tpu.memory_space<semaphore_mem>>
      %run_scoped3A_21 = memref.alloca() : memref<2x1x256xi32, #tpu.memory_space<vmem>>
      %run_scoped3A_22 = tpu.sem_alloc : memref<2x!tpu.dma_semaphore, #tpu.memory_space<semaphore_mem>>
      %gt3A = arith.constant 0 : i32
      %gt3A_23 = arith.cmpi sgt, %mul3A_18, %gt3A : i32
      %convert_element_type3A = arith.extui %gt3A_23 : i1 to i32
      %cond3A = arith.constant 0 : i32
      %cond3A_24 = arith.cmpi ne, %convert_element_type3A, %cond3A : i32
      scf.if %cond3A_24 {
        %mul3A_25 = arith.constant 1 : i32
        %mul3A_26 = arith.muli %mul3A_25, %select_n3A : i32
        %sub3A = arith.constant 1 : i32
        %sub3A_27 = arith.subi %mul3A_26, %sub3A : i32
        %eq3A = arith.constant 0 : i32
        %eq3A_28 = arith.cmpi eq, %sub3A_27, %eq3A : i32
        %add3A_29 = arith.constant 0 : i32
        %add3A_30 = arith.addi %add3A_29, %select_n3A_16 : i32
        %select_n3A_31 = arith.constant true
        %select_n3A_32 = arith.constant 0 : i32
        %select_n3A_33 = arith.constant -1 : i32
        %select_n3A_34 = arith.select %select_n3A_31, %select_n3A_33, %select_n3A_32 : i32
        %eq3A_35 = arith.constant -1 : i32
        %eq3A_36 = arith.cmpi eq, %select_n3A_34, %eq3A_35 : i32
        %sub3A_37 = arith.constant 1 : i32
        %sub3A_38 = arith.subi %select_n3A, %sub3A_37 : i32
        %select_n3A_39 = arith.select %eq3A_36, %sub3A_38, %select_n3A_34 : i32
        %add3A_40 = arith.addi %select_n3A_39, %select_n3A_16 : i32
        %select_n3A_41 = arith.constant true
        %select_n3A_42 = arith.constant 0 : i32
        %select_n3A_43 = arith.constant 1 : i32
        %select_n3A_44 = arith.select %select_n3A_41, %select_n3A_43, %select_n3A_42 : i32
        %eq3A_45 = arith.cmpi eq, %select_n3A_44, %select_n3A : i32
        %select_n3A_46 = arith.constant 0 : i32
        %select_n3A_47 = arith.select %eq3A_45, %select_n3A_46, %select_n3A_44 : i32
        %add3A_48 = arith.addi %select_n3A_47, %select_n3A_16 : i32
        %add3A_49 = arith.constant 1 : i32
        %add3A_50 = arith.addi %select_n3A_47, %add3A_49 : i32
        %select_n3A_51 = arith.constant true
        %select_n3A_52 = arith.select %select_n3A_51, %add3A_50, %select_n3A_47 : i32
        %eq3A_53 = arith.cmpi eq, %select_n3A_52, %select_n3A : i32
        %select_n3A_54 = arith.constant 0 : i32
        %select_n3A_55 = arith.select %eq3A_53, %select_n3A_54, %select_n3A_52 : i32
        %add3A_56 = arith.addi %select_n3A_55, %select_n3A_16 : i32
        "tpu.trace_start"() <{level = 10 : i32, message = "ep_initialize_0"}> : () -> ()
        %rem3A = arith.constant 0 : i32
        %rem3A_57 = arith.constant 2 : i32
        %rem3A_58 = arith.remui %rem3A, %rem3A_57 : i32
        %mul3A_59 = arith.constant 256 : i32
        %mul3A_60 = arith.muli %mul3A_59, %add3A_30 : i32
        %dma_start3A = arith.constant 0 : i32
        %dma_start3A_61 = arith.constant 0 : i32
        %dma_start3A_62 = tpu.memref_slice %run_scoped3A[%rem3A_58, %dma_start3A, %dma_start3A_61] : memref<2x256x32xf32, #tpu.memory_space<vmem>> -> memref<1x256x32xf32, #tpu.memory_space<vmem>>
        %dma_start3A_63 = tpu.memref_squeeze %dma_start3A_62 : memref<1x256x32xf32, #tpu.memory_space<vmem>> -> memref<256x32xf32, #tpu.memory_space<vmem>>
        %dma_start3A_64 = arith.constant 0 : i32
        %dma_start3A_65 = tpu.memref_slice %arg2[%mul3A_60, %dma_start3A_64] : memref<160000x32xf32, #tpu.memory_space<hbm>> -> memref<256x32xf32, #tpu.memory_space<hbm>>
        %dma_start3A_66 = tpu.memref_slice %run_scoped3A_20[%rem3A_58] : memref<2x!tpu.dma_semaphore, #tpu.memory_space<semaphore_mem>> -> memref<1x!tpu.dma_semaphore, #tpu.memory_space<semaphore_mem>>
        %dma_start3A_67 = tpu.memref_squeeze %dma_start3A_66 : memref<1x!tpu.dma_semaphore, #tpu.memory_space<semaphore_mem>> -> memref<!tpu.dma_semaphore, #tpu.memory_space<semaphore_mem>>
        %dma_start3A_68 = arith.constant 0 : i32
        %dma_start3A_69 = arith.constant 0 : i32
        %dma_start3A_70 = tpu.memref_slice %run_scoped3A[%rem3A_58, %dma_start3A_68, %dma_start3A_69] : memref<2x256x32xf32, #tpu.memory_space<vmem>> -> memref<1x256x32xf32, #tpu.memory_space<vmem>>
        %dma_start3A_71 = tpu.memref_squeeze %dma_start3A_70 : memref<1x256x32xf32, #tpu.memory_space<vmem>> -> memref<256x32xf32, #tpu.memory_space<vmem>>
        %dma_start3A_72 = arith.constant 0 : i32
        %dma_start3A_73 = tpu.memref_slice %arg2[%mul3A_60, %dma_start3A_72] : memref<160000x32xf32, #tpu.memory_space<hbm>> -> memref<256x32xf32, #tpu.memory_space<hbm>>
        tpu.enqueue_dma source(%dma_start3A_73 : memref<256x32xf32, #tpu.memory_space<hbm>>) target(%dma_start3A_71 : memref<256x32xf32, #tpu.memory_space<vmem>>) target_semaphore(%dma_start3A_67 : memref<!tpu.dma_semaphore, #tpu.memory_space<semaphore_mem>>)
        %add3A_74 = arith.constant 0 : i32
        %add3A_75 = arith.constant 1 : i32
        %add3A_76 = arith.addi %add3A_74, %add3A_75 : i32
        %select_n3A_77 = arith.constant true
        %select_n3A_78 = arith.constant 0 : i32
        %select_n3A_79 = arith.select %select_n3A_77, %add3A_76, %select_n3A_78 : i32
        %rem3A_80 = arith.constant 0 : i32
        %rem3A_81 = arith.constant 2 : i32
        %rem3A_82 = arith.remui %rem3A_80, %rem3A_81 : i32
        %mul3A_83 = arith.constant 256 : i32
        %mul3A_84 = arith.muli %mul3A_83, %add3A_30 : i32
        %dma_start3A_85 = arith.constant 0 : i32
        %dma_start3A_86 = arith.constant 0 : i32
        %dma_start3A_87 = tpu.memref_slice %run_scoped3A_21[%rem3A_82, %dma_start3A_85, %dma_start3A_86] : memref<2x1x256xi32, #tpu.memory_space<vmem>> -> memref<1x1x256xi32, #tpu.memory_space<vmem>>
        %dma_start3A_88 = tpu.memref_squeeze %dma_start3A_87 : memref<1x1x256xi32, #tpu.memory_space<vmem>> -> memref<1x256xi32, #tpu.memory_space<vmem>>
        %dma_start3A_89 = arith.constant 0 : i32
        %dma_start3A_90 = tpu.memref_slice %arg3[%dma_start3A_89, %mul3A_84] : memref<1x160000xi32, #tpu.memory_space<hbm>> -> memref<1x256xi32, #tpu.memory_space<hbm>>
        %dma_start3A_91 = tpu.memref_slice %run_scoped3A_22[%rem3A_82] : memref<2x!tpu.dma_semaphore, #tpu.memory_space<semaphore_mem>> -> memref<1x!tpu.dma_semaphore, #tpu.memory_space<semaphore_mem>>
        %dma_start3A_92 = tpu.memref_squeeze %dma_start3A_91 : memref<1x!tpu.dma_semaphore, #tpu.memory_space<semaphore_mem>> -> memref<!tpu.dma_semaphore, #tpu.memory_space<semaphore_mem>>
        %dma_start3A_93 = arith.constant 0 : i32
        %dma_start3A_94 = arith.constant 0 : i32
        %dma_start3A_95 = tpu.memref_slice %run_scoped3A_21[%rem3A_82, %dma_start3A_93, %dma_start3A_94] : memref<2x1x256xi32, #tpu.memory_space<vmem>> -> memref<1x1x256xi32, #tpu.memory_space<vmem>>
        %dma_start3A_96 = tpu.memref_squeeze %dma_start3A_95 : memref<1x1x256xi32, #tpu.memory_space<vmem>> -> memref<1x256xi32, #tpu.memory_space<vmem>>
        %dma_start3A_97 = arith.constant 0 : i32
        %dma_start3A_98 = tpu.memref_slice %arg3[%dma_start3A_97, %mul3A_84] : memref<1x160000xi32, #tpu.memory_space<hbm>> -> memref<1x256xi32, #tpu.memory_space<hbm>>
        tpu.enqueue_dma source(%dma_start3A_98 : memref<1x256xi32, #tpu.memory_space<hbm>>) target(%dma_start3A_96 : memref<1x256xi32, #tpu.memory_space<vmem>>) target_semaphore(%dma_start3A_92 : memref<!tpu.dma_semaphore, #tpu.memory_space<semaphore_mem>>)
        %add3A_99 = arith.constant 0 : i32
        %add3A_100 = arith.constant 1 : i32
        %add3A_101 = arith.addi %add3A_99, %add3A_100 : i32
        %select_n3A_102 = arith.constant true
        %select_n3A_103 = arith.constant 0 : i32
        %select_n3A_104 = arith.select %select_n3A_102, %add3A_101, %select_n3A_103 : i32
        %while3A = arith.constant 0 : i32
        %while3A_105 = arith.constant 0 : i32
        %while3A_106 = arith.constant 0 : i32
        %while3A_107 = arith.constant 0 : i32
        "tpu.trace_stop"() : () -> ()
        %while3A_108 = arith.subi %mul3A_18, %while3A : i32
        %while3A_109 = arith.addi %while3A, %while3A_108 : i32
        %while3A_110 = arith.constant 1 : i32
        %while3A_111 = arith.divsi %while3A_108, %while3A_110 : i32
        %while3A_112 = arith.muli %while3A_111, %while3A_110 : i32
        %while3A_113 = arith.addi %while3A, %while3A_112 : i32
        %while3A_114 = arith.constant 1 : i32
        %while3A_115:5 = scf.for %while3A_169 = %while3A to %while3A_113 step %while3A_114 iter_args(%while3A_170 = %select_n3A_79, %while3A_171 = %while3A_105, %while3A_172 = %select_n3A_104, %while3A_173 = %while3A_106, %while3A_174 = %while3A_107) -> (i32, i32, i32, i32, i32)  : i32 {
          %mul3A_175 = arith.constant 1 : i32
          %mul3A_176 = arith.muli %mul3A_175, %select_n3A : i32
          %eq3A_177 = arith.constant 0 : i32
          %eq3A_178 = arith.cmpi eq, %while3A_169, %eq3A_177 : i32
          %sub3A_179 = arith.constant 1 : i32
          %sub3A_180 = arith.subi %mul3A_176, %sub3A_179 : i32
          %eq3A_181 = arith.cmpi eq, %while3A_169, %sub3A_180 : i32
          %add3A_182 = arith.addi %while3A_174, %select_n3A_16 : i32
          %sub3A_183 = arith.constant 1 : i32
          %sub3A_184 = arith.subi %while3A_174, %sub3A_183 : i32
          %select_n3A_185 = arith.constant true
          %select_n3A_186 = arith.select %select_n3A_185, %sub3A_184, %while3A_174 : i32
          %eq3A_187 = arith.constant -1 : i32
          %eq3A_188 = arith.cmpi eq, %select_n3A_186, %eq3A_187 : i32
          %sub3A_189 = arith.constant 1 : i32
          %sub3A_190 = arith.subi %select_n3A, %sub3A_189 : i32
          %select_n3A_191 = arith.select %eq3A_188, %sub3A_190, %select_n3A_186 : i32
          %add3A_192 = arith.addi %select_n3A_191, %select_n3A_16 : i32
          %add3A_193 = arith.constant 1 : i32
          %add3A_194 = arith.addi %while3A_174, %add3A_193 : i32
          %select_n3A_195 = arith.constant true
          %select_n3A_196 = arith.select %select_n3A_195, %add3A_194, %while3A_174 : i32
          %eq3A_197 = arith.cmpi eq, %select_n3A_196, %select_n3A : i32
          %select_n3A_198 = arith.constant 0 : i32
          %select_n3A_199 = arith.select %eq3A_197, %select_n3A_198, %select_n3A_196 : i32
          %add3A_200 = arith.addi %select_n3A_199, %select_n3A_16 : i32
          %add3A_201 = arith.constant 1 : i32
          %add3A_202 = arith.addi %select_n3A_199, %add3A_201 : i32
          %select_n3A_203 = arith.constant true
          %select_n3A_204 = arith.select %select_n3A_203, %add3A_202, %select_n3A_199 : i32
          %eq3A_205 = arith.cmpi eq, %select_n3A_204, %select_n3A : i32
          %select_n3A_206 = arith.constant 0 : i32
          %select_n3A_207 = arith.select %eq3A_205, %select_n3A_206, %select_n3A_204 : i32
          %add3A_208 = arith.addi %select_n3A_207, %select_n3A_16 : i32
          %ne3A = arith.cmpi ne, %add3A_182, %add3A_200 : i32
          %or3A = arith.constant false
          %or3A_209 = arith.ori %or3A, %ne3A : i1
          %or3A_210 = arith.constant false
          %or3A_211 = arith.ori %or3A_209, %or3A_210 : i1
          %sub3A_212 = arith.constant 2 : i32
          %sub3A_213 = arith.subi %mul3A_176, %sub3A_212 : i32
          %add3A_214 = arith.constant 1 : i32
          %add3A_215 = arith.addi %sub3A_213, %add3A_214 : i32
          %ge3A = arith.cmpi sge, %while3A_169, %add3A_215 : i32
          %not3A = arith.constant true
          %not3A_216 = arith.xori %ge3A, %not3A : i1
          %and3A = arith.andi %or3A_211, %not3A_216 : i1
          %convert_element_type3A_217 = arith.extui %and3A : i1 to i32
          %cond3A_218 = arith.constant 0 : i32
          %cond3A_219 = arith.cmpi ne, %convert_element_type3A_217, %cond3A_218 : i32
          scf.if %cond3A_219 {
            "tpu.trace_start"() <{level = 10 : i32, message = "ep_copy_in"}> : () -> ()
            %rem3A_332 = arith.constant 2 : i32
            %rem3A_333 = arith.remui %while3A_170, %rem3A_332 : i32
            %mul3A_334 = arith.constant 256 : i32
            %mul3A_335 = arith.muli %mul3A_334, %add3A_200 : i32
            %dma_start3A_336 = arith.constant 0 : i32
            %dma_start3A_337 = arith.constant 0 : i32
            %dma_start3A_338 = tpu.memref_slice %run_scoped3A[%rem3A_333, %dma_start3A_336, %dma_start3A_337] : memref<2x256x32xf32, #tpu.memory_space<vmem>> -> memref<1x256x32xf32, #tpu.memory_space<vmem>>
            %dma_start3A_339 = tpu.memref_squeeze %dma_start3A_338 : memref<1x256x32xf32, #tpu.memory_space<vmem>> -> memref<256x32xf32, #tpu.memory_space<vmem>>
            %dma_start3A_340 = arith.constant 0 : i32
            %dma_start3A_341 = tpu.memref_slice %arg2[%mul3A_335, %dma_start3A_340] : memref<160000x32xf32, #tpu.memory_space<hbm>> -> memref<256x32xf32, #tpu.memory_space<hbm>>
            %dma_start3A_342 = tpu.memref_slice %run_scoped3A_20[%rem3A_333] : memref<2x!tpu.dma_semaphore, #tpu.memory_space<semaphore_mem>> -> memref<1x!tpu.dma_semaphore, #tpu.memory_space<semaphore_mem>>
            %dma_start3A_343 = tpu.memref_squeeze %dma_start3A_342 : memref<1x!tpu.dma_semaphore, #tpu.memory_space<semaphore_mem>> -> memref<!tpu.dma_semaphore, #tpu.memory_space<semaphore_mem>>
            %dma_start3A_344 = arith.constant 0 : i32
            %dma_start3A_345 = arith.constant 0 : i32
            %dma_start3A_346 = tpu.memref_slice %run_scoped3A[%rem3A_333, %dma_start3A_344, %dma_start3A_345] : memref<2x256x32xf32, #tpu.memory_space<vmem>> -> memref<1x256x32xf32, #tpu.memory_space<vmem>>
            %dma_start3A_347 = tpu.memref_squeeze %dma_start3A_346 : memref<1x256x32xf32, #tpu.memory_space<vmem>> -> memref<256x32xf32, #tpu.memory_space<vmem>>
            %dma_start3A_348 = arith.constant 0 : i32
            %dma_start3A_349 = tpu.memref_slice %arg2[%mul3A_335, %dma_start3A_348] : memref<160000x32xf32, #tpu.memory_space<hbm>> -> memref<256x32xf32, #tpu.memory_space<hbm>>
            tpu.enqueue_dma source(%dma_start3A_349 : memref<256x32xf32, #tpu.memory_space<hbm>>) target(%dma_start3A_347 : memref<256x32xf32, #tpu.memory_space<vmem>>) target_semaphore(%dma_start3A_343 : memref<!tpu.dma_semaphore, #tpu.memory_space<semaphore_mem>>)
            "tpu.trace_stop"() : () -> ()
          } else {
          }
          %and3A_220 = arith.constant true
          %and3A_221 = arith.andi %and3A, %and3A_220 : i1
          %add3A_222 = arith.constant 1 : i32
          %add3A_223 = arith.addi %while3A_170, %add3A_222 : i32
          %select_n3A_224 = arith.select %and3A_221, %add3A_223, %while3A_170 : i32
          %ne3A_225 = arith.cmpi ne, %add3A_182, %add3A_200 : i32
          %or3A_226 = arith.constant false
          %or3A_227 = arith.ori %or3A_226, %ne3A_225 : i1
          %sub3A_228 = arith.constant 2 : i32
          %sub3A_229 = arith.subi %mul3A_176, %sub3A_228 : i32
          %add3A_230 = arith.constant 1 : i32
          %add3A_231 = arith.addi %sub3A_229, %add3A_230 : i32
          %ge3A_232 = arith.cmpi sge, %while3A_169, %add3A_231 : i32
          %not3A_233 = arith.constant true
          %not3A_234 = arith.xori %ge3A_232, %not3A_233 : i1
          %and3A_235 = arith.andi %or3A_227, %not3A_234 : i1
          %convert_element_type3A_236 = arith.extui %and3A_235 : i1 to i32
          %cond3A_237 = arith.constant 0 : i32
          %cond3A_238 = arith.cmpi ne, %convert_element_type3A_236, %cond3A_237 : i32
          scf.if %cond3A_238 {
            "tpu.trace_start"() <{level = 10 : i32, message = "ep_copy_in"}> : () -> ()
            %rem3A_332 = arith.constant 2 : i32
            %rem3A_333 = arith.remui %while3A_172, %rem3A_332 : i32
            %mul3A_334 = arith.constant 256 : i32
            %mul3A_335 = arith.muli %mul3A_334, %add3A_200 : i32
            %dma_start3A_336 = arith.constant 0 : i32
            %dma_start3A_337 = arith.constant 0 : i32
            %dma_start3A_338 = tpu.memref_slice %run_scoped3A_21[%rem3A_333, %dma_start3A_336, %dma_start3A_337] : memref<2x1x256xi32, #tpu.memory_space<vmem>> -> memref<1x1x256xi32, #tpu.memory_space<vmem>>
            %dma_start3A_339 = tpu.memref_squeeze %dma_start3A_338 : memref<1x1x256xi32, #tpu.memory_space<vmem>> -> memref<1x256xi32, #tpu.memory_space<vmem>>
            %dma_start3A_340 = arith.constant 0 : i32
            %dma_start3A_341 = tpu.memref_slice %arg3[%dma_start3A_340, %mul3A_335] : memref<1x160000xi32, #tpu.memory_space<hbm>> -> memref<1x256xi32, #tpu.memory_space<hbm>>
            %dma_start3A_342 = tpu.memref_slice %run_scoped3A_22[%rem3A_333] : memref<2x!tpu.dma_semaphore, #tpu.memory_space<semaphore_mem>> -> memref<1x!tpu.dma_semaphore, #tpu.memory_space<semaphore_mem>>
            %dma_start3A_343 = tpu.memref_squeeze %dma_start3A_342 : memref<1x!tpu.dma_semaphore, #tpu.memory_space<semaphore_mem>> -> memref<!tpu.dma_semaphore, #tpu.memory_space<semaphore_mem>>
            %dma_start3A_344 = arith.constant 0 : i32
            %dma_start3A_345 = arith.constant 0 : i32
            %dma_start3A_346 = tpu.memref_slice %run_scoped3A_21[%rem3A_333, %dma_start3A_344, %dma_start3A_345] : memref<2x1x256xi32, #tpu.memory_space<vmem>> -> memref<1x1x256xi32, #tpu.memory_space<vmem>>
            %dma_start3A_347 = tpu.memref_squeeze %dma_start3A_346 : memref<1x1x256xi32, #tpu.memory_space<vmem>> -> memref<1x256xi32, #tpu.memory_space<vmem>>
            %dma_start3A_348 = arith.constant 0 : i32
            %dma_start3A_349 = tpu.memref_slice %arg3[%dma_start3A_348, %mul3A_335] : memref<1x160000xi32, #tpu.memory_space<hbm>> -> memref<1x256xi32, #tpu.memory_space<hbm>>
            tpu.enqueue_dma source(%dma_start3A_349 : memref<1x256xi32, #tpu.memory_space<hbm>>) target(%dma_start3A_347 : memref<1x256xi32, #tpu.memory_space<vmem>>) target_semaphore(%dma_start3A_343 : memref<!tpu.dma_semaphore, #tpu.memory_space<semaphore_mem>>)
            "tpu.trace_stop"() : () -> ()
          } else {
          }
          %and3A_239 = arith.constant true
          %and3A_240 = arith.andi %and3A_235, %and3A_239 : i1
          %add3A_241 = arith.constant 1 : i32
          %add3A_242 = arith.addi %while3A_172, %add3A_241 : i32
          %select_n3A_243 = arith.select %and3A_240, %add3A_242, %while3A_172 : i32
          %ne3A_244 = arith.cmpi ne, %add3A_182, %add3A_192 : i32
          %or3A_245 = arith.constant false
          %or3A_246 = arith.ori %or3A_245, %ne3A_244 : i1
          %or3A_247 = arith.constant false
          %or3A_248 = arith.ori %or3A_246, %or3A_247 : i1
          %or3A_249 = arith.ori %or3A_248, %eq3A_178 : i1
          %convert_element_type3A_250 = arith.extui %or3A_249 : i1 to i32
          %cond3A_251 = arith.constant 0 : i32
          %cond3A_252 = arith.cmpi ne, %convert_element_type3A_250, %cond3A_251 : i32
          scf.if %cond3A_252 {
            "tpu.trace_start"() <{level = 10 : i32, message = "ep_wait_in"}> : () -> ()
            %mul3A_332 = arith.constant 256 : i32
            %mul3A_333 = arith.muli %mul3A_332, %add3A_182 : i32
            %rem3A_334 = arith.constant 2 : i32
            %rem3A_335 = arith.remui %while3A_171, %rem3A_334 : i32
            %dma_wait3A = arith.constant 0 : i32
            %dma_wait3A_336 = arith.constant 0 : i32
            %dma_wait3A_337 = tpu.memref_slice %run_scoped3A[%rem3A_335, %dma_wait3A, %dma_wait3A_336] : memref<2x256x32xf32, #tpu.memory_space<vmem>> -> memref<1x256x32xf32, #tpu.memory_space<vmem>>
            %dma_wait3A_338 = tpu.memref_squeeze %dma_wait3A_337 : memref<1x256x32xf32, #tpu.memory_space<vmem>> -> memref<256x32xf32, #tpu.memory_space<vmem>>
            %dma_wait3A_339 = arith.constant 0 : i32
            %dma_wait3A_340 = tpu.memref_slice %arg2[%mul3A_333, %dma_wait3A_339] : memref<160000x32xf32, #tpu.memory_space<hbm>> -> memref<256x32xf32, #tpu.memory_space<hbm>>
            %dma_wait3A_341 = tpu.memref_slice %run_scoped3A_20[%rem3A_335] : memref<2x!tpu.dma_semaphore, #tpu.memory_space<semaphore_mem>> -> memref<1x!tpu.dma_semaphore, #tpu.memory_space<semaphore_mem>>
            %dma_wait3A_342 = tpu.memref_squeeze %dma_wait3A_341 : memref<1x!tpu.dma_semaphore, #tpu.memory_space<semaphore_mem>> -> memref<!tpu.dma_semaphore, #tpu.memory_space<semaphore_mem>>
            %dma_wait3A_343 = arith.constant 0 : i32
            %dma_wait3A_344 = arith.constant 0 : i32
            %dma_wait3A_345 = tpu.memref_slice %run_scoped3A[%rem3A_335, %dma_wait3A_343, %dma_wait3A_344] : memref<2x256x32xf32, #tpu.memory_space<vmem>> -> memref<1x256x32xf32, #tpu.memory_space<vmem>>
            %dma_wait3A_346 = tpu.memref_squeeze %dma_wait3A_345 : memref<1x256x32xf32, #tpu.memory_space<vmem>> -> memref<256x32xf32, #tpu.memory_space<vmem>>
            %dma_wait3A_347 = arith.constant 0 : i32
            %dma_wait3A_348 = tpu.memref_slice %arg2[%mul3A_333, %dma_wait3A_347] : memref<160000x32xf32, #tpu.memory_space<hbm>> -> memref<256x32xf32, #tpu.memory_space<hbm>>
            tpu.wait_dma2 semaphore(%dma_wait3A_342 : memref<!tpu.dma_semaphore, #tpu.memory_space<semaphore_mem>>) src(%dma_wait3A_348 : memref<256x32xf32, #tpu.memory_space<hbm>>) dst(%dma_wait3A_346 : memref<256x32xf32, #tpu.memory_space<vmem>>)
            "tpu.trace_stop"() : () -> ()
          } else {
          }
          %ne3A_253 = arith.cmpi ne, %add3A_182, %add3A_192 : i32
          %or3A_254 = arith.constant false
          %or3A_255 = arith.ori %or3A_254, %ne3A_253 : i1
          %or3A_256 = arith.ori %or3A_255, %eq3A_178 : i1
          %convert_element_type3A_257 = arith.extui %or3A_256 : i1 to i32
          %cond3A_258 = arith.constant 0 : i32
          %cond3A_259 = arith.cmpi ne, %convert_element_type3A_257, %cond3A_258 : i32
          scf.if %cond3A_259 {
            "tpu.trace_start"() <{level = 10 : i32, message = "ep_wait_in"}> : () -> ()
            %mul3A_332 = arith.constant 256 : i32
            %mul3A_333 = arith.muli %mul3A_332, %add3A_182 : i32
            %rem3A_334 = arith.constant 2 : i32
            %rem3A_335 = arith.remui %while3A_173, %rem3A_334 : i32
            %dma_wait3A = arith.constant 0 : i32
            %dma_wait3A_336 = arith.constant 0 : i32
            %dma_wait3A_337 = tpu.memref_slice %run_scoped3A_21[%rem3A_335, %dma_wait3A, %dma_wait3A_336] : memref<2x1x256xi32, #tpu.memory_space<vmem>> -> memref<1x1x256xi32, #tpu.memory_space<vmem>>
            %dma_wait3A_338 = tpu.memref_squeeze %dma_wait3A_337 : memref<1x1x256xi32, #tpu.memory_space<vmem>> -> memref<1x256xi32, #tpu.memory_space<vmem>>
            %dma_wait3A_339 = arith.constant 0 : i32
            %dma_wait3A_340 = tpu.memref_slice %arg3[%dma_wait3A_339, %mul3A_333] : memref<1x160000xi32, #tpu.memory_space<hbm>> -> memref<1x256xi32, #tpu.memory_space<hbm>>
            %dma_wait3A_341 = tpu.memref_slice %run_scoped3A_22[%rem3A_335] : memref<2x!tpu.dma_semaphore, #tpu.memory_space<semaphore_mem>> -> memref<1x!tpu.dma_semaphore, #tpu.memory_space<semaphore_mem>>
            %dma_wait3A_342 = tpu.memref_squeeze %dma_wait3A_341 : memref<1x!tpu.dma_semaphore, #tpu.memory_space<semaphore_mem>> -> memref<!tpu.dma_semaphore, #tpu.memory_space<semaphore_mem>>
            %dma_wait3A_343 = arith.constant 0 : i32
            %dma_wait3A_344 = arith.constant 0 : i32
            %dma_wait3A_345 = tpu.memref_slice %run_scoped3A_21[%rem3A_335, %dma_wait3A_343, %dma_wait3A_344] : memref<2x1x256xi32, #tpu.memory_space<vmem>> -> memref<1x1x256xi32, #tpu.memory_space<vmem>>
            %dma_wait3A_346 = tpu.memref_squeeze %dma_wait3A_345 : memref<1x1x256xi32, #tpu.memory_space<vmem>> -> memref<1x256xi32, #tpu.memory_space<vmem>>
            %dma_wait3A_347 = arith.constant 0 : i32
            %dma_wait3A_348 = tpu.memref_slice %arg3[%dma_wait3A_347, %mul3A_333] : memref<1x160000xi32, #tpu.memory_space<hbm>> -> memref<1x256xi32, #tpu.memory_space<hbm>>
            tpu.wait_dma2 semaphore(%dma_wait3A_342 : memref<!tpu.dma_semaphore, #tpu.memory_space<semaphore_mem>>) src(%dma_wait3A_348 : memref<1x256xi32, #tpu.memory_space<hbm>>) dst(%dma_wait3A_346 : memref<1x256xi32, #tpu.memory_space<vmem>>)
            "tpu.trace_stop"() : () -> ()
          } else {
          }
          %rem3A_260 = arith.constant 2 : i32
          %rem3A_261 = arith.remui %while3A_171, %rem3A_260 : i32
          %rem3A_262 = arith.constant 2 : i32
          %rem3A_263 = arith.remui %while3A_173, %rem3A_262 : i32
          %run_scoped3A_264 = arith.constant 0 : i32
          "tpu.trace_start"() <{level = 10 : i32, message = "ep_run_kernel"}> : () -> ()
          "tpu.region"() ({
            %run_scoped3A_332 = tpu.sem_alloc : memref<!tpu.dma_semaphore, #tpu.memory_space<semaphore_mem>>
            %dma_start3A_333 = arith.constant 0 : i32
            %dma_start3A_334 = arith.constant 0 : i32
            %dma_start3A_335 = tpu.memref_slice %run_scoped3A[%rem3A_261, %dma_start3A_333, %dma_start3A_334] : memref<2x256x32xf32, #tpu.memory_space<vmem>> -> memref<1x256x32xf32, #tpu.memory_space<vmem>>
            %dma_start3A_336 = tpu.memref_squeeze %dma_start3A_335 : memref<1x256x32xf32, #tpu.memory_space<vmem>> -> memref<256x32xf32, #tpu.memory_space<vmem>>
            %dma_start3A_337 = arith.constant 0 : i32
            %dma_start3A_338 = arith.constant 0 : i32
            %dma_start3A_339 = tpu.memref_slice %run_scoped3A_21[%rem3A_263, %dma_start3A_337, %dma_start3A_338] : memref<2x1x256xi32, #tpu.memory_space<vmem>> -> memref<1x1x256xi32, #tpu.memory_space<vmem>>
            %dma_start3A_340 = tpu.memref_squeeze %dma_start3A_339 : memref<1x1x256xi32, #tpu.memory_space<vmem>> -> memref<1x256xi32, #tpu.memory_space<vmem>>
            %dma_start3A_341 = arith.constant 0 : i32
            %dma_start3A_342 = tpu.memref_slice %dma_start3A_340[%run_scoped3A_264, %dma_start3A_341] : memref<1x256xi32, #tpu.memory_space<vmem>> -> memref<1x256xi32, #tpu.memory_space<vmem>>
            %dma_start3A_343 = tpu.memref_squeeze %dma_start3A_342 : memref<1x256xi32, #tpu.memory_space<vmem>> -> memref<256xi32, #tpu.memory_space<vmem>>
            %dma_start3A_344 = arith.constant 0 : i32
            %dma_start3A_345 = arith.constant 0 : i32
            %dma_start3A_346 = tpu.memref_slice %arg6[%dma_start3A_344, %dma_start3A_345] : memref<10016x32xf32, #tpu.memory_space<vmem_shared>> -> memref<10016x32xf32, #tpu.memory_space<vmem_shared>>
            tpu.enqueue_indirect_dma source(%dma_start3A_336 : memref<256x32xf32, #tpu.memory_space<vmem>>) target(%dma_start3A_346 : memref<10016x32xf32, #tpu.memory_space<vmem_shared>>) offsets(%dma_start3A_343 : memref<256xi32, #tpu.memory_space<vmem>>) semaphore(%run_scoped3A_332 : memref<!tpu.dma_semaphore, #tpu.memory_space<semaphore_mem>>) {add = true}
            %dma_wait3A = arith.constant 0 : i32
            %dma_wait3A_347 = arith.constant 0 : i32
            %dma_wait3A_348 = tpu.memref_slice %run_scoped3A[%rem3A_261, %dma_wait3A, %dma_wait3A_347] : memref<2x256x32xf32, #tpu.memory_space<vmem>> -> memref<1x256x32xf32, #tpu.memory_space<vmem>>
            %dma_wait3A_349 = tpu.memref_squeeze %dma_wait3A_348 : memref<1x256x32xf32, #tpu.memory_space<vmem>> -> memref<256x32xf32, #tpu.memory_space<vmem>>
            %dma_wait3A_350 = arith.constant 0 : i32
            %dma_wait3A_351 = arith.constant 0 : i32
            %dma_wait3A_352 = tpu.memref_slice %run_scoped3A_21[%rem3A_263, %dma_wait3A_350, %dma_wait3A_351] : memref<2x1x256xi32, #tpu.memory_space<vmem>> -> memref<1x1x256xi32, #tpu.memory_space<vmem>>
            %dma_wait3A_353 = tpu.memref_squeeze %dma_wait3A_352 : memref<1x1x256xi32, #tpu.memory_space<vmem>> -> memref<1x256xi32, #tpu.memory_space<vmem>>
            %dma_wait3A_354 = arith.constant 0 : i32
            %dma_wait3A_355 = tpu.memref_slice %dma_wait3A_353[%run_scoped3A_264, %dma_wait3A_354] : memref<1x256xi32, #tpu.memory_space<vmem>> -> memref<1x256xi32, #tpu.memory_space<vmem>>
            %dma_wait3A_356 = tpu.memref_squeeze %dma_wait3A_355 : memref<1x256xi32, #tpu.memory_space<vmem>> -> memref<256xi32, #tpu.memory_space<vmem>>
            %dma_wait3A_357 = arith.constant 0 : i32
            %dma_wait3A_358 = arith.constant 0 : i32
            %dma_wait3A_359 = tpu.memref_slice %arg6[%dma_wait3A_357, %dma_wait3A_358] : memref<10016x32xf32, #tpu.memory_space<vmem_shared>> -> memref<10016x32xf32, #tpu.memory_space<vmem_shared>>
            tpu.wait_indirect_dma semaphore(%run_scoped3A_332 : memref<!tpu.dma_semaphore, #tpu.memory_space<semaphore_mem>>) src(%dma_wait3A_349 : memref<256x32xf32, #tpu.memory_space<vmem>>) dst(%dma_wait3A_359 : memref<10016x32xf32, #tpu.memory_space<vmem_shared>>)
            tpu.yield
          }) : () -> ()
          "tpu.trace_stop"() : () -> ()
          %ne3A_265 = arith.cmpi ne, %add3A_182, %add3A_200 : i32
          %or3A_266 = arith.constant false
          %or3A_267 = arith.ori %or3A_266, %ne3A_265 : i1
          %or3A_268 = arith.constant false
          %or3A_269 = arith.ori %or3A_267, %or3A_268 : i1
          %or3A_270 = arith.ori %or3A_269, %eq3A_181 : i1
          %convert_element_type3A_271 = arith.extui %or3A_270 : i1 to i32
          %cond3A_272 = arith.constant 0 : i32
          %cond3A_273 = arith.cmpi ne, %convert_element_type3A_271, %cond3A_272 : i32
          scf.if %cond3A_273 {
          } else {
          }
          %and3A_274 = arith.constant false
          %and3A_275 = arith.andi %or3A_270, %and3A_274 : i1
          %ne3A_276 = arith.cmpi ne, %add3A_182, %add3A_200 : i32
          %or3A_277 = arith.constant false
          %or3A_278 = arith.ori %or3A_277, %ne3A_276 : i1
          %or3A_279 = arith.ori %or3A_278, %eq3A_181 : i1
          %convert_element_type3A_280 = arith.extui %or3A_279 : i1 to i32
          %cond3A_281 = arith.constant 0 : i32
          %cond3A_282 = arith.cmpi ne, %convert_element_type3A_280, %cond3A_281 : i32
          scf.if %cond3A_282 {
          } else {
          }
          %and3A_283 = arith.constant false
          %and3A_284 = arith.andi %or3A_279, %and3A_283 : i1
          %ne3A_285 = arith.cmpi ne, %add3A_182, %add3A_192 : i32
          %or3A_286 = arith.constant false
          %or3A_287 = arith.ori %or3A_286, %ne3A_285 : i1
          %or3A_288 = arith.constant false
          %or3A_289 = arith.ori %or3A_287, %or3A_288 : i1
          %not3A_290 = arith.constant true
          %not3A_291 = arith.xori %eq3A_178, %not3A_290 : i1
          %and3A_292 = arith.andi %or3A_289, %not3A_291 : i1
          %convert_element_type3A_293 = arith.extui %and3A_292 : i1 to i32
          %cond3A_294 = arith.constant 0 : i32
          %cond3A_295 = arith.cmpi ne, %convert_element_type3A_293, %cond3A_294 : i32
          scf.if %cond3A_295 {
          } else {
          }
          %and3A_296 = arith.constant false
          %and3A_297 = arith.andi %and3A_292, %and3A_296 : i1
          %ne3A_298 = arith.cmpi ne, %add3A_182, %add3A_192 : i32
          %or3A_299 = arith.constant false
          %or3A_300 = arith.ori %or3A_299, %ne3A_298 : i1
          %not3A_301 = arith.constant true
          %not3A_302 = arith.xori %eq3A_178, %not3A_301 : i1
          %and3A_303 = arith.andi %or3A_300, %not3A_302 : i1
          %convert_element_type3A_304 = arith.extui %and3A_303 : i1 to i32
          %cond3A_305 = arith.constant 0 : i32
          %cond3A_306 = arith.cmpi ne, %convert_element_type3A_304, %cond3A_305 : i32
          scf.if %cond3A_306 {
          } else {
          }
          %and3A_307 = arith.constant false
          %and3A_308 = arith.andi %and3A_303, %and3A_307 : i1
          %ne3A_309 = arith.cmpi ne, %add3A_182, %add3A_200 : i32
          %or3A_310 = arith.constant false
          %or3A_311 = arith.ori %or3A_310, %ne3A_309 : i1
          %or3A_312 = arith.constant false
          %or3A_313 = arith.ori %or3A_311, %or3A_312 : i1
          %or3A_314 = arith.ori %or3A_313, %eq3A_181 : i1
          %add3A_315 = arith.constant 1 : i32
          %add3A_316 = arith.addi %while3A_171, %add3A_315 : i32
          %select_n3A_317 = arith.select %or3A_314, %add3A_316, %while3A_171 : i32
          %ne3A_318 = arith.cmpi ne, %add3A_182, %add3A_200 : i32
          %or3A_319 = arith.constant false
          %or3A_320 = arith.ori %or3A_319, %ne3A_318 : i1
          %or3A_321 = arith.ori %or3A_320, %eq3A_181 : i1
          %add3A_322 = arith.constant 1 : i32
          %add3A_323 = arith.addi %while3A_173, %add3A_322 : i32
          %select_n3A_324 = arith.select %or3A_321, %add3A_323, %while3A_173 : i32
          %add3A_325 = arith.constant 1 : i32
          %add3A_326 = arith.addi %while3A_174, %add3A_325 : i32
          %select_n3A_327 = arith.constant true
          %select_n3A_328 = arith.select %select_n3A_327, %add3A_326, %while3A_174 : i32
          %eq3A_329 = arith.cmpi eq, %select_n3A_328, %select_n3A : i32
          %select_n3A_330 = arith.constant 0 : i32
          %select_n3A_331 = arith.select %eq3A_329, %select_n3A_330, %select_n3A_328 : i32
          scf.yield %select_n3A_224, %select_n3A_317, %select_n3A_243, %select_n3A_324, %select_n3A_331 : i32, i32, i32, i32, i32
        }
        %while3A_116 = arith.constant 1 : i32
        %while3A_117:5 = scf.for %while3A_169 = %while3A_113 to %while3A_109 step %while3A_116 iter_args(%while3A_170 = %while3A_115#0, %while3A_171 = %while3A_115#1, %while3A_172 = %while3A_115#2, %while3A_173 = %while3A_115#3, %while3A_174 = %while3A_115#4) -> (i32, i32, i32, i32, i32)  : i32 {
          %mul3A_175 = arith.constant 1 : i32
          %mul3A_176 = arith.muli %mul3A_175, %select_n3A : i32
          %eq3A_177 = arith.constant 0 : i32
          %eq3A_178 = arith.cmpi eq, %while3A_169, %eq3A_177 : i32
          %sub3A_179 = arith.constant 1 : i32
          %sub3A_180 = arith.subi %mul3A_176, %sub3A_179 : i32
          %eq3A_181 = arith.cmpi eq, %while3A_169, %sub3A_180 : i32
          %add3A_182 = arith.addi %while3A_174, %select_n3A_16 : i32
          %sub3A_183 = arith.constant 1 : i32
          %sub3A_184 = arith.subi %while3A_174, %sub3A_183 : i32
          %select_n3A_185 = arith.constant true
          %select_n3A_186 = arith.select %select_n3A_185, %sub3A_184, %while3A_174 : i32
          %eq3A_187 = arith.constant -1 : i32
          %eq3A_188 = arith.cmpi eq, %select_n3A_186, %eq3A_187 : i32
          %sub3A_189 = arith.constant 1 : i32
          %sub3A_190 = arith.subi %select_n3A, %sub3A_189 : i32
          %select_n3A_191 = arith.select %eq3A_188, %sub3A_190, %select_n3A_186 : i32
          %add3A_192 = arith.addi %select_n3A_191, %select_n3A_16 : i32
          %add3A_193 = arith.constant 1 : i32
          %add3A_194 = arith.addi %while3A_174, %add3A_193 : i32
          %select_n3A_195 = arith.constant true
          %select_n3A_196 = arith.select %select_n3A_195, %add3A_194, %while3A_174 : i32
          %eq3A_197 = arith.cmpi eq, %select_n3A_196, %select_n3A : i32
          %select_n3A_198 = arith.constant 0 : i32
          %select_n3A_199 = arith.select %eq3A_197, %select_n3A_198, %select_n3A_196 : i32
          %add3A_200 = arith.addi %select_n3A_199, %select_n3A_16 : i32
          %add3A_201 = arith.constant 1 : i32
          %add3A_202 = arith.addi %select_n3A_199, %add3A_201 : i32
          %select_n3A_203 = arith.constant true
          %select_n3A_204 = arith.select %select_n3A_203, %add3A_202, %select_n3A_199 : i32
          %eq3A_205 = arith.cmpi eq, %select_n3A_204, %select_n3A : i32
          %select_n3A_206 = arith.constant 0 : i32
          %select_n3A_207 = arith.select %eq3A_205, %select_n3A_206, %select_n3A_204 : i32
          %add3A_208 = arith.addi %select_n3A_207, %select_n3A_16 : i32
          %ne3A = arith.cmpi ne, %add3A_182, %add3A_200 : i32
          %or3A = arith.constant false
          %or3A_209 = arith.ori %or3A, %ne3A : i1
          %or3A_210 = arith.constant false
          %or3A_211 = arith.ori %or3A_209, %or3A_210 : i1
          %sub3A_212 = arith.constant 2 : i32
          %sub3A_213 = arith.subi %mul3A_176, %sub3A_212 : i32
          %add3A_214 = arith.constant 1 : i32
          %add3A_215 = arith.addi %sub3A_213, %add3A_214 : i32
          %ge3A = arith.cmpi sge, %while3A_169, %add3A_215 : i32
          %not3A = arith.constant true
          %not3A_216 = arith.xori %ge3A, %not3A : i1
          %and3A = arith.andi %or3A_211, %not3A_216 : i1
          %convert_element_type3A_217 = arith.extui %and3A : i1 to i32
          %cond3A_218 = arith.constant 0 : i32
          %cond3A_219 = arith.cmpi ne, %convert_element_type3A_217, %cond3A_218 : i32
          scf.if %cond3A_219 {
            "tpu.trace_start"() <{level = 10 : i32, message = "ep_copy_in"}> : () -> ()
            %rem3A_332 = arith.constant 2 : i32
            %rem3A_333 = arith.remui %while3A_170, %rem3A_332 : i32
            %mul3A_334 = arith.constant 256 : i32
            %mul3A_335 = arith.muli %mul3A_334, %add3A_200 : i32
            %dma_start3A_336 = arith.constant 0 : i32
            %dma_start3A_337 = arith.constant 0 : i32
            %dma_start3A_338 = tpu.memref_slice %run_scoped3A[%rem3A_333, %dma_start3A_336, %dma_start3A_337] : memref<2x256x32xf32, #tpu.memory_space<vmem>> -> memref<1x256x32xf32, #tpu.memory_space<vmem>>
            %dma_start3A_339 = tpu.memref_squeeze %dma_start3A_338 : memref<1x256x32xf32, #tpu.memory_space<vmem>> -> memref<256x32xf32, #tpu.memory_space<vmem>>
            %dma_start3A_340 = arith.constant 0 : i32
            %dma_start3A_341 = tpu.memref_slice %arg2[%mul3A_335, %dma_start3A_340] : memref<160000x32xf32, #tpu.memory_space<hbm>> -> memref<256x32xf32, #tpu.memory_space<hbm>>
            %dma_start3A_342 = tpu.memref_slice %run_scoped3A_20[%rem3A_333] : memref<2x!tpu.dma_semaphore, #tpu.memory_space<semaphore_mem>> -> memref<1x!tpu.dma_semaphore, #tpu.memory_space<semaphore_mem>>
            %dma_start3A_343 = tpu.memref_squeeze %dma_start3A_342 : memref<1x!tpu.dma_semaphore, #tpu.memory_space<semaphore_mem>> -> memref<!tpu.dma_semaphore, #tpu.memory_space<semaphore_mem>>
            %dma_start3A_344 = arith.constant 0 : i32
            %dma_start3A_345 = arith.constant 0 : i32
            %dma_start3A_346 = tpu.memref_slice %run_scoped3A[%rem3A_333, %dma_start3A_344, %dma_start3A_345] : memref<2x256x32xf32, #tpu.memory_space<vmem>> -> memref<1x256x32xf32, #tpu.memory_space<vmem>>
            %dma_start3A_347 = tpu.memref_squeeze %dma_start3A_346 : memref<1x256x32xf32, #tpu.memory_space<vmem>> -> memref<256x32xf32, #tpu.memory_space<vmem>>
            %dma_start3A_348 = arith.constant 0 : i32
            %dma_start3A_349 = tpu.memref_slice %arg2[%mul3A_335, %dma_start3A_348] : memref<160000x32xf32, #tpu.memory_space<hbm>> -> memref<256x32xf32, #tpu.memory_space<hbm>>
            tpu.enqueue_dma source(%dma_start3A_349 : memref<256x32xf32, #tpu.memory_space<hbm>>) target(%dma_start3A_347 : memref<256x32xf32, #tpu.memory_space<vmem>>) target_semaphore(%dma_start3A_343 : memref<!tpu.dma_semaphore, #tpu.memory_space<semaphore_mem>>)
            "tpu.trace_stop"() : () -> ()
          } else {
          }
          %and3A_220 = arith.constant true
          %and3A_221 = arith.andi %and3A, %and3A_220 : i1
          %add3A_222 = arith.constant 1 : i32
          %add3A_223 = arith.addi %while3A_170, %add3A_222 : i32
          %select_n3A_224 = arith.select %and3A_221, %add3A_223, %while3A_170 : i32
          %ne3A_225 = arith.cmpi ne, %add3A_182, %add3A_200 : i32
          %or3A_226 = arith.constant false
          %or3A_227 = arith.ori %or3A_226, %ne3A_225 : i1
          %sub3A_228 = arith.constant 2 : i32
          %sub3A_229 = arith.subi %mul3A_176, %sub3A_228 : i32
          %add3A_230 = arith.constant 1 : i32
          %add3A_231 = arith.addi %sub3A_229, %add3A_230 : i32
          %ge3A_232 = arith.cmpi sge, %while3A_169, %add3A_231 : i32
          %not3A_233 = arith.constant true
          %not3A_234 = arith.xori %ge3A_232, %not3A_233 : i1
          %and3A_235 = arith.andi %or3A_227, %not3A_234 : i1
          %convert_element_type3A_236 = arith.extui %and3A_235 : i1 to i32
          %cond3A_237 = arith.constant 0 : i32
          %cond3A_238 = arith.cmpi ne, %convert_element_type3A_236, %cond3A_237 : i32
          scf.if %cond3A_238 {
            "tpu.trace_start"() <{level = 10 : i32, message = "ep_copy_in"}> : () -> ()
            %rem3A_332 = arith.constant 2 : i32
            %rem3A_333 = arith.remui %while3A_172, %rem3A_332 : i32
            %mul3A_334 = arith.constant 256 : i32
            %mul3A_335 = arith.muli %mul3A_334, %add3A_200 : i32
            %dma_start3A_336 = arith.constant 0 : i32
            %dma_start3A_337 = arith.constant 0 : i32
            %dma_start3A_338 = tpu.memref_slice %run_scoped3A_21[%rem3A_333, %dma_start3A_336, %dma_start3A_337] : memref<2x1x256xi32, #tpu.memory_space<vmem>> -> memref<1x1x256xi32, #tpu.memory_space<vmem>>
            %dma_start3A_339 = tpu.memref_squeeze %dma_start3A_338 : memref<1x1x256xi32, #tpu.memory_space<vmem>> -> memref<1x256xi32, #tpu.memory_space<vmem>>
            %dma_start3A_340 = arith.constant 0 : i32
            %dma_start3A_341 = tpu.memref_slice %arg3[%dma_start3A_340, %mul3A_335] : memref<1x160000xi32, #tpu.memory_space<hbm>> -> memref<1x256xi32, #tpu.memory_space<hbm>>
            %dma_start3A_342 = tpu.memref_slice %run_scoped3A_22[%rem3A_333] : memref<2x!tpu.dma_semaphore, #tpu.memory_space<semaphore_mem>> -> memref<1x!tpu.dma_semaphore, #tpu.memory_space<semaphore_mem>>
            %dma_start3A_343 = tpu.memref_squeeze %dma_start3A_342 : memref<1x!tpu.dma_semaphore, #tpu.memory_space<semaphore_mem>> -> memref<!tpu.dma_semaphore, #tpu.memory_space<semaphore_mem>>
            %dma_start3A_344 = arith.constant 0 : i32
            %dma_start3A_345 = arith.constant 0 : i32
            %dma_start3A_346 = tpu.memref_slice %run_scoped3A_21[%rem3A_333, %dma_start3A_344, %dma_start3A_345] : memref<2x1x256xi32, #tpu.memory_space<vmem>> -> memref<1x1x256xi32, #tpu.memory_space<vmem>>
            %dma_start3A_347 = tpu.memref_squeeze %dma_start3A_346 : memref<1x1x256xi32, #tpu.memory_space<vmem>> -> memref<1x256xi32, #tpu.memory_space<vmem>>
            %dma_start3A_348 = arith.constant 0 : i32
            %dma_start3A_349 = tpu.memref_slice %arg3[%dma_start3A_348, %mul3A_335] : memref<1x160000xi32, #tpu.memory_space<hbm>> -> memref<1x256xi32, #tpu.memory_space<hbm>>
            tpu.enqueue_dma source(%dma_start3A_349 : memref<1x256xi32, #tpu.memory_space<hbm>>) target(%dma_start3A_347 : memref<1x256xi32, #tpu.memory_space<vmem>>) target_semaphore(%dma_start3A_343 : memref<!tpu.dma_semaphore, #tpu.memory_space<semaphore_mem>>)
            "tpu.trace_stop"() : () -> ()
          } else {
          }
          %and3A_239 = arith.constant true
          %and3A_240 = arith.andi %and3A_235, %and3A_239 : i1
          %add3A_241 = arith.constant 1 : i32
          %add3A_242 = arith.addi %while3A_172, %add3A_241 : i32
          %select_n3A_243 = arith.select %and3A_240, %add3A_242, %while3A_172 : i32
          %ne3A_244 = arith.cmpi ne, %add3A_182, %add3A_192 : i32
          %or3A_245 = arith.constant false
          %or3A_246 = arith.ori %or3A_245, %ne3A_244 : i1
          %or3A_247 = arith.constant false
          %or3A_248 = arith.ori %or3A_246, %or3A_247 : i1
          %or3A_249 = arith.ori %or3A_248, %eq3A_178 : i1
          %convert_element_type3A_250 = arith.extui %or3A_249 : i1 to i32
          %cond3A_251 = arith.constant 0 : i32
          %cond3A_252 = arith.cmpi ne, %convert_element_type3A_250, %cond3A_251 : i32
          scf.if %cond3A_252 {
            "tpu.trace_start"() <{level = 10 : i32, message = "ep_wait_in"}> : () -> ()
            %mul3A_332 = arith.constant 256 : i32
            %mul3A_333 = arith.muli %mul3A_332, %add3A_182 : i32
            %rem3A_334 = arith.constant 2 : i32
            %rem3A_335 = arith.remui %while3A_171, %rem3A_334 : i32
            %dma_wait3A = arith.constant 0 : i32
            %dma_wait3A_336 = arith.constant 0 : i32
            %dma_wait3A_337 = tpu.memref_slice %run_scoped3A[%rem3A_335, %dma_wait3A, %dma_wait3A_336] : memref<2x256x32xf32, #tpu.memory_space<vmem>> -> memref<1x256x32xf32, #tpu.memory_space<vmem>>
            %dma_wait3A_338 = tpu.memref_squeeze %dma_wait3A_337 : memref<1x256x32xf32, #tpu.memory_space<vmem>> -> memref<256x32xf32, #tpu.memory_space<vmem>>
            %dma_wait3A_339 = arith.constant 0 : i32
            %dma_wait3A_340 = tpu.memref_slice %arg2[%mul3A_333, %dma_wait3A_339] : memref<160000x32xf32, #tpu.memory_space<hbm>> -> memref<256x32xf32, #tpu.memory_space<hbm>>
            %dma_wait3A_341 = tpu.memref_slice %run_scoped3A_20[%rem3A_335] : memref<2x!tpu.dma_semaphore, #tpu.memory_space<semaphore_mem>> -> memref<1x!tpu.dma_semaphore, #tpu.memory_space<semaphore_mem>>
            %dma_wait3A_342 = tpu.memref_squeeze %dma_wait3A_341 : memref<1x!tpu.dma_semaphore, #tpu.memory_space<semaphore_mem>> -> memref<!tpu.dma_semaphore, #tpu.memory_space<semaphore_mem>>
            %dma_wait3A_343 = arith.constant 0 : i32
            %dma_wait3A_344 = arith.constant 0 : i32
            %dma_wait3A_345 = tpu.memref_slice %run_scoped3A[%rem3A_335, %dma_wait3A_343, %dma_wait3A_344] : memref<2x256x32xf32, #tpu.memory_space<vmem>> -> memref<1x256x32xf32, #tpu.memory_space<vmem>>
            %dma_wait3A_346 = tpu.memref_squeeze %dma_wait3A_345 : memref<1x256x32xf32, #tpu.memory_space<vmem>> -> memref<256x32xf32, #tpu.memory_space<vmem>>
            %dma_wait3A_347 = arith.constant 0 : i32
            %dma_wait3A_348 = tpu.memref_slice %arg2[%mul3A_333, %dma_wait3A_347] : memref<160000x32xf32, #tpu.memory_space<hbm>> -> memref<256x32xf32, #tpu.memory_space<hbm>>
            tpu.wait_dma2 semaphore(%dma_wait3A_342 : memref<!tpu.dma_semaphore, #tpu.memory_space<semaphore_mem>>) src(%dma_wait3A_348 : memref<256x32xf32, #tpu.memory_space<hbm>>) dst(%dma_wait3A_346 : memref<256x32xf32, #tpu.memory_space<vmem>>)
            "tpu.trace_stop"() : () -> ()
          } else {
          }
          %ne3A_253 = arith.cmpi ne, %add3A_182, %add3A_192 : i32
          %or3A_254 = arith.constant false
          %or3A_255 = arith.ori %or3A_254, %ne3A_253 : i1
          %or3A_256 = arith.ori %or3A_255, %eq3A_178 : i1
          %convert_element_type3A_257 = arith.extui %or3A_256 : i1 to i32
          %cond3A_258 = arith.constant 0 : i32
          %cond3A_259 = arith.cmpi ne, %convert_element_type3A_257, %cond3A_258 : i32
          scf.if %cond3A_259 {
            "tpu.trace_start"() <{level = 10 : i32, message = "ep_wait_in"}> : () -> ()
            %mul3A_332 = arith.constant 256 : i32
            %mul3A_333 = arith.muli %mul3A_332, %add3A_182 : i32
            %rem3A_334 = arith.constant 2 : i32
            %rem3A_335 = arith.remui %while3A_173, %rem3A_334 : i32
            %dma_wait3A = arith.constant 0 : i32
            %dma_wait3A_336 = arith.constant 0 : i32
            %dma_wait3A_337 = tpu.memref_slice %run_scoped3A_21[%rem3A_335, %dma_wait3A, %dma_wait3A_336] : memref<2x1x256xi32, #tpu.memory_space<vmem>> -> memref<1x1x256xi32, #tpu.memory_space<vmem>>
            %dma_wait3A_338 = tpu.memref_squeeze %dma_wait3A_337 : memref<1x1x256xi32, #tpu.memory_space<vmem>> -> memref<1x256xi32, #tpu.memory_space<vmem>>
            %dma_wait3A_339 = arith.constant 0 : i32
            %dma_wait3A_340 = tpu.memref_slice %arg3[%dma_wait3A_339, %mul3A_333] : memref<1x160000xi32, #tpu.memory_space<hbm>> -> memref<1x256xi32, #tpu.memory_space<hbm>>
            %dma_wait3A_341 = tpu.memref_slice %run_scoped3A_22[%rem3A_335] : memref<2x!tpu.dma_semaphore, #tpu.memory_space<semaphore_mem>> -> memref<1x!tpu.dma_semaphore, #tpu.memory_space<semaphore_mem>>
            %dma_wait3A_342 = tpu.memref_squeeze %dma_wait3A_341 : memref<1x!tpu.dma_semaphore, #tpu.memory_space<semaphore_mem>> -> memref<!tpu.dma_semaphore, #tpu.memory_space<semaphore_mem>>
            %dma_wait3A_343 = arith.constant 0 : i32
            %dma_wait3A_344 = arith.constant 0 : i32
            %dma_wait3A_345 = tpu.memref_slice %run_scoped3A_21[%rem3A_335, %dma_wait3A_343, %dma_wait3A_344] : memref<2x1x256xi32, #tpu.memory_space<vmem>> -> memref<1x1x256xi32, #tpu.memory_space<vmem>>
            %dma_wait3A_346 = tpu.memref_squeeze %dma_wait3A_345 : memref<1x1x256xi32, #tpu.memory_space<vmem>> -> memref<1x256xi32, #tpu.memory_space<vmem>>
            %dma_wait3A_347 = arith.constant 0 : i32
            %dma_wait3A_348 = tpu.memref_slice %arg3[%dma_wait3A_347, %mul3A_333] : memref<1x160000xi32, #tpu.memory_space<hbm>> -> memref<1x256xi32, #tpu.memory_space<hbm>>
            tpu.wait_dma2 semaphore(%dma_wait3A_342 : memref<!tpu.dma_semaphore, #tpu.memory_space<semaphore_mem>>) src(%dma_wait3A_348 : memref<1x256xi32, #tpu.memory_space<hbm>>) dst(%dma_wait3A_346 : memref<1x256xi32, #tpu.memory_space<vmem>>)
            "tpu.trace_stop"() : () -> ()
          } else {
          }
          %rem3A_260 = arith.constant 2 : i32
          %rem3A_261 = arith.remui %while3A_171, %rem3A_260 : i32
          %rem3A_262 = arith.constant 2 : i32
          %rem3A_263 = arith.remui %while3A_173, %rem3A_262 : i32
          %run_scoped3A_264 = arith.constant 0 : i32
          "tpu.trace_start"() <{level = 10 : i32, message = "ep_run_kernel"}> : () -> ()
          "tpu.region"() ({
            %run_scoped3A_332 = tpu.sem_alloc : memref<!tpu.dma_semaphore, #tpu.memory_space<semaphore_mem>>
            %dma_start3A_333 = arith.constant 0 : i32
            %dma_start3A_334 = arith.constant 0 : i32
            %dma_start3A_335 = tpu.memref_slice %run_scoped3A[%rem3A_261, %dma_start3A_333, %dma_start3A_334] : memref<2x256x32xf32, #tpu.memory_space<vmem>> -> memref<1x256x32xf32, #tpu.memory_space<vmem>>
            %dma_start3A_336 = tpu.memref_squeeze %dma_start3A_335 : memref<1x256x32xf32, #tpu.memory_space<vmem>> -> memref<256x32xf32, #tpu.memory_space<vmem>>
            %dma_start3A_337 = arith.constant 0 : i32
            %dma_start3A_338 = arith.constant 0 : i32
            %dma_start3A_339 = tpu.memref_slice %run_scoped3A_21[%rem3A_263, %dma_start3A_337, %dma_start3A_338] : memref<2x1x256xi32, #tpu.memory_space<vmem>> -> memref<1x1x256xi32, #tpu.memory_space<vmem>>
            %dma_start3A_340 = tpu.memref_squeeze %dma_start3A_339 : memref<1x1x256xi32, #tpu.memory_space<vmem>> -> memref<1x256xi32, #tpu.memory_space<vmem>>
            %dma_start3A_341 = arith.constant 0 : i32
            %dma_start3A_342 = tpu.memref_slice %dma_start3A_340[%run_scoped3A_264, %dma_start3A_341] : memref<1x256xi32, #tpu.memory_space<vmem>> -> memref<1x256xi32, #tpu.memory_space<vmem>>
            %dma_start3A_343 = tpu.memref_squeeze %dma_start3A_342 : memref<1x256xi32, #tpu.memory_space<vmem>> -> memref<256xi32, #tpu.memory_space<vmem>>
            %dma_start3A_344 = arith.constant 0 : i32
            %dma_start3A_345 = arith.constant 0 : i32
            %dma_start3A_346 = tpu.memref_slice %arg6[%dma_start3A_344, %dma_start3A_345] : memref<10016x32xf32, #tpu.memory_space<vmem_shared>> -> memref<10016x32xf32, #tpu.memory_space<vmem_shared>>
            tpu.enqueue_indirect_dma source(%dma_start3A_336 : memref<256x32xf32, #tpu.memory_space<vmem>>) target(%dma_start3A_346 : memref<10016x32xf32, #tpu.memory_space<vmem_shared>>) offsets(%dma_start3A_343 : memref<256xi32, #tpu.memory_space<vmem>>) semaphore(%run_scoped3A_332 : memref<!tpu.dma_semaphore, #tpu.memory_space<semaphore_mem>>) {add = true}
            %dma_wait3A = arith.constant 0 : i32
            %dma_wait3A_347 = arith.constant 0 : i32
            %dma_wait3A_348 = tpu.memref_slice %run_scoped3A[%rem3A_261, %dma_wait3A, %dma_wait3A_347] : memref<2x256x32xf32, #tpu.memory_space<vmem>> -> memref<1x256x32xf32, #tpu.memory_space<vmem>>
            %dma_wait3A_349 = tpu.memref_squeeze %dma_wait3A_348 : memref<1x256x32xf32, #tpu.memory_space<vmem>> -> memref<256x32xf32, #tpu.memory_space<vmem>>
            %dma_wait3A_350 = arith.constant 0 : i32
            %dma_wait3A_351 = arith.constant 0 : i32
            %dma_wait3A_352 = tpu.memref_slice %run_scoped3A_21[%rem3A_263, %dma_wait3A_350, %dma_wait3A_351] : memref<2x1x256xi32, #tpu.memory_space<vmem>> -> memref<1x1x256xi32, #tpu.memory_space<vmem>>
            %dma_wait3A_353 = tpu.memref_squeeze %dma_wait3A_352 : memref<1x1x256xi32, #tpu.memory_space<vmem>> -> memref<1x256xi32, #tpu.memory_space<vmem>>
            %dma_wait3A_354 = arith.constant 0 : i32
            %dma_wait3A_355 = tpu.memref_slice %dma_wait3A_353[%run_scoped3A_264, %dma_wait3A_354] : memref<1x256xi32, #tpu.memory_space<vmem>> -> memref<1x256xi32, #tpu.memory_space<vmem>>
            %dma_wait3A_356 = tpu.memref_squeeze %dma_wait3A_355 : memref<1x256xi32, #tpu.memory_space<vmem>> -> memref<256xi32, #tpu.memory_space<vmem>>
            %dma_wait3A_357 = arith.constant 0 : i32
            %dma_wait3A_358 = arith.constant 0 : i32
            %dma_wait3A_359 = tpu.memref_slice %arg6[%dma_wait3A_357, %dma_wait3A_358] : memref<10016x32xf32, #tpu.memory_space<vmem_shared>> -> memref<10016x32xf32, #tpu.memory_space<vmem_shared>>
            tpu.wait_indirect_dma semaphore(%run_scoped3A_332 : memref<!tpu.dma_semaphore, #tpu.memory_space<semaphore_mem>>) src(%dma_wait3A_349 : memref<256x32xf32, #tpu.memory_space<vmem>>) dst(%dma_wait3A_359 : memref<10016x32xf32, #tpu.memory_space<vmem_shared>>)
            tpu.yield
          }) : () -> ()
          "tpu.trace_stop"() : () -> ()
          %ne3A_265 = arith.cmpi ne, %add3A_182, %add3A_200 : i32
          %or3A_266 = arith.constant false
          %or3A_267 = arith.ori %or3A_266, %ne3A_265 : i1
          %or3A_268 = arith.constant false
          %or3A_269 = arith.ori %or3A_267, %or3A_268 : i1
          %or3A_270 = arith.ori %or3A_269, %eq3A_181 : i1
          %convert_element_type3A_271 = arith.extui %or3A_270 : i1 to i32
          %cond3A_272 = arith.constant 0 : i32
          %cond3A_273 = arith.cmpi ne, %convert_element_type3A_271, %cond3A_272 : i32
          scf.if %cond3A_273 {
          } else {
          }
          %and3A_274 = arith.constant false
          %and3A_275 = arith.andi %or3A_270, %and3A_274 : i1
          %ne3A_276 = arith.cmpi ne, %add3A_182, %add3A_200 : i32
          %or3A_277 = arith.constant false
          %or3A_278 = arith.ori %or3A_277, %ne3A_276 : i1
          %or3A_279 = arith.ori %or3A_278, %eq3A_181 : i1
          %convert_element_type3A_280 = arith.extui %or3A_279 : i1 to i32
          %cond3A_281 = arith.constant 0 : i32
          %cond3A_282 = arith.cmpi ne, %convert_element_type3A_280, %cond3A_281 : i32
          scf.if %cond3A_282 {
          } else {
          }
          %and3A_283 = arith.constant false
          %and3A_284 = arith.andi %or3A_279, %and3A_283 : i1
          %ne3A_285 = arith.cmpi ne, %add3A_182, %add3A_192 : i32
          %or3A_286 = arith.constant false
          %or3A_287 = arith.ori %or3A_286, %ne3A_285 : i1
          %or3A_288 = arith.constant false
          %or3A_289 = arith.ori %or3A_287, %or3A_288 : i1
          %not3A_290 = arith.constant true
          %not3A_291 = arith.xori %eq3A_178, %not3A_290 : i1
          %and3A_292 = arith.andi %or3A_289, %not3A_291 : i1
          %convert_element_type3A_293 = arith.extui %and3A_292 : i1 to i32
          %cond3A_294 = arith.constant 0 : i32
          %cond3A_295 = arith.cmpi ne, %convert_element_type3A_293, %cond3A_294 : i32
          scf.if %cond3A_295 {
          } else {
          }
          %and3A_296 = arith.constant false
          %and3A_297 = arith.andi %and3A_292, %and3A_296 : i1
          %ne3A_298 = arith.cmpi ne, %add3A_182, %add3A_192 : i32
          %or3A_299 = arith.constant false
          %or3A_300 = arith.ori %or3A_299, %ne3A_298 : i1
          %not3A_301 = arith.constant true
          %not3A_302 = arith.xori %eq3A_178, %not3A_301 : i1
          %and3A_303 = arith.andi %or3A_300, %not3A_302 : i1
          %convert_element_type3A_304 = arith.extui %and3A_303 : i1 to i32
          %cond3A_305 = arith.constant 0 : i32
          %cond3A_306 = arith.cmpi ne, %convert_element_type3A_304, %cond3A_305 : i32
          scf.if %cond3A_306 {
          } else {
          }
          %and3A_307 = arith.constant false
          %and3A_308 = arith.andi %and3A_303, %and3A_307 : i1
          %ne3A_309 = arith.cmpi ne, %add3A_182, %add3A_200 : i32
          %or3A_310 = arith.constant false
          %or3A_311 = arith.ori %or3A_310, %ne3A_309 : i1
          %or3A_312 = arith.constant false
          %or3A_313 = arith.ori %or3A_311, %or3A_312 : i1
          %or3A_314 = arith.ori %or3A_313, %eq3A_181 : i1
          %add3A_315 = arith.constant 1 : i32
          %add3A_316 = arith.addi %while3A_171, %add3A_315 : i32
          %select_n3A_317 = arith.select %or3A_314, %add3A_316, %while3A_171 : i32
          %ne3A_318 = arith.cmpi ne, %add3A_182, %add3A_200 : i32
          %or3A_319 = arith.constant false
          %or3A_320 = arith.ori %or3A_319, %ne3A_318 : i1
          %or3A_321 = arith.ori %or3A_320, %eq3A_181 : i1
          %add3A_322 = arith.constant 1 : i32
          %add3A_323 = arith.addi %while3A_173, %add3A_322 : i32
          %select_n3A_324 = arith.select %or3A_321, %add3A_323, %while3A_173 : i32
          %add3A_325 = arith.constant 1 : i32
          %add3A_326 = arith.addi %while3A_174, %add3A_325 : i32
          %select_n3A_327 = arith.constant true
          %select_n3A_328 = arith.select %select_n3A_327, %add3A_326, %while3A_174 : i32
          %eq3A_329 = arith.cmpi eq, %select_n3A_328, %select_n3A : i32
          %select_n3A_330 = arith.constant 0 : i32
          %select_n3A_331 = arith.select %eq3A_329, %select_n3A_330, %select_n3A_328 : i32
          scf.yield %select_n3A_224, %select_n3A_317, %select_n3A_243, %select_n3A_324, %select_n3A_331 : i32, i32, i32, i32, i32
        }
        %sub3A_118 = arith.constant 1 : i32
        %sub3A_119 = arith.subi %while3A_117#4, %sub3A_118 : i32
        %select_n3A_120 = arith.constant true
        %select_n3A_121 = arith.select %select_n3A_120, %sub3A_119, %while3A_117#4 : i32
        %eq3A_122 = arith.constant -1 : i32
        %eq3A_123 = arith.cmpi eq, %select_n3A_121, %eq3A_122 : i32
        %sub3A_124 = arith.constant 1 : i32
        %sub3A_125 = arith.subi %select_n3A, %sub3A_124 : i32
        %select_n3A_126 = arith.select %eq3A_123, %sub3A_125, %select_n3A_121 : i32
        %sub3A_127 = arith.constant 1 : i32
        %sub3A_128 = arith.subi %mul3A_18, %sub3A_127 : i32
        %mul3A_129 = arith.constant 1 : i32
        %mul3A_130 = arith.muli %mul3A_129, %select_n3A : i32
        %eq3A_131 = arith.constant 0 : i32
        %eq3A_132 = arith.cmpi eq, %sub3A_128, %eq3A_131 : i32
        %sub3A_133 = arith.constant 1 : i32
        %sub3A_134 = arith.subi %mul3A_130, %sub3A_133 : i32
        %eq3A_135 = arith.cmpi eq, %sub3A_128, %sub3A_134 : i32
        %add3A_136 = arith.addi %select_n3A_126, %select_n3A_16 : i32
        %sub3A_137 = arith.constant 1 : i32
        %sub3A_138 = arith.subi %select_n3A_126, %sub3A_137 : i32
        %select_n3A_139 = arith.constant true
        %select_n3A_140 = arith.select %select_n3A_139, %sub3A_138, %select_n3A_126 : i32
        %eq3A_141 = arith.constant -1 : i32
        %eq3A_142 = arith.cmpi eq, %select_n3A_140, %eq3A_141 : i32
        %sub3A_143 = arith.constant 1 : i32
        %sub3A_144 = arith.subi %select_n3A, %sub3A_143 : i32
        %select_n3A_145 = arith.select %eq3A_142, %sub3A_144, %select_n3A_140 : i32
        %add3A_146 = arith.addi %select_n3A_145, %select_n3A_16 : i32
        %add3A_147 = arith.constant 1 : i32
        %add3A_148 = arith.addi %select_n3A_126, %add3A_147 : i32
        %select_n3A_149 = arith.constant true
        %select_n3A_150 = arith.select %select_n3A_149, %add3A_148, %select_n3A_126 : i32
        %eq3A_151 = arith.cmpi eq, %select_n3A_150, %select_n3A : i32
        %select_n3A_152 = arith.constant 0 : i32
        %select_n3A_153 = arith.select %eq3A_151, %select_n3A_152, %select_n3A_150 : i32
        %add3A_154 = arith.addi %select_n3A_153, %select_n3A_16 : i32
        %add3A_155 = arith.constant 1 : i32
        %add3A_156 = arith.addi %select_n3A_153, %add3A_155 : i32
        %select_n3A_157 = arith.constant true
        %select_n3A_158 = arith.select %select_n3A_157, %add3A_156, %select_n3A_153 : i32
        %eq3A_159 = arith.cmpi eq, %select_n3A_158, %select_n3A : i32
        %select_n3A_160 = arith.constant 0 : i32
        %select_n3A_161 = arith.select %eq3A_159, %select_n3A_160, %select_n3A_158 : i32
        %add3A_162 = arith.addi %select_n3A_161, %select_n3A_16 : i32
        %convert_element_type3A_163 = arith.extui %eq3A_135 : i1 to i32
        %cond3A_164 = arith.constant 0 : i32
        %cond3A_165 = arith.cmpi ne, %convert_element_type3A_163, %cond3A_164 : i32
        scf.if %cond3A_165 {
        } else {
        }
        %convert_element_type3A_166 = arith.extui %eq3A_135 : i1 to i32
        %cond3A_167 = arith.constant 0 : i32
        %cond3A_168 = arith.cmpi ne, %convert_element_type3A_166, %cond3A_167 : i32
        scf.if %cond3A_168 {
        } else {
        }
      } else {
      }
      tpu.yield
    }) : () -> ()
    %barrier3A_19 = arith.constant 0 : index
    tpu.barrier barrier_id(%barrier3A_19)
    "tpu.region"() ({
      %run_scoped3A = tpu.sem_alloc : memref<!tpu.dma_semaphore, #tpu.memory_space<semaphore_mem>>
      %dma_start3A = arith.constant 0 : i32
      %dma_start3A_20 = arith.constant 0 : i32
      %dma_start3A_21 = tpu.memref_slice %arg5[%arg0, %dma_start3A, %dma_start3A_20] : memref<2x10016x32xf32, #tpu.memory_space<hbm>> -> memref<1x10016x32xf32, #tpu.memory_space<hbm>>
      %dma_start3A_22 = tpu.memref_squeeze %dma_start3A_21 : memref<1x10016x32xf32, #tpu.memory_space<hbm>> -> memref<10016x32xf32, #tpu.memory_space<hbm>>
      %dma_start3A_23 = arith.constant 0 : i32
      %dma_start3A_24 = tpu.memref_slice %dma_start3A_22[%mul3A_0, %dma_start3A_23] : memref<10016x32xf32, #tpu.memory_space<hbm>> -> memref<626x32xf32, #tpu.memory_space<hbm>>
      %dma_start3A_25 = arith.constant 0 : i32
      %dma_start3A_26 = tpu.memref_slice %arg6[%mul3A_0, %dma_start3A_25] : memref<10016x32xf32, #tpu.memory_space<vmem_shared>> -> memref<626x32xf32, #tpu.memory_space<vmem_shared>>
      tpu.enqueue_dma source(%dma_start3A_26 : memref<626x32xf32, #tpu.memory_space<vmem_shared>>) target(%dma_start3A_24 : memref<626x32xf32, #tpu.memory_space<hbm>>) target_semaphore(%run_scoped3A : memref<!tpu.dma_semaphore, #tpu.memory_space<semaphore_mem>>)
      %dma_wait3A = arith.constant 0 : i32
      %dma_wait3A_27 = arith.constant 0 : i32
      %dma_wait3A_28 = tpu.memref_slice %arg5[%arg0, %dma_wait3A, %dma_wait3A_27] : memref<2x10016x32xf32, #tpu.memory_space<hbm>> -> memref<1x10016x32xf32, #tpu.memory_space<hbm>>
      %dma_wait3A_29 = tpu.memref_squeeze %dma_wait3A_28 : memref<1x10016x32xf32, #tpu.memory_space<hbm>> -> memref<10016x32xf32, #tpu.memory_space<hbm>>
      %dma_wait3A_30 = arith.constant 0 : i32
      %dma_wait3A_31 = tpu.memref_slice %dma_wait3A_29[%mul3A_0, %dma_wait3A_30] : memref<10016x32xf32, #tpu.memory_space<hbm>> -> memref<626x32xf32, #tpu.memory_space<hbm>>
      %dma_wait3A_32 = arith.constant 0 : i32
      %dma_wait3A_33 = tpu.memref_slice %arg6[%mul3A_0, %dma_wait3A_32] : memref<10016x32xf32, #tpu.memory_space<vmem_shared>> -> memref<626x32xf32, #tpu.memory_space<vmem_shared>>
      tpu.wait_dma2 semaphore(%run_scoped3A : memref<!tpu.dma_semaphore, #tpu.memory_space<semaphore_mem>>) src(%dma_wait3A_33 : memref<626x32xf32, #tpu.memory_space<vmem_shared>>) dst(%dma_wait3A_31 : memref<626x32xf32, #tpu.memory_space<hbm>>)
      tpu.yield
    }) : () -> ()
    return
  }
}

#map = affine_map<(d0, d1) -> (0, 0)>
module attributes {stable_mosaic.version = 14 : i64} {
  func.func @gk(%arg0: i32, %arg1: i32, %arg2: memref<10016x32xf32, #tpu.memory_space<hbm>>, %arg3: memref<1x160000xi32, #tpu.memory_space<hbm>>, %arg4: memref<160000x32xf32, #tpu.memory_space<hbm>>) attributes {dimension_semantics = [#tpu.dimension_semantics<core_parallel>, #tpu.dimension_semantics<subcore_parallel>], iteration_bounds = array<i64: 2, 16>, scalar_prefetch = 0 : i64, scratch_operands = 0 : i64, tpu.core_type = #tpu.core_type<sc_vector_subcore>, window_params = [{transform_indices = #map}, {transform_indices = #map}, {transform_indices = #map}]} {
    %mul3A = arith.constant 1 : i32
    %mul3A_0 = arith.muli %arg1, %mul3A : i32
    %add3A = arith.constant 0 : i32
    %add3A_1 = arith.addi %add3A, %mul3A_0 : i32
    %mul3A_2 = arith.constant 16 : i32
    %mul3A_3 = arith.muli %arg0, %mul3A_2 : i32
    %add3A_4 = arith.addi %add3A_1, %mul3A_3 : i32
    %lt3A = arith.constant 17 : i32
    %lt3A_5 = arith.cmpi slt, %add3A_4, %lt3A : i32
    %jit3A = arith.constant 20 : i32
    %jit3A_6 = arith.constant 19 : i32
    %select_n3A = arith.select %lt3A_5, %jit3A, %jit3A_6 : i32
    %lt3A_7 = arith.constant 17 : i32
    %lt3A_8 = arith.cmpi slt, %add3A_4, %lt3A_7 : i32
    %mul3A_9 = arith.muli %add3A_4, %select_n3A : i32
    %mul3A_10 = arith.constant 19 : i32
    %mul3A_11 = arith.muli %add3A_4, %mul3A_10 : i32
    %add3A_12 = arith.constant 17 : i32
    %add3A_13 = arith.addi %mul3A_11, %add3A_12 : i32
    %select_n3A_14 = arith.select %lt3A_8, %mul3A_9, %add3A_13 : i32
    %mul3A_15 = arith.constant 1 : i32
    %mul3A_16 = arith.muli %mul3A_15, %select_n3A : i32
    "tpu.region"() ({
      %run_scoped3A = memref.alloca() : memref<2x1x256xi32, #tpu.memory_space<vmem>>
      %run_scoped3A_17 = tpu.sem_alloc : memref<2x!tpu.dma_semaphore, #tpu.memory_space<semaphore_mem>>
      %run_scoped3A_18 = memref.alloca() : memref<2x256x32xf32, #tpu.memory_space<vmem>>
      %run_scoped3A_19 = tpu.sem_alloc : memref<2x!tpu.dma_semaphore, #tpu.memory_space<semaphore_mem>>
      %gt3A = arith.constant 0 : i32
      %gt3A_20 = arith.cmpi sgt, %mul3A_16, %gt3A : i32
      %convert_element_type3A = arith.extui %gt3A_20 : i1 to i32
      %cond3A = arith.constant 0 : i32
      %cond3A_21 = arith.cmpi ne, %convert_element_type3A, %cond3A : i32
      scf.if %cond3A_21 {
        %mul3A_22 = arith.constant 1 : i32
        %mul3A_23 = arith.muli %mul3A_22, %select_n3A : i32
        %sub3A = arith.constant 1 : i32
        %sub3A_24 = arith.subi %mul3A_23, %sub3A : i32
        %eq3A = arith.constant 0 : i32
        %eq3A_25 = arith.cmpi eq, %sub3A_24, %eq3A : i32
        %add3A_26 = arith.constant 0 : i32
        %add3A_27 = arith.addi %add3A_26, %select_n3A_14 : i32
        %select_n3A_28 = arith.constant true
        %select_n3A_29 = arith.constant 0 : i32
        %select_n3A_30 = arith.constant -1 : i32
        %select_n3A_31 = arith.select %select_n3A_28, %select_n3A_30, %select_n3A_29 : i32
        %eq3A_32 = arith.constant -1 : i32
        %eq3A_33 = arith.cmpi eq, %select_n3A_31, %eq3A_32 : i32
        %sub3A_34 = arith.constant 1 : i32
        %sub3A_35 = arith.subi %select_n3A, %sub3A_34 : i32
        %select_n3A_36 = arith.select %eq3A_33, %sub3A_35, %select_n3A_31 : i32
        %add3A_37 = arith.addi %select_n3A_36, %select_n3A_14 : i32
        %select_n3A_38 = arith.constant true
        %select_n3A_39 = arith.constant 0 : i32
        %select_n3A_40 = arith.constant 1 : i32
        %select_n3A_41 = arith.select %select_n3A_38, %select_n3A_40, %select_n3A_39 : i32
        %eq3A_42 = arith.cmpi eq, %select_n3A_41, %select_n3A : i32
        %select_n3A_43 = arith.constant 0 : i32
        %select_n3A_44 = arith.select %eq3A_42, %select_n3A_43, %select_n3A_41 : i32
        %add3A_45 = arith.addi %select_n3A_44, %select_n3A_14 : i32
        %add3A_46 = arith.constant 1 : i32
        %add3A_47 = arith.addi %select_n3A_44, %add3A_46 : i32
        %select_n3A_48 = arith.constant true
        %select_n3A_49 = arith.select %select_n3A_48, %add3A_47, %select_n3A_44 : i32
        %eq3A_50 = arith.cmpi eq, %select_n3A_49, %select_n3A : i32
        %select_n3A_51 = arith.constant 0 : i32
        %select_n3A_52 = arith.select %eq3A_50, %select_n3A_51, %select_n3A_49 : i32
        %add3A_53 = arith.addi %select_n3A_52, %select_n3A_14 : i32
        "tpu.trace_start"() <{level = 10 : i32, message = "ep_initialize_0"}> : () -> ()
        %rem3A = arith.constant 0 : i32
        %rem3A_54 = arith.constant 2 : i32
        %rem3A_55 = arith.remui %rem3A, %rem3A_54 : i32
        %mul3A_56 = arith.constant 256 : i32
        %mul3A_57 = arith.muli %mul3A_56, %add3A_27 : i32
        %dma_start3A = arith.constant 0 : i32
        %dma_start3A_58 = arith.constant 0 : i32
        %dma_start3A_59 = tpu.memref_slice %run_scoped3A[%rem3A_55, %dma_start3A, %dma_start3A_58] : memref<2x1x256xi32, #tpu.memory_space<vmem>> -> memref<1x1x256xi32, #tpu.memory_space<vmem>>
        %dma_start3A_60 = tpu.memref_squeeze %dma_start3A_59 : memref<1x1x256xi32, #tpu.memory_space<vmem>> -> memref<1x256xi32, #tpu.memory_space<vmem>>
        %dma_start3A_61 = arith.constant 0 : i32
        %dma_start3A_62 = tpu.memref_slice %arg3[%dma_start3A_61, %mul3A_57] : memref<1x160000xi32, #tpu.memory_space<hbm>> -> memref<1x256xi32, #tpu.memory_space<hbm>>
        %dma_start3A_63 = tpu.memref_slice %run_scoped3A_17[%rem3A_55] : memref<2x!tpu.dma_semaphore, #tpu.memory_space<semaphore_mem>> -> memref<1x!tpu.dma_semaphore, #tpu.memory_space<semaphore_mem>>
        %dma_start3A_64 = tpu.memref_squeeze %dma_start3A_63 : memref<1x!tpu.dma_semaphore, #tpu.memory_space<semaphore_mem>> -> memref<!tpu.dma_semaphore, #tpu.memory_space<semaphore_mem>>
        %dma_start3A_65 = arith.constant 0 : i32
        %dma_start3A_66 = arith.constant 0 : i32
        %dma_start3A_67 = tpu.memref_slice %run_scoped3A[%rem3A_55, %dma_start3A_65, %dma_start3A_66] : memref<2x1x256xi32, #tpu.memory_space<vmem>> -> memref<1x1x256xi32, #tpu.memory_space<vmem>>
        %dma_start3A_68 = tpu.memref_squeeze %dma_start3A_67 : memref<1x1x256xi32, #tpu.memory_space<vmem>> -> memref<1x256xi32, #tpu.memory_space<vmem>>
        %dma_start3A_69 = arith.constant 0 : i32
        %dma_start3A_70 = tpu.memref_slice %arg3[%dma_start3A_69, %mul3A_57] : memref<1x160000xi32, #tpu.memory_space<hbm>> -> memref<1x256xi32, #tpu.memory_space<hbm>>
        tpu.enqueue_dma source(%dma_start3A_70 : memref<1x256xi32, #tpu.memory_space<hbm>>) target(%dma_start3A_68 : memref<1x256xi32, #tpu.memory_space<vmem>>) target_semaphore(%dma_start3A_64 : memref<!tpu.dma_semaphore, #tpu.memory_space<semaphore_mem>>)
        %add3A_71 = arith.constant 0 : i32
        %add3A_72 = arith.constant 1 : i32
        %add3A_73 = arith.addi %add3A_71, %add3A_72 : i32
        %select_n3A_74 = arith.constant true
        %select_n3A_75 = arith.constant 0 : i32
        %select_n3A_76 = arith.select %select_n3A_74, %add3A_73, %select_n3A_75 : i32
        %while3A = arith.constant 0 : i32
        %while3A_77 = arith.constant 0 : i32
        %while3A_78 = arith.constant 0 : i32
        %while3A_79 = arith.constant 0 : i32
        %while3A_80 = arith.constant 0 : i32
        "tpu.trace_stop"() : () -> ()
        %while3A_81 = arith.subi %mul3A_16, %while3A : i32
        %while3A_82 = arith.addi %while3A, %while3A_81 : i32
        %while3A_83 = arith.constant 1 : i32
        %while3A_84 = arith.divsi %while3A_81, %while3A_83 : i32
        %while3A_85 = arith.muli %while3A_84, %while3A_83 : i32
        %while3A_86 = arith.addi %while3A, %while3A_85 : i32
        %while3A_87 = arith.constant 1 : i32
        %while3A_88:5 = scf.for %while3A_142 = %while3A to %while3A_86 step %while3A_87 iter_args(%while3A_143 = %select_n3A_76, %while3A_144 = %while3A_77, %while3A_145 = %while3A_78, %while3A_146 = %while3A_79, %while3A_147 = %while3A_80) -> (i32, i32, i32, i32, i32)  : i32 {
          %mul3A_148 = arith.constant 1 : i32
          %mul3A_149 = arith.muli %mul3A_148, %select_n3A : i32
          %eq3A_150 = arith.constant 0 : i32
          %eq3A_151 = arith.cmpi eq, %while3A_142, %eq3A_150 : i32
          %sub3A_152 = arith.constant 1 : i32
          %sub3A_153 = arith.subi %mul3A_149, %sub3A_152 : i32
          %eq3A_154 = arith.cmpi eq, %while3A_142, %sub3A_153 : i32
          %add3A_155 = arith.addi %while3A_147, %select_n3A_14 : i32
          %sub3A_156 = arith.constant 1 : i32
          %sub3A_157 = arith.subi %while3A_147, %sub3A_156 : i32
          %select_n3A_158 = arith.constant true
          %select_n3A_159 = arith.select %select_n3A_158, %sub3A_157, %while3A_147 : i32
          %eq3A_160 = arith.constant -1 : i32
          %eq3A_161 = arith.cmpi eq, %select_n3A_159, %eq3A_160 : i32
          %sub3A_162 = arith.constant 1 : i32
          %sub3A_163 = arith.subi %select_n3A, %sub3A_162 : i32
          %select_n3A_164 = arith.select %eq3A_161, %sub3A_163, %select_n3A_159 : i32
          %add3A_165 = arith.addi %select_n3A_164, %select_n3A_14 : i32
          %add3A_166 = arith.constant 1 : i32
          %add3A_167 = arith.addi %while3A_147, %add3A_166 : i32
          %select_n3A_168 = arith.constant true
          %select_n3A_169 = arith.select %select_n3A_168, %add3A_167, %while3A_147 : i32
          %eq3A_170 = arith.cmpi eq, %select_n3A_169, %select_n3A : i32
          %select_n3A_171 = arith.constant 0 : i32
          %select_n3A_172 = arith.select %eq3A_170, %select_n3A_171, %select_n3A_169 : i32
          %add3A_173 = arith.addi %select_n3A_172, %select_n3A_14 : i32
          %add3A_174 = arith.constant 1 : i32
          %add3A_175 = arith.addi %select_n3A_172, %add3A_174 : i32
          %select_n3A_176 = arith.constant true
          %select_n3A_177 = arith.select %select_n3A_176, %add3A_175, %select_n3A_172 : i32
          %eq3A_178 = arith.cmpi eq, %select_n3A_177, %select_n3A : i32
          %select_n3A_179 = arith.constant 0 : i32
          %select_n3A_180 = arith.select %eq3A_178, %select_n3A_179, %select_n3A_177 : i32
          %add3A_181 = arith.addi %select_n3A_180, %select_n3A_14 : i32
          %ne3A = arith.cmpi ne, %add3A_155, %add3A_173 : i32
          %or3A = arith.constant false
          %or3A_182 = arith.ori %or3A, %ne3A : i1
          %sub3A_183 = arith.constant 2 : i32
          %sub3A_184 = arith.subi %mul3A_149, %sub3A_183 : i32
          %add3A_185 = arith.constant 1 : i32
          %add3A_186 = arith.addi %sub3A_184, %add3A_185 : i32
          %ge3A = arith.cmpi sge, %while3A_142, %add3A_186 : i32
          %not3A = arith.constant true
          %not3A_187 = arith.xori %ge3A, %not3A : i1
          %and3A = arith.andi %or3A_182, %not3A_187 : i1
          %convert_element_type3A_188 = arith.extui %and3A : i1 to i32
          %cond3A_189 = arith.constant 0 : i32
          %cond3A_190 = arith.cmpi ne, %convert_element_type3A_188, %cond3A_189 : i32
          scf.if %cond3A_190 {
            "tpu.trace_start"() <{level = 10 : i32, message = "ep_copy_in"}> : () -> ()
            %rem3A_294 = arith.constant 2 : i32
            %rem3A_295 = arith.remui %while3A_143, %rem3A_294 : i32
            %mul3A_296 = arith.constant 256 : i32
            %mul3A_297 = arith.muli %mul3A_296, %add3A_173 : i32
            %dma_start3A_298 = arith.constant 0 : i32
            %dma_start3A_299 = arith.constant 0 : i32
            %dma_start3A_300 = tpu.memref_slice %run_scoped3A[%rem3A_295, %dma_start3A_298, %dma_start3A_299] : memref<2x1x256xi32, #tpu.memory_space<vmem>> -> memref<1x1x256xi32, #tpu.memory_space<vmem>>
            %dma_start3A_301 = tpu.memref_squeeze %dma_start3A_300 : memref<1x1x256xi32, #tpu.memory_space<vmem>> -> memref<1x256xi32, #tpu.memory_space<vmem>>
            %dma_start3A_302 = arith.constant 0 : i32
            %dma_start3A_303 = tpu.memref_slice %arg3[%dma_start3A_302, %mul3A_297] : memref<1x160000xi32, #tpu.memory_space<hbm>> -> memref<1x256xi32, #tpu.memory_space<hbm>>
            %dma_start3A_304 = tpu.memref_slice %run_scoped3A_17[%rem3A_295] : memref<2x!tpu.dma_semaphore, #tpu.memory_space<semaphore_mem>> -> memref<1x!tpu.dma_semaphore, #tpu.memory_space<semaphore_mem>>
            %dma_start3A_305 = tpu.memref_squeeze %dma_start3A_304 : memref<1x!tpu.dma_semaphore, #tpu.memory_space<semaphore_mem>> -> memref<!tpu.dma_semaphore, #tpu.memory_space<semaphore_mem>>
            %dma_start3A_306 = arith.constant 0 : i32
            %dma_start3A_307 = arith.constant 0 : i32
            %dma_start3A_308 = tpu.memref_slice %run_scoped3A[%rem3A_295, %dma_start3A_306, %dma_start3A_307] : memref<2x1x256xi32, #tpu.memory_space<vmem>> -> memref<1x1x256xi32, #tpu.memory_space<vmem>>
            %dma_start3A_309 = tpu.memref_squeeze %dma_start3A_308 : memref<1x1x256xi32, #tpu.memory_space<vmem>> -> memref<1x256xi32, #tpu.memory_space<vmem>>
            %dma_start3A_310 = arith.constant 0 : i32
            %dma_start3A_311 = tpu.memref_slice %arg3[%dma_start3A_310, %mul3A_297] : memref<1x160000xi32, #tpu.memory_space<hbm>> -> memref<1x256xi32, #tpu.memory_space<hbm>>
            tpu.enqueue_dma source(%dma_start3A_311 : memref<1x256xi32, #tpu.memory_space<hbm>>) target(%dma_start3A_309 : memref<1x256xi32, #tpu.memory_space<vmem>>) target_semaphore(%dma_start3A_305 : memref<!tpu.dma_semaphore, #tpu.memory_space<semaphore_mem>>)
            "tpu.trace_stop"() : () -> ()
          } else {
          }
          %and3A_191 = arith.constant true
          %and3A_192 = arith.andi %and3A, %and3A_191 : i1
          %add3A_193 = arith.constant 1 : i32
          %add3A_194 = arith.addi %while3A_143, %add3A_193 : i32
          %select_n3A_195 = arith.select %and3A_192, %add3A_194, %while3A_143 : i32
          %ne3A_196 = arith.cmpi ne, %add3A_155, %add3A_173 : i32
          %or3A_197 = arith.constant false
          %or3A_198 = arith.ori %or3A_197, %ne3A_196 : i1
          %or3A_199 = arith.constant false
          %or3A_200 = arith.ori %or3A_198, %or3A_199 : i1
          %sub3A_201 = arith.constant 2 : i32
          %sub3A_202 = arith.subi %mul3A_149, %sub3A_201 : i32
          %add3A_203 = arith.constant 1 : i32
          %add3A_204 = arith.addi %sub3A_202, %add3A_203 : i32
          %ge3A_205 = arith.cmpi sge, %while3A_142, %add3A_204 : i32
          %not3A_206 = arith.constant true
          %not3A_207 = arith.xori %ge3A_205, %not3A_206 : i1
          %and3A_208 = arith.andi %or3A_200, %not3A_207 : i1
          %ne3A_209 = arith.cmpi ne, %add3A_155, %add3A_165 : i32
          %or3A_210 = arith.constant false
          %or3A_211 = arith.ori %or3A_210, %ne3A_209 : i1
          %or3A_212 = arith.ori %or3A_211, %eq3A_151 : i1
          %convert_element_type3A_213 = arith.extui %or3A_212 : i1 to i32
          %cond3A_214 = arith.constant 0 : i32
          %cond3A_215 = arith.cmpi ne, %convert_element_type3A_213, %cond3A_214 : i32
          scf.if %cond3A_215 {
            "tpu.trace_start"() <{level = 10 : i32, message = "ep_wait_in"}> : () -> ()
            %mul3A_294 = arith.constant 256 : i32
            %mul3A_295 = arith.muli %mul3A_294, %add3A_155 : i32
            %rem3A_296 = arith.constant 2 : i32
            %rem3A_297 = arith.remui %while3A_144, %rem3A_296 : i32
            %dma_wait3A = arith.constant 0 : i32
            %dma_wait3A_298 = arith.constant 0 : i32
            %dma_wait3A_299 = tpu.memref_slice %run_scoped3A[%rem3A_297, %dma_wait3A, %dma_wait3A_298] : memref<2x1x256xi32, #tpu.memory_space<vmem>> -> memref<1x1x256xi32, #tpu.memory_space<vmem>>
            %dma_wait3A_300 = tpu.memref_squeeze %dma_wait3A_299 : memref<1x1x256xi32, #tpu.memory_space<vmem>> -> memref<1x256xi32, #tpu.memory_space<vmem>>
            %dma_wait3A_301 = arith.constant 0 : i32
            %dma_wait3A_302 = tpu.memref_slice %arg3[%dma_wait3A_301, %mul3A_295] : memref<1x160000xi32, #tpu.memory_space<hbm>> -> memref<1x256xi32, #tpu.memory_space<hbm>>
            %dma_wait3A_303 = tpu.memref_slice %run_scoped3A_17[%rem3A_297] : memref<2x!tpu.dma_semaphore, #tpu.memory_space<semaphore_mem>> -> memref<1x!tpu.dma_semaphore, #tpu.memory_space<semaphore_mem>>
            %dma_wait3A_304 = tpu.memref_squeeze %dma_wait3A_303 : memref<1x!tpu.dma_semaphore, #tpu.memory_space<semaphore_mem>> -> memref<!tpu.dma_semaphore, #tpu.memory_space<semaphore_mem>>
            %dma_wait3A_305 = arith.constant 0 : i32
            %dma_wait3A_306 = arith.constant 0 : i32
            %dma_wait3A_307 = tpu.memref_slice %run_scoped3A[%rem3A_297, %dma_wait3A_305, %dma_wait3A_306] : memref<2x1x256xi32, #tpu.memory_space<vmem>> -> memref<1x1x256xi32, #tpu.memory_space<vmem>>
            %dma_wait3A_308 = tpu.memref_squeeze %dma_wait3A_307 : memref<1x1x256xi32, #tpu.memory_space<vmem>> -> memref<1x256xi32, #tpu.memory_space<vmem>>
            %dma_wait3A_309 = arith.constant 0 : i32
            %dma_wait3A_310 = tpu.memref_slice %arg3[%dma_wait3A_309, %mul3A_295] : memref<1x160000xi32, #tpu.memory_space<hbm>> -> memref<1x256xi32, #tpu.memory_space<hbm>>
            tpu.wait_dma2 semaphore(%dma_wait3A_304 : memref<!tpu.dma_semaphore, #tpu.memory_space<semaphore_mem>>) src(%dma_wait3A_310 : memref<1x256xi32, #tpu.memory_space<hbm>>) dst(%dma_wait3A_308 : memref<1x256xi32, #tpu.memory_space<vmem>>)
            "tpu.trace_stop"() : () -> ()
          } else {
          }
          %ne3A_216 = arith.cmpi ne, %add3A_155, %add3A_165 : i32
          %or3A_217 = arith.constant false
          %or3A_218 = arith.ori %or3A_217, %ne3A_216 : i1
          %or3A_219 = arith.constant false
          %or3A_220 = arith.ori %or3A_218, %or3A_219 : i1
          %or3A_221 = arith.ori %or3A_220, %eq3A_151 : i1
          %convert_element_type3A_222 = arith.extui %or3A_221 : i1 to i32
          %cond3A_223 = arith.constant 0 : i32
          %cond3A_224 = arith.cmpi ne, %convert_element_type3A_222, %cond3A_223 : i32
          scf.if %cond3A_224 {
          } else {
          }
          %rem3A_225 = arith.constant 2 : i32
          %rem3A_226 = arith.remui %while3A_144, %rem3A_225 : i32
          %rem3A_227 = arith.constant 2 : i32
          %rem3A_228 = arith.remui %while3A_145, %rem3A_227 : i32
          %run_scoped3A_229 = arith.constant 0 : i32
          "tpu.trace_start"() <{level = 10 : i32, message = "ep_run_kernel"}> : () -> ()
          "tpu.region"() ({
            %run_scoped3A_294 = tpu.sem_alloc : memref<!tpu.dma_semaphore, #tpu.memory_space<semaphore_mem>>
            %dma_start3A_295 = arith.constant 0 : i32
            %dma_start3A_296 = arith.constant 0 : i32
            %dma_start3A_297 = tpu.memref_slice %run_scoped3A_18[%rem3A_228, %dma_start3A_295, %dma_start3A_296] : memref<2x256x32xf32, #tpu.memory_space<vmem>> -> memref<1x256x32xf32, #tpu.memory_space<vmem>>
            %dma_start3A_298 = tpu.memref_squeeze %dma_start3A_297 : memref<1x256x32xf32, #tpu.memory_space<vmem>> -> memref<256x32xf32, #tpu.memory_space<vmem>>
            %dma_start3A_299 = arith.constant 0 : i32
            %dma_start3A_300 = arith.constant 0 : i32
            %dma_start3A_301 = tpu.memref_slice %run_scoped3A[%rem3A_226, %dma_start3A_299, %dma_start3A_300] : memref<2x1x256xi32, #tpu.memory_space<vmem>> -> memref<1x1x256xi32, #tpu.memory_space<vmem>>
            %dma_start3A_302 = tpu.memref_squeeze %dma_start3A_301 : memref<1x1x256xi32, #tpu.memory_space<vmem>> -> memref<1x256xi32, #tpu.memory_space<vmem>>
            %dma_start3A_303 = arith.constant 0 : i32
            %dma_start3A_304 = tpu.memref_slice %dma_start3A_302[%run_scoped3A_229, %dma_start3A_303] : memref<1x256xi32, #tpu.memory_space<vmem>> -> memref<1x256xi32, #tpu.memory_space<vmem>>
            %dma_start3A_305 = tpu.memref_squeeze %dma_start3A_304 : memref<1x256xi32, #tpu.memory_space<vmem>> -> memref<256xi32, #tpu.memory_space<vmem>>
            %dma_start3A_306 = arith.constant 0 : i32
            %dma_start3A_307 = arith.constant 0 : i32
            %dma_start3A_308 = tpu.memref_slice %arg2[%dma_start3A_306, %dma_start3A_307] : memref<10016x32xf32, #tpu.memory_space<hbm>> -> memref<10016x32xf32, #tpu.memory_space<hbm>>
            tpu.enqueue_indirect_dma source(%dma_start3A_308 : memref<10016x32xf32, #tpu.memory_space<hbm>>) target(%dma_start3A_298 : memref<256x32xf32, #tpu.memory_space<vmem>>) offsets(%dma_start3A_305 : memref<256xi32, #tpu.memory_space<vmem>>) semaphore(%run_scoped3A_294 : memref<!tpu.dma_semaphore, #tpu.memory_space<semaphore_mem>>)
            %dma_wait3A = arith.constant 0 : i32
            %dma_wait3A_309 = arith.constant 0 : i32
            %dma_wait3A_310 = tpu.memref_slice %run_scoped3A_18[%rem3A_228, %dma_wait3A, %dma_wait3A_309] : memref<2x256x32xf32, #tpu.memory_space<vmem>> -> memref<1x256x32xf32, #tpu.memory_space<vmem>>
            %dma_wait3A_311 = tpu.memref_squeeze %dma_wait3A_310 : memref<1x256x32xf32, #tpu.memory_space<vmem>> -> memref<256x32xf32, #tpu.memory_space<vmem>>
            %dma_wait3A_312 = arith.constant 0 : i32
            %dma_wait3A_313 = arith.constant 0 : i32
            %dma_wait3A_314 = tpu.memref_slice %run_scoped3A[%rem3A_226, %dma_wait3A_312, %dma_wait3A_313] : memref<2x1x256xi32, #tpu.memory_space<vmem>> -> memref<1x1x256xi32, #tpu.memory_space<vmem>>
            %dma_wait3A_315 = tpu.memref_squeeze %dma_wait3A_314 : memref<1x1x256xi32, #tpu.memory_space<vmem>> -> memref<1x256xi32, #tpu.memory_space<vmem>>
            %dma_wait3A_316 = arith.constant 0 : i32
            %dma_wait3A_317 = tpu.memref_slice %dma_wait3A_315[%run_scoped3A_229, %dma_wait3A_316] : memref<1x256xi32, #tpu.memory_space<vmem>> -> memref<1x256xi32, #tpu.memory_space<vmem>>
            %dma_wait3A_318 = tpu.memref_squeeze %dma_wait3A_317 : memref<1x256xi32, #tpu.memory_space<vmem>> -> memref<256xi32, #tpu.memory_space<vmem>>
            %dma_wait3A_319 = arith.constant 0 : i32
            %dma_wait3A_320 = arith.constant 0 : i32
            %dma_wait3A_321 = tpu.memref_slice %arg2[%dma_wait3A_319, %dma_wait3A_320] : memref<10016x32xf32, #tpu.memory_space<hbm>> -> memref<10016x32xf32, #tpu.memory_space<hbm>>
            tpu.wait_indirect_dma semaphore(%run_scoped3A_294 : memref<!tpu.dma_semaphore, #tpu.memory_space<semaphore_mem>>) src(%dma_wait3A_321 : memref<10016x32xf32, #tpu.memory_space<hbm>>) dst(%dma_wait3A_311 : memref<256x32xf32, #tpu.memory_space<vmem>>)
            tpu.yield
          }) : () -> ()
          "tpu.trace_stop"() : () -> ()
          %ne3A_230 = arith.cmpi ne, %add3A_155, %add3A_173 : i32
          %or3A_231 = arith.constant false
          %or3A_232 = arith.ori %or3A_231, %ne3A_230 : i1
          %or3A_233 = arith.ori %or3A_232, %eq3A_154 : i1
          %convert_element_type3A_234 = arith.extui %or3A_233 : i1 to i32
          %cond3A_235 = arith.constant 0 : i32
          %cond3A_236 = arith.cmpi ne, %convert_element_type3A_234, %cond3A_235 : i32
          scf.if %cond3A_236 {
          } else {
          }
          %and3A_237 = arith.constant false
          %and3A_238 = arith.andi %or3A_233, %and3A_237 : i1
          %ne3A_239 = arith.cmpi ne, %add3A_155, %add3A_173 : i32
          %or3A_240 = arith.constant false
          %or3A_241 = arith.ori %or3A_240, %ne3A_239 : i1
          %or3A_242 = arith.constant false
          %or3A_243 = arith.ori %or3A_241, %or3A_242 : i1
          %or3A_244 = arith.ori %or3A_243, %eq3A_154 : i1
          %convert_element_type3A_245 = arith.extui %or3A_244 : i1 to i32
          %cond3A_246 = arith.constant 0 : i32
          %cond3A_247 = arith.cmpi ne, %convert_element_type3A_245, %cond3A_246 : i32
          scf.if %cond3A_247 {
            "tpu.trace_start"() <{level = 10 : i32, message = "ep_copy_out"}> : () -> ()
            %rem3A_294 = arith.constant 2 : i32
            %rem3A_295 = arith.remui %while3A_145, %rem3A_294 : i32
            %mul3A_296 = arith.constant 256 : i32
            %mul3A_297 = arith.muli %mul3A_296, %add3A_155 : i32
            %dma_start3A_298 = arith.constant 0 : i32
            %dma_start3A_299 = arith.constant 0 : i32
            %dma_start3A_300 = tpu.memref_slice %run_scoped3A_18[%rem3A_295, %dma_start3A_298, %dma_start3A_299] : memref<2x256x32xf32, #tpu.memory_space<vmem>> -> memref<1x256x32xf32, #tpu.memory_space<vmem>>
            %dma_start3A_301 = tpu.memref_squeeze %dma_start3A_300 : memref<1x256x32xf32, #tpu.memory_space<vmem>> -> memref<256x32xf32, #tpu.memory_space<vmem>>
            %dma_start3A_302 = arith.constant 0 : i32
            %dma_start3A_303 = tpu.memref_slice %arg4[%mul3A_297, %dma_start3A_302] : memref<160000x32xf32, #tpu.memory_space<hbm>> -> memref<256x32xf32, #tpu.memory_space<hbm>>
            %dma_start3A_304 = tpu.memref_slice %run_scoped3A_19[%rem3A_295] : memref<2x!tpu.dma_semaphore, #tpu.memory_space<semaphore_mem>> -> memref<1x!tpu.dma_semaphore, #tpu.memory_space<semaphore_mem>>
            %dma_start3A_305 = tpu.memref_squeeze %dma_start3A_304 : memref<1x!tpu.dma_semaphore, #tpu.memory_space<semaphore_mem>> -> memref<!tpu.dma_semaphore, #tpu.memory_space<semaphore_mem>>
            %dma_start3A_306 = arith.constant 0 : i32
            %dma_start3A_307 = tpu.memref_slice %arg4[%mul3A_297, %dma_start3A_306] : memref<160000x32xf32, #tpu.memory_space<hbm>> -> memref<256x32xf32, #tpu.memory_space<hbm>>
            %dma_start3A_308 = arith.constant 0 : i32
            %dma_start3A_309 = arith.constant 0 : i32
            %dma_start3A_310 = tpu.memref_slice %run_scoped3A_18[%rem3A_295, %dma_start3A_308, %dma_start3A_309] : memref<2x256x32xf32, #tpu.memory_space<vmem>> -> memref<1x256x32xf32, #tpu.memory_space<vmem>>
            %dma_start3A_311 = tpu.memref_squeeze %dma_start3A_310 : memref<1x256x32xf32, #tpu.memory_space<vmem>> -> memref<256x32xf32, #tpu.memory_space<vmem>>
            tpu.enqueue_dma source(%dma_start3A_311 : memref<256x32xf32, #tpu.memory_space<vmem>>) target(%dma_start3A_307 : memref<256x32xf32, #tpu.memory_space<hbm>>) target_semaphore(%dma_start3A_305 : memref<!tpu.dma_semaphore, #tpu.memory_space<semaphore_mem>>)
            "tpu.trace_stop"() : () -> ()
          } else {
          }
          %and3A_248 = arith.constant true
          %and3A_249 = arith.andi %or3A_244, %and3A_248 : i1
          %add3A_250 = arith.constant 1 : i32
          %add3A_251 = arith.addi %while3A_145, %add3A_250 : i32
          %select_n3A_252 = arith.select %and3A_249, %add3A_251, %while3A_145 : i32
          %ne3A_253 = arith.cmpi ne, %add3A_155, %add3A_165 : i32
          %or3A_254 = arith.constant false
          %or3A_255 = arith.ori %or3A_254, %ne3A_253 : i1
          %not3A_256 = arith.constant true
          %not3A_257 = arith.xori %eq3A_151, %not3A_256 : i1
          %and3A_258 = arith.andi %or3A_255, %not3A_257 : i1
          %convert_element_type3A_259 = arith.extui %and3A_258 : i1 to i32
          %cond3A_260 = arith.constant 0 : i32
          %cond3A_261 = arith.cmpi ne, %convert_element_type3A_259, %cond3A_260 : i32
          scf.if %cond3A_261 {
          } else {
          }
          %and3A_262 = arith.constant false
          %and3A_263 = arith.andi %and3A_258, %and3A_262 : i1
          %ne3A_264 = arith.cmpi ne, %add3A_155, %add3A_165 : i32
          %or3A_265 = arith.constant false
          %or3A_266 = arith.ori %or3A_265, %ne3A_264 : i1
          %or3A_267 = arith.constant false
          %or3A_268 = arith.ori %or3A_266, %or3A_267 : i1
          %not3A_269 = arith.constant true
          %not3A_270 = arith.xori %eq3A_151, %not3A_269 : i1
          %and3A_271 = arith.andi %or3A_268, %not3A_270 : i1
          %convert_element_type3A_272 = arith.extui %and3A_271 : i1 to i32
          %cond3A_273 = arith.constant 0 : i32
          %cond3A_274 = arith.cmpi ne, %convert_element_type3A_272, %cond3A_273 : i32
          scf.if %cond3A_274 {
            "tpu.trace_start"() <{level = 10 : i32, message = "ep_wait_out"}> : () -> ()
            %rem3A_294 = arith.constant 2 : i32
            %rem3A_295 = arith.remui %while3A_146, %rem3A_294 : i32
            %mul3A_296 = arith.constant 256 : i32
            %mul3A_297 = arith.muli %mul3A_296, %add3A_165 : i32
            %dma_wait3A = arith.constant 0 : i32
            %dma_wait3A_298 = arith.constant 0 : i32
            %dma_wait3A_299 = tpu.memref_slice %run_scoped3A_18[%rem3A_295, %dma_wait3A, %dma_wait3A_298] : memref<2x256x32xf32, #tpu.memory_space<vmem>> -> memref<1x256x32xf32, #tpu.memory_space<vmem>>
            %dma_wait3A_300 = tpu.memref_squeeze %dma_wait3A_299 : memref<1x256x32xf32, #tpu.memory_space<vmem>> -> memref<256x32xf32, #tpu.memory_space<vmem>>
            %dma_wait3A_301 = arith.constant 0 : i32
            %dma_wait3A_302 = tpu.memref_slice %arg4[%mul3A_297, %dma_wait3A_301] : memref<160000x32xf32, #tpu.memory_space<hbm>> -> memref<256x32xf32, #tpu.memory_space<hbm>>
            %dma_wait3A_303 = tpu.memref_slice %run_scoped3A_19[%rem3A_295] : memref<2x!tpu.dma_semaphore, #tpu.memory_space<semaphore_mem>> -> memref<1x!tpu.dma_semaphore, #tpu.memory_space<semaphore_mem>>
            %dma_wait3A_304 = tpu.memref_squeeze %dma_wait3A_303 : memref<1x!tpu.dma_semaphore, #tpu.memory_space<semaphore_mem>> -> memref<!tpu.dma_semaphore, #tpu.memory_space<semaphore_mem>>
            %dma_wait3A_305 = arith.constant 0 : i32
            %dma_wait3A_306 = tpu.memref_slice %arg4[%mul3A_297, %dma_wait3A_305] : memref<160000x32xf32, #tpu.memory_space<hbm>> -> memref<256x32xf32, #tpu.memory_space<hbm>>
            %dma_wait3A_307 = arith.constant 0 : i32
            %dma_wait3A_308 = arith.constant 0 : i32
            %dma_wait3A_309 = tpu.memref_slice %run_scoped3A_18[%rem3A_295, %dma_wait3A_307, %dma_wait3A_308] : memref<2x256x32xf32, #tpu.memory_space<vmem>> -> memref<1x256x32xf32, #tpu.memory_space<vmem>>
            %dma_wait3A_310 = tpu.memref_squeeze %dma_wait3A_309 : memref<1x256x32xf32, #tpu.memory_space<vmem>> -> memref<256x32xf32, #tpu.memory_space<vmem>>
            tpu.wait_dma2 semaphore(%dma_wait3A_304 : memref<!tpu.dma_semaphore, #tpu.memory_space<semaphore_mem>>) src(%dma_wait3A_310 : memref<256x32xf32, #tpu.memory_space<vmem>>) dst(%dma_wait3A_306 : memref<256x32xf32, #tpu.memory_space<hbm>>)
            "tpu.trace_stop"() : () -> ()
          } else {
          }
          %and3A_275 = arith.constant true
          %and3A_276 = arith.andi %and3A_271, %and3A_275 : i1
          %add3A_277 = arith.constant 1 : i32
          %add3A_278 = arith.addi %while3A_146, %add3A_277 : i32
          %select_n3A_279 = arith.select %and3A_276, %add3A_278, %while3A_146 : i32
          %ne3A_280 = arith.cmpi ne, %add3A_155, %add3A_173 : i32
          %or3A_281 = arith.constant false
          %or3A_282 = arith.ori %or3A_281, %ne3A_280 : i1
          %or3A_283 = arith.ori %or3A_282, %eq3A_154 : i1
          %add3A_284 = arith.constant 1 : i32
          %add3A_285 = arith.addi %while3A_144, %add3A_284 : i32
          %select_n3A_286 = arith.select %or3A_283, %add3A_285, %while3A_144 : i32
          %add3A_287 = arith.constant 1 : i32
          %add3A_288 = arith.addi %while3A_147, %add3A_287 : i32
          %select_n3A_289 = arith.constant true
          %select_n3A_290 = arith.select %select_n3A_289, %add3A_288, %while3A_147 : i32
          %eq3A_291 = arith.cmpi eq, %select_n3A_290, %select_n3A : i32
          %select_n3A_292 = arith.constant 0 : i32
          %select_n3A_293 = arith.select %eq3A_291, %select_n3A_292, %select_n3A_290 : i32
          scf.yield %select_n3A_195, %select_n3A_286, %select_n3A_252, %select_n3A_279, %select_n3A_293 : i32, i32, i32, i32, i32
        }
        %while3A_89 = arith.constant 1 : i32
        %while3A_90:5 = scf.for %while3A_142 = %while3A_86 to %while3A_82 step %while3A_89 iter_args(%while3A_143 = %while3A_88#0, %while3A_144 = %while3A_88#1, %while3A_145 = %while3A_88#2, %while3A_146 = %while3A_88#3, %while3A_147 = %while3A_88#4) -> (i32, i32, i32, i32, i32)  : i32 {
          %mul3A_148 = arith.constant 1 : i32
          %mul3A_149 = arith.muli %mul3A_148, %select_n3A : i32
          %eq3A_150 = arith.constant 0 : i32
          %eq3A_151 = arith.cmpi eq, %while3A_142, %eq3A_150 : i32
          %sub3A_152 = arith.constant 1 : i32
          %sub3A_153 = arith.subi %mul3A_149, %sub3A_152 : i32
          %eq3A_154 = arith.cmpi eq, %while3A_142, %sub3A_153 : i32
          %add3A_155 = arith.addi %while3A_147, %select_n3A_14 : i32
          %sub3A_156 = arith.constant 1 : i32
          %sub3A_157 = arith.subi %while3A_147, %sub3A_156 : i32
          %select_n3A_158 = arith.constant true
          %select_n3A_159 = arith.select %select_n3A_158, %sub3A_157, %while3A_147 : i32
          %eq3A_160 = arith.constant -1 : i32
          %eq3A_161 = arith.cmpi eq, %select_n3A_159, %eq3A_160 : i32
          %sub3A_162 = arith.constant 1 : i32
          %sub3A_163 = arith.subi %select_n3A, %sub3A_162 : i32
          %select_n3A_164 = arith.select %eq3A_161, %sub3A_163, %select_n3A_159 : i32
          %add3A_165 = arith.addi %select_n3A_164, %select_n3A_14 : i32
          %add3A_166 = arith.constant 1 : i32
          %add3A_167 = arith.addi %while3A_147, %add3A_166 : i32
          %select_n3A_168 = arith.constant true
          %select_n3A_169 = arith.select %select_n3A_168, %add3A_167, %while3A_147 : i32
          %eq3A_170 = arith.cmpi eq, %select_n3A_169, %select_n3A : i32
          %select_n3A_171 = arith.constant 0 : i32
          %select_n3A_172 = arith.select %eq3A_170, %select_n3A_171, %select_n3A_169 : i32
          %add3A_173 = arith.addi %select_n3A_172, %select_n3A_14 : i32
          %add3A_174 = arith.constant 1 : i32
          %add3A_175 = arith.addi %select_n3A_172, %add3A_174 : i32
          %select_n3A_176 = arith.constant true
          %select_n3A_177 = arith.select %select_n3A_176, %add3A_175, %select_n3A_172 : i32
          %eq3A_178 = arith.cmpi eq, %select_n3A_177, %select_n3A : i32
          %select_n3A_179 = arith.constant 0 : i32
          %select_n3A_180 = arith.select %eq3A_178, %select_n3A_179, %select_n3A_177 : i32
          %add3A_181 = arith.addi %select_n3A_180, %select_n3A_14 : i32
          %ne3A = arith.cmpi ne, %add3A_155, %add3A_173 : i32
          %or3A = arith.constant false
          %or3A_182 = arith.ori %or3A, %ne3A : i1
          %sub3A_183 = arith.constant 2 : i32
          %sub3A_184 = arith.subi %mul3A_149, %sub3A_183 : i32
          %add3A_185 = arith.constant 1 : i32
          %add3A_186 = arith.addi %sub3A_184, %add3A_185 : i32
          %ge3A = arith.cmpi sge, %while3A_142, %add3A_186 : i32
          %not3A = arith.constant true
          %not3A_187 = arith.xori %ge3A, %not3A : i1
          %and3A = arith.andi %or3A_182, %not3A_187 : i1
          %convert_element_type3A_188 = arith.extui %and3A : i1 to i32
          %cond3A_189 = arith.constant 0 : i32
          %cond3A_190 = arith.cmpi ne, %convert_element_type3A_188, %cond3A_189 : i32
          scf.if %cond3A_190 {
            "tpu.trace_start"() <{level = 10 : i32, message = "ep_copy_in"}> : () -> ()
            %rem3A_294 = arith.constant 2 : i32
            %rem3A_295 = arith.remui %while3A_143, %rem3A_294 : i32
            %mul3A_296 = arith.constant 256 : i32
            %mul3A_297 = arith.muli %mul3A_296, %add3A_173 : i32
            %dma_start3A_298 = arith.constant 0 : i32
            %dma_start3A_299 = arith.constant 0 : i32
            %dma_start3A_300 = tpu.memref_slice %run_scoped3A[%rem3A_295, %dma_start3A_298, %dma_start3A_299] : memref<2x1x256xi32, #tpu.memory_space<vmem>> -> memref<1x1x256xi32, #tpu.memory_space<vmem>>
            %dma_start3A_301 = tpu.memref_squeeze %dma_start3A_300 : memref<1x1x256xi32, #tpu.memory_space<vmem>> -> memref<1x256xi32, #tpu.memory_space<vmem>>
            %dma_start3A_302 = arith.constant 0 : i32
            %dma_start3A_303 = tpu.memref_slice %arg3[%dma_start3A_302, %mul3A_297] : memref<1x160000xi32, #tpu.memory_space<hbm>> -> memref<1x256xi32, #tpu.memory_space<hbm>>
            %dma_start3A_304 = tpu.memref_slice %run_scoped3A_17[%rem3A_295] : memref<2x!tpu.dma_semaphore, #tpu.memory_space<semaphore_mem>> -> memref<1x!tpu.dma_semaphore, #tpu.memory_space<semaphore_mem>>
            %dma_start3A_305 = tpu.memref_squeeze %dma_start3A_304 : memref<1x!tpu.dma_semaphore, #tpu.memory_space<semaphore_mem>> -> memref<!tpu.dma_semaphore, #tpu.memory_space<semaphore_mem>>
            %dma_start3A_306 = arith.constant 0 : i32
            %dma_start3A_307 = arith.constant 0 : i32
            %dma_start3A_308 = tpu.memref_slice %run_scoped3A[%rem3A_295, %dma_start3A_306, %dma_start3A_307] : memref<2x1x256xi32, #tpu.memory_space<vmem>> -> memref<1x1x256xi32, #tpu.memory_space<vmem>>
            %dma_start3A_309 = tpu.memref_squeeze %dma_start3A_308 : memref<1x1x256xi32, #tpu.memory_space<vmem>> -> memref<1x256xi32, #tpu.memory_space<vmem>>
            %dma_start3A_310 = arith.constant 0 : i32
            %dma_start3A_311 = tpu.memref_slice %arg3[%dma_start3A_310, %mul3A_297] : memref<1x160000xi32, #tpu.memory_space<hbm>> -> memref<1x256xi32, #tpu.memory_space<hbm>>
            tpu.enqueue_dma source(%dma_start3A_311 : memref<1x256xi32, #tpu.memory_space<hbm>>) target(%dma_start3A_309 : memref<1x256xi32, #tpu.memory_space<vmem>>) target_semaphore(%dma_start3A_305 : memref<!tpu.dma_semaphore, #tpu.memory_space<semaphore_mem>>)
            "tpu.trace_stop"() : () -> ()
          } else {
          }
          %and3A_191 = arith.constant true
          %and3A_192 = arith.andi %and3A, %and3A_191 : i1
          %add3A_193 = arith.constant 1 : i32
          %add3A_194 = arith.addi %while3A_143, %add3A_193 : i32
          %select_n3A_195 = arith.select %and3A_192, %add3A_194, %while3A_143 : i32
          %ne3A_196 = arith.cmpi ne, %add3A_155, %add3A_173 : i32
          %or3A_197 = arith.constant false
          %or3A_198 = arith.ori %or3A_197, %ne3A_196 : i1
          %or3A_199 = arith.constant false
          %or3A_200 = arith.ori %or3A_198, %or3A_199 : i1
          %sub3A_201 = arith.constant 2 : i32
          %sub3A_202 = arith.subi %mul3A_149, %sub3A_201 : i32
          %add3A_203 = arith.constant 1 : i32
          %add3A_204 = arith.addi %sub3A_202, %add3A_203 : i32
          %ge3A_205 = arith.cmpi sge, %while3A_142, %add3A_204 : i32
          %not3A_206 = arith.constant true
          %not3A_207 = arith.xori %ge3A_205, %not3A_206 : i1
          %and3A_208 = arith.andi %or3A_200, %not3A_207 : i1
          %ne3A_209 = arith.cmpi ne, %add3A_155, %add3A_165 : i32
          %or3A_210 = arith.constant false
          %or3A_211 = arith.ori %or3A_210, %ne3A_209 : i1
          %or3A_212 = arith.ori %or3A_211, %eq3A_151 : i1
          %convert_element_type3A_213 = arith.extui %or3A_212 : i1 to i32
          %cond3A_214 = arith.constant 0 : i32
          %cond3A_215 = arith.cmpi ne, %convert_element_type3A_213, %cond3A_214 : i32
          scf.if %cond3A_215 {
            "tpu.trace_start"() <{level = 10 : i32, message = "ep_wait_in"}> : () -> ()
            %mul3A_294 = arith.constant 256 : i32
            %mul3A_295 = arith.muli %mul3A_294, %add3A_155 : i32
            %rem3A_296 = arith.constant 2 : i32
            %rem3A_297 = arith.remui %while3A_144, %rem3A_296 : i32
            %dma_wait3A = arith.constant 0 : i32
            %dma_wait3A_298 = arith.constant 0 : i32
            %dma_wait3A_299 = tpu.memref_slice %run_scoped3A[%rem3A_297, %dma_wait3A, %dma_wait3A_298] : memref<2x1x256xi32, #tpu.memory_space<vmem>> -> memref<1x1x256xi32, #tpu.memory_space<vmem>>
            %dma_wait3A_300 = tpu.memref_squeeze %dma_wait3A_299 : memref<1x1x256xi32, #tpu.memory_space<vmem>> -> memref<1x256xi32, #tpu.memory_space<vmem>>
            %dma_wait3A_301 = arith.constant 0 : i32
            %dma_wait3A_302 = tpu.memref_slice %arg3[%dma_wait3A_301, %mul3A_295] : memref<1x160000xi32, #tpu.memory_space<hbm>> -> memref<1x256xi32, #tpu.memory_space<hbm>>
            %dma_wait3A_303 = tpu.memref_slice %run_scoped3A_17[%rem3A_297] : memref<2x!tpu.dma_semaphore, #tpu.memory_space<semaphore_mem>> -> memref<1x!tpu.dma_semaphore, #tpu.memory_space<semaphore_mem>>
            %dma_wait3A_304 = tpu.memref_squeeze %dma_wait3A_303 : memref<1x!tpu.dma_semaphore, #tpu.memory_space<semaphore_mem>> -> memref<!tpu.dma_semaphore, #tpu.memory_space<semaphore_mem>>
            %dma_wait3A_305 = arith.constant 0 : i32
            %dma_wait3A_306 = arith.constant 0 : i32
            %dma_wait3A_307 = tpu.memref_slice %run_scoped3A[%rem3A_297, %dma_wait3A_305, %dma_wait3A_306] : memref<2x1x256xi32, #tpu.memory_space<vmem>> -> memref<1x1x256xi32, #tpu.memory_space<vmem>>
            %dma_wait3A_308 = tpu.memref_squeeze %dma_wait3A_307 : memref<1x1x256xi32, #tpu.memory_space<vmem>> -> memref<1x256xi32, #tpu.memory_space<vmem>>
            %dma_wait3A_309 = arith.constant 0 : i32
            %dma_wait3A_310 = tpu.memref_slice %arg3[%dma_wait3A_309, %mul3A_295] : memref<1x160000xi32, #tpu.memory_space<hbm>> -> memref<1x256xi32, #tpu.memory_space<hbm>>
            tpu.wait_dma2 semaphore(%dma_wait3A_304 : memref<!tpu.dma_semaphore, #tpu.memory_space<semaphore_mem>>) src(%dma_wait3A_310 : memref<1x256xi32, #tpu.memory_space<hbm>>) dst(%dma_wait3A_308 : memref<1x256xi32, #tpu.memory_space<vmem>>)
            "tpu.trace_stop"() : () -> ()
          } else {
          }
          %ne3A_216 = arith.cmpi ne, %add3A_155, %add3A_165 : i32
          %or3A_217 = arith.constant false
          %or3A_218 = arith.ori %or3A_217, %ne3A_216 : i1
          %or3A_219 = arith.constant false
          %or3A_220 = arith.ori %or3A_218, %or3A_219 : i1
          %or3A_221 = arith.ori %or3A_220, %eq3A_151 : i1
          %convert_element_type3A_222 = arith.extui %or3A_221 : i1 to i32
          %cond3A_223 = arith.constant 0 : i32
          %cond3A_224 = arith.cmpi ne, %convert_element_type3A_222, %cond3A_223 : i32
          scf.if %cond3A_224 {
          } else {
          }
          %rem3A_225 = arith.constant 2 : i32
          %rem3A_226 = arith.remui %while3A_144, %rem3A_225 : i32
          %rem3A_227 = arith.constant 2 : i32
          %rem3A_228 = arith.remui %while3A_145, %rem3A_227 : i32
          %run_scoped3A_229 = arith.constant 0 : i32
          "tpu.trace_start"() <{level = 10 : i32, message = "ep_run_kernel"}> : () -> ()
          "tpu.region"() ({
            %run_scoped3A_294 = tpu.sem_alloc : memref<!tpu.dma_semaphore, #tpu.memory_space<semaphore_mem>>
            %dma_start3A_295 = arith.constant 0 : i32
            %dma_start3A_296 = arith.constant 0 : i32
            %dma_start3A_297 = tpu.memref_slice %run_scoped3A_18[%rem3A_228, %dma_start3A_295, %dma_start3A_296] : memref<2x256x32xf32, #tpu.memory_space<vmem>> -> memref<1x256x32xf32, #tpu.memory_space<vmem>>
            %dma_start3A_298 = tpu.memref_squeeze %dma_start3A_297 : memref<1x256x32xf32, #tpu.memory_space<vmem>> -> memref<256x32xf32, #tpu.memory_space<vmem>>
            %dma_start3A_299 = arith.constant 0 : i32
            %dma_start3A_300 = arith.constant 0 : i32
            %dma_start3A_301 = tpu.memref_slice %run_scoped3A[%rem3A_226, %dma_start3A_299, %dma_start3A_300] : memref<2x1x256xi32, #tpu.memory_space<vmem>> -> memref<1x1x256xi32, #tpu.memory_space<vmem>>
            %dma_start3A_302 = tpu.memref_squeeze %dma_start3A_301 : memref<1x1x256xi32, #tpu.memory_space<vmem>> -> memref<1x256xi32, #tpu.memory_space<vmem>>
            %dma_start3A_303 = arith.constant 0 : i32
            %dma_start3A_304 = tpu.memref_slice %dma_start3A_302[%run_scoped3A_229, %dma_start3A_303] : memref<1x256xi32, #tpu.memory_space<vmem>> -> memref<1x256xi32, #tpu.memory_space<vmem>>
            %dma_start3A_305 = tpu.memref_squeeze %dma_start3A_304 : memref<1x256xi32, #tpu.memory_space<vmem>> -> memref<256xi32, #tpu.memory_space<vmem>>
            %dma_start3A_306 = arith.constant 0 : i32
            %dma_start3A_307 = arith.constant 0 : i32
            %dma_start3A_308 = tpu.memref_slice %arg2[%dma_start3A_306, %dma_start3A_307] : memref<10016x32xf32, #tpu.memory_space<hbm>> -> memref<10016x32xf32, #tpu.memory_space<hbm>>
            tpu.enqueue_indirect_dma source(%dma_start3A_308 : memref<10016x32xf32, #tpu.memory_space<hbm>>) target(%dma_start3A_298 : memref<256x32xf32, #tpu.memory_space<vmem>>) offsets(%dma_start3A_305 : memref<256xi32, #tpu.memory_space<vmem>>) semaphore(%run_scoped3A_294 : memref<!tpu.dma_semaphore, #tpu.memory_space<semaphore_mem>>)
            %dma_wait3A = arith.constant 0 : i32
            %dma_wait3A_309 = arith.constant 0 : i32
            %dma_wait3A_310 = tpu.memref_slice %run_scoped3A_18[%rem3A_228, %dma_wait3A, %dma_wait3A_309] : memref<2x256x32xf32, #tpu.memory_space<vmem>> -> memref<1x256x32xf32, #tpu.memory_space<vmem>>
            %dma_wait3A_311 = tpu.memref_squeeze %dma_wait3A_310 : memref<1x256x32xf32, #tpu.memory_space<vmem>> -> memref<256x32xf32, #tpu.memory_space<vmem>>
            %dma_wait3A_312 = arith.constant 0 : i32
            %dma_wait3A_313 = arith.constant 0 : i32
            %dma_wait3A_314 = tpu.memref_slice %run_scoped3A[%rem3A_226, %dma_wait3A_312, %dma_wait3A_313] : memref<2x1x256xi32, #tpu.memory_space<vmem>> -> memref<1x1x256xi32, #tpu.memory_space<vmem>>
            %dma_wait3A_315 = tpu.memref_squeeze %dma_wait3A_314 : memref<1x1x256xi32, #tpu.memory_space<vmem>> -> memref<1x256xi32, #tpu.memory_space<vmem>>
            %dma_wait3A_316 = arith.constant 0 : i32
            %dma_wait3A_317 = tpu.memref_slice %dma_wait3A_315[%run_scoped3A_229, %dma_wait3A_316] : memref<1x256xi32, #tpu.memory_space<vmem>> -> memref<1x256xi32, #tpu.memory_space<vmem>>
            %dma_wait3A_318 = tpu.memref_squeeze %dma_wait3A_317 : memref<1x256xi32, #tpu.memory_space<vmem>> -> memref<256xi32, #tpu.memory_space<vmem>>
            %dma_wait3A_319 = arith.constant 0 : i32
            %dma_wait3A_320 = arith.constant 0 : i32
            %dma_wait3A_321 = tpu.memref_slice %arg2[%dma_wait3A_319, %dma_wait3A_320] : memref<10016x32xf32, #tpu.memory_space<hbm>> -> memref<10016x32xf32, #tpu.memory_space<hbm>>
            tpu.wait_indirect_dma semaphore(%run_scoped3A_294 : memref<!tpu.dma_semaphore, #tpu.memory_space<semaphore_mem>>) src(%dma_wait3A_321 : memref<10016x32xf32, #tpu.memory_space<hbm>>) dst(%dma_wait3A_311 : memref<256x32xf32, #tpu.memory_space<vmem>>)
            tpu.yield
          }) : () -> ()
          "tpu.trace_stop"() : () -> ()
          %ne3A_230 = arith.cmpi ne, %add3A_155, %add3A_173 : i32
          %or3A_231 = arith.constant false
          %or3A_232 = arith.ori %or3A_231, %ne3A_230 : i1
          %or3A_233 = arith.ori %or3A_232, %eq3A_154 : i1
          %convert_element_type3A_234 = arith.extui %or3A_233 : i1 to i32
          %cond3A_235 = arith.constant 0 : i32
          %cond3A_236 = arith.cmpi ne, %convert_element_type3A_234, %cond3A_235 : i32
          scf.if %cond3A_236 {
          } else {
          }
          %and3A_237 = arith.constant false
          %and3A_238 = arith.andi %or3A_233, %and3A_237 : i1
          %ne3A_239 = arith.cmpi ne, %add3A_155, %add3A_173 : i32
          %or3A_240 = arith.constant false
          %or3A_241 = arith.ori %or3A_240, %ne3A_239 : i1
          %or3A_242 = arith.constant false
          %or3A_243 = arith.ori %or3A_241, %or3A_242 : i1
          %or3A_244 = arith.ori %or3A_243, %eq3A_154 : i1
          %convert_element_type3A_245 = arith.extui %or3A_244 : i1 to i32
          %cond3A_246 = arith.constant 0 : i32
          %cond3A_247 = arith.cmpi ne, %convert_element_type3A_245, %cond3A_246 : i32
          scf.if %cond3A_247 {
            "tpu.trace_start"() <{level = 10 : i32, message = "ep_copy_out"}> : () -> ()
            %rem3A_294 = arith.constant 2 : i32
            %rem3A_295 = arith.remui %while3A_145, %rem3A_294 : i32
            %mul3A_296 = arith.constant 256 : i32
            %mul3A_297 = arith.muli %mul3A_296, %add3A_155 : i32
            %dma_start3A_298 = arith.constant 0 : i32
            %dma_start3A_299 = arith.constant 0 : i32
            %dma_start3A_300 = tpu.memref_slice %run_scoped3A_18[%rem3A_295, %dma_start3A_298, %dma_start3A_299] : memref<2x256x32xf32, #tpu.memory_space<vmem>> -> memref<1x256x32xf32, #tpu.memory_space<vmem>>
            %dma_start3A_301 = tpu.memref_squeeze %dma_start3A_300 : memref<1x256x32xf32, #tpu.memory_space<vmem>> -> memref<256x32xf32, #tpu.memory_space<vmem>>
            %dma_start3A_302 = arith.constant 0 : i32
            %dma_start3A_303 = tpu.memref_slice %arg4[%mul3A_297, %dma_start3A_302] : memref<160000x32xf32, #tpu.memory_space<hbm>> -> memref<256x32xf32, #tpu.memory_space<hbm>>
            %dma_start3A_304 = tpu.memref_slice %run_scoped3A_19[%rem3A_295] : memref<2x!tpu.dma_semaphore, #tpu.memory_space<semaphore_mem>> -> memref<1x!tpu.dma_semaphore, #tpu.memory_space<semaphore_mem>>
            %dma_start3A_305 = tpu.memref_squeeze %dma_start3A_304 : memref<1x!tpu.dma_semaphore, #tpu.memory_space<semaphore_mem>> -> memref<!tpu.dma_semaphore, #tpu.memory_space<semaphore_mem>>
            %dma_start3A_306 = arith.constant 0 : i32
            %dma_start3A_307 = tpu.memref_slice %arg4[%mul3A_297, %dma_start3A_306] : memref<160000x32xf32, #tpu.memory_space<hbm>> -> memref<256x32xf32, #tpu.memory_space<hbm>>
            %dma_start3A_308 = arith.constant 0 : i32
            %dma_start3A_309 = arith.constant 0 : i32
            %dma_start3A_310 = tpu.memref_slice %run_scoped3A_18[%rem3A_295, %dma_start3A_308, %dma_start3A_309] : memref<2x256x32xf32, #tpu.memory_space<vmem>> -> memref<1x256x32xf32, #tpu.memory_space<vmem>>
            %dma_start3A_311 = tpu.memref_squeeze %dma_start3A_310 : memref<1x256x32xf32, #tpu.memory_space<vmem>> -> memref<256x32xf32, #tpu.memory_space<vmem>>
            tpu.enqueue_dma source(%dma_start3A_311 : memref<256x32xf32, #tpu.memory_space<vmem>>) target(%dma_start3A_307 : memref<256x32xf32, #tpu.memory_space<hbm>>) target_semaphore(%dma_start3A_305 : memref<!tpu.dma_semaphore, #tpu.memory_space<semaphore_mem>>)
            "tpu.trace_stop"() : () -> ()
          } else {
          }
          %and3A_248 = arith.constant true
          %and3A_249 = arith.andi %or3A_244, %and3A_248 : i1
          %add3A_250 = arith.constant 1 : i32
          %add3A_251 = arith.addi %while3A_145, %add3A_250 : i32
          %select_n3A_252 = arith.select %and3A_249, %add3A_251, %while3A_145 : i32
          %ne3A_253 = arith.cmpi ne, %add3A_155, %add3A_165 : i32
          %or3A_254 = arith.constant false
          %or3A_255 = arith.ori %or3A_254, %ne3A_253 : i1
          %not3A_256 = arith.constant true
          %not3A_257 = arith.xori %eq3A_151, %not3A_256 : i1
          %and3A_258 = arith.andi %or3A_255, %not3A_257 : i1
          %convert_element_type3A_259 = arith.extui %and3A_258 : i1 to i32
          %cond3A_260 = arith.constant 0 : i32
          %cond3A_261 = arith.cmpi ne, %convert_element_type3A_259, %cond3A_260 : i32
          scf.if %cond3A_261 {
          } else {
          }
          %and3A_262 = arith.constant false
          %and3A_263 = arith.andi %and3A_258, %and3A_262 : i1
          %ne3A_264 = arith.cmpi ne, %add3A_155, %add3A_165 : i32
          %or3A_265 = arith.constant false
          %or3A_266 = arith.ori %or3A_265, %ne3A_264 : i1
          %or3A_267 = arith.constant false
          %or3A_268 = arith.ori %or3A_266, %or3A_267 : i1
          %not3A_269 = arith.constant true
          %not3A_270 = arith.xori %eq3A_151, %not3A_269 : i1
          %and3A_271 = arith.andi %or3A_268, %not3A_270 : i1
          %convert_element_type3A_272 = arith.extui %and3A_271 : i1 to i32
          %cond3A_273 = arith.constant 0 : i32
          %cond3A_274 = arith.cmpi ne, %convert_element_type3A_272, %cond3A_273 : i32
          scf.if %cond3A_274 {
            "tpu.trace_start"() <{level = 10 : i32, message = "ep_wait_out"}> : () -> ()
            %rem3A_294 = arith.constant 2 : i32
            %rem3A_295 = arith.remui %while3A_146, %rem3A_294 : i32
            %mul3A_296 = arith.constant 256 : i32
            %mul3A_297 = arith.muli %mul3A_296, %add3A_165 : i32
            %dma_wait3A = arith.constant 0 : i32
            %dma_wait3A_298 = arith.constant 0 : i32
            %dma_wait3A_299 = tpu.memref_slice %run_scoped3A_18[%rem3A_295, %dma_wait3A, %dma_wait3A_298] : memref<2x256x32xf32, #tpu.memory_space<vmem>> -> memref<1x256x32xf32, #tpu.memory_space<vmem>>
            %dma_wait3A_300 = tpu.memref_squeeze %dma_wait3A_299 : memref<1x256x32xf32, #tpu.memory_space<vmem>> -> memref<256x32xf32, #tpu.memory_space<vmem>>
            %dma_wait3A_301 = arith.constant 0 : i32
            %dma_wait3A_302 = tpu.memref_slice %arg4[%mul3A_297, %dma_wait3A_301] : memref<160000x32xf32, #tpu.memory_space<hbm>> -> memref<256x32xf32, #tpu.memory_space<hbm>>
            %dma_wait3A_303 = tpu.memref_slice %run_scoped3A_19[%rem3A_295] : memref<2x!tpu.dma_semaphore, #tpu.memory_space<semaphore_mem>> -> memref<1x!tpu.dma_semaphore, #tpu.memory_space<semaphore_mem>>
            %dma_wait3A_304 = tpu.memref_squeeze %dma_wait3A_303 : memref<1x!tpu.dma_semaphore, #tpu.memory_space<semaphore_mem>> -> memref<!tpu.dma_semaphore, #tpu.memory_space<semaphore_mem>>
            %dma_wait3A_305 = arith.constant 0 : i32
            %dma_wait3A_306 = tpu.memref_slice %arg4[%mul3A_297, %dma_wait3A_305] : memref<160000x32xf32, #tpu.memory_space<hbm>> -> memref<256x32xf32, #tpu.memory_space<hbm>>
            %dma_wait3A_307 = arith.constant 0 : i32
            %dma_wait3A_308 = arith.constant 0 : i32
            %dma_wait3A_309 = tpu.memref_slice %run_scoped3A_18[%rem3A_295, %dma_wait3A_307, %dma_wait3A_308] : memref<2x256x32xf32, #tpu.memory_space<vmem>> -> memref<1x256x32xf32, #tpu.memory_space<vmem>>
            %dma_wait3A_310 = tpu.memref_squeeze %dma_wait3A_309 : memref<1x256x32xf32, #tpu.memory_space<vmem>> -> memref<256x32xf32, #tpu.memory_space<vmem>>
            tpu.wait_dma2 semaphore(%dma_wait3A_304 : memref<!tpu.dma_semaphore, #tpu.memory_space<semaphore_mem>>) src(%dma_wait3A_310 : memref<256x32xf32, #tpu.memory_space<vmem>>) dst(%dma_wait3A_306 : memref<256x32xf32, #tpu.memory_space<hbm>>)
            "tpu.trace_stop"() : () -> ()
          } else {
          }
          %and3A_275 = arith.constant true
          %and3A_276 = arith.andi %and3A_271, %and3A_275 : i1
          %add3A_277 = arith.constant 1 : i32
          %add3A_278 = arith.addi %while3A_146, %add3A_277 : i32
          %select_n3A_279 = arith.select %and3A_276, %add3A_278, %while3A_146 : i32
          %ne3A_280 = arith.cmpi ne, %add3A_155, %add3A_173 : i32
          %or3A_281 = arith.constant false
          %or3A_282 = arith.ori %or3A_281, %ne3A_280 : i1
          %or3A_283 = arith.ori %or3A_282, %eq3A_154 : i1
          %add3A_284 = arith.constant 1 : i32
          %add3A_285 = arith.addi %while3A_144, %add3A_284 : i32
          %select_n3A_286 = arith.select %or3A_283, %add3A_285, %while3A_144 : i32
          %add3A_287 = arith.constant 1 : i32
          %add3A_288 = arith.addi %while3A_147, %add3A_287 : i32
          %select_n3A_289 = arith.constant true
          %select_n3A_290 = arith.select %select_n3A_289, %add3A_288, %while3A_147 : i32
          %eq3A_291 = arith.cmpi eq, %select_n3A_290, %select_n3A : i32
          %select_n3A_292 = arith.constant 0 : i32
          %select_n3A_293 = arith.select %eq3A_291, %select_n3A_292, %select_n3A_290 : i32
          scf.yield %select_n3A_195, %select_n3A_286, %select_n3A_252, %select_n3A_279, %select_n3A_293 : i32, i32, i32, i32, i32
        }
        %sub3A_91 = arith.constant 1 : i32
        %sub3A_92 = arith.subi %while3A_90#4, %sub3A_91 : i32
        %select_n3A_93 = arith.constant true
        %select_n3A_94 = arith.select %select_n3A_93, %sub3A_92, %while3A_90#4 : i32
        %eq3A_95 = arith.constant -1 : i32
        %eq3A_96 = arith.cmpi eq, %select_n3A_94, %eq3A_95 : i32
        %sub3A_97 = arith.constant 1 : i32
        %sub3A_98 = arith.subi %select_n3A, %sub3A_97 : i32
        %select_n3A_99 = arith.select %eq3A_96, %sub3A_98, %select_n3A_94 : i32
        %sub3A_100 = arith.constant 1 : i32
        %sub3A_101 = arith.subi %mul3A_16, %sub3A_100 : i32
        %mul3A_102 = arith.constant 1 : i32
        %mul3A_103 = arith.muli %mul3A_102, %select_n3A : i32
        %eq3A_104 = arith.constant 0 : i32
        %eq3A_105 = arith.cmpi eq, %sub3A_101, %eq3A_104 : i32
        %sub3A_106 = arith.constant 1 : i32
        %sub3A_107 = arith.subi %mul3A_103, %sub3A_106 : i32
        %eq3A_108 = arith.cmpi eq, %sub3A_101, %sub3A_107 : i32
        %add3A_109 = arith.addi %select_n3A_99, %select_n3A_14 : i32
        %sub3A_110 = arith.constant 1 : i32
        %sub3A_111 = arith.subi %select_n3A_99, %sub3A_110 : i32
        %select_n3A_112 = arith.constant true
        %select_n3A_113 = arith.select %select_n3A_112, %sub3A_111, %select_n3A_99 : i32
        %eq3A_114 = arith.constant -1 : i32
        %eq3A_115 = arith.cmpi eq, %select_n3A_113, %eq3A_114 : i32
        %sub3A_116 = arith.constant 1 : i32
        %sub3A_117 = arith.subi %select_n3A, %sub3A_116 : i32
        %select_n3A_118 = arith.select %eq3A_115, %sub3A_117, %select_n3A_113 : i32
        %add3A_119 = arith.addi %select_n3A_118, %select_n3A_14 : i32
        %add3A_120 = arith.constant 1 : i32
        %add3A_121 = arith.addi %select_n3A_99, %add3A_120 : i32
        %select_n3A_122 = arith.constant true
        %select_n3A_123 = arith.select %select_n3A_122, %add3A_121, %select_n3A_99 : i32
        %eq3A_124 = arith.cmpi eq, %select_n3A_123, %select_n3A : i32
        %select_n3A_125 = arith.constant 0 : i32
        %select_n3A_126 = arith.select %eq3A_124, %select_n3A_125, %select_n3A_123 : i32
        %add3A_127 = arith.addi %select_n3A_126, %select_n3A_14 : i32
        %add3A_128 = arith.constant 1 : i32
        %add3A_129 = arith.addi %select_n3A_126, %add3A_128 : i32
        %select_n3A_130 = arith.constant true
        %select_n3A_131 = arith.select %select_n3A_130, %add3A_129, %select_n3A_126 : i32
        %eq3A_132 = arith.cmpi eq, %select_n3A_131, %select_n3A : i32
        %select_n3A_133 = arith.constant 0 : i32
        %select_n3A_134 = arith.select %eq3A_132, %select_n3A_133, %select_n3A_131 : i32
        %add3A_135 = arith.addi %select_n3A_134, %select_n3A_14 : i32
        %convert_element_type3A_136 = arith.extui %eq3A_108 : i1 to i32
        %cond3A_137 = arith.constant 0 : i32
        %cond3A_138 = arith.cmpi ne, %convert_element_type3A_136, %cond3A_137 : i32
        scf.if %cond3A_138 {
        } else {
        }
        %convert_element_type3A_139 = arith.extui %eq3A_108 : i1 to i32
        %cond3A_140 = arith.constant 0 : i32
        %cond3A_141 = arith.cmpi ne, %convert_element_type3A_139, %cond3A_140 : i32
        scf.if %cond3A_141 {
          "tpu.trace_start"() <{level = 10 : i32, message = "ep_finalize"}> : () -> ()
          %rem3A_142 = arith.constant 2 : i32
          %rem3A_143 = arith.remui %while3A_90#3, %rem3A_142 : i32
          %mul3A_144 = arith.constant 256 : i32
          %mul3A_145 = arith.muli %mul3A_144, %add3A_109 : i32
          %dma_wait3A = arith.constant 0 : i32
          %dma_wait3A_146 = arith.constant 0 : i32
          %dma_wait3A_147 = tpu.memref_slice %run_scoped3A_18[%rem3A_143, %dma_wait3A, %dma_wait3A_146] : memref<2x256x32xf32, #tpu.memory_space<vmem>> -> memref<1x256x32xf32, #tpu.memory_space<vmem>>
          %dma_wait3A_148 = tpu.memref_squeeze %dma_wait3A_147 : memref<1x256x32xf32, #tpu.memory_space<vmem>> -> memref<256x32xf32, #tpu.memory_space<vmem>>
          %dma_wait3A_149 = arith.constant 0 : i32
          %dma_wait3A_150 = tpu.memref_slice %arg4[%mul3A_145, %dma_wait3A_149] : memref<160000x32xf32, #tpu.memory_space<hbm>> -> memref<256x32xf32, #tpu.memory_space<hbm>>
          %dma_wait3A_151 = tpu.memref_slice %run_scoped3A_19[%rem3A_143] : memref<2x!tpu.dma_semaphore, #tpu.memory_space<semaphore_mem>> -> memref<1x!tpu.dma_semaphore, #tpu.memory_space<semaphore_mem>>
          %dma_wait3A_152 = tpu.memref_squeeze %dma_wait3A_151 : memref<1x!tpu.dma_semaphore, #tpu.memory_space<semaphore_mem>> -> memref<!tpu.dma_semaphore, #tpu.memory_space<semaphore_mem>>
          %dma_wait3A_153 = arith.constant 0 : i32
          %dma_wait3A_154 = tpu.memref_slice %arg4[%mul3A_145, %dma_wait3A_153] : memref<160000x32xf32, #tpu.memory_space<hbm>> -> memref<256x32xf32, #tpu.memory_space<hbm>>
          %dma_wait3A_155 = arith.constant 0 : i32
          %dma_wait3A_156 = arith.constant 0 : i32
          %dma_wait3A_157 = tpu.memref_slice %run_scoped3A_18[%rem3A_143, %dma_wait3A_155, %dma_wait3A_156] : memref<2x256x32xf32, #tpu.memory_space<vmem>> -> memref<1x256x32xf32, #tpu.memory_space<vmem>>
          %dma_wait3A_158 = tpu.memref_squeeze %dma_wait3A_157 : memref<1x256x32xf32, #tpu.memory_space<vmem>> -> memref<256x32xf32, #tpu.memory_space<vmem>>
          tpu.wait_dma2 semaphore(%dma_wait3A_152 : memref<!tpu.dma_semaphore, #tpu.memory_space<semaphore_mem>>) src(%dma_wait3A_158 : memref<256x32xf32, #tpu.memory_space<vmem>>) dst(%dma_wait3A_154 : memref<256x32xf32, #tpu.memory_space<hbm>>)
          "tpu.trace_stop"() : () -> ()
        } else {
        }
      } else {
      }
      tpu.yield
    }) : () -> ()
    return
  }
}

#map = affine_map<(d0, d1) -> (0, 0)>
#map1 = affine_map<(d0, d1) -> (0, 0, 0)>
module attributes {stable_mosaic.version = 14 : i64} {
  func.func @sk(%arg0: i32, %arg1: i32, %arg2: memref<160000x32xf32, #tpu.memory_space<hbm>>, %arg3: memref<1x160000xi32, #tpu.memory_space<hbm>>, %arg4: memref<626x32xf32, #tpu.memory_space<hbm>>, %arg5: memref<2x10016x32xf32, #tpu.memory_space<hbm>>, %arg6: memref<10016x32xf32, #tpu.memory_space<vmem_shared>>) attributes {dimension_semantics = [#tpu.dimension_semantics<core_parallel>, #tpu.dimension_semantics<subcore_parallel>], iteration_bounds = array<i64: 2, 16>, scalar_prefetch = 0 : i64, scratch_operands = 1 : i64, tpu.core_type = #tpu.core_type<sc_vector_subcore>, window_params = [{transform_indices = #map}, {transform_indices = #map}, {transform_indices = #map}, {transform_indices = #map1}]} {
    %mul3A = arith.constant 626 : i32
    %mul3A_0 = arith.muli %arg1, %mul3A : i32
    "tpu.region"() ({
      %run_scoped3A = tpu.sem_alloc : memref<!tpu.dma_semaphore, #tpu.memory_space<semaphore_mem>>
      %dma_start3A = arith.constant 0 : i32
      %dma_start3A_20 = tpu.memref_slice %arg6[%mul3A_0, %dma_start3A] : memref<10016x32xf32, #tpu.memory_space<vmem_shared>> -> memref<626x32xf32, #tpu.memory_space<vmem_shared>>
      tpu.enqueue_dma source(%arg4 : memref<626x32xf32, #tpu.memory_space<hbm>>) target(%dma_start3A_20 : memref<626x32xf32, #tpu.memory_space<vmem_shared>>) target_semaphore(%run_scoped3A : memref<!tpu.dma_semaphore, #tpu.memory_space<semaphore_mem>>)
      %dma_wait3A = arith.constant 0 : i32
      %dma_wait3A_21 = tpu.memref_slice %arg6[%mul3A_0, %dma_wait3A] : memref<10016x32xf32, #tpu.memory_space<vmem_shared>> -> memref<626x32xf32, #tpu.memory_space<vmem_shared>>
      tpu.wait_dma2 semaphore(%run_scoped3A : memref<!tpu.dma_semaphore, #tpu.memory_space<semaphore_mem>>) src(%arg4 : memref<626x32xf32, #tpu.memory_space<hbm>>) dst(%dma_wait3A_21 : memref<626x32xf32, #tpu.memory_space<vmem_shared>>)
      tpu.yield
    }) : () -> ()
    %barrier3A = arith.constant 0 : index
    tpu.barrier barrier_id(%barrier3A)
    %mul3A_1 = arith.constant 1 : i32
    %mul3A_2 = arith.muli %arg1, %mul3A_1 : i32
    %add3A = arith.constant 0 : i32
    %add3A_3 = arith.addi %add3A, %mul3A_2 : i32
    %mul3A_4 = arith.constant 16 : i32
    %mul3A_5 = arith.muli %arg0, %mul3A_4 : i32
    %add3A_6 = arith.addi %add3A_3, %mul3A_5 : i32
    %lt3A = arith.constant 17 : i32
    %lt3A_7 = arith.cmpi slt, %add3A_6, %lt3A : i32
    %jit3A = arith.constant 20 : i32
    %jit3A_8 = arith.constant 19 : i32
    %select_n3A = arith.select %lt3A_7, %jit3A, %jit3A_8 : i32
    %lt3A_9 = arith.constant 17 : i32
    %lt3A_10 = arith.cmpi slt, %add3A_6, %lt3A_9 : i32
    %mul3A_11 = arith.muli %add3A_6, %select_n3A : i32
    %mul3A_12 = arith.constant 19 : i32
    %mul3A_13 = arith.muli %add3A_6, %mul3A_12 : i32
    %add3A_14 = arith.constant 17 : i32
    %add3A_15 = arith.addi %mul3A_13, %add3A_14 : i32
    %select_n3A_16 = arith.select %lt3A_10, %mul3A_11, %add3A_15 : i32
    %mul3A_17 = arith.constant 1 : i32
    %mul3A_18 = arith.muli %mul3A_17, %select_n3A : i32
    "tpu.region"() ({
      %run_scoped3A = memref.alloca() : memref<2x256x32xf32, #tpu.memory_space<vmem>>
      %run_scoped3A_20 = tpu.sem_alloc : memref<2x!tpu.dma_semaphore, #tpu.memory_space<semaphore_mem>>
      %run_scoped3A_21 = memref.alloca() : memref<2x1x256xi32, #tpu.memory_space<vmem>>
      %run_scoped3A_22 = tpu.sem_alloc : memref<2x!tpu.dma_semaphore, #tpu.memory_space<semaphore_mem>>
      %gt3A = arith.constant 0 : i32
      %gt3A_23 = arith.cmpi sgt, %mul3A_18, %gt3A : i32
      %convert_element_type3A = arith.extui %gt3A_23 : i1 to i32
      %cond3A = arith.constant 0 : i32
      %cond3A_24 = arith.cmpi ne, %convert_element_type3A, %cond3A : i32
      scf.if %cond3A_24 {
        %mul3A_25 = arith.constant 1 : i32
        %mul3A_26 = arith.muli %mul3A_25, %select_n3A : i32
        %sub3A = arith.constant 1 : i32
        %sub3A_27 = arith.subi %mul3A_26, %sub3A : i32
        %eq3A = arith.constant 0 : i32
        %eq3A_28 = arith.cmpi eq, %sub3A_27, %eq3A : i32
        %add3A_29 = arith.constant 0 : i32
        %add3A_30 = arith.addi %add3A_29, %select_n3A_16 : i32
        %select_n3A_31 = arith.constant true
        %select_n3A_32 = arith.constant 0 : i32
        %select_n3A_33 = arith.constant -1 : i32
        %select_n3A_34 = arith.select %select_n3A_31, %select_n3A_33, %select_n3A_32 : i32
        %eq3A_35 = arith.constant -1 : i32
        %eq3A_36 = arith.cmpi eq, %select_n3A_34, %eq3A_35 : i32
        %sub3A_37 = arith.constant 1 : i32
        %sub3A_38 = arith.subi %select_n3A, %sub3A_37 : i32
        %select_n3A_39 = arith.select %eq3A_36, %sub3A_38, %select_n3A_34 : i32
        %add3A_40 = arith.addi %select_n3A_39, %select_n3A_16 : i32
        %select_n3A_41 = arith.constant true
        %select_n3A_42 = arith.constant 0 : i32
        %select_n3A_43 = arith.constant 1 : i32
        %select_n3A_44 = arith.select %select_n3A_41, %select_n3A_43, %select_n3A_42 : i32
        %eq3A_45 = arith.cmpi eq, %select_n3A_44, %select_n3A : i32
        %select_n3A_46 = arith.constant 0 : i32
        %select_n3A_47 = arith.select %eq3A_45, %select_n3A_46, %select_n3A_44 : i32
        %add3A_48 = arith.addi %select_n3A_47, %select_n3A_16 : i32
        %add3A_49 = arith.constant 1 : i32
        %add3A_50 = arith.addi %select_n3A_47, %add3A_49 : i32
        %select_n3A_51 = arith.constant true
        %select_n3A_52 = arith.select %select_n3A_51, %add3A_50, %select_n3A_47 : i32
        %eq3A_53 = arith.cmpi eq, %select_n3A_52, %select_n3A : i32
        %select_n3A_54 = arith.constant 0 : i32
        %select_n3A_55 = arith.select %eq3A_53, %select_n3A_54, %select_n3A_52 : i32
        %add3A_56 = arith.addi %select_n3A_55, %select_n3A_16 : i32
        "tpu.trace_start"() <{level = 10 : i32, message = "ep_initialize_0"}> : () -> ()
        %rem3A = arith.constant 0 : i32
        %rem3A_57 = arith.constant 2 : i32
        %rem3A_58 = arith.remui %rem3A, %rem3A_57 : i32
        %mul3A_59 = arith.constant 256 : i32
        %mul3A_60 = arith.muli %mul3A_59, %add3A_30 : i32
        %dma_start3A = arith.constant 0 : i32
        %dma_start3A_61 = arith.constant 0 : i32
        %dma_start3A_62 = tpu.memref_slice %run_scoped3A[%rem3A_58, %dma_start3A, %dma_start3A_61] : memref<2x256x32xf32, #tpu.memory_space<vmem>> -> memref<1x256x32xf32, #tpu.memory_space<vmem>>
        %dma_start3A_63 = tpu.memref_squeeze %dma_start3A_62 : memref<1x256x32xf32, #tpu.memory_space<vmem>> -> memref<256x32xf32, #tpu.memory_space<vmem>>
        %dma_start3A_64 = arith.constant 0 : i32
        %dma_start3A_65 = tpu.memref_slice %arg2[%mul3A_60, %dma_start3A_64] : memref<160000x32xf32, #tpu.memory_space<hbm>> -> memref<256x32xf32, #tpu.memory_space<hbm>>
        %dma_start3A_66 = tpu.memref_slice %run_scoped3A_20[%rem3A_58] : memref<2x!tpu.dma_semaphore, #tpu.memory_space<semaphore_mem>> -> memref<1x!tpu.dma_semaphore, #tpu.memory_space<semaphore_mem>>
        %dma_start3A_67 = tpu.memref_squeeze %dma_start3A_66 : memref<1x!tpu.dma_semaphore, #tpu.memory_space<semaphore_mem>> -> memref<!tpu.dma_semaphore, #tpu.memory_space<semaphore_mem>>
        %dma_start3A_68 = arith.constant 0 : i32
        %dma_start3A_69 = arith.constant 0 : i32
        %dma_start3A_70 = tpu.memref_slice %run_scoped3A[%rem3A_58, %dma_start3A_68, %dma_start3A_69] : memref<2x256x32xf32, #tpu.memory_space<vmem>> -> memref<1x256x32xf32, #tpu.memory_space<vmem>>
        %dma_start3A_71 = tpu.memref_squeeze %dma_start3A_70 : memref<1x256x32xf32, #tpu.memory_space<vmem>> -> memref<256x32xf32, #tpu.memory_space<vmem>>
        %dma_start3A_72 = arith.constant 0 : i32
        %dma_start3A_73 = tpu.memref_slice %arg2[%mul3A_60, %dma_start3A_72] : memref<160000x32xf32, #tpu.memory_space<hbm>> -> memref<256x32xf32, #tpu.memory_space<hbm>>
        tpu.enqueue_dma source(%dma_start3A_73 : memref<256x32xf32, #tpu.memory_space<hbm>>) target(%dma_start3A_71 : memref<256x32xf32, #tpu.memory_space<vmem>>) target_semaphore(%dma_start3A_67 : memref<!tpu.dma_semaphore, #tpu.memory_space<semaphore_mem>>)
        %add3A_74 = arith.constant 0 : i32
        %add3A_75 = arith.constant 1 : i32
        %add3A_76 = arith.addi %add3A_74, %add3A_75 : i32
        %select_n3A_77 = arith.constant true
        %select_n3A_78 = arith.constant 0 : i32
        %select_n3A_79 = arith.select %select_n3A_77, %add3A_76, %select_n3A_78 : i32
        %rem3A_80 = arith.constant 0 : i32
        %rem3A_81 = arith.constant 2 : i32
        %rem3A_82 = arith.remui %rem3A_80, %rem3A_81 : i32
        %mul3A_83 = arith.constant 256 : i32
        %mul3A_84 = arith.muli %mul3A_83, %add3A_30 : i32
        %dma_start3A_85 = arith.constant 0 : i32
        %dma_start3A_86 = arith.constant 0 : i32
        %dma_start3A_87 = tpu.memref_slice %run_scoped3A_21[%rem3A_82, %dma_start3A_85, %dma_start3A_86] : memref<2x1x256xi32, #tpu.memory_space<vmem>> -> memref<1x1x256xi32, #tpu.memory_space<vmem>>
        %dma_start3A_88 = tpu.memref_squeeze %dma_start3A_87 : memref<1x1x256xi32, #tpu.memory_space<vmem>> -> memref<1x256xi32, #tpu.memory_space<vmem>>
        %dma_start3A_89 = arith.constant 0 : i32
        %dma_start3A_90 = tpu.memref_slice %arg3[%dma_start3A_89, %mul3A_84] : memref<1x160000xi32, #tpu.memory_space<hbm>> -> memref<1x256xi32, #tpu.memory_space<hbm>>
        %dma_start3A_91 = tpu.memref_slice %run_scoped3A_22[%rem3A_82] : memref<2x!tpu.dma_semaphore, #tpu.memory_space<semaphore_mem>> -> memref<1x!tpu.dma_semaphore, #tpu.memory_space<semaphore_mem>>
        %dma_start3A_92 = tpu.memref_squeeze %dma_start3A_91 : memref<1x!tpu.dma_semaphore, #tpu.memory_space<semaphore_mem>> -> memref<!tpu.dma_semaphore, #tpu.memory_space<semaphore_mem>>
        %dma_start3A_93 = arith.constant 0 : i32
        %dma_start3A_94 = arith.constant 0 : i32
        %dma_start3A_95 = tpu.memref_slice %run_scoped3A_21[%rem3A_82, %dma_start3A_93, %dma_start3A_94] : memref<2x1x256xi32, #tpu.memory_space<vmem>> -> memref<1x1x256xi32, #tpu.memory_space<vmem>>
        %dma_start3A_96 = tpu.memref_squeeze %dma_start3A_95 : memref<1x1x256xi32, #tpu.memory_space<vmem>> -> memref<1x256xi32, #tpu.memory_space<vmem>>
        %dma_start3A_97 = arith.constant 0 : i32
        %dma_start3A_98 = tpu.memref_slice %arg3[%dma_start3A_97, %mul3A_84] : memref<1x160000xi32, #tpu.memory_space<hbm>> -> memref<1x256xi32, #tpu.memory_space<hbm>>
        tpu.enqueue_dma source(%dma_start3A_98 : memref<1x256xi32, #tpu.memory_space<hbm>>) target(%dma_start3A_96 : memref<1x256xi32, #tpu.memory_space<vmem>>) target_semaphore(%dma_start3A_92 : memref<!tpu.dma_semaphore, #tpu.memory_space<semaphore_mem>>)
        %add3A_99 = arith.constant 0 : i32
        %add3A_100 = arith.constant 1 : i32
        %add3A_101 = arith.addi %add3A_99, %add3A_100 : i32
        %select_n3A_102 = arith.constant true
        %select_n3A_103 = arith.constant 0 : i32
        %select_n3A_104 = arith.select %select_n3A_102, %add3A_101, %select_n3A_103 : i32
        %while3A = arith.constant 0 : i32
        %while3A_105 = arith.constant 0 : i32
        %while3A_106 = arith.constant 0 : i32
        %while3A_107 = arith.constant 0 : i32
        "tpu.trace_stop"() : () -> ()
        %while3A_108 = arith.subi %mul3A_18, %while3A : i32
        %while3A_109 = arith.addi %while3A, %while3A_108 : i32
        %while3A_110 = arith.constant 1 : i32
        %while3A_111 = arith.divsi %while3A_108, %while3A_110 : i32
        %while3A_112 = arith.muli %while3A_111, %while3A_110 : i32
        %while3A_113 = arith.addi %while3A, %while3A_112 : i32
        %while3A_114 = arith.constant 1 : i32
        %while3A_115:5 = scf.for %while3A_169 = %while3A to %while3A_113 step %while3A_114 iter_args(%while3A_170 = %select_n3A_79, %while3A_171 = %while3A_105, %while3A_172 = %select_n3A_104, %while3A_173 = %while3A_106, %while3A_174 = %while3A_107) -> (i32, i32, i32, i32, i32)  : i32 {
          %mul3A_175 = arith.constant 1 : i32
          %mul3A_176 = arith.muli %mul3A_175, %select_n3A : i32
          %eq3A_177 = arith.constant 0 : i32
          %eq3A_178 = arith.cmpi eq, %while3A_169, %eq3A_177 : i32
          %sub3A_179 = arith.constant 1 : i32
          %sub3A_180 = arith.subi %mul3A_176, %sub3A_179 : i32
          %eq3A_181 = arith.cmpi eq, %while3A_169, %sub3A_180 : i32
          %add3A_182 = arith.addi %while3A_174, %select_n3A_16 : i32
          %sub3A_183 = arith.constant 1 : i32
          %sub3A_184 = arith.subi %while3A_174, %sub3A_183 : i32
          %select_n3A_185 = arith.constant true
          %select_n3A_186 = arith.select %select_n3A_185, %sub3A_184, %while3A_174 : i32
          %eq3A_187 = arith.constant -1 : i32
          %eq3A_188 = arith.cmpi eq, %select_n3A_186, %eq3A_187 : i32
          %sub3A_189 = arith.constant 1 : i32
          %sub3A_190 = arith.subi %select_n3A, %sub3A_189 : i32
          %select_n3A_191 = arith.select %eq3A_188, %sub3A_190, %select_n3A_186 : i32
          %add3A_192 = arith.addi %select_n3A_191, %select_n3A_16 : i32
          %add3A_193 = arith.constant 1 : i32
          %add3A_194 = arith.addi %while3A_174, %add3A_193 : i32
          %select_n3A_195 = arith.constant true
          %select_n3A_196 = arith.select %select_n3A_195, %add3A_194, %while3A_174 : i32
          %eq3A_197 = arith.cmpi eq, %select_n3A_196, %select_n3A : i32
          %select_n3A_198 = arith.constant 0 : i32
          %select_n3A_199 = arith.select %eq3A_197, %select_n3A_198, %select_n3A_196 : i32
          %add3A_200 = arith.addi %select_n3A_199, %select_n3A_16 : i32
          %add3A_201 = arith.constant 1 : i32
          %add3A_202 = arith.addi %select_n3A_199, %add3A_201 : i32
          %select_n3A_203 = arith.constant true
          %select_n3A_204 = arith.select %select_n3A_203, %add3A_202, %select_n3A_199 : i32
          %eq3A_205 = arith.cmpi eq, %select_n3A_204, %select_n3A : i32
          %select_n3A_206 = arith.constant 0 : i32
          %select_n3A_207 = arith.select %eq3A_205, %select_n3A_206, %select_n3A_204 : i32
          %add3A_208 = arith.addi %select_n3A_207, %select_n3A_16 : i32
          %ne3A = arith.cmpi ne, %add3A_182, %add3A_200 : i32
          %or3A = arith.constant false
          %or3A_209 = arith.ori %or3A, %ne3A : i1
          %or3A_210 = arith.constant false
          %or3A_211 = arith.ori %or3A_209, %or3A_210 : i1
          %sub3A_212 = arith.constant 2 : i32
          %sub3A_213 = arith.subi %mul3A_176, %sub3A_212 : i32
          %add3A_214 = arith.constant 1 : i32
          %add3A_215 = arith.addi %sub3A_213, %add3A_214 : i32
          %ge3A = arith.cmpi sge, %while3A_169, %add3A_215 : i32
          %not3A = arith.constant true
          %not3A_216 = arith.xori %ge3A, %not3A : i1
          %and3A = arith.andi %or3A_211, %not3A_216 : i1
          %convert_element_type3A_217 = arith.extui %and3A : i1 to i32
          %cond3A_218 = arith.constant 0 : i32
          %cond3A_219 = arith.cmpi ne, %convert_element_type3A_217, %cond3A_218 : i32
          scf.if %cond3A_219 {
            "tpu.trace_start"() <{level = 10 : i32, message = "ep_copy_in"}> : () -> ()
            %rem3A_332 = arith.constant 2 : i32
            %rem3A_333 = arith.remui %while3A_170, %rem3A_332 : i32
            %mul3A_334 = arith.constant 256 : i32
            %mul3A_335 = arith.muli %mul3A_334, %add3A_200 : i32
            %dma_start3A_336 = arith.constant 0 : i32
            %dma_start3A_337 = arith.constant 0 : i32
            %dma_start3A_338 = tpu.memref_slice %run_scoped3A[%rem3A_333, %dma_start3A_336, %dma_start3A_337] : memref<2x256x32xf32, #tpu.memory_space<vmem>> -> memref<1x256x32xf32, #tpu.memory_space<vmem>>
            %dma_start3A_339 = tpu.memref_squeeze %dma_start3A_338 : memref<1x256x32xf32, #tpu.memory_space<vmem>> -> memref<256x32xf32, #tpu.memory_space<vmem>>
            %dma_start3A_340 = arith.constant 0 : i32
            %dma_start3A_341 = tpu.memref_slice %arg2[%mul3A_335, %dma_start3A_340] : memref<160000x32xf32, #tpu.memory_space<hbm>> -> memref<256x32xf32, #tpu.memory_space<hbm>>
            %dma_start3A_342 = tpu.memref_slice %run_scoped3A_20[%rem3A_333] : memref<2x!tpu.dma_semaphore, #tpu.memory_space<semaphore_mem>> -> memref<1x!tpu.dma_semaphore, #tpu.memory_space<semaphore_mem>>
            %dma_start3A_343 = tpu.memref_squeeze %dma_start3A_342 : memref<1x!tpu.dma_semaphore, #tpu.memory_space<semaphore_mem>> -> memref<!tpu.dma_semaphore, #tpu.memory_space<semaphore_mem>>
            %dma_start3A_344 = arith.constant 0 : i32
            %dma_start3A_345 = arith.constant 0 : i32
            %dma_start3A_346 = tpu.memref_slice %run_scoped3A[%rem3A_333, %dma_start3A_344, %dma_start3A_345] : memref<2x256x32xf32, #tpu.memory_space<vmem>> -> memref<1x256x32xf32, #tpu.memory_space<vmem>>
            %dma_start3A_347 = tpu.memref_squeeze %dma_start3A_346 : memref<1x256x32xf32, #tpu.memory_space<vmem>> -> memref<256x32xf32, #tpu.memory_space<vmem>>
            %dma_start3A_348 = arith.constant 0 : i32
            %dma_start3A_349 = tpu.memref_slice %arg2[%mul3A_335, %dma_start3A_348] : memref<160000x32xf32, #tpu.memory_space<hbm>> -> memref<256x32xf32, #tpu.memory_space<hbm>>
            tpu.enqueue_dma source(%dma_start3A_349 : memref<256x32xf32, #tpu.memory_space<hbm>>) target(%dma_start3A_347 : memref<256x32xf32, #tpu.memory_space<vmem>>) target_semaphore(%dma_start3A_343 : memref<!tpu.dma_semaphore, #tpu.memory_space<semaphore_mem>>)
            "tpu.trace_stop"() : () -> ()
          } else {
          }
          %and3A_220 = arith.constant true
          %and3A_221 = arith.andi %and3A, %and3A_220 : i1
          %add3A_222 = arith.constant 1 : i32
          %add3A_223 = arith.addi %while3A_170, %add3A_222 : i32
          %select_n3A_224 = arith.select %and3A_221, %add3A_223, %while3A_170 : i32
          %ne3A_225 = arith.cmpi ne, %add3A_182, %add3A_200 : i32
          %or3A_226 = arith.constant false
          %or3A_227 = arith.ori %or3A_226, %ne3A_225 : i1
          %sub3A_228 = arith.constant 2 : i32
          %sub3A_229 = arith.subi %mul3A_176, %sub3A_228 : i32
          %add3A_230 = arith.constant 1 : i32
          %add3A_231 = arith.addi %sub3A_229, %add3A_230 : i32
          %ge3A_232 = arith.cmpi sge, %while3A_169, %add3A_231 : i32
          %not3A_233 = arith.constant true
          %not3A_234 = arith.xori %ge3A_232, %not3A_233 : i1
          %and3A_235 = arith.andi %or3A_227, %not3A_234 : i1
          %convert_element_type3A_236 = arith.extui %and3A_235 : i1 to i32
          %cond3A_237 = arith.constant 0 : i32
          %cond3A_238 = arith.cmpi ne, %convert_element_type3A_236, %cond3A_237 : i32
          scf.if %cond3A_238 {
            "tpu.trace_start"() <{level = 10 : i32, message = "ep_copy_in"}> : () -> ()
            %rem3A_332 = arith.constant 2 : i32
            %rem3A_333 = arith.remui %while3A_172, %rem3A_332 : i32
            %mul3A_334 = arith.constant 256 : i32
            %mul3A_335 = arith.muli %mul3A_334, %add3A_200 : i32
            %dma_start3A_336 = arith.constant 0 : i32
            %dma_start3A_337 = arith.constant 0 : i32
            %dma_start3A_338 = tpu.memref_slice %run_scoped3A_21[%rem3A_333, %dma_start3A_336, %dma_start3A_337] : memref<2x1x256xi32, #tpu.memory_space<vmem>> -> memref<1x1x256xi32, #tpu.memory_space<vmem>>
            %dma_start3A_339 = tpu.memref_squeeze %dma_start3A_338 : memref<1x1x256xi32, #tpu.memory_space<vmem>> -> memref<1x256xi32, #tpu.memory_space<vmem>>
            %dma_start3A_340 = arith.constant 0 : i32
            %dma_start3A_341 = tpu.memref_slice %arg3[%dma_start3A_340, %mul3A_335] : memref<1x160000xi32, #tpu.memory_space<hbm>> -> memref<1x256xi32, #tpu.memory_space<hbm>>
            %dma_start3A_342 = tpu.memref_slice %run_scoped3A_22[%rem3A_333] : memref<2x!tpu.dma_semaphore, #tpu.memory_space<semaphore_mem>> -> memref<1x!tpu.dma_semaphore, #tpu.memory_space<semaphore_mem>>
            %dma_start3A_343 = tpu.memref_squeeze %dma_start3A_342 : memref<1x!tpu.dma_semaphore, #tpu.memory_space<semaphore_mem>> -> memref<!tpu.dma_semaphore, #tpu.memory_space<semaphore_mem>>
            %dma_start3A_344 = arith.constant 0 : i32
            %dma_start3A_345 = arith.constant 0 : i32
            %dma_start3A_346 = tpu.memref_slice %run_scoped3A_21[%rem3A_333, %dma_start3A_344, %dma_start3A_345] : memref<2x1x256xi32, #tpu.memory_space<vmem>> -> memref<1x1x256xi32, #tpu.memory_space<vmem>>
            %dma_start3A_347 = tpu.memref_squeeze %dma_start3A_346 : memref<1x1x256xi32, #tpu.memory_space<vmem>> -> memref<1x256xi32, #tpu.memory_space<vmem>>
            %dma_start3A_348 = arith.constant 0 : i32
            %dma_start3A_349 = tpu.memref_slice %arg3[%dma_start3A_348, %mul3A_335] : memref<1x160000xi32, #tpu.memory_space<hbm>> -> memref<1x256xi32, #tpu.memory_space<hbm>>
            tpu.enqueue_dma source(%dma_start3A_349 : memref<1x256xi32, #tpu.memory_space<hbm>>) target(%dma_start3A_347 : memref<1x256xi32, #tpu.memory_space<vmem>>) target_semaphore(%dma_start3A_343 : memref<!tpu.dma_semaphore, #tpu.memory_space<semaphore_mem>>)
            "tpu.trace_stop"() : () -> ()
          } else {
          }
          %and3A_239 = arith.constant true
          %and3A_240 = arith.andi %and3A_235, %and3A_239 : i1
          %add3A_241 = arith.constant 1 : i32
          %add3A_242 = arith.addi %while3A_172, %add3A_241 : i32
          %select_n3A_243 = arith.select %and3A_240, %add3A_242, %while3A_172 : i32
          %ne3A_244 = arith.cmpi ne, %add3A_182, %add3A_192 : i32
          %or3A_245 = arith.constant false
          %or3A_246 = arith.ori %or3A_245, %ne3A_244 : i1
          %or3A_247 = arith.constant false
          %or3A_248 = arith.ori %or3A_246, %or3A_247 : i1
          %or3A_249 = arith.ori %or3A_248, %eq3A_178 : i1
          %convert_element_type3A_250 = arith.extui %or3A_249 : i1 to i32
          %cond3A_251 = arith.constant 0 : i32
          %cond3A_252 = arith.cmpi ne, %convert_element_type3A_250, %cond3A_251 : i32
          scf.if %cond3A_252 {
            "tpu.trace_start"() <{level = 10 : i32, message = "ep_wait_in"}> : () -> ()
            %mul3A_332 = arith.constant 256 : i32
            %mul3A_333 = arith.muli %mul3A_332, %add3A_182 : i32
            %rem3A_334 = arith.constant 2 : i32
            %rem3A_335 = arith.remui %while3A_171, %rem3A_334 : i32
            %dma_wait3A = arith.constant 0 : i32
            %dma_wait3A_336 = arith.constant 0 : i32
            %dma_wait3A_337 = tpu.memref_slice %run_scoped3A[%rem3A_335, %dma_wait3A, %dma_wait3A_336] : memref<2x256x32xf32, #tpu.memory_space<vmem>> -> memref<1x256x32xf32, #tpu.memory_space<vmem>>
            %dma_wait3A_338 = tpu.memref_squeeze %dma_wait3A_337 : memref<1x256x32xf32, #tpu.memory_space<vmem>> -> memref<256x32xf32, #tpu.memory_space<vmem>>
            %dma_wait3A_339 = arith.constant 0 : i32
            %dma_wait3A_340 = tpu.memref_slice %arg2[%mul3A_333, %dma_wait3A_339] : memref<160000x32xf32, #tpu.memory_space<hbm>> -> memref<256x32xf32, #tpu.memory_space<hbm>>
            %dma_wait3A_341 = tpu.memref_slice %run_scoped3A_20[%rem3A_335] : memref<2x!tpu.dma_semaphore, #tpu.memory_space<semaphore_mem>> -> memref<1x!tpu.dma_semaphore, #tpu.memory_space<semaphore_mem>>
            %dma_wait3A_342 = tpu.memref_squeeze %dma_wait3A_341 : memref<1x!tpu.dma_semaphore, #tpu.memory_space<semaphore_mem>> -> memref<!tpu.dma_semaphore, #tpu.memory_space<semaphore_mem>>
            %dma_wait3A_343 = arith.constant 0 : i32
            %dma_wait3A_344 = arith.constant 0 : i32
            %dma_wait3A_345 = tpu.memref_slice %run_scoped3A[%rem3A_335, %dma_wait3A_343, %dma_wait3A_344] : memref<2x256x32xf32, #tpu.memory_space<vmem>> -> memref<1x256x32xf32, #tpu.memory_space<vmem>>
            %dma_wait3A_346 = tpu.memref_squeeze %dma_wait3A_345 : memref<1x256x32xf32, #tpu.memory_space<vmem>> -> memref<256x32xf32, #tpu.memory_space<vmem>>
            %dma_wait3A_347 = arith.constant 0 : i32
            %dma_wait3A_348 = tpu.memref_slice %arg2[%mul3A_333, %dma_wait3A_347] : memref<160000x32xf32, #tpu.memory_space<hbm>> -> memref<256x32xf32, #tpu.memory_space<hbm>>
            tpu.wait_dma2 semaphore(%dma_wait3A_342 : memref<!tpu.dma_semaphore, #tpu.memory_space<semaphore_mem>>) src(%dma_wait3A_348 : memref<256x32xf32, #tpu.memory_space<hbm>>) dst(%dma_wait3A_346 : memref<256x32xf32, #tpu.memory_space<vmem>>)
            "tpu.trace_stop"() : () -> ()
          } else {
          }
          %ne3A_253 = arith.cmpi ne, %add3A_182, %add3A_192 : i32
          %or3A_254 = arith.constant false
          %or3A_255 = arith.ori %or3A_254, %ne3A_253 : i1
          %or3A_256 = arith.ori %or3A_255, %eq3A_178 : i1
          %convert_element_type3A_257 = arith.extui %or3A_256 : i1 to i32
          %cond3A_258 = arith.constant 0 : i32
          %cond3A_259 = arith.cmpi ne, %convert_element_type3A_257, %cond3A_258 : i32
          scf.if %cond3A_259 {
            "tpu.trace_start"() <{level = 10 : i32, message = "ep_wait_in"}> : () -> ()
            %mul3A_332 = arith.constant 256 : i32
            %mul3A_333 = arith.muli %mul3A_332, %add3A_182 : i32
            %rem3A_334 = arith.constant 2 : i32
            %rem3A_335 = arith.remui %while3A_173, %rem3A_334 : i32
            %dma_wait3A = arith.constant 0 : i32
            %dma_wait3A_336 = arith.constant 0 : i32
            %dma_wait3A_337 = tpu.memref_slice %run_scoped3A_21[%rem3A_335, %dma_wait3A, %dma_wait3A_336] : memref<2x1x256xi32, #tpu.memory_space<vmem>> -> memref<1x1x256xi32, #tpu.memory_space<vmem>>
            %dma_wait3A_338 = tpu.memref_squeeze %dma_wait3A_337 : memref<1x1x256xi32, #tpu.memory_space<vmem>> -> memref<1x256xi32, #tpu.memory_space<vmem>>
            %dma_wait3A_339 = arith.constant 0 : i32
            %dma_wait3A_340 = tpu.memref_slice %arg3[%dma_wait3A_339, %mul3A_333] : memref<1x160000xi32, #tpu.memory_space<hbm>> -> memref<1x256xi32, #tpu.memory_space<hbm>>
            %dma_wait3A_341 = tpu.memref_slice %run_scoped3A_22[%rem3A_335] : memref<2x!tpu.dma_semaphore, #tpu.memory_space<semaphore_mem>> -> memref<1x!tpu.dma_semaphore, #tpu.memory_space<semaphore_mem>>
            %dma_wait3A_342 = tpu.memref_squeeze %dma_wait3A_341 : memref<1x!tpu.dma_semaphore, #tpu.memory_space<semaphore_mem>> -> memref<!tpu.dma_semaphore, #tpu.memory_space<semaphore_mem>>
            %dma_wait3A_343 = arith.constant 0 : i32
            %dma_wait3A_344 = arith.constant 0 : i32
            %dma_wait3A_345 = tpu.memref_slice %run_scoped3A_21[%rem3A_335, %dma_wait3A_343, %dma_wait3A_344] : memref<2x1x256xi32, #tpu.memory_space<vmem>> -> memref<1x1x256xi32, #tpu.memory_space<vmem>>
            %dma_wait3A_346 = tpu.memref_squeeze %dma_wait3A_345 : memref<1x1x256xi32, #tpu.memory_space<vmem>> -> memref<1x256xi32, #tpu.memory_space<vmem>>
            %dma_wait3A_347 = arith.constant 0 : i32
            %dma_wait3A_348 = tpu.memref_slice %arg3[%dma_wait3A_347, %mul3A_333] : memref<1x160000xi32, #tpu.memory_space<hbm>> -> memref<1x256xi32, #tpu.memory_space<hbm>>
            tpu.wait_dma2 semaphore(%dma_wait3A_342 : memref<!tpu.dma_semaphore, #tpu.memory_space<semaphore_mem>>) src(%dma_wait3A_348 : memref<1x256xi32, #tpu.memory_space<hbm>>) dst(%dma_wait3A_346 : memref<1x256xi32, #tpu.memory_space<vmem>>)
            "tpu.trace_stop"() : () -> ()
          } else {
          }
          %rem3A_260 = arith.constant 2 : i32
          %rem3A_261 = arith.remui %while3A_171, %rem3A_260 : i32
          %rem3A_262 = arith.constant 2 : i32
          %rem3A_263 = arith.remui %while3A_173, %rem3A_262 : i32
          %run_scoped3A_264 = arith.constant 0 : i32
          "tpu.trace_start"() <{level = 10 : i32, message = "ep_run_kernel"}> : () -> ()
          "tpu.region"() ({
            %run_scoped3A_332 = tpu.sem_alloc : memref<!tpu.dma_semaphore, #tpu.memory_space<semaphore_mem>>
            %dma_start3A_333 = arith.constant 0 : i32
            %dma_start3A_334 = arith.constant 0 : i32
            %dma_start3A_335 = tpu.memref_slice %run_scoped3A[%rem3A_261, %dma_start3A_333, %dma_start3A_334] : memref<2x256x32xf32, #tpu.memory_space<vmem>> -> memref<1x256x32xf32, #tpu.memory_space<vmem>>
            %dma_start3A_336 = tpu.memref_squeeze %dma_start3A_335 : memref<1x256x32xf32, #tpu.memory_space<vmem>> -> memref<256x32xf32, #tpu.memory_space<vmem>>
            %dma_start3A_337 = arith.constant 0 : i32
            %dma_start3A_338 = arith.constant 0 : i32
            %dma_start3A_339 = tpu.memref_slice %run_scoped3A_21[%rem3A_263, %dma_start3A_337, %dma_start3A_338] : memref<2x1x256xi32, #tpu.memory_space<vmem>> -> memref<1x1x256xi32, #tpu.memory_space<vmem>>
            %dma_start3A_340 = tpu.memref_squeeze %dma_start3A_339 : memref<1x1x256xi32, #tpu.memory_space<vmem>> -> memref<1x256xi32, #tpu.memory_space<vmem>>
            %dma_start3A_341 = arith.constant 0 : i32
            %dma_start3A_342 = tpu.memref_slice %dma_start3A_340[%run_scoped3A_264, %dma_start3A_341] : memref<1x256xi32, #tpu.memory_space<vmem>> -> memref<1x256xi32, #tpu.memory_space<vmem>>
            %dma_start3A_343 = tpu.memref_squeeze %dma_start3A_342 : memref<1x256xi32, #tpu.memory_space<vmem>> -> memref<256xi32, #tpu.memory_space<vmem>>
            %dma_start3A_344 = arith.constant 0 : i32
            %dma_start3A_345 = arith.constant 0 : i32
            %dma_start3A_346 = tpu.memref_slice %arg6[%dma_start3A_344, %dma_start3A_345] : memref<10016x32xf32, #tpu.memory_space<vmem_shared>> -> memref<10016x32xf32, #tpu.memory_space<vmem_shared>>
            tpu.enqueue_indirect_dma source(%dma_start3A_336 : memref<256x32xf32, #tpu.memory_space<vmem>>) target(%dma_start3A_346 : memref<10016x32xf32, #tpu.memory_space<vmem_shared>>) offsets(%dma_start3A_343 : memref<256xi32, #tpu.memory_space<vmem>>) semaphore(%run_scoped3A_332 : memref<!tpu.dma_semaphore, #tpu.memory_space<semaphore_mem>>) {add = true}
            %dma_wait3A = arith.constant 0 : i32
            %dma_wait3A_347 = arith.constant 0 : i32
            %dma_wait3A_348 = tpu.memref_slice %run_scoped3A[%rem3A_261, %dma_wait3A, %dma_wait3A_347] : memref<2x256x32xf32, #tpu.memory_space<vmem>> -> memref<1x256x32xf32, #tpu.memory_space<vmem>>
            %dma_wait3A_349 = tpu.memref_squeeze %dma_wait3A_348 : memref<1x256x32xf32, #tpu.memory_space<vmem>> -> memref<256x32xf32, #tpu.memory_space<vmem>>
            %dma_wait3A_350 = arith.constant 0 : i32
            %dma_wait3A_351 = arith.constant 0 : i32
            %dma_wait3A_352 = tpu.memref_slice %run_scoped3A_21[%rem3A_263, %dma_wait3A_350, %dma_wait3A_351] : memref<2x1x256xi32, #tpu.memory_space<vmem>> -> memref<1x1x256xi32, #tpu.memory_space<vmem>>
            %dma_wait3A_353 = tpu.memref_squeeze %dma_wait3A_352 : memref<1x1x256xi32, #tpu.memory_space<vmem>> -> memref<1x256xi32, #tpu.memory_space<vmem>>
            %dma_wait3A_354 = arith.constant 0 : i32
            %dma_wait3A_355 = tpu.memref_slice %dma_wait3A_353[%run_scoped3A_264, %dma_wait3A_354] : memref<1x256xi32, #tpu.memory_space<vmem>> -> memref<1x256xi32, #tpu.memory_space<vmem>>
            %dma_wait3A_356 = tpu.memref_squeeze %dma_wait3A_355 : memref<1x256xi32, #tpu.memory_space<vmem>> -> memref<256xi32, #tpu.memory_space<vmem>>
            %dma_wait3A_357 = arith.constant 0 : i32
            %dma_wait3A_358 = arith.constant 0 : i32
            %dma_wait3A_359 = tpu.memref_slice %arg6[%dma_wait3A_357, %dma_wait3A_358] : memref<10016x32xf32, #tpu.memory_space<vmem_shared>> -> memref<10016x32xf32, #tpu.memory_space<vmem_shared>>
            tpu.wait_indirect_dma semaphore(%run_scoped3A_332 : memref<!tpu.dma_semaphore, #tpu.memory_space<semaphore_mem>>) src(%dma_wait3A_349 : memref<256x32xf32, #tpu.memory_space<vmem>>) dst(%dma_wait3A_359 : memref<10016x32xf32, #tpu.memory_space<vmem_shared>>)
            tpu.yield
          }) : () -> ()
          "tpu.trace_stop"() : () -> ()
          %ne3A_265 = arith.cmpi ne, %add3A_182, %add3A_200 : i32
          %or3A_266 = arith.constant false
          %or3A_267 = arith.ori %or3A_266, %ne3A_265 : i1
          %or3A_268 = arith.constant false
          %or3A_269 = arith.ori %or3A_267, %or3A_268 : i1
          %or3A_270 = arith.ori %or3A_269, %eq3A_181 : i1
          %convert_element_type3A_271 = arith.extui %or3A_270 : i1 to i32
          %cond3A_272 = arith.constant 0 : i32
          %cond3A_273 = arith.cmpi ne, %convert_element_type3A_271, %cond3A_272 : i32
          scf.if %cond3A_273 {
          } else {
          }
          %and3A_274 = arith.constant false
          %and3A_275 = arith.andi %or3A_270, %and3A_274 : i1
          %ne3A_276 = arith.cmpi ne, %add3A_182, %add3A_200 : i32
          %or3A_277 = arith.constant false
          %or3A_278 = arith.ori %or3A_277, %ne3A_276 : i1
          %or3A_279 = arith.ori %or3A_278, %eq3A_181 : i1
          %convert_element_type3A_280 = arith.extui %or3A_279 : i1 to i32
          %cond3A_281 = arith.constant 0 : i32
          %cond3A_282 = arith.cmpi ne, %convert_element_type3A_280, %cond3A_281 : i32
          scf.if %cond3A_282 {
          } else {
          }
          %and3A_283 = arith.constant false
          %and3A_284 = arith.andi %or3A_279, %and3A_283 : i1
          %ne3A_285 = arith.cmpi ne, %add3A_182, %add3A_192 : i32
          %or3A_286 = arith.constant false
          %or3A_287 = arith.ori %or3A_286, %ne3A_285 : i1
          %or3A_288 = arith.constant false
          %or3A_289 = arith.ori %or3A_287, %or3A_288 : i1
          %not3A_290 = arith.constant true
          %not3A_291 = arith.xori %eq3A_178, %not3A_290 : i1
          %and3A_292 = arith.andi %or3A_289, %not3A_291 : i1
          %convert_element_type3A_293 = arith.extui %and3A_292 : i1 to i32
          %cond3A_294 = arith.constant 0 : i32
          %cond3A_295 = arith.cmpi ne, %convert_element_type3A_293, %cond3A_294 : i32
          scf.if %cond3A_295 {
          } else {
          }
          %and3A_296 = arith.constant false
          %and3A_297 = arith.andi %and3A_292, %and3A_296 : i1
          %ne3A_298 = arith.cmpi ne, %add3A_182, %add3A_192 : i32
          %or3A_299 = arith.constant false
          %or3A_300 = arith.ori %or3A_299, %ne3A_298 : i1
          %not3A_301 = arith.constant true
          %not3A_302 = arith.xori %eq3A_178, %not3A_301 : i1
          %and3A_303 = arith.andi %or3A_300, %not3A_302 : i1
          %convert_element_type3A_304 = arith.extui %and3A_303 : i1 to i32
          %cond3A_305 = arith.constant 0 : i32
          %cond3A_306 = arith.cmpi ne, %convert_element_type3A_304, %cond3A_305 : i32
          scf.if %cond3A_306 {
          } else {
          }
          %and3A_307 = arith.constant false
          %and3A_308 = arith.andi %and3A_303, %and3A_307 : i1
          %ne3A_309 = arith.cmpi ne, %add3A_182, %add3A_200 : i32
          %or3A_310 = arith.constant false
          %or3A_311 = arith.ori %or3A_310, %ne3A_309 : i1
          %or3A_312 = arith.constant false
          %or3A_313 = arith.ori %or3A_311, %or3A_312 : i1
          %or3A_314 = arith.ori %or3A_313, %eq3A_181 : i1
          %add3A_315 = arith.constant 1 : i32
          %add3A_316 = arith.addi %while3A_171, %add3A_315 : i32
          %select_n3A_317 = arith.select %or3A_314, %add3A_316, %while3A_171 : i32
          %ne3A_318 = arith.cmpi ne, %add3A_182, %add3A_200 : i32
          %or3A_319 = arith.constant false
          %or3A_320 = arith.ori %or3A_319, %ne3A_318 : i1
          %or3A_321 = arith.ori %or3A_320, %eq3A_181 : i1
          %add3A_322 = arith.constant 1 : i32
          %add3A_323 = arith.addi %while3A_173, %add3A_322 : i32
          %select_n3A_324 = arith.select %or3A_321, %add3A_323, %while3A_173 : i32
          %add3A_325 = arith.constant 1 : i32
          %add3A_326 = arith.addi %while3A_174, %add3A_325 : i32
          %select_n3A_327 = arith.constant true
          %select_n3A_328 = arith.select %select_n3A_327, %add3A_326, %while3A_174 : i32
          %eq3A_329 = arith.cmpi eq, %select_n3A_328, %select_n3A : i32
          %select_n3A_330 = arith.constant 0 : i32
          %select_n3A_331 = arith.select %eq3A_329, %select_n3A_330, %select_n3A_328 : i32
          scf.yield %select_n3A_224, %select_n3A_317, %select_n3A_243, %select_n3A_324, %select_n3A_331 : i32, i32, i32, i32, i32
        }
        %while3A_116 = arith.constant 1 : i32
        %while3A_117:5 = scf.for %while3A_169 = %while3A_113 to %while3A_109 step %while3A_116 iter_args(%while3A_170 = %while3A_115#0, %while3A_171 = %while3A_115#1, %while3A_172 = %while3A_115#2, %while3A_173 = %while3A_115#3, %while3A_174 = %while3A_115#4) -> (i32, i32, i32, i32, i32)  : i32 {
          %mul3A_175 = arith.constant 1 : i32
          %mul3A_176 = arith.muli %mul3A_175, %select_n3A : i32
          %eq3A_177 = arith.constant 0 : i32
          %eq3A_178 = arith.cmpi eq, %while3A_169, %eq3A_177 : i32
          %sub3A_179 = arith.constant 1 : i32
          %sub3A_180 = arith.subi %mul3A_176, %sub3A_179 : i32
          %eq3A_181 = arith.cmpi eq, %while3A_169, %sub3A_180 : i32
          %add3A_182 = arith.addi %while3A_174, %select_n3A_16 : i32
          %sub3A_183 = arith.constant 1 : i32
          %sub3A_184 = arith.subi %while3A_174, %sub3A_183 : i32
          %select_n3A_185 = arith.constant true
          %select_n3A_186 = arith.select %select_n3A_185, %sub3A_184, %while3A_174 : i32
          %eq3A_187 = arith.constant -1 : i32
          %eq3A_188 = arith.cmpi eq, %select_n3A_186, %eq3A_187 : i32
          %sub3A_189 = arith.constant 1 : i32
          %sub3A_190 = arith.subi %select_n3A, %sub3A_189 : i32
          %select_n3A_191 = arith.select %eq3A_188, %sub3A_190, %select_n3A_186 : i32
          %add3A_192 = arith.addi %select_n3A_191, %select_n3A_16 : i32
          %add3A_193 = arith.constant 1 : i32
          %add3A_194 = arith.addi %while3A_174, %add3A_193 : i32
          %select_n3A_195 = arith.constant true
          %select_n3A_196 = arith.select %select_n3A_195, %add3A_194, %while3A_174 : i32
          %eq3A_197 = arith.cmpi eq, %select_n3A_196, %select_n3A : i32
          %select_n3A_198 = arith.constant 0 : i32
          %select_n3A_199 = arith.select %eq3A_197, %select_n3A_198, %select_n3A_196 : i32
          %add3A_200 = arith.addi %select_n3A_199, %select_n3A_16 : i32
          %add3A_201 = arith.constant 1 : i32
          %add3A_202 = arith.addi %select_n3A_199, %add3A_201 : i32
          %select_n3A_203 = arith.constant true
          %select_n3A_204 = arith.select %select_n3A_203, %add3A_202, %select_n3A_199 : i32
          %eq3A_205 = arith.cmpi eq, %select_n3A_204, %select_n3A : i32
          %select_n3A_206 = arith.constant 0 : i32
          %select_n3A_207 = arith.select %eq3A_205, %select_n3A_206, %select_n3A_204 : i32
          %add3A_208 = arith.addi %select_n3A_207, %select_n3A_16 : i32
          %ne3A = arith.cmpi ne, %add3A_182, %add3A_200 : i32
          %or3A = arith.constant false
          %or3A_209 = arith.ori %or3A, %ne3A : i1
          %or3A_210 = arith.constant false
          %or3A_211 = arith.ori %or3A_209, %or3A_210 : i1
          %sub3A_212 = arith.constant 2 : i32
          %sub3A_213 = arith.subi %mul3A_176, %sub3A_212 : i32
          %add3A_214 = arith.constant 1 : i32
          %add3A_215 = arith.addi %sub3A_213, %add3A_214 : i32
          %ge3A = arith.cmpi sge, %while3A_169, %add3A_215 : i32
          %not3A = arith.constant true
          %not3A_216 = arith.xori %ge3A, %not3A : i1
          %and3A = arith.andi %or3A_211, %not3A_216 : i1
          %convert_element_type3A_217 = arith.extui %and3A : i1 to i32
          %cond3A_218 = arith.constant 0 : i32
          %cond3A_219 = arith.cmpi ne, %convert_element_type3A_217, %cond3A_218 : i32
          scf.if %cond3A_219 {
            "tpu.trace_start"() <{level = 10 : i32, message = "ep_copy_in"}> : () -> ()
            %rem3A_332 = arith.constant 2 : i32
            %rem3A_333 = arith.remui %while3A_170, %rem3A_332 : i32
            %mul3A_334 = arith.constant 256 : i32
            %mul3A_335 = arith.muli %mul3A_334, %add3A_200 : i32
            %dma_start3A_336 = arith.constant 0 : i32
            %dma_start3A_337 = arith.constant 0 : i32
            %dma_start3A_338 = tpu.memref_slice %run_scoped3A[%rem3A_333, %dma_start3A_336, %dma_start3A_337] : memref<2x256x32xf32, #tpu.memory_space<vmem>> -> memref<1x256x32xf32, #tpu.memory_space<vmem>>
            %dma_start3A_339 = tpu.memref_squeeze %dma_start3A_338 : memref<1x256x32xf32, #tpu.memory_space<vmem>> -> memref<256x32xf32, #tpu.memory_space<vmem>>
            %dma_start3A_340 = arith.constant 0 : i32
            %dma_start3A_341 = tpu.memref_slice %arg2[%mul3A_335, %dma_start3A_340] : memref<160000x32xf32, #tpu.memory_space<hbm>> -> memref<256x32xf32, #tpu.memory_space<hbm>>
            %dma_start3A_342 = tpu.memref_slice %run_scoped3A_20[%rem3A_333] : memref<2x!tpu.dma_semaphore, #tpu.memory_space<semaphore_mem>> -> memref<1x!tpu.dma_semaphore, #tpu.memory_space<semaphore_mem>>
            %dma_start3A_343 = tpu.memref_squeeze %dma_start3A_342 : memref<1x!tpu.dma_semaphore, #tpu.memory_space<semaphore_mem>> -> memref<!tpu.dma_semaphore, #tpu.memory_space<semaphore_mem>>
            %dma_start3A_344 = arith.constant 0 : i32
            %dma_start3A_345 = arith.constant 0 : i32
            %dma_start3A_346 = tpu.memref_slice %run_scoped3A[%rem3A_333, %dma_start3A_344, %dma_start3A_345] : memref<2x256x32xf32, #tpu.memory_space<vmem>> -> memref<1x256x32xf32, #tpu.memory_space<vmem>>
            %dma_start3A_347 = tpu.memref_squeeze %dma_start3A_346 : memref<1x256x32xf32, #tpu.memory_space<vmem>> -> memref<256x32xf32, #tpu.memory_space<vmem>>
            %dma_start3A_348 = arith.constant 0 : i32
            %dma_start3A_349 = tpu.memref_slice %arg2[%mul3A_335, %dma_start3A_348] : memref<160000x32xf32, #tpu.memory_space<hbm>> -> memref<256x32xf32, #tpu.memory_space<hbm>>
            tpu.enqueue_dma source(%dma_start3A_349 : memref<256x32xf32, #tpu.memory_space<hbm>>) target(%dma_start3A_347 : memref<256x32xf32, #tpu.memory_space<vmem>>) target_semaphore(%dma_start3A_343 : memref<!tpu.dma_semaphore, #tpu.memory_space<semaphore_mem>>)
            "tpu.trace_stop"() : () -> ()
          } else {
          }
          %and3A_220 = arith.constant true
          %and3A_221 = arith.andi %and3A, %and3A_220 : i1
          %add3A_222 = arith.constant 1 : i32
          %add3A_223 = arith.addi %while3A_170, %add3A_222 : i32
          %select_n3A_224 = arith.select %and3A_221, %add3A_223, %while3A_170 : i32
          %ne3A_225 = arith.cmpi ne, %add3A_182, %add3A_200 : i32
          %or3A_226 = arith.constant false
          %or3A_227 = arith.ori %or3A_226, %ne3A_225 : i1
          %sub3A_228 = arith.constant 2 : i32
          %sub3A_229 = arith.subi %mul3A_176, %sub3A_228 : i32
          %add3A_230 = arith.constant 1 : i32
          %add3A_231 = arith.addi %sub3A_229, %add3A_230 : i32
          %ge3A_232 = arith.cmpi sge, %while3A_169, %add3A_231 : i32
          %not3A_233 = arith.constant true
          %not3A_234 = arith.xori %ge3A_232, %not3A_233 : i1
          %and3A_235 = arith.andi %or3A_227, %not3A_234 : i1
          %convert_element_type3A_236 = arith.extui %and3A_235 : i1 to i32
          %cond3A_237 = arith.constant 0 : i32
          %cond3A_238 = arith.cmpi ne, %convert_element_type3A_236, %cond3A_237 : i32
          scf.if %cond3A_238 {
            "tpu.trace_start"() <{level = 10 : i32, message = "ep_copy_in"}> : () -> ()
            %rem3A_332 = arith.constant 2 : i32
            %rem3A_333 = arith.remui %while3A_172, %rem3A_332 : i32
            %mul3A_334 = arith.constant 256 : i32
            %mul3A_335 = arith.muli %mul3A_334, %add3A_200 : i32
            %dma_start3A_336 = arith.constant 0 : i32
            %dma_start3A_337 = arith.constant 0 : i32
            %dma_start3A_338 = tpu.memref_slice %run_scoped3A_21[%rem3A_333, %dma_start3A_336, %dma_start3A_337] : memref<2x1x256xi32, #tpu.memory_space<vmem>> -> memref<1x1x256xi32, #tpu.memory_space<vmem>>
            %dma_start3A_339 = tpu.memref_squeeze %dma_start3A_338 : memref<1x1x256xi32, #tpu.memory_space<vmem>> -> memref<1x256xi32, #tpu.memory_space<vmem>>
            %dma_start3A_340 = arith.constant 0 : i32
            %dma_start3A_341 = tpu.memref_slice %arg3[%dma_start3A_340, %mul3A_335] : memref<1x160000xi32, #tpu.memory_space<hbm>> -> memref<1x256xi32, #tpu.memory_space<hbm>>
            %dma_start3A_342 = tpu.memref_slice %run_scoped3A_22[%rem3A_333] : memref<2x!tpu.dma_semaphore, #tpu.memory_space<semaphore_mem>> -> memref<1x!tpu.dma_semaphore, #tpu.memory_space<semaphore_mem>>
            %dma_start3A_343 = tpu.memref_squeeze %dma_start3A_342 : memref<1x!tpu.dma_semaphore, #tpu.memory_space<semaphore_mem>> -> memref<!tpu.dma_semaphore, #tpu.memory_space<semaphore_mem>>
            %dma_start3A_344 = arith.constant 0 : i32
            %dma_start3A_345 = arith.constant 0 : i32
            %dma_start3A_346 = tpu.memref_slice %run_scoped3A_21[%rem3A_333, %dma_start3A_344, %dma_start3A_345] : memref<2x1x256xi32, #tpu.memory_space<vmem>> -> memref<1x1x256xi32, #tpu.memory_space<vmem>>
            %dma_start3A_347 = tpu.memref_squeeze %dma_start3A_346 : memref<1x1x256xi32, #tpu.memory_space<vmem>> -> memref<1x256xi32, #tpu.memory_space<vmem>>
            %dma_start3A_348 = arith.constant 0 : i32
            %dma_start3A_349 = tpu.memref_slice %arg3[%dma_start3A_348, %mul3A_335] : memref<1x160000xi32, #tpu.memory_space<hbm>> -> memref<1x256xi32, #tpu.memory_space<hbm>>
            tpu.enqueue_dma source(%dma_start3A_349 : memref<1x256xi32, #tpu.memory_space<hbm>>) target(%dma_start3A_347 : memref<1x256xi32, #tpu.memory_space<vmem>>) target_semaphore(%dma_start3A_343 : memref<!tpu.dma_semaphore, #tpu.memory_space<semaphore_mem>>)
            "tpu.trace_stop"() : () -> ()
          } else {
          }
          %and3A_239 = arith.constant true
          %and3A_240 = arith.andi %and3A_235, %and3A_239 : i1
          %add3A_241 = arith.constant 1 : i32
          %add3A_242 = arith.addi %while3A_172, %add3A_241 : i32
          %select_n3A_243 = arith.select %and3A_240, %add3A_242, %while3A_172 : i32
          %ne3A_244 = arith.cmpi ne, %add3A_182, %add3A_192 : i32
          %or3A_245 = arith.constant false
          %or3A_246 = arith.ori %or3A_245, %ne3A_244 : i1
          %or3A_247 = arith.constant false
          %or3A_248 = arith.ori %or3A_246, %or3A_247 : i1
          %or3A_249 = arith.ori %or3A_248, %eq3A_178 : i1
          %convert_element_type3A_250 = arith.extui %or3A_249 : i1 to i32
          %cond3A_251 = arith.constant 0 : i32
          %cond3A_252 = arith.cmpi ne, %convert_element_type3A_250, %cond3A_251 : i32
          scf.if %cond3A_252 {
            "tpu.trace_start"() <{level = 10 : i32, message = "ep_wait_in"}> : () -> ()
            %mul3A_332 = arith.constant 256 : i32
            %mul3A_333 = arith.muli %mul3A_332, %add3A_182 : i32
            %rem3A_334 = arith.constant 2 : i32
            %rem3A_335 = arith.remui %while3A_171, %rem3A_334 : i32
            %dma_wait3A = arith.constant 0 : i32
            %dma_wait3A_336 = arith.constant 0 : i32
            %dma_wait3A_337 = tpu.memref_slice %run_scoped3A[%rem3A_335, %dma_wait3A, %dma_wait3A_336] : memref<2x256x32xf32, #tpu.memory_space<vmem>> -> memref<1x256x32xf32, #tpu.memory_space<vmem>>
            %dma_wait3A_338 = tpu.memref_squeeze %dma_wait3A_337 : memref<1x256x32xf32, #tpu.memory_space<vmem>> -> memref<256x32xf32, #tpu.memory_space<vmem>>
            %dma_wait3A_339 = arith.constant 0 : i32
            %dma_wait3A_340 = tpu.memref_slice %arg2[%mul3A_333, %dma_wait3A_339] : memref<160000x32xf32, #tpu.memory_space<hbm>> -> memref<256x32xf32, #tpu.memory_space<hbm>>
            %dma_wait3A_341 = tpu.memref_slice %run_scoped3A_20[%rem3A_335] : memref<2x!tpu.dma_semaphore, #tpu.memory_space<semaphore_mem>> -> memref<1x!tpu.dma_semaphore, #tpu.memory_space<semaphore_mem>>
            %dma_wait3A_342 = tpu.memref_squeeze %dma_wait3A_341 : memref<1x!tpu.dma_semaphore, #tpu.memory_space<semaphore_mem>> -> memref<!tpu.dma_semaphore, #tpu.memory_space<semaphore_mem>>
            %dma_wait3A_343 = arith.constant 0 : i32
            %dma_wait3A_344 = arith.constant 0 : i32
            %dma_wait3A_345 = tpu.memref_slice %run_scoped3A[%rem3A_335, %dma_wait3A_343, %dma_wait3A_344] : memref<2x256x32xf32, #tpu.memory_space<vmem>> -> memref<1x256x32xf32, #tpu.memory_space<vmem>>
            %dma_wait3A_346 = tpu.memref_squeeze %dma_wait3A_345 : memref<1x256x32xf32, #tpu.memory_space<vmem>> -> memref<256x32xf32, #tpu.memory_space<vmem>>
            %dma_wait3A_347 = arith.constant 0 : i32
            %dma_wait3A_348 = tpu.memref_slice %arg2[%mul3A_333, %dma_wait3A_347] : memref<160000x32xf32, #tpu.memory_space<hbm>> -> memref<256x32xf32, #tpu.memory_space<hbm>>
            tpu.wait_dma2 semaphore(%dma_wait3A_342 : memref<!tpu.dma_semaphore, #tpu.memory_space<semaphore_mem>>) src(%dma_wait3A_348 : memref<256x32xf32, #tpu.memory_space<hbm>>) dst(%dma_wait3A_346 : memref<256x32xf32, #tpu.memory_space<vmem>>)
            "tpu.trace_stop"() : () -> ()
          } else {
          }
          %ne3A_253 = arith.cmpi ne, %add3A_182, %add3A_192 : i32
          %or3A_254 = arith.constant false
          %or3A_255 = arith.ori %or3A_254, %ne3A_253 : i1
          %or3A_256 = arith.ori %or3A_255, %eq3A_178 : i1
          %convert_element_type3A_257 = arith.extui %or3A_256 : i1 to i32
          %cond3A_258 = arith.constant 0 : i32
          %cond3A_259 = arith.cmpi ne, %convert_element_type3A_257, %cond3A_258 : i32
          scf.if %cond3A_259 {
            "tpu.trace_start"() <{level = 10 : i32, message = "ep_wait_in"}> : () -> ()
            %mul3A_332 = arith.constant 256 : i32
            %mul3A_333 = arith.muli %mul3A_332, %add3A_182 : i32
            %rem3A_334 = arith.constant 2 : i32
            %rem3A_335 = arith.remui %while3A_173, %rem3A_334 : i32
            %dma_wait3A = arith.constant 0 : i32
            %dma_wait3A_336 = arith.constant 0 : i32
            %dma_wait3A_337 = tpu.memref_slice %run_scoped3A_21[%rem3A_335, %dma_wait3A, %dma_wait3A_336] : memref<2x1x256xi32, #tpu.memory_space<vmem>> -> memref<1x1x256xi32, #tpu.memory_space<vmem>>
            %dma_wait3A_338 = tpu.memref_squeeze %dma_wait3A_337 : memref<1x1x256xi32, #tpu.memory_space<vmem>> -> memref<1x256xi32, #tpu.memory_space<vmem>>
            %dma_wait3A_339 = arith.constant 0 : i32
            %dma_wait3A_340 = tpu.memref_slice %arg3[%dma_wait3A_339, %mul3A_333] : memref<1x160000xi32, #tpu.memory_space<hbm>> -> memref<1x256xi32, #tpu.memory_space<hbm>>
            %dma_wait3A_341 = tpu.memref_slice %run_scoped3A_22[%rem3A_335] : memref<2x!tpu.dma_semaphore, #tpu.memory_space<semaphore_mem>> -> memref<1x!tpu.dma_semaphore, #tpu.memory_space<semaphore_mem>>
            %dma_wait3A_342 = tpu.memref_squeeze %dma_wait3A_341 : memref<1x!tpu.dma_semaphore, #tpu.memory_space<semaphore_mem>> -> memref<!tpu.dma_semaphore, #tpu.memory_space<semaphore_mem>>
            %dma_wait3A_343 = arith.constant 0 : i32
            %dma_wait3A_344 = arith.constant 0 : i32
            %dma_wait3A_345 = tpu.memref_slice %run_scoped3A_21[%rem3A_335, %dma_wait3A_343, %dma_wait3A_344] : memref<2x1x256xi32, #tpu.memory_space<vmem>> -> memref<1x1x256xi32, #tpu.memory_space<vmem>>
            %dma_wait3A_346 = tpu.memref_squeeze %dma_wait3A_345 : memref<1x1x256xi32, #tpu.memory_space<vmem>> -> memref<1x256xi32, #tpu.memory_space<vmem>>
            %dma_wait3A_347 = arith.constant 0 : i32
            %dma_wait3A_348 = tpu.memref_slice %arg3[%dma_wait3A_347, %mul3A_333] : memref<1x160000xi32, #tpu.memory_space<hbm>> -> memref<1x256xi32, #tpu.memory_space<hbm>>
            tpu.wait_dma2 semaphore(%dma_wait3A_342 : memref<!tpu.dma_semaphore, #tpu.memory_space<semaphore_mem>>) src(%dma_wait3A_348 : memref<1x256xi32, #tpu.memory_space<hbm>>) dst(%dma_wait3A_346 : memref<1x256xi32, #tpu.memory_space<vmem>>)
            "tpu.trace_stop"() : () -> ()
          } else {
          }
          %rem3A_260 = arith.constant 2 : i32
          %rem3A_261 = arith.remui %while3A_171, %rem3A_260 : i32
          %rem3A_262 = arith.constant 2 : i32
          %rem3A_263 = arith.remui %while3A_173, %rem3A_262 : i32
          %run_scoped3A_264 = arith.constant 0 : i32
          "tpu.trace_start"() <{level = 10 : i32, message = "ep_run_kernel"}> : () -> ()
          "tpu.region"() ({
            %run_scoped3A_332 = tpu.sem_alloc : memref<!tpu.dma_semaphore, #tpu.memory_space<semaphore_mem>>
            %dma_start3A_333 = arith.constant 0 : i32
            %dma_start3A_334 = arith.constant 0 : i32
            %dma_start3A_335 = tpu.memref_slice %run_scoped3A[%rem3A_261, %dma_start3A_333, %dma_start3A_334] : memref<2x256x32xf32, #tpu.memory_space<vmem>> -> memref<1x256x32xf32, #tpu.memory_space<vmem>>
            %dma_start3A_336 = tpu.memref_squeeze %dma_start3A_335 : memref<1x256x32xf32, #tpu.memory_space<vmem>> -> memref<256x32xf32, #tpu.memory_space<vmem>>
            %dma_start3A_337 = arith.constant 0 : i32
            %dma_start3A_338 = arith.constant 0 : i32
            %dma_start3A_339 = tpu.memref_slice %run_scoped3A_21[%rem3A_263, %dma_start3A_337, %dma_start3A_338] : memref<2x1x256xi32, #tpu.memory_space<vmem>> -> memref<1x1x256xi32, #tpu.memory_space<vmem>>
            %dma_start3A_340 = tpu.memref_squeeze %dma_start3A_339 : memref<1x1x256xi32, #tpu.memory_space<vmem>> -> memref<1x256xi32, #tpu.memory_space<vmem>>
            %dma_start3A_341 = arith.constant 0 : i32
            %dma_start3A_342 = tpu.memref_slice %dma_start3A_340[%run_scoped3A_264, %dma_start3A_341] : memref<1x256xi32, #tpu.memory_space<vmem>> -> memref<1x256xi32, #tpu.memory_space<vmem>>
            %dma_start3A_343 = tpu.memref_squeeze %dma_start3A_342 : memref<1x256xi32, #tpu.memory_space<vmem>> -> memref<256xi32, #tpu.memory_space<vmem>>
            %dma_start3A_344 = arith.constant 0 : i32
            %dma_start3A_345 = arith.constant 0 : i32
            %dma_start3A_346 = tpu.memref_slice %arg6[%dma_start3A_344, %dma_start3A_345] : memref<10016x32xf32, #tpu.memory_space<vmem_shared>> -> memref<10016x32xf32, #tpu.memory_space<vmem_shared>>
            tpu.enqueue_indirect_dma source(%dma_start3A_336 : memref<256x32xf32, #tpu.memory_space<vmem>>) target(%dma_start3A_346 : memref<10016x32xf32, #tpu.memory_space<vmem_shared>>) offsets(%dma_start3A_343 : memref<256xi32, #tpu.memory_space<vmem>>) semaphore(%run_scoped3A_332 : memref<!tpu.dma_semaphore, #tpu.memory_space<semaphore_mem>>) {add = true}
            %dma_wait3A = arith.constant 0 : i32
            %dma_wait3A_347 = arith.constant 0 : i32
            %dma_wait3A_348 = tpu.memref_slice %run_scoped3A[%rem3A_261, %dma_wait3A, %dma_wait3A_347] : memref<2x256x32xf32, #tpu.memory_space<vmem>> -> memref<1x256x32xf32, #tpu.memory_space<vmem>>
            %dma_wait3A_349 = tpu.memref_squeeze %dma_wait3A_348 : memref<1x256x32xf32, #tpu.memory_space<vmem>> -> memref<256x32xf32, #tpu.memory_space<vmem>>
            %dma_wait3A_350 = arith.constant 0 : i32
            %dma_wait3A_351 = arith.constant 0 : i32
            %dma_wait3A_352 = tpu.memref_slice %run_scoped3A_21[%rem3A_263, %dma_wait3A_350, %dma_wait3A_351] : memref<2x1x256xi32, #tpu.memory_space<vmem>> -> memref<1x1x256xi32, #tpu.memory_space<vmem>>
            %dma_wait3A_353 = tpu.memref_squeeze %dma_wait3A_352 : memref<1x1x256xi32, #tpu.memory_space<vmem>> -> memref<1x256xi32, #tpu.memory_space<vmem>>
            %dma_wait3A_354 = arith.constant 0 : i32
            %dma_wait3A_355 = tpu.memref_slice %dma_wait3A_353[%run_scoped3A_264, %dma_wait3A_354] : memref<1x256xi32, #tpu.memory_space<vmem>> -> memref<1x256xi32, #tpu.memory_space<vmem>>
            %dma_wait3A_356 = tpu.memref_squeeze %dma_wait3A_355 : memref<1x256xi32, #tpu.memory_space<vmem>> -> memref<256xi32, #tpu.memory_space<vmem>>
            %dma_wait3A_357 = arith.constant 0 : i32
            %dma_wait3A_358 = arith.constant 0 : i32
            %dma_wait3A_359 = tpu.memref_slice %arg6[%dma_wait3A_357, %dma_wait3A_358] : memref<10016x32xf32, #tpu.memory_space<vmem_shared>> -> memref<10016x32xf32, #tpu.memory_space<vmem_shared>>
            tpu.wait_indirect_dma semaphore(%run_scoped3A_332 : memref<!tpu.dma_semaphore, #tpu.memory_space<semaphore_mem>>) src(%dma_wait3A_349 : memref<256x32xf32, #tpu.memory_space<vmem>>) dst(%dma_wait3A_359 : memref<10016x32xf32, #tpu.memory_space<vmem_shared>>)
            tpu.yield
          }) : () -> ()
          "tpu.trace_stop"() : () -> ()
          %ne3A_265 = arith.cmpi ne, %add3A_182, %add3A_200 : i32
          %or3A_266 = arith.constant false
          %or3A_267 = arith.ori %or3A_266, %ne3A_265 : i1
          %or3A_268 = arith.constant false
          %or3A_269 = arith.ori %or3A_267, %or3A_268 : i1
          %or3A_270 = arith.ori %or3A_269, %eq3A_181 : i1
          %convert_element_type3A_271 = arith.extui %or3A_270 : i1 to i32
          %cond3A_272 = arith.constant 0 : i32
          %cond3A_273 = arith.cmpi ne, %convert_element_type3A_271, %cond3A_272 : i32
          scf.if %cond3A_273 {
          } else {
          }
          %and3A_274 = arith.constant false
          %and3A_275 = arith.andi %or3A_270, %and3A_274 : i1
          %ne3A_276 = arith.cmpi ne, %add3A_182, %add3A_200 : i32
          %or3A_277 = arith.constant false
          %or3A_278 = arith.ori %or3A_277, %ne3A_276 : i1
          %or3A_279 = arith.ori %or3A_278, %eq3A_181 : i1
          %convert_element_type3A_280 = arith.extui %or3A_279 : i1 to i32
          %cond3A_281 = arith.constant 0 : i32
          %cond3A_282 = arith.cmpi ne, %convert_element_type3A_280, %cond3A_281 : i32
          scf.if %cond3A_282 {
          } else {
          }
          %and3A_283 = arith.constant false
          %and3A_284 = arith.andi %or3A_279, %and3A_283 : i1
          %ne3A_285 = arith.cmpi ne, %add3A_182, %add3A_192 : i32
          %or3A_286 = arith.constant false
          %or3A_287 = arith.ori %or3A_286, %ne3A_285 : i1
          %or3A_288 = arith.constant false
          %or3A_289 = arith.ori %or3A_287, %or3A_288 : i1
          %not3A_290 = arith.constant true
          %not3A_291 = arith.xori %eq3A_178, %not3A_290 : i1
          %and3A_292 = arith.andi %or3A_289, %not3A_291 : i1
          %convert_element_type3A_293 = arith.extui %and3A_292 : i1 to i32
          %cond3A_294 = arith.constant 0 : i32
          %cond3A_295 = arith.cmpi ne, %convert_element_type3A_293, %cond3A_294 : i32
          scf.if %cond3A_295 {
          } else {
          }
          %and3A_296 = arith.constant false
          %and3A_297 = arith.andi %and3A_292, %and3A_296 : i1
          %ne3A_298 = arith.cmpi ne, %add3A_182, %add3A_192 : i32
          %or3A_299 = arith.constant false
          %or3A_300 = arith.ori %or3A_299, %ne3A_298 : i1
          %not3A_301 = arith.constant true
          %not3A_302 = arith.xori %eq3A_178, %not3A_301 : i1
          %and3A_303 = arith.andi %or3A_300, %not3A_302 : i1
          %convert_element_type3A_304 = arith.extui %and3A_303 : i1 to i32
          %cond3A_305 = arith.constant 0 : i32
          %cond3A_306 = arith.cmpi ne, %convert_element_type3A_304, %cond3A_305 : i32
          scf.if %cond3A_306 {
          } else {
          }
          %and3A_307 = arith.constant false
          %and3A_308 = arith.andi %and3A_303, %and3A_307 : i1
          %ne3A_309 = arith.cmpi ne, %add3A_182, %add3A_200 : i32
          %or3A_310 = arith.constant false
          %or3A_311 = arith.ori %or3A_310, %ne3A_309 : i1
          %or3A_312 = arith.constant false
          %or3A_313 = arith.ori %or3A_311, %or3A_312 : i1
          %or3A_314 = arith.ori %or3A_313, %eq3A_181 : i1
          %add3A_315 = arith.constant 1 : i32
          %add3A_316 = arith.addi %while3A_171, %add3A_315 : i32
          %select_n3A_317 = arith.select %or3A_314, %add3A_316, %while3A_171 : i32
          %ne3A_318 = arith.cmpi ne, %add3A_182, %add3A_200 : i32
          %or3A_319 = arith.constant false
          %or3A_320 = arith.ori %or3A_319, %ne3A_318 : i1
          %or3A_321 = arith.ori %or3A_320, %eq3A_181 : i1
          %add3A_322 = arith.constant 1 : i32
          %add3A_323 = arith.addi %while3A_173, %add3A_322 : i32
          %select_n3A_324 = arith.select %or3A_321, %add3A_323, %while3A_173 : i32
          %add3A_325 = arith.constant 1 : i32
          %add3A_326 = arith.addi %while3A_174, %add3A_325 : i32
          %select_n3A_327 = arith.constant true
          %select_n3A_328 = arith.select %select_n3A_327, %add3A_326, %while3A_174 : i32
          %eq3A_329 = arith.cmpi eq, %select_n3A_328, %select_n3A : i32
          %select_n3A_330 = arith.constant 0 : i32
          %select_n3A_331 = arith.select %eq3A_329, %select_n3A_330, %select_n3A_328 : i32
          scf.yield %select_n3A_224, %select_n3A_317, %select_n3A_243, %select_n3A_324, %select_n3A_331 : i32, i32, i32, i32, i32
        }
        %sub3A_118 = arith.constant 1 : i32
        %sub3A_119 = arith.subi %while3A_117#4, %sub3A_118 : i32
        %select_n3A_120 = arith.constant true
        %select_n3A_121 = arith.select %select_n3A_120, %sub3A_119, %while3A_117#4 : i32
        %eq3A_122 = arith.constant -1 : i32
        %eq3A_123 = arith.cmpi eq, %select_n3A_121, %eq3A_122 : i32
        %sub3A_124 = arith.constant 1 : i32
        %sub3A_125 = arith.subi %select_n3A, %sub3A_124 : i32
        %select_n3A_126 = arith.select %eq3A_123, %sub3A_125, %select_n3A_121 : i32
        %sub3A_127 = arith.constant 1 : i32
        %sub3A_128 = arith.subi %mul3A_18, %sub3A_127 : i32
        %mul3A_129 = arith.constant 1 : i32
        %mul3A_130 = arith.muli %mul3A_129, %select_n3A : i32
        %eq3A_131 = arith.constant 0 : i32
        %eq3A_132 = arith.cmpi eq, %sub3A_128, %eq3A_131 : i32
        %sub3A_133 = arith.constant 1 : i32
        %sub3A_134 = arith.subi %mul3A_130, %sub3A_133 : i32
        %eq3A_135 = arith.cmpi eq, %sub3A_128, %sub3A_134 : i32
        %add3A_136 = arith.addi %select_n3A_126, %select_n3A_16 : i32
        %sub3A_137 = arith.constant 1 : i32
        %sub3A_138 = arith.subi %select_n3A_126, %sub3A_137 : i32
        %select_n3A_139 = arith.constant true
        %select_n3A_140 = arith.select %select_n3A_139, %sub3A_138, %select_n3A_126 : i32
        %eq3A_141 = arith.constant -1 : i32
        %eq3A_142 = arith.cmpi eq, %select_n3A_140, %eq3A_141 : i32
        %sub3A_143 = arith.constant 1 : i32
        %sub3A_144 = arith.subi %select_n3A, %sub3A_143 : i32
        %select_n3A_145 = arith.select %eq3A_142, %sub3A_144, %select_n3A_140 : i32
        %add3A_146 = arith.addi %select_n3A_145, %select_n3A_16 : i32
        %add3A_147 = arith.constant 1 : i32
        %add3A_148 = arith.addi %select_n3A_126, %add3A_147 : i32
        %select_n3A_149 = arith.constant true
        %select_n3A_150 = arith.select %select_n3A_149, %add3A_148, %select_n3A_126 : i32
        %eq3A_151 = arith.cmpi eq, %select_n3A_150, %select_n3A : i32
        %select_n3A_152 = arith.constant 0 : i32
        %select_n3A_153 = arith.select %eq3A_151, %select_n3A_152, %select_n3A_150 : i32
        %add3A_154 = arith.addi %select_n3A_153, %select_n3A_16 : i32
        %add3A_155 = arith.constant 1 : i32
        %add3A_156 = arith.addi %select_n3A_153, %add3A_155 : i32
        %select_n3A_157 = arith.constant true
        %select_n3A_158 = arith.select %select_n3A_157, %add3A_156, %select_n3A_153 : i32
        %eq3A_159 = arith.cmpi eq, %select_n3A_158, %select_n3A : i32
        %select_n3A_160 = arith.constant 0 : i32
        %select_n3A_161 = arith.select %eq3A_159, %select_n3A_160, %select_n3A_158 : i32
        %add3A_162 = arith.addi %select_n3A_161, %select_n3A_16 : i32
        %convert_element_type3A_163 = arith.extui %eq3A_135 : i1 to i32
        %cond3A_164 = arith.constant 0 : i32
        %cond3A_165 = arith.cmpi ne, %convert_element_type3A_163, %cond3A_164 : i32
        scf.if %cond3A_165 {
        } else {
        }
        %convert_element_type3A_166 = arith.extui %eq3A_135 : i1 to i32
        %cond3A_167 = arith.constant 0 : i32
        %cond3A_168 = arith.cmpi ne, %convert_element_type3A_166, %cond3A_167 : i32
        scf.if %cond3A_168 {
        } else {
        }
      } else {
      }
      tpu.yield
    }) : () -> ()
    %barrier3A_19 = arith.constant 0 : index
    tpu.barrier barrier_id(%barrier3A_19)
    "tpu.region"() ({
      %run_scoped3A = tpu.sem_alloc : memref<!tpu.dma_semaphore, #tpu.memory_space<semaphore_mem>>
      %dma_start3A = arith.constant 0 : i32
      %dma_start3A_20 = arith.constant 0 : i32
      %dma_start3A_21 = tpu.memref_slice %arg5[%arg0, %dma_start3A, %dma_start3A_20] : memref<2x10016x32xf32, #tpu.memory_space<hbm>> -> memref<1x10016x32xf32, #tpu.memory_space<hbm>>
      %dma_start3A_22 = tpu.memref_squeeze %dma_start3A_21 : memref<1x10016x32xf32, #tpu.memory_space<hbm>> -> memref<10016x32xf32, #tpu.memory_space<hbm>>
      %dma_start3A_23 = arith.constant 0 : i32
      %dma_start3A_24 = tpu.memref_slice %dma_start3A_22[%mul3A_0, %dma_start3A_23] : memref<10016x32xf32, #tpu.memory_space<hbm>> -> memref<626x32xf32, #tpu.memory_space<hbm>>
      %dma_start3A_25 = arith.constant 0 : i32
      %dma_start3A_26 = tpu.memref_slice %arg6[%mul3A_0, %dma_start3A_25] : memref<10016x32xf32, #tpu.memory_space<vmem_shared>> -> memref<626x32xf32, #tpu.memory_space<vmem_shared>>
      tpu.enqueue_dma source(%dma_start3A_26 : memref<626x32xf32, #tpu.memory_space<vmem_shared>>) target(%dma_start3A_24 : memref<626x32xf32, #tpu.memory_space<hbm>>) target_semaphore(%run_scoped3A : memref<!tpu.dma_semaphore, #tpu.memory_space<semaphore_mem>>)
      %dma_wait3A = arith.constant 0 : i32
      %dma_wait3A_27 = arith.constant 0 : i32
      %dma_wait3A_28 = tpu.memref_slice %arg5[%arg0, %dma_wait3A, %dma_wait3A_27] : memref<2x10016x32xf32, #tpu.memory_space<hbm>> -> memref<1x10016x32xf32, #tpu.memory_space<hbm>>
      %dma_wait3A_29 = tpu.memref_squeeze %dma_wait3A_28 : memref<1x10016x32xf32, #tpu.memory_space<hbm>> -> memref<10016x32xf32, #tpu.memory_space<hbm>>
      %dma_wait3A_30 = arith.constant 0 : i32
      %dma_wait3A_31 = tpu.memref_slice %dma_wait3A_29[%mul3A_0, %dma_wait3A_30] : memref<10016x32xf32, #tpu.memory_space<hbm>> -> memref<626x32xf32, #tpu.memory_space<hbm>>
      %dma_wait3A_32 = arith.constant 0 : i32
      %dma_wait3A_33 = tpu.memref_slice %arg6[%mul3A_0, %dma_wait3A_32] : memref<10016x32xf32, #tpu.memory_space<vmem_shared>> -> memref<626x32xf32, #tpu.memory_space<vmem_shared>>
      tpu.wait_dma2 semaphore(%run_scoped3A : memref<!tpu.dma_semaphore, #tpu.memory_space<semaphore_mem>>) src(%dma_wait3A_33 : memref<626x32xf32, #tpu.memory_space<vmem_shared>>) dst(%dma_wait3A_31 : memref<626x32xf32, #tpu.memory_space<hbm>>)
      tpu.yield
    }) : () -> ()
    return
  }
}

#map = affine_map<(d0, d1) -> (0, 0)>
module attributes {stable_mosaic.version = 14 : i64} {
  func.func @gk(%arg0: i32, %arg1: i32, %arg2: memref<10016x32xf32, #tpu.memory_space<hbm>>, %arg3: memref<1x160000xi32, #tpu.memory_space<hbm>>, %arg4: memref<160000x32xf32, #tpu.memory_space<hbm>>) attributes {dimension_semantics = [#tpu.dimension_semantics<core_parallel>, #tpu.dimension_semantics<subcore_parallel>], iteration_bounds = array<i64: 2, 16>, scalar_prefetch = 0 : i64, scratch_operands = 0 : i64, tpu.core_type = #tpu.core_type<sc_vector_subcore>, window_params = [{transform_indices = #map}, {transform_indices = #map}, {transform_indices = #map}]} {
    %mul3A = arith.constant 1 : i32
    %mul3A_0 = arith.muli %arg1, %mul3A : i32
    %add3A = arith.constant 0 : i32
    %add3A_1 = arith.addi %add3A, %mul3A_0 : i32
    %mul3A_2 = arith.constant 16 : i32
    %mul3A_3 = arith.muli %arg0, %mul3A_2 : i32
    %add3A_4 = arith.addi %add3A_1, %mul3A_3 : i32
    %lt3A = arith.constant 17 : i32
    %lt3A_5 = arith.cmpi slt, %add3A_4, %lt3A : i32
    %jit3A = arith.constant 20 : i32
    %jit3A_6 = arith.constant 19 : i32
    %select_n3A = arith.select %lt3A_5, %jit3A, %jit3A_6 : i32
    %lt3A_7 = arith.constant 17 : i32
    %lt3A_8 = arith.cmpi slt, %add3A_4, %lt3A_7 : i32
    %mul3A_9 = arith.muli %add3A_4, %select_n3A : i32
    %mul3A_10 = arith.constant 19 : i32
    %mul3A_11 = arith.muli %add3A_4, %mul3A_10 : i32
    %add3A_12 = arith.constant 17 : i32
    %add3A_13 = arith.addi %mul3A_11, %add3A_12 : i32
    %select_n3A_14 = arith.select %lt3A_8, %mul3A_9, %add3A_13 : i32
    %mul3A_15 = arith.constant 1 : i32
    %mul3A_16 = arith.muli %mul3A_15, %select_n3A : i32
    "tpu.region"() ({
      %run_scoped3A = memref.alloca() : memref<2x1x256xi32, #tpu.memory_space<vmem>>
      %run_scoped3A_17 = tpu.sem_alloc : memref<2x!tpu.dma_semaphore, #tpu.memory_space<semaphore_mem>>
      %run_scoped3A_18 = memref.alloca() : memref<2x256x32xf32, #tpu.memory_space<vmem>>
      %run_scoped3A_19 = tpu.sem_alloc : memref<2x!tpu.dma_semaphore, #tpu.memory_space<semaphore_mem>>
      %gt3A = arith.constant 0 : i32
      %gt3A_20 = arith.cmpi sgt, %mul3A_16, %gt3A : i32
      %convert_element_type3A = arith.extui %gt3A_20 : i1 to i32
      %cond3A = arith.constant 0 : i32
      %cond3A_21 = arith.cmpi ne, %convert_element_type3A, %cond3A : i32
      scf.if %cond3A_21 {
        %mul3A_22 = arith.constant 1 : i32
        %mul3A_23 = arith.muli %mul3A_22, %select_n3A : i32
        %sub3A = arith.constant 1 : i32
        %sub3A_24 = arith.subi %mul3A_23, %sub3A : i32
        %eq3A = arith.constant 0 : i32
        %eq3A_25 = arith.cmpi eq, %sub3A_24, %eq3A : i32
        %add3A_26 = arith.constant 0 : i32
        %add3A_27 = arith.addi %add3A_26, %select_n3A_14 : i32
        %select_n3A_28 = arith.constant true
        %select_n3A_29 = arith.constant 0 : i32
        %select_n3A_30 = arith.constant -1 : i32
        %select_n3A_31 = arith.select %select_n3A_28, %select_n3A_30, %select_n3A_29 : i32
        %eq3A_32 = arith.constant -1 : i32
        %eq3A_33 = arith.cmpi eq, %select_n3A_31, %eq3A_32 : i32
        %sub3A_34 = arith.constant 1 : i32
        %sub3A_35 = arith.subi %select_n3A, %sub3A_34 : i32
        %select_n3A_36 = arith.select %eq3A_33, %sub3A_35, %select_n3A_31 : i32
        %add3A_37 = arith.addi %select_n3A_36, %select_n3A_14 : i32
        %select_n3A_38 = arith.constant true
        %select_n3A_39 = arith.constant 0 : i32
        %select_n3A_40 = arith.constant 1 : i32
        %select_n3A_41 = arith.select %select_n3A_38, %select_n3A_40, %select_n3A_39 : i32
        %eq3A_42 = arith.cmpi eq, %select_n3A_41, %select_n3A : i32
        %select_n3A_43 = arith.constant 0 : i32
        %select_n3A_44 = arith.select %eq3A_42, %select_n3A_43, %select_n3A_41 : i32
        %add3A_45 = arith.addi %select_n3A_44, %select_n3A_14 : i32
        %add3A_46 = arith.constant 1 : i32
        %add3A_47 = arith.addi %select_n3A_44, %add3A_46 : i32
        %select_n3A_48 = arith.constant true
        %select_n3A_49 = arith.select %select_n3A_48, %add3A_47, %select_n3A_44 : i32
        %eq3A_50 = arith.cmpi eq, %select_n3A_49, %select_n3A : i32
        %select_n3A_51 = arith.constant 0 : i32
        %select_n3A_52 = arith.select %eq3A_50, %select_n3A_51, %select_n3A_49 : i32
        %add3A_53 = arith.addi %select_n3A_52, %select_n3A_14 : i32
        "tpu.trace_start"() <{level = 10 : i32, message = "ep_initialize_0"}> : () -> ()
        %rem3A = arith.constant 0 : i32
        %rem3A_54 = arith.constant 2 : i32
        %rem3A_55 = arith.remui %rem3A, %rem3A_54 : i32
        %mul3A_56 = arith.constant 256 : i32
        %mul3A_57 = arith.muli %mul3A_56, %add3A_27 : i32
        %dma_start3A = arith.constant 0 : i32
        %dma_start3A_58 = arith.constant 0 : i32
        %dma_start3A_59 = tpu.memref_slice %run_scoped3A[%rem3A_55, %dma_start3A, %dma_start3A_58] : memref<2x1x256xi32, #tpu.memory_space<vmem>> -> memref<1x1x256xi32, #tpu.memory_space<vmem>>
        %dma_start3A_60 = tpu.memref_squeeze %dma_start3A_59 : memref<1x1x256xi32, #tpu.memory_space<vmem>> -> memref<1x256xi32, #tpu.memory_space<vmem>>
        %dma_start3A_61 = arith.constant 0 : i32
        %dma_start3A_62 = tpu.memref_slice %arg3[%dma_start3A_61, %mul3A_57] : memref<1x160000xi32, #tpu.memory_space<hbm>> -> memref<1x256xi32, #tpu.memory_space<hbm>>
        %dma_start3A_63 = tpu.memref_slice %run_scoped3A_17[%rem3A_55] : memref<2x!tpu.dma_semaphore, #tpu.memory_space<semaphore_mem>> -> memref<1x!tpu.dma_semaphore, #tpu.memory_space<semaphore_mem>>
        %dma_start3A_64 = tpu.memref_squeeze %dma_start3A_63 : memref<1x!tpu.dma_semaphore, #tpu.memory_space<semaphore_mem>> -> memref<!tpu.dma_semaphore, #tpu.memory_space<semaphore_mem>>
        %dma_start3A_65 = arith.constant 0 : i32
        %dma_start3A_66 = arith.constant 0 : i32
        %dma_start3A_67 = tpu.memref_slice %run_scoped3A[%rem3A_55, %dma_start3A_65, %dma_start3A_66] : memref<2x1x256xi32, #tpu.memory_space<vmem>> -> memref<1x1x256xi32, #tpu.memory_space<vmem>>
        %dma_start3A_68 = tpu.memref_squeeze %dma_start3A_67 : memref<1x1x256xi32, #tpu.memory_space<vmem>> -> memref<1x256xi32, #tpu.memory_space<vmem>>
        %dma_start3A_69 = arith.constant 0 : i32
        %dma_start3A_70 = tpu.memref_slice %arg3[%dma_start3A_69, %mul3A_57] : memref<1x160000xi32, #tpu.memory_space<hbm>> -> memref<1x256xi32, #tpu.memory_space<hbm>>
        tpu.enqueue_dma source(%dma_start3A_70 : memref<1x256xi32, #tpu.memory_space<hbm>>) target(%dma_start3A_68 : memref<1x256xi32, #tpu.memory_space<vmem>>) target_semaphore(%dma_start3A_64 : memref<!tpu.dma_semaphore, #tpu.memory_space<semaphore_mem>>)
        %add3A_71 = arith.constant 0 : i32
        %add3A_72 = arith.constant 1 : i32
        %add3A_73 = arith.addi %add3A_71, %add3A_72 : i32
        %select_n3A_74 = arith.constant true
        %select_n3A_75 = arith.constant 0 : i32
        %select_n3A_76 = arith.select %select_n3A_74, %add3A_73, %select_n3A_75 : i32
        %while3A = arith.constant 0 : i32
        %while3A_77 = arith.constant 0 : i32
        %while3A_78 = arith.constant 0 : i32
        %while3A_79 = arith.constant 0 : i32
        %while3A_80 = arith.constant 0 : i32
        "tpu.trace_stop"() : () -> ()
        %while3A_81 = arith.subi %mul3A_16, %while3A : i32
        %while3A_82 = arith.addi %while3A, %while3A_81 : i32
        %while3A_83 = arith.constant 1 : i32
        %while3A_84 = arith.divsi %while3A_81, %while3A_83 : i32
        %while3A_85 = arith.muli %while3A_84, %while3A_83 : i32
        %while3A_86 = arith.addi %while3A, %while3A_85 : i32
        %while3A_87 = arith.constant 1 : i32
        %while3A_88:5 = scf.for %while3A_142 = %while3A to %while3A_86 step %while3A_87 iter_args(%while3A_143 = %select_n3A_76, %while3A_144 = %while3A_77, %while3A_145 = %while3A_78, %while3A_146 = %while3A_79, %while3A_147 = %while3A_80) -> (i32, i32, i32, i32, i32)  : i32 {
          %mul3A_148 = arith.constant 1 : i32
          %mul3A_149 = arith.muli %mul3A_148, %select_n3A : i32
          %eq3A_150 = arith.constant 0 : i32
          %eq3A_151 = arith.cmpi eq, %while3A_142, %eq3A_150 : i32
          %sub3A_152 = arith.constant 1 : i32
          %sub3A_153 = arith.subi %mul3A_149, %sub3A_152 : i32
          %eq3A_154 = arith.cmpi eq, %while3A_142, %sub3A_153 : i32
          %add3A_155 = arith.addi %while3A_147, %select_n3A_14 : i32
          %sub3A_156 = arith.constant 1 : i32
          %sub3A_157 = arith.subi %while3A_147, %sub3A_156 : i32
          %select_n3A_158 = arith.constant true
          %select_n3A_159 = arith.select %select_n3A_158, %sub3A_157, %while3A_147 : i32
          %eq3A_160 = arith.constant -1 : i32
          %eq3A_161 = arith.cmpi eq, %select_n3A_159, %eq3A_160 : i32
          %sub3A_162 = arith.constant 1 : i32
          %sub3A_163 = arith.subi %select_n3A, %sub3A_162 : i32
          %select_n3A_164 = arith.select %eq3A_161, %sub3A_163, %select_n3A_159 : i32
          %add3A_165 = arith.addi %select_n3A_164, %select_n3A_14 : i32
          %add3A_166 = arith.constant 1 : i32
          %add3A_167 = arith.addi %while3A_147, %add3A_166 : i32
          %select_n3A_168 = arith.constant true
          %select_n3A_169 = arith.select %select_n3A_168, %add3A_167, %while3A_147 : i32
          %eq3A_170 = arith.cmpi eq, %select_n3A_169, %select_n3A : i32
          %select_n3A_171 = arith.constant 0 : i32
          %select_n3A_172 = arith.select %eq3A_170, %select_n3A_171, %select_n3A_169 : i32
          %add3A_173 = arith.addi %select_n3A_172, %select_n3A_14 : i32
          %add3A_174 = arith.constant 1 : i32
          %add3A_175 = arith.addi %select_n3A_172, %add3A_174 : i32
          %select_n3A_176 = arith.constant true
          %select_n3A_177 = arith.select %select_n3A_176, %add3A_175, %select_n3A_172 : i32
          %eq3A_178 = arith.cmpi eq, %select_n3A_177, %select_n3A : i32
          %select_n3A_179 = arith.constant 0 : i32
          %select_n3A_180 = arith.select %eq3A_178, %select_n3A_179, %select_n3A_177 : i32
          %add3A_181 = arith.addi %select_n3A_180, %select_n3A_14 : i32
          %ne3A = arith.cmpi ne, %add3A_155, %add3A_173 : i32
          %or3A = arith.constant false
          %or3A_182 = arith.ori %or3A, %ne3A : i1
          %sub3A_183 = arith.constant 2 : i32
          %sub3A_184 = arith.subi %mul3A_149, %sub3A_183 : i32
          %add3A_185 = arith.constant 1 : i32
          %add3A_186 = arith.addi %sub3A_184, %add3A_185 : i32
          %ge3A = arith.cmpi sge, %while3A_142, %add3A_186 : i32
          %not3A = arith.constant true
          %not3A_187 = arith.xori %ge3A, %not3A : i1
          %and3A = arith.andi %or3A_182, %not3A_187 : i1
          %convert_element_type3A_188 = arith.extui %and3A : i1 to i32
          %cond3A_189 = arith.constant 0 : i32
          %cond3A_190 = arith.cmpi ne, %convert_element_type3A_188, %cond3A_189 : i32
          scf.if %cond3A_190 {
            "tpu.trace_start"() <{level = 10 : i32, message = "ep_copy_in"}> : () -> ()
            %rem3A_294 = arith.constant 2 : i32
            %rem3A_295 = arith.remui %while3A_143, %rem3A_294 : i32
            %mul3A_296 = arith.constant 256 : i32
            %mul3A_297 = arith.muli %mul3A_296, %add3A_173 : i32
            %dma_start3A_298 = arith.constant 0 : i32
            %dma_start3A_299 = arith.constant 0 : i32
            %dma_start3A_300 = tpu.memref_slice %run_scoped3A[%rem3A_295, %dma_start3A_298, %dma_start3A_299] : memref<2x1x256xi32, #tpu.memory_space<vmem>> -> memref<1x1x256xi32, #tpu.memory_space<vmem>>
            %dma_start3A_301 = tpu.memref_squeeze %dma_start3A_300 : memref<1x1x256xi32, #tpu.memory_space<vmem>> -> memref<1x256xi32, #tpu.memory_space<vmem>>
            %dma_start3A_302 = arith.constant 0 : i32
            %dma_start3A_303 = tpu.memref_slice %arg3[%dma_start3A_302, %mul3A_297] : memref<1x160000xi32, #tpu.memory_space<hbm>> -> memref<1x256xi32, #tpu.memory_space<hbm>>
            %dma_start3A_304 = tpu.memref_slice %run_scoped3A_17[%rem3A_295] : memref<2x!tpu.dma_semaphore, #tpu.memory_space<semaphore_mem>> -> memref<1x!tpu.dma_semaphore, #tpu.memory_space<semaphore_mem>>
            %dma_start3A_305 = tpu.memref_squeeze %dma_start3A_304 : memref<1x!tpu.dma_semaphore, #tpu.memory_space<semaphore_mem>> -> memref<!tpu.dma_semaphore, #tpu.memory_space<semaphore_mem>>
            %dma_start3A_306 = arith.constant 0 : i32
            %dma_start3A_307 = arith.constant 0 : i32
            %dma_start3A_308 = tpu.memref_slice %run_scoped3A[%rem3A_295, %dma_start3A_306, %dma_start3A_307] : memref<2x1x256xi32, #tpu.memory_space<vmem>> -> memref<1x1x256xi32, #tpu.memory_space<vmem>>
            %dma_start3A_309 = tpu.memref_squeeze %dma_start3A_308 : memref<1x1x256xi32, #tpu.memory_space<vmem>> -> memref<1x256xi32, #tpu.memory_space<vmem>>
            %dma_start3A_310 = arith.constant 0 : i32
            %dma_start3A_311 = tpu.memref_slice %arg3[%dma_start3A_310, %mul3A_297] : memref<1x160000xi32, #tpu.memory_space<hbm>> -> memref<1x256xi32, #tpu.memory_space<hbm>>
            tpu.enqueue_dma source(%dma_start3A_311 : memref<1x256xi32, #tpu.memory_space<hbm>>) target(%dma_start3A_309 : memref<1x256xi32, #tpu.memory_space<vmem>>) target_semaphore(%dma_start3A_305 : memref<!tpu.dma_semaphore, #tpu.memory_space<semaphore_mem>>)
            "tpu.trace_stop"() : () -> ()
          } else {
          }
          %and3A_191 = arith.constant true
          %and3A_192 = arith.andi %and3A, %and3A_191 : i1
          %add3A_193 = arith.constant 1 : i32
          %add3A_194 = arith.addi %while3A_143, %add3A_193 : i32
          %select_n3A_195 = arith.select %and3A_192, %add3A_194, %while3A_143 : i32
          %ne3A_196 = arith.cmpi ne, %add3A_155, %add3A_173 : i32
          %or3A_197 = arith.constant false
          %or3A_198 = arith.ori %or3A_197, %ne3A_196 : i1
          %or3A_199 = arith.constant false
          %or3A_200 = arith.ori %or3A_198, %or3A_199 : i1
          %sub3A_201 = arith.constant 2 : i32
          %sub3A_202 = arith.subi %mul3A_149, %sub3A_201 : i32
          %add3A_203 = arith.constant 1 : i32
          %add3A_204 = arith.addi %sub3A_202, %add3A_203 : i32
          %ge3A_205 = arith.cmpi sge, %while3A_142, %add3A_204 : i32
          %not3A_206 = arith.constant true
          %not3A_207 = arith.xori %ge3A_205, %not3A_206 : i1
          %and3A_208 = arith.andi %or3A_200, %not3A_207 : i1
          %ne3A_209 = arith.cmpi ne, %add3A_155, %add3A_165 : i32
          %or3A_210 = arith.constant false
          %or3A_211 = arith.ori %or3A_210, %ne3A_209 : i1
          %or3A_212 = arith.ori %or3A_211, %eq3A_151 : i1
          %convert_element_type3A_213 = arith.extui %or3A_212 : i1 to i32
          %cond3A_214 = arith.constant 0 : i32
          %cond3A_215 = arith.cmpi ne, %convert_element_type3A_213, %cond3A_214 : i32
          scf.if %cond3A_215 {
            "tpu.trace_start"() <{level = 10 : i32, message = "ep_wait_in"}> : () -> ()
            %mul3A_294 = arith.constant 256 : i32
            %mul3A_295 = arith.muli %mul3A_294, %add3A_155 : i32
            %rem3A_296 = arith.constant 2 : i32
            %rem3A_297 = arith.remui %while3A_144, %rem3A_296 : i32
            %dma_wait3A = arith.constant 0 : i32
            %dma_wait3A_298 = arith.constant 0 : i32
            %dma_wait3A_299 = tpu.memref_slice %run_scoped3A[%rem3A_297, %dma_wait3A, %dma_wait3A_298] : memref<2x1x256xi32, #tpu.memory_space<vmem>> -> memref<1x1x256xi32, #tpu.memory_space<vmem>>
            %dma_wait3A_300 = tpu.memref_squeeze %dma_wait3A_299 : memref<1x1x256xi32, #tpu.memory_space<vmem>> -> memref<1x256xi32, #tpu.memory_space<vmem>>
            %dma_wait3A_301 = arith.constant 0 : i32
            %dma_wait3A_302 = tpu.memref_slice %arg3[%dma_wait3A_301, %mul3A_295] : memref<1x160000xi32, #tpu.memory_space<hbm>> -> memref<1x256xi32, #tpu.memory_space<hbm>>
            %dma_wait3A_303 = tpu.memref_slice %run_scoped3A_17[%rem3A_297] : memref<2x!tpu.dma_semaphore, #tpu.memory_space<semaphore_mem>> -> memref<1x!tpu.dma_semaphore, #tpu.memory_space<semaphore_mem>>
            %dma_wait3A_304 = tpu.memref_squeeze %dma_wait3A_303 : memref<1x!tpu.dma_semaphore, #tpu.memory_space<semaphore_mem>> -> memref<!tpu.dma_semaphore, #tpu.memory_space<semaphore_mem>>
            %dma_wait3A_305 = arith.constant 0 : i32
            %dma_wait3A_306 = arith.constant 0 : i32
            %dma_wait3A_307 = tpu.memref_slice %run_scoped3A[%rem3A_297, %dma_wait3A_305, %dma_wait3A_306] : memref<2x1x256xi32, #tpu.memory_space<vmem>> -> memref<1x1x256xi32, #tpu.memory_space<vmem>>
            %dma_wait3A_308 = tpu.memref_squeeze %dma_wait3A_307 : memref<1x1x256xi32, #tpu.memory_space<vmem>> -> memref<1x256xi32, #tpu.memory_space<vmem>>
            %dma_wait3A_309 = arith.constant 0 : i32
            %dma_wait3A_310 = tpu.memref_slice %arg3[%dma_wait3A_309, %mul3A_295] : memref<1x160000xi32, #tpu.memory_space<hbm>> -> memref<1x256xi32, #tpu.memory_space<hbm>>
            tpu.wait_dma2 semaphore(%dma_wait3A_304 : memref<!tpu.dma_semaphore, #tpu.memory_space<semaphore_mem>>) src(%dma_wait3A_310 : memref<1x256xi32, #tpu.memory_space<hbm>>) dst(%dma_wait3A_308 : memref<1x256xi32, #tpu.memory_space<vmem>>)
            "tpu.trace_stop"() : () -> ()
          } else {
          }
          %ne3A_216 = arith.cmpi ne, %add3A_155, %add3A_165 : i32
          %or3A_217 = arith.constant false
          %or3A_218 = arith.ori %or3A_217, %ne3A_216 : i1
          %or3A_219 = arith.constant false
          %or3A_220 = arith.ori %or3A_218, %or3A_219 : i1
          %or3A_221 = arith.ori %or3A_220, %eq3A_151 : i1
          %convert_element_type3A_222 = arith.extui %or3A_221 : i1 to i32
          %cond3A_223 = arith.constant 0 : i32
          %cond3A_224 = arith.cmpi ne, %convert_element_type3A_222, %cond3A_223 : i32
          scf.if %cond3A_224 {
          } else {
          }
          %rem3A_225 = arith.constant 2 : i32
          %rem3A_226 = arith.remui %while3A_144, %rem3A_225 : i32
          %rem3A_227 = arith.constant 2 : i32
          %rem3A_228 = arith.remui %while3A_145, %rem3A_227 : i32
          %run_scoped3A_229 = arith.constant 0 : i32
          "tpu.trace_start"() <{level = 10 : i32, message = "ep_run_kernel"}> : () -> ()
          "tpu.region"() ({
            %run_scoped3A_294 = tpu.sem_alloc : memref<!tpu.dma_semaphore, #tpu.memory_space<semaphore_mem>>
            %dma_start3A_295 = arith.constant 0 : i32
            %dma_start3A_296 = arith.constant 0 : i32
            %dma_start3A_297 = tpu.memref_slice %run_scoped3A_18[%rem3A_228, %dma_start3A_295, %dma_start3A_296] : memref<2x256x32xf32, #tpu.memory_space<vmem>> -> memref<1x256x32xf32, #tpu.memory_space<vmem>>
            %dma_start3A_298 = tpu.memref_squeeze %dma_start3A_297 : memref<1x256x32xf32, #tpu.memory_space<vmem>> -> memref<256x32xf32, #tpu.memory_space<vmem>>
            %dma_start3A_299 = arith.constant 0 : i32
            %dma_start3A_300 = arith.constant 0 : i32
            %dma_start3A_301 = tpu.memref_slice %run_scoped3A[%rem3A_226, %dma_start3A_299, %dma_start3A_300] : memref<2x1x256xi32, #tpu.memory_space<vmem>> -> memref<1x1x256xi32, #tpu.memory_space<vmem>>
            %dma_start3A_302 = tpu.memref_squeeze %dma_start3A_301 : memref<1x1x256xi32, #tpu.memory_space<vmem>> -> memref<1x256xi32, #tpu.memory_space<vmem>>
            %dma_start3A_303 = arith.constant 0 : i32
            %dma_start3A_304 = tpu.memref_slice %dma_start3A_302[%run_scoped3A_229, %dma_start3A_303] : memref<1x256xi32, #tpu.memory_space<vmem>> -> memref<1x256xi32, #tpu.memory_space<vmem>>
            %dma_start3A_305 = tpu.memref_squeeze %dma_start3A_304 : memref<1x256xi32, #tpu.memory_space<vmem>> -> memref<256xi32, #tpu.memory_space<vmem>>
            %dma_start3A_306 = arith.constant 0 : i32
            %dma_start3A_307 = arith.constant 0 : i32
            %dma_start3A_308 = tpu.memref_slice %arg2[%dma_start3A_306, %dma_start3A_307] : memref<10016x32xf32, #tpu.memory_space<hbm>> -> memref<10016x32xf32, #tpu.memory_space<hbm>>
            tpu.enqueue_indirect_dma source(%dma_start3A_308 : memref<10016x32xf32, #tpu.memory_space<hbm>>) target(%dma_start3A_298 : memref<256x32xf32, #tpu.memory_space<vmem>>) offsets(%dma_start3A_305 : memref<256xi32, #tpu.memory_space<vmem>>) semaphore(%run_scoped3A_294 : memref<!tpu.dma_semaphore, #tpu.memory_space<semaphore_mem>>)
            %dma_wait3A = arith.constant 0 : i32
            %dma_wait3A_309 = arith.constant 0 : i32
            %dma_wait3A_310 = tpu.memref_slice %run_scoped3A_18[%rem3A_228, %dma_wait3A, %dma_wait3A_309] : memref<2x256x32xf32, #tpu.memory_space<vmem>> -> memref<1x256x32xf32, #tpu.memory_space<vmem>>
            %dma_wait3A_311 = tpu.memref_squeeze %dma_wait3A_310 : memref<1x256x32xf32, #tpu.memory_space<vmem>> -> memref<256x32xf32, #tpu.memory_space<vmem>>
            %dma_wait3A_312 = arith.constant 0 : i32
            %dma_wait3A_313 = arith.constant 0 : i32
            %dma_wait3A_314 = tpu.memref_slice %run_scoped3A[%rem3A_226, %dma_wait3A_312, %dma_wait3A_313] : memref<2x1x256xi32, #tpu.memory_space<vmem>> -> memref<1x1x256xi32, #tpu.memory_space<vmem>>
            %dma_wait3A_315 = tpu.memref_squeeze %dma_wait3A_314 : memref<1x1x256xi32, #tpu.memory_space<vmem>> -> memref<1x256xi32, #tpu.memory_space<vmem>>
            %dma_wait3A_316 = arith.constant 0 : i32
            %dma_wait3A_317 = tpu.memref_slice %dma_wait3A_315[%run_scoped3A_229, %dma_wait3A_316] : memref<1x256xi32, #tpu.memory_space<vmem>> -> memref<1x256xi32, #tpu.memory_space<vmem>>
            %dma_wait3A_318 = tpu.memref_squeeze %dma_wait3A_317 : memref<1x256xi32, #tpu.memory_space<vmem>> -> memref<256xi32, #tpu.memory_space<vmem>>
            %dma_wait3A_319 = arith.constant 0 : i32
            %dma_wait3A_320 = arith.constant 0 : i32
            %dma_wait3A_321 = tpu.memref_slice %arg2[%dma_wait3A_319, %dma_wait3A_320] : memref<10016x32xf32, #tpu.memory_space<hbm>> -> memref<10016x32xf32, #tpu.memory_space<hbm>>
            tpu.wait_indirect_dma semaphore(%run_scoped3A_294 : memref<!tpu.dma_semaphore, #tpu.memory_space<semaphore_mem>>) src(%dma_wait3A_321 : memref<10016x32xf32, #tpu.memory_space<hbm>>) dst(%dma_wait3A_311 : memref<256x32xf32, #tpu.memory_space<vmem>>)
            tpu.yield
          }) : () -> ()
          "tpu.trace_stop"() : () -> ()
          %ne3A_230 = arith.cmpi ne, %add3A_155, %add3A_173 : i32
          %or3A_231 = arith.constant false
          %or3A_232 = arith.ori %or3A_231, %ne3A_230 : i1
          %or3A_233 = arith.ori %or3A_232, %eq3A_154 : i1
          %convert_element_type3A_234 = arith.extui %or3A_233 : i1 to i32
          %cond3A_235 = arith.constant 0 : i32
          %cond3A_236 = arith.cmpi ne, %convert_element_type3A_234, %cond3A_235 : i32
          scf.if %cond3A_236 {
          } else {
          }
          %and3A_237 = arith.constant false
          %and3A_238 = arith.andi %or3A_233, %and3A_237 : i1
          %ne3A_239 = arith.cmpi ne, %add3A_155, %add3A_173 : i32
          %or3A_240 = arith.constant false
          %or3A_241 = arith.ori %or3A_240, %ne3A_239 : i1
          %or3A_242 = arith.constant false
          %or3A_243 = arith.ori %or3A_241, %or3A_242 : i1
          %or3A_244 = arith.ori %or3A_243, %eq3A_154 : i1
          %convert_element_type3A_245 = arith.extui %or3A_244 : i1 to i32
          %cond3A_246 = arith.constant 0 : i32
          %cond3A_247 = arith.cmpi ne, %convert_element_type3A_245, %cond3A_246 : i32
          scf.if %cond3A_247 {
            "tpu.trace_start"() <{level = 10 : i32, message = "ep_copy_out"}> : () -> ()
            %rem3A_294 = arith.constant 2 : i32
            %rem3A_295 = arith.remui %while3A_145, %rem3A_294 : i32
            %mul3A_296 = arith.constant 256 : i32
            %mul3A_297 = arith.muli %mul3A_296, %add3A_155 : i32
            %dma_start3A_298 = arith.constant 0 : i32
            %dma_start3A_299 = arith.constant 0 : i32
            %dma_start3A_300 = tpu.memref_slice %run_scoped3A_18[%rem3A_295, %dma_start3A_298, %dma_start3A_299] : memref<2x256x32xf32, #tpu.memory_space<vmem>> -> memref<1x256x32xf32, #tpu.memory_space<vmem>>
            %dma_start3A_301 = tpu.memref_squeeze %dma_start3A_300 : memref<1x256x32xf32, #tpu.memory_space<vmem>> -> memref<256x32xf32, #tpu.memory_space<vmem>>
            %dma_start3A_302 = arith.constant 0 : i32
            %dma_start3A_303 = tpu.memref_slice %arg4[%mul3A_297, %dma_start3A_302] : memref<160000x32xf32, #tpu.memory_space<hbm>> -> memref<256x32xf32, #tpu.memory_space<hbm>>
            %dma_start3A_304 = tpu.memref_slice %run_scoped3A_19[%rem3A_295] : memref<2x!tpu.dma_semaphore, #tpu.memory_space<semaphore_mem>> -> memref<1x!tpu.dma_semaphore, #tpu.memory_space<semaphore_mem>>
            %dma_start3A_305 = tpu.memref_squeeze %dma_start3A_304 : memref<1x!tpu.dma_semaphore, #tpu.memory_space<semaphore_mem>> -> memref<!tpu.dma_semaphore, #tpu.memory_space<semaphore_mem>>
            %dma_start3A_306 = arith.constant 0 : i32
            %dma_start3A_307 = tpu.memref_slice %arg4[%mul3A_297, %dma_start3A_306] : memref<160000x32xf32, #tpu.memory_space<hbm>> -> memref<256x32xf32, #tpu.memory_space<hbm>>
            %dma_start3A_308 = arith.constant 0 : i32
            %dma_start3A_309 = arith.constant 0 : i32
            %dma_start3A_310 = tpu.memref_slice %run_scoped3A_18[%rem3A_295, %dma_start3A_308, %dma_start3A_309] : memref<2x256x32xf32, #tpu.memory_space<vmem>> -> memref<1x256x32xf32, #tpu.memory_space<vmem>>
            %dma_start3A_311 = tpu.memref_squeeze %dma_start3A_310 : memref<1x256x32xf32, #tpu.memory_space<vmem>> -> memref<256x32xf32, #tpu.memory_space<vmem>>
            tpu.enqueue_dma source(%dma_start3A_311 : memref<256x32xf32, #tpu.memory_space<vmem>>) target(%dma_start3A_307 : memref<256x32xf32, #tpu.memory_space<hbm>>) target_semaphore(%dma_start3A_305 : memref<!tpu.dma_semaphore, #tpu.memory_space<semaphore_mem>>)
            "tpu.trace_stop"() : () -> ()
          } else {
          }
          %and3A_248 = arith.constant true
          %and3A_249 = arith.andi %or3A_244, %and3A_248 : i1
          %add3A_250 = arith.constant 1 : i32
          %add3A_251 = arith.addi %while3A_145, %add3A_250 : i32
          %select_n3A_252 = arith.select %and3A_249, %add3A_251, %while3A_145 : i32
          %ne3A_253 = arith.cmpi ne, %add3A_155, %add3A_165 : i32
          %or3A_254 = arith.constant false
          %or3A_255 = arith.ori %or3A_254, %ne3A_253 : i1
          %not3A_256 = arith.constant true
          %not3A_257 = arith.xori %eq3A_151, %not3A_256 : i1
          %and3A_258 = arith.andi %or3A_255, %not3A_257 : i1
          %convert_element_type3A_259 = arith.extui %and3A_258 : i1 to i32
          %cond3A_260 = arith.constant 0 : i32
          %cond3A_261 = arith.cmpi ne, %convert_element_type3A_259, %cond3A_260 : i32
          scf.if %cond3A_261 {
          } else {
          }
          %and3A_262 = arith.constant false
          %and3A_263 = arith.andi %and3A_258, %and3A_262 : i1
          %ne3A_264 = arith.cmpi ne, %add3A_155, %add3A_165 : i32
          %or3A_265 = arith.constant false
          %or3A_266 = arith.ori %or3A_265, %ne3A_264 : i1
          %or3A_267 = arith.constant false
          %or3A_268 = arith.ori %or3A_266, %or3A_267 : i1
          %not3A_269 = arith.constant true
          %not3A_270 = arith.xori %eq3A_151, %not3A_269 : i1
          %and3A_271 = arith.andi %or3A_268, %not3A_270 : i1
          %convert_element_type3A_272 = arith.extui %and3A_271 : i1 to i32
          %cond3A_273 = arith.constant 0 : i32
          %cond3A_274 = arith.cmpi ne, %convert_element_type3A_272, %cond3A_273 : i32
          scf.if %cond3A_274 {
            "tpu.trace_start"() <{level = 10 : i32, message = "ep_wait_out"}> : () -> ()
            %rem3A_294 = arith.constant 2 : i32
            %rem3A_295 = arith.remui %while3A_146, %rem3A_294 : i32
            %mul3A_296 = arith.constant 256 : i32
            %mul3A_297 = arith.muli %mul3A_296, %add3A_165 : i32
            %dma_wait3A = arith.constant 0 : i32
            %dma_wait3A_298 = arith.constant 0 : i32
            %dma_wait3A_299 = tpu.memref_slice %run_scoped3A_18[%rem3A_295, %dma_wait3A, %dma_wait3A_298] : memref<2x256x32xf32, #tpu.memory_space<vmem>> -> memref<1x256x32xf32, #tpu.memory_space<vmem>>
            %dma_wait3A_300 = tpu.memref_squeeze %dma_wait3A_299 : memref<1x256x32xf32, #tpu.memory_space<vmem>> -> memref<256x32xf32, #tpu.memory_space<vmem>>
            %dma_wait3A_301 = arith.constant 0 : i32
            %dma_wait3A_302 = tpu.memref_slice %arg4[%mul3A_297, %dma_wait3A_301] : memref<160000x32xf32, #tpu.memory_space<hbm>> -> memref<256x32xf32, #tpu.memory_space<hbm>>
            %dma_wait3A_303 = tpu.memref_slice %run_scoped3A_19[%rem3A_295] : memref<2x!tpu.dma_semaphore, #tpu.memory_space<semaphore_mem>> -> memref<1x!tpu.dma_semaphore, #tpu.memory_space<semaphore_mem>>
            %dma_wait3A_304 = tpu.memref_squeeze %dma_wait3A_303 : memref<1x!tpu.dma_semaphore, #tpu.memory_space<semaphore_mem>> -> memref<!tpu.dma_semaphore, #tpu.memory_space<semaphore_mem>>
            %dma_wait3A_305 = arith.constant 0 : i32
            %dma_wait3A_306 = tpu.memref_slice %arg4[%mul3A_297, %dma_wait3A_305] : memref<160000x32xf32, #tpu.memory_space<hbm>> -> memref<256x32xf32, #tpu.memory_space<hbm>>
            %dma_wait3A_307 = arith.constant 0 : i32
            %dma_wait3A_308 = arith.constant 0 : i32
            %dma_wait3A_309 = tpu.memref_slice %run_scoped3A_18[%rem3A_295, %dma_wait3A_307, %dma_wait3A_308] : memref<2x256x32xf32, #tpu.memory_space<vmem>> -> memref<1x256x32xf32, #tpu.memory_space<vmem>>
            %dma_wait3A_310 = tpu.memref_squeeze %dma_wait3A_309 : memref<1x256x32xf32, #tpu.memory_space<vmem>> -> memref<256x32xf32, #tpu.memory_space<vmem>>
            tpu.wait_dma2 semaphore(%dma_wait3A_304 : memref<!tpu.dma_semaphore, #tpu.memory_space<semaphore_mem>>) src(%dma_wait3A_310 : memref<256x32xf32, #tpu.memory_space<vmem>>) dst(%dma_wait3A_306 : memref<256x32xf32, #tpu.memory_space<hbm>>)
            "tpu.trace_stop"() : () -> ()
          } else {
          }
          %and3A_275 = arith.constant true
          %and3A_276 = arith.andi %and3A_271, %and3A_275 : i1
          %add3A_277 = arith.constant 1 : i32
          %add3A_278 = arith.addi %while3A_146, %add3A_277 : i32
          %select_n3A_279 = arith.select %and3A_276, %add3A_278, %while3A_146 : i32
          %ne3A_280 = arith.cmpi ne, %add3A_155, %add3A_173 : i32
          %or3A_281 = arith.constant false
          %or3A_282 = arith.ori %or3A_281, %ne3A_280 : i1
          %or3A_283 = arith.ori %or3A_282, %eq3A_154 : i1
          %add3A_284 = arith.constant 1 : i32
          %add3A_285 = arith.addi %while3A_144, %add3A_284 : i32
          %select_n3A_286 = arith.select %or3A_283, %add3A_285, %while3A_144 : i32
          %add3A_287 = arith.constant 1 : i32
          %add3A_288 = arith.addi %while3A_147, %add3A_287 : i32
          %select_n3A_289 = arith.constant true
          %select_n3A_290 = arith.select %select_n3A_289, %add3A_288, %while3A_147 : i32
          %eq3A_291 = arith.cmpi eq, %select_n3A_290, %select_n3A : i32
          %select_n3A_292 = arith.constant 0 : i32
          %select_n3A_293 = arith.select %eq3A_291, %select_n3A_292, %select_n3A_290 : i32
          scf.yield %select_n3A_195, %select_n3A_286, %select_n3A_252, %select_n3A_279, %select_n3A_293 : i32, i32, i32, i32, i32
        }
        %while3A_89 = arith.constant 1 : i32
        %while3A_90:5 = scf.for %while3A_142 = %while3A_86 to %while3A_82 step %while3A_89 iter_args(%while3A_143 = %while3A_88#0, %while3A_144 = %while3A_88#1, %while3A_145 = %while3A_88#2, %while3A_146 = %while3A_88#3, %while3A_147 = %while3A_88#4) -> (i32, i32, i32, i32, i32)  : i32 {
          %mul3A_148 = arith.constant 1 : i32
          %mul3A_149 = arith.muli %mul3A_148, %select_n3A : i32
          %eq3A_150 = arith.constant 0 : i32
          %eq3A_151 = arith.cmpi eq, %while3A_142, %eq3A_150 : i32
          %sub3A_152 = arith.constant 1 : i32
          %sub3A_153 = arith.subi %mul3A_149, %sub3A_152 : i32
          %eq3A_154 = arith.cmpi eq, %while3A_142, %sub3A_153 : i32
          %add3A_155 = arith.addi %while3A_147, %select_n3A_14 : i32
          %sub3A_156 = arith.constant 1 : i32
          %sub3A_157 = arith.subi %while3A_147, %sub3A_156 : i32
          %select_n3A_158 = arith.constant true
          %select_n3A_159 = arith.select %select_n3A_158, %sub3A_157, %while3A_147 : i32
          %eq3A_160 = arith.constant -1 : i32
          %eq3A_161 = arith.cmpi eq, %select_n3A_159, %eq3A_160 : i32
          %sub3A_162 = arith.constant 1 : i32
          %sub3A_163 = arith.subi %select_n3A, %sub3A_162 : i32
          %select_n3A_164 = arith.select %eq3A_161, %sub3A_163, %select_n3A_159 : i32
          %add3A_165 = arith.addi %select_n3A_164, %select_n3A_14 : i32
          %add3A_166 = arith.constant 1 : i32
          %add3A_167 = arith.addi %while3A_147, %add3A_166 : i32
          %select_n3A_168 = arith.constant true
          %select_n3A_169 = arith.select %select_n3A_168, %add3A_167, %while3A_147 : i32
          %eq3A_170 = arith.cmpi eq, %select_n3A_169, %select_n3A : i32
          %select_n3A_171 = arith.constant 0 : i32
          %select_n3A_172 = arith.select %eq3A_170, %select_n3A_171, %select_n3A_169 : i32
          %add3A_173 = arith.addi %select_n3A_172, %select_n3A_14 : i32
          %add3A_174 = arith.constant 1 : i32
          %add3A_175 = arith.addi %select_n3A_172, %add3A_174 : i32
          %select_n3A_176 = arith.constant true
          %select_n3A_177 = arith.select %select_n3A_176, %add3A_175, %select_n3A_172 : i32
          %eq3A_178 = arith.cmpi eq, %select_n3A_177, %select_n3A : i32
          %select_n3A_179 = arith.constant 0 : i32
          %select_n3A_180 = arith.select %eq3A_178, %select_n3A_179, %select_n3A_177 : i32
          %add3A_181 = arith.addi %select_n3A_180, %select_n3A_14 : i32
          %ne3A = arith.cmpi ne, %add3A_155, %add3A_173 : i32
          %or3A = arith.constant false
          %or3A_182 = arith.ori %or3A, %ne3A : i1
          %sub3A_183 = arith.constant 2 : i32
          %sub3A_184 = arith.subi %mul3A_149, %sub3A_183 : i32
          %add3A_185 = arith.constant 1 : i32
          %add3A_186 = arith.addi %sub3A_184, %add3A_185 : i32
          %ge3A = arith.cmpi sge, %while3A_142, %add3A_186 : i32
          %not3A = arith.constant true
          %not3A_187 = arith.xori %ge3A, %not3A : i1
          %and3A = arith.andi %or3A_182, %not3A_187 : i1
          %convert_element_type3A_188 = arith.extui %and3A : i1 to i32
          %cond3A_189 = arith.constant 0 : i32
          %cond3A_190 = arith.cmpi ne, %convert_element_type3A_188, %cond3A_189 : i32
          scf.if %cond3A_190 {
            "tpu.trace_start"() <{level = 10 : i32, message = "ep_copy_in"}> : () -> ()
            %rem3A_294 = arith.constant 2 : i32
            %rem3A_295 = arith.remui %while3A_143, %rem3A_294 : i32
            %mul3A_296 = arith.constant 256 : i32
            %mul3A_297 = arith.muli %mul3A_296, %add3A_173 : i32
            %dma_start3A_298 = arith.constant 0 : i32
            %dma_start3A_299 = arith.constant 0 : i32
            %dma_start3A_300 = tpu.memref_slice %run_scoped3A[%rem3A_295, %dma_start3A_298, %dma_start3A_299] : memref<2x1x256xi32, #tpu.memory_space<vmem>> -> memref<1x1x256xi32, #tpu.memory_space<vmem>>
            %dma_start3A_301 = tpu.memref_squeeze %dma_start3A_300 : memref<1x1x256xi32, #tpu.memory_space<vmem>> -> memref<1x256xi32, #tpu.memory_space<vmem>>
            %dma_start3A_302 = arith.constant 0 : i32
            %dma_start3A_303 = tpu.memref_slice %arg3[%dma_start3A_302, %mul3A_297] : memref<1x160000xi32, #tpu.memory_space<hbm>> -> memref<1x256xi32, #tpu.memory_space<hbm>>
            %dma_start3A_304 = tpu.memref_slice %run_scoped3A_17[%rem3A_295] : memref<2x!tpu.dma_semaphore, #tpu.memory_space<semaphore_mem>> -> memref<1x!tpu.dma_semaphore, #tpu.memory_space<semaphore_mem>>
            %dma_start3A_305 = tpu.memref_squeeze %dma_start3A_304 : memref<1x!tpu.dma_semaphore, #tpu.memory_space<semaphore_mem>> -> memref<!tpu.dma_semaphore, #tpu.memory_space<semaphore_mem>>
            %dma_start3A_306 = arith.constant 0 : i32
            %dma_start3A_307 = arith.constant 0 : i32
            %dma_start3A_308 = tpu.memref_slice %run_scoped3A[%rem3A_295, %dma_start3A_306, %dma_start3A_307] : memref<2x1x256xi32, #tpu.memory_space<vmem>> -> memref<1x1x256xi32, #tpu.memory_space<vmem>>
            %dma_start3A_309 = tpu.memref_squeeze %dma_start3A_308 : memref<1x1x256xi32, #tpu.memory_space<vmem>> -> memref<1x256xi32, #tpu.memory_space<vmem>>
            %dma_start3A_310 = arith.constant 0 : i32
            %dma_start3A_311 = tpu.memref_slice %arg3[%dma_start3A_310, %mul3A_297] : memref<1x160000xi32, #tpu.memory_space<hbm>> -> memref<1x256xi32, #tpu.memory_space<hbm>>
            tpu.enqueue_dma source(%dma_start3A_311 : memref<1x256xi32, #tpu.memory_space<hbm>>) target(%dma_start3A_309 : memref<1x256xi32, #tpu.memory_space<vmem>>) target_semaphore(%dma_start3A_305 : memref<!tpu.dma_semaphore, #tpu.memory_space<semaphore_mem>>)
            "tpu.trace_stop"() : () -> ()
          } else {
          }
          %and3A_191 = arith.constant true
          %and3A_192 = arith.andi %and3A, %and3A_191 : i1
          %add3A_193 = arith.constant 1 : i32
          %add3A_194 = arith.addi %while3A_143, %add3A_193 : i32
          %select_n3A_195 = arith.select %and3A_192, %add3A_194, %while3A_143 : i32
          %ne3A_196 = arith.cmpi ne, %add3A_155, %add3A_173 : i32
          %or3A_197 = arith.constant false
          %or3A_198 = arith.ori %or3A_197, %ne3A_196 : i1
          %or3A_199 = arith.constant false
          %or3A_200 = arith.ori %or3A_198, %or3A_199 : i1
          %sub3A_201 = arith.constant 2 : i32
          %sub3A_202 = arith.subi %mul3A_149, %sub3A_201 : i32
          %add3A_203 = arith.constant 1 : i32
          %add3A_204 = arith.addi %sub3A_202, %add3A_203 : i32
          %ge3A_205 = arith.cmpi sge, %while3A_142, %add3A_204 : i32
          %not3A_206 = arith.constant true
          %not3A_207 = arith.xori %ge3A_205, %not3A_206 : i1
          %and3A_208 = arith.andi %or3A_200, %not3A_207 : i1
          %ne3A_209 = arith.cmpi ne, %add3A_155, %add3A_165 : i32
          %or3A_210 = arith.constant false
          %or3A_211 = arith.ori %or3A_210, %ne3A_209 : i1
          %or3A_212 = arith.ori %or3A_211, %eq3A_151 : i1
          %convert_element_type3A_213 = arith.extui %or3A_212 : i1 to i32
          %cond3A_214 = arith.constant 0 : i32
          %cond3A_215 = arith.cmpi ne, %convert_element_type3A_213, %cond3A_214 : i32
          scf.if %cond3A_215 {
            "tpu.trace_start"() <{level = 10 : i32, message = "ep_wait_in"}> : () -> ()
            %mul3A_294 = arith.constant 256 : i32
            %mul3A_295 = arith.muli %mul3A_294, %add3A_155 : i32
            %rem3A_296 = arith.constant 2 : i32
            %rem3A_297 = arith.remui %while3A_144, %rem3A_296 : i32
            %dma_wait3A = arith.constant 0 : i32
            %dma_wait3A_298 = arith.constant 0 : i32
            %dma_wait3A_299 = tpu.memref_slice %run_scoped3A[%rem3A_297, %dma_wait3A, %dma_wait3A_298] : memref<2x1x256xi32, #tpu.memory_space<vmem>> -> memref<1x1x256xi32, #tpu.memory_space<vmem>>
            %dma_wait3A_300 = tpu.memref_squeeze %dma_wait3A_299 : memref<1x1x256xi32, #tpu.memory_space<vmem>> -> memref<1x256xi32, #tpu.memory_space<vmem>>
            %dma_wait3A_301 = arith.constant 0 : i32
            %dma_wait3A_302 = tpu.memref_slice %arg3[%dma_wait3A_301, %mul3A_295] : memref<1x160000xi32, #tpu.memory_space<hbm>> -> memref<1x256xi32, #tpu.memory_space<hbm>>
            %dma_wait3A_303 = tpu.memref_slice %run_scoped3A_17[%rem3A_297] : memref<2x!tpu.dma_semaphore, #tpu.memory_space<semaphore_mem>> -> memref<1x!tpu.dma_semaphore, #tpu.memory_space<semaphore_mem>>
            %dma_wait3A_304 = tpu.memref_squeeze %dma_wait3A_303 : memref<1x!tpu.dma_semaphore, #tpu.memory_space<semaphore_mem>> -> memref<!tpu.dma_semaphore, #tpu.memory_space<semaphore_mem>>
            %dma_wait3A_305 = arith.constant 0 : i32
            %dma_wait3A_306 = arith.constant 0 : i32
            %dma_wait3A_307 = tpu.memref_slice %run_scoped3A[%rem3A_297, %dma_wait3A_305, %dma_wait3A_306] : memref<2x1x256xi32, #tpu.memory_space<vmem>> -> memref<1x1x256xi32, #tpu.memory_space<vmem>>
            %dma_wait3A_308 = tpu.memref_squeeze %dma_wait3A_307 : memref<1x1x256xi32, #tpu.memory_space<vmem>> -> memref<1x256xi32, #tpu.memory_space<vmem>>
            %dma_wait3A_309 = arith.constant 0 : i32
            %dma_wait3A_310 = tpu.memref_slice %arg3[%dma_wait3A_309, %mul3A_295] : memref<1x160000xi32, #tpu.memory_space<hbm>> -> memref<1x256xi32, #tpu.memory_space<hbm>>
            tpu.wait_dma2 semaphore(%dma_wait3A_304 : memref<!tpu.dma_semaphore, #tpu.memory_space<semaphore_mem>>) src(%dma_wait3A_310 : memref<1x256xi32, #tpu.memory_space<hbm>>) dst(%dma_wait3A_308 : memref<1x256xi32, #tpu.memory_space<vmem>>)
            "tpu.trace_stop"() : () -> ()
          } else {
          }
          %ne3A_216 = arith.cmpi ne, %add3A_155, %add3A_165 : i32
          %or3A_217 = arith.constant false
          %or3A_218 = arith.ori %or3A_217, %ne3A_216 : i1
          %or3A_219 = arith.constant false
          %or3A_220 = arith.ori %or3A_218, %or3A_219 : i1
          %or3A_221 = arith.ori %or3A_220, %eq3A_151 : i1
          %convert_element_type3A_222 = arith.extui %or3A_221 : i1 to i32
          %cond3A_223 = arith.constant 0 : i32
          %cond3A_224 = arith.cmpi ne, %convert_element_type3A_222, %cond3A_223 : i32
          scf.if %cond3A_224 {
          } else {
          }
          %rem3A_225 = arith.constant 2 : i32
          %rem3A_226 = arith.remui %while3A_144, %rem3A_225 : i32
          %rem3A_227 = arith.constant 2 : i32
          %rem3A_228 = arith.remui %while3A_145, %rem3A_227 : i32
          %run_scoped3A_229 = arith.constant 0 : i32
          "tpu.trace_start"() <{level = 10 : i32, message = "ep_run_kernel"}> : () -> ()
          "tpu.region"() ({
            %run_scoped3A_294 = tpu.sem_alloc : memref<!tpu.dma_semaphore, #tpu.memory_space<semaphore_mem>>
            %dma_start3A_295 = arith.constant 0 : i32
            %dma_start3A_296 = arith.constant 0 : i32
            %dma_start3A_297 = tpu.memref_slice %run_scoped3A_18[%rem3A_228, %dma_start3A_295, %dma_start3A_296] : memref<2x256x32xf32, #tpu.memory_space<vmem>> -> memref<1x256x32xf32, #tpu.memory_space<vmem>>
            %dma_start3A_298 = tpu.memref_squeeze %dma_start3A_297 : memref<1x256x32xf32, #tpu.memory_space<vmem>> -> memref<256x32xf32, #tpu.memory_space<vmem>>
            %dma_start3A_299 = arith.constant 0 : i32
            %dma_start3A_300 = arith.constant 0 : i32
            %dma_start3A_301 = tpu.memref_slice %run_scoped3A[%rem3A_226, %dma_start3A_299, %dma_start3A_300] : memref<2x1x256xi32, #tpu.memory_space<vmem>> -> memref<1x1x256xi32, #tpu.memory_space<vmem>>
            %dma_start3A_302 = tpu.memref_squeeze %dma_start3A_301 : memref<1x1x256xi32, #tpu.memory_space<vmem>> -> memref<1x256xi32, #tpu.memory_space<vmem>>
            %dma_start3A_303 = arith.constant 0 : i32
            %dma_start3A_304 = tpu.memref_slice %dma_start3A_302[%run_scoped3A_229, %dma_start3A_303] : memref<1x256xi32, #tpu.memory_space<vmem>> -> memref<1x256xi32, #tpu.memory_space<vmem>>
            %dma_start3A_305 = tpu.memref_squeeze %dma_start3A_304 : memref<1x256xi32, #tpu.memory_space<vmem>> -> memref<256xi32, #tpu.memory_space<vmem>>
            %dma_start3A_306 = arith.constant 0 : i32
            %dma_start3A_307 = arith.constant 0 : i32
            %dma_start3A_308 = tpu.memref_slice %arg2[%dma_start3A_306, %dma_start3A_307] : memref<10016x32xf32, #tpu.memory_space<hbm>> -> memref<10016x32xf32, #tpu.memory_space<hbm>>
            tpu.enqueue_indirect_dma source(%dma_start3A_308 : memref<10016x32xf32, #tpu.memory_space<hbm>>) target(%dma_start3A_298 : memref<256x32xf32, #tpu.memory_space<vmem>>) offsets(%dma_start3A_305 : memref<256xi32, #tpu.memory_space<vmem>>) semaphore(%run_scoped3A_294 : memref<!tpu.dma_semaphore, #tpu.memory_space<semaphore_mem>>)
            %dma_wait3A = arith.constant 0 : i32
            %dma_wait3A_309 = arith.constant 0 : i32
            %dma_wait3A_310 = tpu.memref_slice %run_scoped3A_18[%rem3A_228, %dma_wait3A, %dma_wait3A_309] : memref<2x256x32xf32, #tpu.memory_space<vmem>> -> memref<1x256x32xf32, #tpu.memory_space<vmem>>
            %dma_wait3A_311 = tpu.memref_squeeze %dma_wait3A_310 : memref<1x256x32xf32, #tpu.memory_space<vmem>> -> memref<256x32xf32, #tpu.memory_space<vmem>>
            %dma_wait3A_312 = arith.constant 0 : i32
            %dma_wait3A_313 = arith.constant 0 : i32
            %dma_wait3A_314 = tpu.memref_slice %run_scoped3A[%rem3A_226, %dma_wait3A_312, %dma_wait3A_313] : memref<2x1x256xi32, #tpu.memory_space<vmem>> -> memref<1x1x256xi32, #tpu.memory_space<vmem>>
            %dma_wait3A_315 = tpu.memref_squeeze %dma_wait3A_314 : memref<1x1x256xi32, #tpu.memory_space<vmem>> -> memref<1x256xi32, #tpu.memory_space<vmem>>
            %dma_wait3A_316 = arith.constant 0 : i32
            %dma_wait3A_317 = tpu.memref_slice %dma_wait3A_315[%run_scoped3A_229, %dma_wait3A_316] : memref<1x256xi32, #tpu.memory_space<vmem>> -> memref<1x256xi32, #tpu.memory_space<vmem>>
            %dma_wait3A_318 = tpu.memref_squeeze %dma_wait3A_317 : memref<1x256xi32, #tpu.memory_space<vmem>> -> memref<256xi32, #tpu.memory_space<vmem>>
            %dma_wait3A_319 = arith.constant 0 : i32
            %dma_wait3A_320 = arith.constant 0 : i32
            %dma_wait3A_321 = tpu.memref_slice %arg2[%dma_wait3A_319, %dma_wait3A_320] : memref<10016x32xf32, #tpu.memory_space<hbm>> -> memref<10016x32xf32, #tpu.memory_space<hbm>>
            tpu.wait_indirect_dma semaphore(%run_scoped3A_294 : memref<!tpu.dma_semaphore, #tpu.memory_space<semaphore_mem>>) src(%dma_wait3A_321 : memref<10016x32xf32, #tpu.memory_space<hbm>>) dst(%dma_wait3A_311 : memref<256x32xf32, #tpu.memory_space<vmem>>)
            tpu.yield
          }) : () -> ()
          "tpu.trace_stop"() : () -> ()
          %ne3A_230 = arith.cmpi ne, %add3A_155, %add3A_173 : i32
          %or3A_231 = arith.constant false
          %or3A_232 = arith.ori %or3A_231, %ne3A_230 : i1
          %or3A_233 = arith.ori %or3A_232, %eq3A_154 : i1
          %convert_element_type3A_234 = arith.extui %or3A_233 : i1 to i32
          %cond3A_235 = arith.constant 0 : i32
          %cond3A_236 = arith.cmpi ne, %convert_element_type3A_234, %cond3A_235 : i32
          scf.if %cond3A_236 {
          } else {
          }
          %and3A_237 = arith.constant false
          %and3A_238 = arith.andi %or3A_233, %and3A_237 : i1
          %ne3A_239 = arith.cmpi ne, %add3A_155, %add3A_173 : i32
          %or3A_240 = arith.constant false
          %or3A_241 = arith.ori %or3A_240, %ne3A_239 : i1
          %or3A_242 = arith.constant false
          %or3A_243 = arith.ori %or3A_241, %or3A_242 : i1
          %or3A_244 = arith.ori %or3A_243, %eq3A_154 : i1
          %convert_element_type3A_245 = arith.extui %or3A_244 : i1 to i32
          %cond3A_246 = arith.constant 0 : i32
          %cond3A_247 = arith.cmpi ne, %convert_element_type3A_245, %cond3A_246 : i32
          scf.if %cond3A_247 {
            "tpu.trace_start"() <{level = 10 : i32, message = "ep_copy_out"}> : () -> ()
            %rem3A_294 = arith.constant 2 : i32
            %rem3A_295 = arith.remui %while3A_145, %rem3A_294 : i32
            %mul3A_296 = arith.constant 256 : i32
            %mul3A_297 = arith.muli %mul3A_296, %add3A_155 : i32
            %dma_start3A_298 = arith.constant 0 : i32
            %dma_start3A_299 = arith.constant 0 : i32
            %dma_start3A_300 = tpu.memref_slice %run_scoped3A_18[%rem3A_295, %dma_start3A_298, %dma_start3A_299] : memref<2x256x32xf32, #tpu.memory_space<vmem>> -> memref<1x256x32xf32, #tpu.memory_space<vmem>>
            %dma_start3A_301 = tpu.memref_squeeze %dma_start3A_300 : memref<1x256x32xf32, #tpu.memory_space<vmem>> -> memref<256x32xf32, #tpu.memory_space<vmem>>
            %dma_start3A_302 = arith.constant 0 : i32
            %dma_start3A_303 = tpu.memref_slice %arg4[%mul3A_297, %dma_start3A_302] : memref<160000x32xf32, #tpu.memory_space<hbm>> -> memref<256x32xf32, #tpu.memory_space<hbm>>
            %dma_start3A_304 = tpu.memref_slice %run_scoped3A_19[%rem3A_295] : memref<2x!tpu.dma_semaphore, #tpu.memory_space<semaphore_mem>> -> memref<1x!tpu.dma_semaphore, #tpu.memory_space<semaphore_mem>>
            %dma_start3A_305 = tpu.memref_squeeze %dma_start3A_304 : memref<1x!tpu.dma_semaphore, #tpu.memory_space<semaphore_mem>> -> memref<!tpu.dma_semaphore, #tpu.memory_space<semaphore_mem>>
            %dma_start3A_306 = arith.constant 0 : i32
            %dma_start3A_307 = tpu.memref_slice %arg4[%mul3A_297, %dma_start3A_306] : memref<160000x32xf32, #tpu.memory_space<hbm>> -> memref<256x32xf32, #tpu.memory_space<hbm>>
            %dma_start3A_308 = arith.constant 0 : i32
            %dma_start3A_309 = arith.constant 0 : i32
            %dma_start3A_310 = tpu.memref_slice %run_scoped3A_18[%rem3A_295, %dma_start3A_308, %dma_start3A_309] : memref<2x256x32xf32, #tpu.memory_space<vmem>> -> memref<1x256x32xf32, #tpu.memory_space<vmem>>
            %dma_start3A_311 = tpu.memref_squeeze %dma_start3A_310 : memref<1x256x32xf32, #tpu.memory_space<vmem>> -> memref<256x32xf32, #tpu.memory_space<vmem>>
            tpu.enqueue_dma source(%dma_start3A_311 : memref<256x32xf32, #tpu.memory_space<vmem>>) target(%dma_start3A_307 : memref<256x32xf32, #tpu.memory_space<hbm>>) target_semaphore(%dma_start3A_305 : memref<!tpu.dma_semaphore, #tpu.memory_space<semaphore_mem>>)
            "tpu.trace_stop"() : () -> ()
          } else {
          }
          %and3A_248 = arith.constant true
          %and3A_249 = arith.andi %or3A_244, %and3A_248 : i1
          %add3A_250 = arith.constant 1 : i32
          %add3A_251 = arith.addi %while3A_145, %add3A_250 : i32
          %select_n3A_252 = arith.select %and3A_249, %add3A_251, %while3A_145 : i32
          %ne3A_253 = arith.cmpi ne, %add3A_155, %add3A_165 : i32
          %or3A_254 = arith.constant false
          %or3A_255 = arith.ori %or3A_254, %ne3A_253 : i1
          %not3A_256 = arith.constant true
          %not3A_257 = arith.xori %eq3A_151, %not3A_256 : i1
          %and3A_258 = arith.andi %or3A_255, %not3A_257 : i1
          %convert_element_type3A_259 = arith.extui %and3A_258 : i1 to i32
          %cond3A_260 = arith.constant 0 : i32
          %cond3A_261 = arith.cmpi ne, %convert_element_type3A_259, %cond3A_260 : i32
          scf.if %cond3A_261 {
          } else {
          }
          %and3A_262 = arith.constant false
          %and3A_263 = arith.andi %and3A_258, %and3A_262 : i1
          %ne3A_264 = arith.cmpi ne, %add3A_155, %add3A_165 : i32
          %or3A_265 = arith.constant false
          %or3A_266 = arith.ori %or3A_265, %ne3A_264 : i1
          %or3A_267 = arith.constant false
          %or3A_268 = arith.ori %or3A_266, %or3A_267 : i1
          %not3A_269 = arith.constant true
          %not3A_270 = arith.xori %eq3A_151, %not3A_269 : i1
          %and3A_271 = arith.andi %or3A_268, %not3A_270 : i1
          %convert_element_type3A_272 = arith.extui %and3A_271 : i1 to i32
          %cond3A_273 = arith.constant 0 : i32
          %cond3A_274 = arith.cmpi ne, %convert_element_type3A_272, %cond3A_273 : i32
          scf.if %cond3A_274 {
            "tpu.trace_start"() <{level = 10 : i32, message = "ep_wait_out"}> : () -> ()
            %rem3A_294 = arith.constant 2 : i32
            %rem3A_295 = arith.remui %while3A_146, %rem3A_294 : i32
            %mul3A_296 = arith.constant 256 : i32
            %mul3A_297 = arith.muli %mul3A_296, %add3A_165 : i32
            %dma_wait3A = arith.constant 0 : i32
            %dma_wait3A_298 = arith.constant 0 : i32
            %dma_wait3A_299 = tpu.memref_slice %run_scoped3A_18[%rem3A_295, %dma_wait3A, %dma_wait3A_298] : memref<2x256x32xf32, #tpu.memory_space<vmem>> -> memref<1x256x32xf32, #tpu.memory_space<vmem>>
            %dma_wait3A_300 = tpu.memref_squeeze %dma_wait3A_299 : memref<1x256x32xf32, #tpu.memory_space<vmem>> -> memref<256x32xf32, #tpu.memory_space<vmem>>
            %dma_wait3A_301 = arith.constant 0 : i32
            %dma_wait3A_302 = tpu.memref_slice %arg4[%mul3A_297, %dma_wait3A_301] : memref<160000x32xf32, #tpu.memory_space<hbm>> -> memref<256x32xf32, #tpu.memory_space<hbm>>
            %dma_wait3A_303 = tpu.memref_slice %run_scoped3A_19[%rem3A_295] : memref<2x!tpu.dma_semaphore, #tpu.memory_space<semaphore_mem>> -> memref<1x!tpu.dma_semaphore, #tpu.memory_space<semaphore_mem>>
            %dma_wait3A_304 = tpu.memref_squeeze %dma_wait3A_303 : memref<1x!tpu.dma_semaphore, #tpu.memory_space<semaphore_mem>> -> memref<!tpu.dma_semaphore, #tpu.memory_space<semaphore_mem>>
            %dma_wait3A_305 = arith.constant 0 : i32
            %dma_wait3A_306 = tpu.memref_slice %arg4[%mul3A_297, %dma_wait3A_305] : memref<160000x32xf32, #tpu.memory_space<hbm>> -> memref<256x32xf32, #tpu.memory_space<hbm>>
            %dma_wait3A_307 = arith.constant 0 : i32
            %dma_wait3A_308 = arith.constant 0 : i32
            %dma_wait3A_309 = tpu.memref_slice %run_scoped3A_18[%rem3A_295, %dma_wait3A_307, %dma_wait3A_308] : memref<2x256x32xf32, #tpu.memory_space<vmem>> -> memref<1x256x32xf32, #tpu.memory_space<vmem>>
            %dma_wait3A_310 = tpu.memref_squeeze %dma_wait3A_309 : memref<1x256x32xf32, #tpu.memory_space<vmem>> -> memref<256x32xf32, #tpu.memory_space<vmem>>
            tpu.wait_dma2 semaphore(%dma_wait3A_304 : memref<!tpu.dma_semaphore, #tpu.memory_space<semaphore_mem>>) src(%dma_wait3A_310 : memref<256x32xf32, #tpu.memory_space<vmem>>) dst(%dma_wait3A_306 : memref<256x32xf32, #tpu.memory_space<hbm>>)
            "tpu.trace_stop"() : () -> ()
          } else {
          }
          %and3A_275 = arith.constant true
          %and3A_276 = arith.andi %and3A_271, %and3A_275 : i1
          %add3A_277 = arith.constant 1 : i32
          %add3A_278 = arith.addi %while3A_146, %add3A_277 : i32
          %select_n3A_279 = arith.select %and3A_276, %add3A_278, %while3A_146 : i32
          %ne3A_280 = arith.cmpi ne, %add3A_155, %add3A_173 : i32
          %or3A_281 = arith.constant false
          %or3A_282 = arith.ori %or3A_281, %ne3A_280 : i1
          %or3A_283 = arith.ori %or3A_282, %eq3A_154 : i1
          %add3A_284 = arith.constant 1 : i32
          %add3A_285 = arith.addi %while3A_144, %add3A_284 : i32
          %select_n3A_286 = arith.select %or3A_283, %add3A_285, %while3A_144 : i32
          %add3A_287 = arith.constant 1 : i32
          %add3A_288 = arith.addi %while3A_147, %add3A_287 : i32
          %select_n3A_289 = arith.constant true
          %select_n3A_290 = arith.select %select_n3A_289, %add3A_288, %while3A_147 : i32
          %eq3A_291 = arith.cmpi eq, %select_n3A_290, %select_n3A : i32
          %select_n3A_292 = arith.constant 0 : i32
          %select_n3A_293 = arith.select %eq3A_291, %select_n3A_292, %select_n3A_290 : i32
          scf.yield %select_n3A_195, %select_n3A_286, %select_n3A_252, %select_n3A_279, %select_n3A_293 : i32, i32, i32, i32, i32
        }
        %sub3A_91 = arith.constant 1 : i32
        %sub3A_92 = arith.subi %while3A_90#4, %sub3A_91 : i32
        %select_n3A_93 = arith.constant true
        %select_n3A_94 = arith.select %select_n3A_93, %sub3A_92, %while3A_90#4 : i32
        %eq3A_95 = arith.constant -1 : i32
        %eq3A_96 = arith.cmpi eq, %select_n3A_94, %eq3A_95 : i32
        %sub3A_97 = arith.constant 1 : i32
        %sub3A_98 = arith.subi %select_n3A, %sub3A_97 : i32
        %select_n3A_99 = arith.select %eq3A_96, %sub3A_98, %select_n3A_94 : i32
        %sub3A_100 = arith.constant 1 : i32
        %sub3A_101 = arith.subi %mul3A_16, %sub3A_100 : i32
        %mul3A_102 = arith.constant 1 : i32
        %mul3A_103 = arith.muli %mul3A_102, %select_n3A : i32
        %eq3A_104 = arith.constant 0 : i32
        %eq3A_105 = arith.cmpi eq, %sub3A_101, %eq3A_104 : i32
        %sub3A_106 = arith.constant 1 : i32
        %sub3A_107 = arith.subi %mul3A_103, %sub3A_106 : i32
        %eq3A_108 = arith.cmpi eq, %sub3A_101, %sub3A_107 : i32
        %add3A_109 = arith.addi %select_n3A_99, %select_n3A_14 : i32
        %sub3A_110 = arith.constant 1 : i32
        %sub3A_111 = arith.subi %select_n3A_99, %sub3A_110 : i32
        %select_n3A_112 = arith.constant true
        %select_n3A_113 = arith.select %select_n3A_112, %sub3A_111, %select_n3A_99 : i32
        %eq3A_114 = arith.constant -1 : i32
        %eq3A_115 = arith.cmpi eq, %select_n3A_113, %eq3A_114 : i32
        %sub3A_116 = arith.constant 1 : i32
        %sub3A_117 = arith.subi %select_n3A, %sub3A_116 : i32
        %select_n3A_118 = arith.select %eq3A_115, %sub3A_117, %select_n3A_113 : i32
        %add3A_119 = arith.addi %select_n3A_118, %select_n3A_14 : i32
        %add3A_120 = arith.constant 1 : i32
        %add3A_121 = arith.addi %select_n3A_99, %add3A_120 : i32
        %select_n3A_122 = arith.constant true
        %select_n3A_123 = arith.select %select_n3A_122, %add3A_121, %select_n3A_99 : i32
        %eq3A_124 = arith.cmpi eq, %select_n3A_123, %select_n3A : i32
        %select_n3A_125 = arith.constant 0 : i32
        %select_n3A_126 = arith.select %eq3A_124, %select_n3A_125, %select_n3A_123 : i32
        %add3A_127 = arith.addi %select_n3A_126, %select_n3A_14 : i32
        %add3A_128 = arith.constant 1 : i32
        %add3A_129 = arith.addi %select_n3A_126, %add3A_128 : i32
        %select_n3A_130 = arith.constant true
        %select_n3A_131 = arith.select %select_n3A_130, %add3A_129, %select_n3A_126 : i32
        %eq3A_132 = arith.cmpi eq, %select_n3A_131, %select_n3A : i32
        %select_n3A_133 = arith.constant 0 : i32
        %select_n3A_134 = arith.select %eq3A_132, %select_n3A_133, %select_n3A_131 : i32
        %add3A_135 = arith.addi %select_n3A_134, %select_n3A_14 : i32
        %convert_element_type3A_136 = arith.extui %eq3A_108 : i1 to i32
        %cond3A_137 = arith.constant 0 : i32
        %cond3A_138 = arith.cmpi ne, %convert_element_type3A_136, %cond3A_137 : i32
        scf.if %cond3A_138 {
        } else {
        }
        %convert_element_type3A_139 = arith.extui %eq3A_108 : i1 to i32
        %cond3A_140 = arith.constant 0 : i32
        %cond3A_141 = arith.cmpi ne, %convert_element_type3A_139, %cond3A_140 : i32
        scf.if %cond3A_141 {
          "tpu.trace_start"() <{level = 10 : i32, message = "ep_finalize"}> : () -> ()
          %rem3A_142 = arith.constant 2 : i32
          %rem3A_143 = arith.remui %while3A_90#3, %rem3A_142 : i32
          %mul3A_144 = arith.constant 256 : i32
          %mul3A_145 = arith.muli %mul3A_144, %add3A_109 : i32
          %dma_wait3A = arith.constant 0 : i32
          %dma_wait3A_146 = arith.constant 0 : i32
          %dma_wait3A_147 = tpu.memref_slice %run_scoped3A_18[%rem3A_143, %dma_wait3A, %dma_wait3A_146] : memref<2x256x32xf32, #tpu.memory_space<vmem>> -> memref<1x256x32xf32, #tpu.memory_space<vmem>>
          %dma_wait3A_148 = tpu.memref_squeeze %dma_wait3A_147 : memref<1x256x32xf32, #tpu.memory_space<vmem>> -> memref<256x32xf32, #tpu.memory_space<vmem>>
          %dma_wait3A_149 = arith.constant 0 : i32
          %dma_wait3A_150 = tpu.memref_slice %arg4[%mul3A_145, %dma_wait3A_149] : memref<160000x32xf32, #tpu.memory_space<hbm>> -> memref<256x32xf32, #tpu.memory_space<hbm>>
          %dma_wait3A_151 = tpu.memref_slice %run_scoped3A_19[%rem3A_143] : memref<2x!tpu.dma_semaphore, #tpu.memory_space<semaphore_mem>> -> memref<1x!tpu.dma_semaphore, #tpu.memory_space<semaphore_mem>>
          %dma_wait3A_152 = tpu.memref_squeeze %dma_wait3A_151 : memref<1x!tpu.dma_semaphore, #tpu.memory_space<semaphore_mem>> -> memref<!tpu.dma_semaphore, #tpu.memory_space<semaphore_mem>>
          %dma_wait3A_153 = arith.constant 0 : i32
          %dma_wait3A_154 = tpu.memref_slice %arg4[%mul3A_145, %dma_wait3A_153] : memref<160000x32xf32, #tpu.memory_space<hbm>> -> memref<256x32xf32, #tpu.memory_space<hbm>>
          %dma_wait3A_155 = arith.constant 0 : i32
          %dma_wait3A_156 = arith.constant 0 : i32
          %dma_wait3A_157 = tpu.memref_slice %run_scoped3A_18[%rem3A_143, %dma_wait3A_155, %dma_wait3A_156] : memref<2x256x32xf32, #tpu.memory_space<vmem>> -> memref<1x256x32xf32, #tpu.memory_space<vmem>>
          %dma_wait3A_158 = tpu.memref_squeeze %dma_wait3A_157 : memref<1x256x32xf32, #tpu.memory_space<vmem>> -> memref<256x32xf32, #tpu.memory_space<vmem>>
          tpu.wait_dma2 semaphore(%dma_wait3A_152 : memref<!tpu.dma_semaphore, #tpu.memory_space<semaphore_mem>>) src(%dma_wait3A_158 : memref<256x32xf32, #tpu.memory_space<vmem>>) dst(%dma_wait3A_154 : memref<256x32xf32, #tpu.memory_space<hbm>>)
          "tpu.trace_stop"() : () -> ()
        } else {
        }
      } else {
      }
      tpu.yield
    }) : () -> ()
    return
  }
}

module attributes {stable_mosaic.version = 14 : i64} {
  func.func @_emb_body(%arg0: memref<2504x4xi32, #tpu.memory_space<vmem>>, %arg1: memref<16x32xf32, #tpu.memory_space<vmem>>, %arg2: memref<2504x128xf32, #tpu.memory_space<vmem>>) attributes {dimension_semantics = [], scalar_prefetch = 0 : i64, scratch_operands = 0 : i64, tpu.core_type = #tpu.core_type<tc>} {
    %get3A = arith.constant 0 : index
    %get3A_0 = arith.constant 0 : index
    %get3A_1 = vector.load %arg0[%get3A, %get3A_0] : memref<2504x4xi32, #tpu.memory_space<vmem>>, vector<2504x1xi32>
    %iota3A = tpu.iota {dimensions = array<i32: 1>} : vector<2504x16xi32>
    %eq3A = vector.broadcast %get3A_1 : vector<2504x1xi32> to vector<2504x16xi32>
    %eq3A_2 = arith.cmpi eq, %eq3A, %iota3A : vector<2504x16xi32>
    %convert_element_type3A = arith.extui %eq3A_2 : vector<2504x16xi1> to vector<2504x16xi32>
    %convert_element_type3A_3 = arith.sitofp %convert_element_type3A : vector<2504x16xi32> to vector<2504x16xf32>
    %get3A_4 = arith.constant 0 : index
    %get3A_5 = arith.constant 0 : index
    %get3A_6 = vector.load %arg1[%get3A_4, %get3A_5] : memref<16x32xf32, #tpu.memory_space<vmem>>, vector<16x32xf32>
    %dot_general3A = arith.constant dense<0.000000e+00> : vector<2504x32xf32>
    %dot_general3A_7 = tpu.matmul %convert_element_type3A_3, %get3A_6, %dot_general3A {dimension_numbers = #tpu.dot_dimension_numbers<[1], [0], [0], [1], [0, 0, 1, 1], [], []>, transpose_lhs_hint = false} : vector<2504x16xf32>, vector<16x32xf32>, vector<2504x32xf32> -> vector<2504x32xf32>
    %max3A = arith.constant 0.000000e+00 : f32
    %max3A_8 = vector.broadcast %max3A : f32 to vector<2504x32xf32>
    %max3A_9 = arith.maximumf %dot_general3A_7, %max3A_8 : vector<2504x32xf32>
    %get3A_10 = arith.constant 0 : index
    %get3A_11 = arith.constant 1 : index
    %get3A_12 = vector.load %arg0[%get3A_10, %get3A_11] : memref<2504x4xi32, #tpu.memory_space<vmem>>, vector<2504x1xi32>
    %iota3A_13 = tpu.iota {dimensions = array<i32: 1>} : vector<2504x16xi32>
    %eq3A_14 = vector.broadcast %get3A_12 : vector<2504x1xi32> to vector<2504x16xi32>
    %eq3A_15 = arith.cmpi eq, %eq3A_14, %iota3A_13 : vector<2504x16xi32>
    %convert_element_type3A_16 = arith.extui %eq3A_15 : vector<2504x16xi1> to vector<2504x16xi32>
    %convert_element_type3A_17 = arith.sitofp %convert_element_type3A_16 : vector<2504x16xi32> to vector<2504x16xf32>
    %get3A_18 = arith.constant 0 : index
    %get3A_19 = arith.constant 0 : index
    %get3A_20 = vector.load %arg1[%get3A_18, %get3A_19] : memref<16x32xf32, #tpu.memory_space<vmem>>, vector<16x32xf32>
    %dot_general3A_21 = arith.constant dense<0.000000e+00> : vector<2504x32xf32>
    %dot_general3A_22 = tpu.matmul %convert_element_type3A_17, %get3A_20, %dot_general3A_21 {dimension_numbers = #tpu.dot_dimension_numbers<[1], [0], [0], [1], [0, 0, 1, 1], [], []>, transpose_lhs_hint = false} : vector<2504x16xf32>, vector<16x32xf32>, vector<2504x32xf32> -> vector<2504x32xf32>
    %max3A_23 = arith.constant 0.000000e+00 : f32
    %max3A_24 = vector.broadcast %max3A_23 : f32 to vector<2504x32xf32>
    %max3A_25 = arith.maximumf %dot_general3A_22, %max3A_24 : vector<2504x32xf32>
    %get3A_26 = arith.constant 0 : index
    %get3A_27 = arith.constant 2 : index
    %get3A_28 = vector.load %arg0[%get3A_26, %get3A_27] : memref<2504x4xi32, #tpu.memory_space<vmem>>, vector<2504x1xi32>
    %iota3A_29 = tpu.iota {dimensions = array<i32: 1>} : vector<2504x16xi32>
    %eq3A_30 = vector.broadcast %get3A_28 : vector<2504x1xi32> to vector<2504x16xi32>
    %eq3A_31 = arith.cmpi eq, %eq3A_30, %iota3A_29 : vector<2504x16xi32>
    %convert_element_type3A_32 = arith.extui %eq3A_31 : vector<2504x16xi1> to vector<2504x16xi32>
    %convert_element_type3A_33 = arith.sitofp %convert_element_type3A_32 : vector<2504x16xi32> to vector<2504x16xf32>
    %get3A_34 = arith.constant 0 : index
    %get3A_35 = arith.constant 0 : index
    %get3A_36 = vector.load %arg1[%get3A_34, %get3A_35] : memref<16x32xf32, #tpu.memory_space<vmem>>, vector<16x32xf32>
    %dot_general3A_37 = arith.constant dense<0.000000e+00> : vector<2504x32xf32>
    %dot_general3A_38 = tpu.matmul %convert_element_type3A_33, %get3A_36, %dot_general3A_37 {dimension_numbers = #tpu.dot_dimension_numbers<[1], [0], [0], [1], [0, 0, 1, 1], [], []>, transpose_lhs_hint = false} : vector<2504x16xf32>, vector<16x32xf32>, vector<2504x32xf32> -> vector<2504x32xf32>
    %max3A_39 = arith.constant 0.000000e+00 : f32
    %max3A_40 = vector.broadcast %max3A_39 : f32 to vector<2504x32xf32>
    %max3A_41 = arith.maximumf %dot_general3A_38, %max3A_40 : vector<2504x32xf32>
    %get3A_42 = arith.constant 0 : index
    %get3A_43 = arith.constant 3 : index
    %get3A_44 = vector.load %arg0[%get3A_42, %get3A_43] : memref<2504x4xi32, #tpu.memory_space<vmem>>, vector<2504x1xi32>
    %iota3A_45 = tpu.iota {dimensions = array<i32: 1>} : vector<2504x16xi32>
    %eq3A_46 = vector.broadcast %get3A_44 : vector<2504x1xi32> to vector<2504x16xi32>
    %eq3A_47 = arith.cmpi eq, %eq3A_46, %iota3A_45 : vector<2504x16xi32>
    %convert_element_type3A_48 = arith.extui %eq3A_47 : vector<2504x16xi1> to vector<2504x16xi32>
    %convert_element_type3A_49 = arith.sitofp %convert_element_type3A_48 : vector<2504x16xi32> to vector<2504x16xf32>
    %get3A_50 = arith.constant 0 : index
    %get3A_51 = arith.constant 0 : index
    %get3A_52 = vector.load %arg1[%get3A_50, %get3A_51] : memref<16x32xf32, #tpu.memory_space<vmem>>, vector<16x32xf32>
    %dot_general3A_53 = arith.constant dense<0.000000e+00> : vector<2504x32xf32>
    %dot_general3A_54 = tpu.matmul %convert_element_type3A_49, %get3A_52, %dot_general3A_53 {dimension_numbers = #tpu.dot_dimension_numbers<[1], [0], [0], [1], [0, 0, 1, 1], [], []>, transpose_lhs_hint = false} : vector<2504x16xf32>, vector<16x32xf32>, vector<2504x32xf32> -> vector<2504x32xf32>
    %max3A_55 = arith.constant 0.000000e+00 : f32
    %max3A_56 = vector.broadcast %max3A_55 : f32 to vector<2504x32xf32>
    %max3A_57 = arith.maximumf %dot_general3A_54, %max3A_56 : vector<2504x32xf32>
    %concatenate3A = tpu.concatenate %max3A_9, %max3A_25, %max3A_41, %max3A_57 in 1 : vector<2504x32xf32>, vector<2504x32xf32>, vector<2504x32xf32>, vector<2504x32xf32> -> vector<2504x128xf32>
    %swap3A = arith.constant 0 : index
    %swap3A_58 = arith.constant 0 : index
    %swap3A_59 = vector.load %arg2[%swap3A, %swap3A_58] : memref<2504x128xf32, #tpu.memory_space<vmem>>, vector<2504x128xf32>
    tpu.vector_store %arg2[%swap3A, %swap3A_58], %concatenate3A {strides = array<i32>} : memref<2504x128xf32, #tpu.memory_space<vmem>>, vector<2504x128xf32>,
    return
  }
}

module attributes {stable_mosaic.version = 14 : i64} {
  func.func @_msg_body(%arg0: i32, %arg1: memref<1600x16xf32, #tpu.memory_space<vmem>>, %arg2: memref<1600x128xf32, #tpu.memory_space<vmem>>, %arg3: memref<4x128xf32, #tpu.memory_space<vmem>>, %arg4: memref<1x128xf32, #tpu.memory_space<vmem>>, %arg5: memref<129x1024xbf16, #tpu.memory_space<vmem>>, %arg6: memref<1024x32xbf16, #tpu.memory_space<vmem>>, %arg7: memref<1600x128xf32, #tpu.memory_space<vmem>>) attributes {dimension_semantics = [#tpu.dimension_semantics<arbitrary>], iteration_bounds = array<i64: 25>, scalar_prefetch = 0 : i64, scratch_operands = 0 : i64, tpu.core_type = #tpu.core_type<tc>, window_params = [{transform_indices = @transform_0, window_bounds = array<i64: 1600, 16>}, {transform_indices = @transform_1, window_bounds = array<i64: 1600, 128>}, {pipeline_mode = #tpu.pipeline_mode<synchronous>, transform_indices = @transform_2, window_bounds = array<i64: 4, 128>}, {pipeline_mode = #tpu.pipeline_mode<synchronous>, transform_indices = @transform_3, window_bounds = array<i64: 1, 128>}, {pipeline_mode = #tpu.pipeline_mode<synchronous>, transform_indices = @transform_4, window_bounds = array<i64: 129, 1024>}, {pipeline_mode = #tpu.pipeline_mode<synchronous>, transform_indices = @transform_5, window_bounds = array<i64: 1024, 32>}, {transform_indices = @transform_6, window_bounds = array<i64: 1600, 128>}]} {
    %get3A = arith.constant 0 : index
    %get3A_0 = arith.constant 0 : index
    %get3A_1 = vector.load %arg1[%get3A, %get3A_0] : memref<1600x16xf32, #tpu.memory_space<vmem>>, vector<1600x4xf32>
    %get3A_2 = arith.constant 0 : index
    %get3A_3 = arith.constant 0 : index
    %get3A_4 = vector.load %arg3[%get3A_2, %get3A_3] : memref<4x128xf32, #tpu.memory_space<vmem>>, vector<4x128xf32>
    %dot_general3A = arith.constant dense<0.000000e+00> : vector<1600x128xf32>
    %dot_general3A_5 = tpu.matmul %get3A_1, %get3A_4, %dot_general3A {dimension_numbers = #tpu.dot_dimension_numbers<[1], [0], [0], [1], [0, 0, 1, 1], [], []>, transpose_lhs_hint = false} : vector<1600x4xf32>, vector<4x128xf32>, vector<1600x128xf32> -> vector<1600x128xf32>
    %get3A_6 = arith.constant 0 : index
    %get3A_7 = arith.constant 0 : index
    %get3A_8 = vector.load %arg4[%get3A_6, %get3A_7] : memref<1x128xf32, #tpu.memory_space<vmem>>, vector<1x128xf32>
    %add3A = vector.broadcast %get3A_8 : vector<1x128xf32> to vector<1600x128xf32>
    %add3A_9 = arith.addf %dot_general3A_5, %add3A : vector<1600x128xf32>
    %max3A = arith.constant 0.000000e+00 : f32
    %max3A_10 = vector.broadcast %max3A : f32 to vector<1600x128xf32>
    %max3A_11 = arith.maximumf %add3A_9, %max3A_10 : vector<1600x128xf32>
    %convert_element_type3A = arith.truncf %max3A_11 : vector<1600x128xf32> to vector<1600x128xbf16>
    %broadcast_in_dim3A = arith.constant 1.000000e+00 : bf16
    %broadcast_in_dim3A_12 = vector.broadcast %broadcast_in_dim3A : bf16 to vector<1600x1xbf16>
    %concatenate3A = tpu.concatenate %convert_element_type3A, %broadcast_in_dim3A_12 in 1 : vector<1600x128xbf16>, vector<1600x1xbf16> -> vector<1600x129xbf16>
    %get3A_13 = arith.constant 0 : index
    %get3A_14 = arith.constant 0 : index
    %get3A_15 = vector.load %arg5[%get3A_13, %get3A_14] : memref<129x1024xbf16, #tpu.memory_space<vmem>>, vector<129x1024xbf16>
    %dot_general3A_16 = arith.constant dense<0.000000e+00> : vector<1600x1024xf32>
    %dot_general3A_17 = tpu.matmul %concatenate3A, %get3A_15, %dot_general3A_16 {dimension_numbers = #tpu.dot_dimension_numbers<[1], [0], [0], [1], [0, 0, 1, 1], [], []>, transpose_lhs_hint = false} : vector<1600x129xbf16>, vector<129x1024xbf16>, vector<1600x1024xf32> -> vector<1600x1024xf32>
    %convert_element_type3A_18 = arith.truncf %dot_general3A_17 : vector<1600x1024xf32> to vector<1600x1024xbf16>
    %get3A_19 = arith.constant 0 : index
    %get3A_20 = arith.constant 0 : index
    %get3A_21 = vector.load %arg2[%get3A_19, %get3A_20] : memref<1600x128xf32, #tpu.memory_space<vmem>>, vector<1600x32xf32>
    %convert_element_type3A_22 = arith.truncf %get3A_21 : vector<1600x32xf32> to vector<1600x32xbf16>
    %tile3A = tpu.concatenate %convert_element_type3A_22, %convert_element_type3A_22, %convert_element_type3A_22, %convert_element_type3A_22, %convert_element_type3A_22, %convert_element_type3A_22, %convert_element_type3A_22, %convert_element_type3A_22, %convert_element_type3A_22, %convert_element_type3A_22, %convert_element_type3A_22, %convert_element_type3A_22, %convert_element_type3A_22, %convert_element_type3A_22, %convert_element_type3A_22, %convert_element_type3A_22, %convert_element_type3A_22, %convert_element_type3A_22, %convert_element_type3A_22, %convert_element_type3A_22, %convert_element_type3A_22, %convert_element_type3A_22, %convert_element_type3A_22, %convert_element_type3A_22, %convert_element_type3A_22, %convert_element_type3A_22, %convert_element_type3A_22, %convert_element_type3A_22, %convert_element_type3A_22, %convert_element_type3A_22, %convert_element_type3A_22, %convert_element_type3A_22 in 1 : vector<1600x32xbf16>, vector<1600x32xbf16>, vector<1600x32xbf16>, vector<1600x32xbf16>, vector<1600x32xbf16>, vector<1600x32xbf16>, vector<1600x32xbf16>, vector<1600x32xbf16>, vector<1600x32xbf16>, vector<1600x32xbf16>, vector<1600x32xbf16>, vector<1600x32xbf16>, vector<1600x32xbf16>, vector<1600x32xbf16>, vector<1600x32xbf16>, vector<1600x32xbf16>, vector<1600x32xbf16>, vector<1600x32xbf16>, vector<1600x32xbf16>, vector<1600x32xbf16>, vector<1600x32xbf16>, vector<1600x32xbf16>, vector<1600x32xbf16>, vector<1600x32xbf16>, vector<1600x32xbf16>, vector<1600x32xbf16>, vector<1600x32xbf16>, vector<1600x32xbf16>, vector<1600x32xbf16>, vector<1600x32xbf16>, vector<1600x32xbf16>, vector<1600x32xbf16> -> vector<1600x1024xbf16>
    %mul3A = arith.mulf %convert_element_type3A_18, %tile3A : vector<1600x1024xbf16>
    %get3A_23 = arith.constant 0 : index
    %get3A_24 = arith.constant 0 : index
    %get3A_25 = vector.load %arg6[%get3A_23, %get3A_24] : memref<1024x32xbf16, #tpu.memory_space<vmem>>, vector<1024x32xbf16>
    %dot_general3A_26 = arith.constant dense<0.000000e+00> : vector<1600x32xf32>
    %dot_general3A_27 = tpu.matmul %mul3A, %get3A_25, %dot_general3A_26 {dimension_numbers = #tpu.dot_dimension_numbers<[1], [0], [0], [1], [0, 0, 1, 1], [], []>, transpose_lhs_hint = false} : vector<1600x1024xbf16>, vector<1024x32xbf16>, vector<1600x32xf32> -> vector<1600x32xf32>
    %get3A_28 = arith.constant 0 : index
    %get3A_29 = arith.constant 4 : index
    %get3A_30 = vector.load %arg1[%get3A_28, %get3A_29] : memref<1600x16xf32, #tpu.memory_space<vmem>>, vector<1600x4xf32>
    %get3A_31 = arith.constant 0 : index
    %get3A_32 = arith.constant 0 : index
    %get3A_33 = vector.load %arg3[%get3A_31, %get3A_32] : memref<4x128xf32, #tpu.memory_space<vmem>>, vector<4x128xf32>
    %dot_general3A_34 = arith.constant dense<0.000000e+00> : vector<1600x128xf32>
    %dot_general3A_35 = tpu.matmul %get3A_30, %get3A_33, %dot_general3A_34 {dimension_numbers = #tpu.dot_dimension_numbers<[1], [0], [0], [1], [0, 0, 1, 1], [], []>, transpose_lhs_hint = false} : vector<1600x4xf32>, vector<4x128xf32>, vector<1600x128xf32> -> vector<1600x128xf32>
    %get3A_36 = arith.constant 0 : index
    %get3A_37 = arith.constant 0 : index
    %get3A_38 = vector.load %arg4[%get3A_36, %get3A_37] : memref<1x128xf32, #tpu.memory_space<vmem>>, vector<1x128xf32>
    %add3A_39 = vector.broadcast %get3A_38 : vector<1x128xf32> to vector<1600x128xf32>
    %add3A_40 = arith.addf %dot_general3A_35, %add3A_39 : vector<1600x128xf32>
    %max3A_41 = arith.constant 0.000000e+00 : f32
    %max3A_42 = vector.broadcast %max3A_41 : f32 to vector<1600x128xf32>
    %max3A_43 = arith.maximumf %add3A_40, %max3A_42 : vector<1600x128xf32>
    %convert_element_type3A_44 = arith.truncf %max3A_43 : vector<1600x128xf32> to vector<1600x128xbf16>
    %broadcast_in_dim3A_45 = arith.constant 1.000000e+00 : bf16
    %broadcast_in_dim3A_46 = vector.broadcast %broadcast_in_dim3A_45 : bf16 to vector<1600x1xbf16>
    %concatenate3A_47 = tpu.concatenate %convert_element_type3A_44, %broadcast_in_dim3A_46 in 1 : vector<1600x128xbf16>, vector<1600x1xbf16> -> vector<1600x129xbf16>
    %get3A_48 = arith.constant 0 : index
    %get3A_49 = arith.constant 0 : index
    %get3A_50 = vector.load %arg5[%get3A_48, %get3A_49] : memref<129x1024xbf16, #tpu.memory_space<vmem>>, vector<129x1024xbf16>
    %dot_general3A_51 = arith.constant dense<0.000000e+00> : vector<1600x1024xf32>
    %dot_general3A_52 = tpu.matmul %concatenate3A_47, %get3A_50, %dot_general3A_51 {dimension_numbers = #tpu.dot_dimension_numbers<[1], [0], [0], [1], [0, 0, 1, 1], [], []>, transpose_lhs_hint = false} : vector<1600x129xbf16>, vector<129x1024xbf16>, vector<1600x1024xf32> -> vector<1600x1024xf32>
    %convert_element_type3A_53 = arith.truncf %dot_general3A_52 : vector<1600x1024xf32> to vector<1600x1024xbf16>
    %get3A_54 = arith.constant 0 : index
    %get3A_55 = arith.constant 32 : index
    %get3A_56 = vector.load %arg2[%get3A_54, %get3A_55] : memref<1600x128xf32, #tpu.memory_space<vmem>>, vector<1600x32xf32>
    %convert_element_type3A_57 = arith.truncf %get3A_56 : vector<1600x32xf32> to vector<1600x32xbf16>
    %tile3A_58 = tpu.concatenate %convert_element_type3A_57, %convert_element_type3A_57, %convert_element_type3A_57, %convert_element_type3A_57, %convert_element_type3A_57, %convert_element_type3A_57, %convert_element_type3A_57, %convert_element_type3A_57, %convert_element_type3A_57, %convert_element_type3A_57, %convert_element_type3A_57, %convert_element_type3A_57, %convert_element_type3A_57, %convert_element_type3A_57, %convert_element_type3A_57, %convert_element_type3A_57, %convert_element_type3A_57, %convert_element_type3A_57, %convert_element_type3A_57, %convert_element_type3A_57, %convert_element_type3A_57, %convert_element_type3A_57, %convert_element_type3A_57, %convert_element_type3A_57, %convert_element_type3A_57, %convert_element_type3A_57, %convert_element_type3A_57, %convert_element_type3A_57, %convert_element_type3A_57, %convert_element_type3A_57, %convert_element_type3A_57, %convert_element_type3A_57 in 1 : vector<1600x32xbf16>, vector<1600x32xbf16>, vector<1600x32xbf16>, vector<1600x32xbf16>, vector<1600x32xbf16>, vector<1600x32xbf16>, vector<1600x32xbf16>, vector<1600x32xbf16>, vector<1600x32xbf16>, vector<1600x32xbf16>, vector<1600x32xbf16>, vector<1600x32xbf16>, vector<1600x32xbf16>, vector<1600x32xbf16>, vector<1600x32xbf16>, vector<1600x32xbf16>, vector<1600x32xbf16>, vector<1600x32xbf16>, vector<1600x32xbf16>, vector<1600x32xbf16>, vector<1600x32xbf16>, vector<1600x32xbf16>, vector<1600x32xbf16>, vector<1600x32xbf16>, vector<1600x32xbf16>, vector<1600x32xbf16>, vector<1600x32xbf16>, vector<1600x32xbf16>, vector<1600x32xbf16>, vector<1600x32xbf16>, vector<1600x32xbf16>, vector<1600x32xbf16> -> vector<1600x1024xbf16>
    %mul3A_59 = arith.mulf %convert_element_type3A_53, %tile3A_58 : vector<1600x1024xbf16>
    %get3A_60 = arith.constant 0 : index
    %get3A_61 = arith.constant 0 : index
    %get3A_62 = vector.load %arg6[%get3A_60, %get3A_61] : memref<1024x32xbf16, #tpu.memory_space<vmem>>, vector<1024x32xbf16>
    %dot_general3A_63 = arith.constant dense<0.000000e+00> : vector<1600x32xf32>
    %dot_general3A_64 = tpu.matmul %mul3A_59, %get3A_62, %dot_general3A_63 {dimension_numbers = #tpu.dot_dimension_numbers<[1], [0], [0], [1], [0, 0, 1, 1], [], []>, transpose_lhs_hint = false} : vector<1600x1024xbf16>, vector<1024x32xbf16>, vector<1600x32xf32> -> vector<1600x32xf32>
    %get3A_65 = arith.constant 0 : index
    %get3A_66 = arith.constant 8 : index
    %get3A_67 = vector.load %arg1[%get3A_65, %get3A_66] : memref<1600x16xf32, #tpu.memory_space<vmem>>, vector<1600x4xf32>
    %get3A_68 = arith.constant 0 : index
    %get3A_69 = arith.constant 0 : index
    %get3A_70 = vector.load %arg3[%get3A_68, %get3A_69] : memref<4x128xf32, #tpu.memory_space<vmem>>, vector<4x128xf32>
    %dot_general3A_71 = arith.constant dense<0.000000e+00> : vector<1600x128xf32>
    %dot_general3A_72 = tpu.matmul %get3A_67, %get3A_70, %dot_general3A_71 {dimension_numbers = #tpu.dot_dimension_numbers<[1], [0], [0], [1], [0, 0, 1, 1], [], []>, transpose_lhs_hint = false} : vector<1600x4xf32>, vector<4x128xf32>, vector<1600x128xf32> -> vector<1600x128xf32>
    %get3A_73 = arith.constant 0 : index
    %get3A_74 = arith.constant 0 : index
    %get3A_75 = vector.load %arg4[%get3A_73, %get3A_74] : memref<1x128xf32, #tpu.memory_space<vmem>>, vector<1x128xf32>
    %add3A_76 = vector.broadcast %get3A_75 : vector<1x128xf32> to vector<1600x128xf32>
    %add3A_77 = arith.addf %dot_general3A_72, %add3A_76 : vector<1600x128xf32>
    %max3A_78 = arith.constant 0.000000e+00 : f32
    %max3A_79 = vector.broadcast %max3A_78 : f32 to vector<1600x128xf32>
    %max3A_80 = arith.maximumf %add3A_77, %max3A_79 : vector<1600x128xf32>
    %convert_element_type3A_81 = arith.truncf %max3A_80 : vector<1600x128xf32> to vector<1600x128xbf16>
    %broadcast_in_dim3A_82 = arith.constant 1.000000e+00 : bf16
    %broadcast_in_dim3A_83 = vector.broadcast %broadcast_in_dim3A_82 : bf16 to vector<1600x1xbf16>
    %concatenate3A_84 = tpu.concatenate %convert_element_type3A_81, %broadcast_in_dim3A_83 in 1 : vector<1600x128xbf16>, vector<1600x1xbf16> -> vector<1600x129xbf16>
    %get3A_85 = arith.constant 0 : index
    %get3A_86 = arith.constant 0 : index
    %get3A_87 = vector.load %arg5[%get3A_85, %get3A_86] : memref<129x1024xbf16, #tpu.memory_space<vmem>>, vector<129x1024xbf16>
    %dot_general3A_88 = arith.constant dense<0.000000e+00> : vector<1600x1024xf32>
    %dot_general3A_89 = tpu.matmul %concatenate3A_84, %get3A_87, %dot_general3A_88 {dimension_numbers = #tpu.dot_dimension_numbers<[1], [0], [0], [1], [0, 0, 1, 1], [], []>, transpose_lhs_hint = false} : vector<1600x129xbf16>, vector<129x1024xbf16>, vector<1600x1024xf32> -> vector<1600x1024xf32>
    %convert_element_type3A_90 = arith.truncf %dot_general3A_89 : vector<1600x1024xf32> to vector<1600x1024xbf16>
    %get3A_91 = arith.constant 0 : index
    %get3A_92 = arith.constant 64 : index
    %get3A_93 = vector.load %arg2[%get3A_91, %get3A_92] : memref<1600x128xf32, #tpu.memory_space<vmem>>, vector<1600x32xf32>
    %convert_element_type3A_94 = arith.truncf %get3A_93 : vector<1600x32xf32> to vector<1600x32xbf16>
    %tile3A_95 = tpu.concatenate %convert_element_type3A_94, %convert_element_type3A_94, %convert_element_type3A_94, %convert_element_type3A_94, %convert_element_type3A_94, %convert_element_type3A_94, %convert_element_type3A_94, %convert_element_type3A_94, %convert_element_type3A_94, %convert_element_type3A_94, %convert_element_type3A_94, %convert_element_type3A_94, %convert_element_type3A_94, %convert_element_type3A_94, %convert_element_type3A_94, %convert_element_type3A_94, %convert_element_type3A_94, %convert_element_type3A_94, %convert_element_type3A_94, %convert_element_type3A_94, %convert_element_type3A_94, %convert_element_type3A_94, %convert_element_type3A_94, %convert_element_type3A_94, %convert_element_type3A_94, %convert_element_type3A_94, %convert_element_type3A_94, %convert_element_type3A_94, %convert_element_type3A_94, %convert_element_type3A_94, %convert_element_type3A_94, %convert_element_type3A_94 in 1 : vector<1600x32xbf16>, vector<1600x32xbf16>, vector<1600x32xbf16>, vector<1600x32xbf16>, vector<1600x32xbf16>, vector<1600x32xbf16>, vector<1600x32xbf16>, vector<1600x32xbf16>, vector<1600x32xbf16>, vector<1600x32xbf16>, vector<1600x32xbf16>, vector<1600x32xbf16>, vector<1600x32xbf16>, vector<1600x32xbf16>, vector<1600x32xbf16>, vector<1600x32xbf16>, vector<1600x32xbf16>, vector<1600x32xbf16>, vector<1600x32xbf16>, vector<1600x32xbf16>, vector<1600x32xbf16>, vector<1600x32xbf16>, vector<1600x32xbf16>, vector<1600x32xbf16>, vector<1600x32xbf16>, vector<1600x32xbf16>, vector<1600x32xbf16>, vector<1600x32xbf16>, vector<1600x32xbf16>, vector<1600x32xbf16>, vector<1600x32xbf16>, vector<1600x32xbf16> -> vector<1600x1024xbf16>
    %mul3A_96 = arith.mulf %convert_element_type3A_90, %tile3A_95 : vector<1600x1024xbf16>
    %get3A_97 = arith.constant 0 : index
    %get3A_98 = arith.constant 0 : index
    %get3A_99 = vector.load %arg6[%get3A_97, %get3A_98] : memref<1024x32xbf16, #tpu.memory_space<vmem>>, vector<1024x32xbf16>
    %dot_general3A_100 = arith.constant dense<0.000000e+00> : vector<1600x32xf32>
    %dot_general3A_101 = tpu.matmul %mul3A_96, %get3A_99, %dot_general3A_100 {dimension_numbers = #tpu.dot_dimension_numbers<[1], [0], [0], [1], [0, 0, 1, 1], [], []>, transpose_lhs_hint = false} : vector<1600x1024xbf16>, vector<1024x32xbf16>, vector<1600x32xf32> -> vector<1600x32xf32>
    %get3A_102 = arith.constant 0 : index
    %get3A_103 = arith.constant 12 : index
    %get3A_104 = vector.load %arg1[%get3A_102, %get3A_103] : memref<1600x16xf32, #tpu.memory_space<vmem>>, vector<1600x4xf32>
    %get3A_105 = arith.constant 0 : index
    %get3A_106 = arith.constant 0 : index
    %get3A_107 = vector.load %arg3[%get3A_105, %get3A_106] : memref<4x128xf32, #tpu.memory_space<vmem>>, vector<4x128xf32>
    %dot_general3A_108 = arith.constant dense<0.000000e+00> : vector<1600x128xf32>
    %dot_general3A_109 = tpu.matmul %get3A_104, %get3A_107, %dot_general3A_108 {dimension_numbers = #tpu.dot_dimension_numbers<[1], [0], [0], [1], [0, 0, 1, 1], [], []>, transpose_lhs_hint = false} : vector<1600x4xf32>, vector<4x128xf32>, vector<1600x128xf32> -> vector<1600x128xf32>
    %get3A_110 = arith.constant 0 : index
    %get3A_111 = arith.constant 0 : index
    %get3A_112 = vector.load %arg4[%get3A_110, %get3A_111] : memref<1x128xf32, #tpu.memory_space<vmem>>, vector<1x128xf32>
    %add3A_113 = vector.broadcast %get3A_112 : vector<1x128xf32> to vector<1600x128xf32>
    %add3A_114 = arith.addf %dot_general3A_109, %add3A_113 : vector<1600x128xf32>
    %max3A_115 = arith.constant 0.000000e+00 : f32
    %max3A_116 = vector.broadcast %max3A_115 : f32 to vector<1600x128xf32>
    %max3A_117 = arith.maximumf %add3A_114, %max3A_116 : vector<1600x128xf32>
    %convert_element_type3A_118 = arith.truncf %max3A_117 : vector<1600x128xf32> to vector<1600x128xbf16>
    %broadcast_in_dim3A_119 = arith.constant 1.000000e+00 : bf16
    %broadcast_in_dim3A_120 = vector.broadcast %broadcast_in_dim3A_119 : bf16 to vector<1600x1xbf16>
    %concatenate3A_121 = tpu.concatenate %convert_element_type3A_118, %broadcast_in_dim3A_120 in 1 : vector<1600x128xbf16>, vector<1600x1xbf16> -> vector<1600x129xbf16>
    %get3A_122 = arith.constant 0 : index
    %get3A_123 = arith.constant 0 : index
    %get3A_124 = vector.load %arg5[%get3A_122, %get3A_123] : memref<129x1024xbf16, #tpu.memory_space<vmem>>, vector<129x1024xbf16>
    %dot_general3A_125 = arith.constant dense<0.000000e+00> : vector<1600x1024xf32>
    %dot_general3A_126 = tpu.matmul %concatenate3A_121, %get3A_124, %dot_general3A_125 {dimension_numbers = #tpu.dot_dimension_numbers<[1], [0], [0], [1], [0, 0, 1, 1], [], []>, transpose_lhs_hint = false} : vector<1600x129xbf16>, vector<129x1024xbf16>, vector<1600x1024xf32> -> vector<1600x1024xf32>
    %convert_element_type3A_127 = arith.truncf %dot_general3A_126 : vector<1600x1024xf32> to vector<1600x1024xbf16>
    %get3A_128 = arith.constant 0 : index
    %get3A_129 = arith.constant 96 : index
    %get3A_130 = vector.load %arg2[%get3A_128, %get3A_129] : memref<1600x128xf32, #tpu.memory_space<vmem>>, vector<1600x32xf32>
    %convert_element_type3A_131 = arith.truncf %get3A_130 : vector<1600x32xf32> to vector<1600x32xbf16>
    %tile3A_132 = tpu.concatenate %convert_element_type3A_131, %convert_element_type3A_131, %convert_element_type3A_131, %convert_element_type3A_131, %convert_element_type3A_131, %convert_element_type3A_131, %convert_element_type3A_131, %convert_element_type3A_131, %convert_element_type3A_131, %convert_element_type3A_131, %convert_element_type3A_131, %convert_element_type3A_131, %convert_element_type3A_131, %convert_element_type3A_131, %convert_element_type3A_131, %convert_element_type3A_131, %convert_element_type3A_131, %convert_element_type3A_131, %convert_element_type3A_131, %convert_element_type3A_131, %convert_element_type3A_131, %convert_element_type3A_131, %convert_element_type3A_131, %convert_element_type3A_131, %convert_element_type3A_131, %convert_element_type3A_131, %convert_element_type3A_131, %convert_element_type3A_131, %convert_element_type3A_131, %convert_element_type3A_131, %convert_element_type3A_131, %convert_element_type3A_131 in 1 : vector<1600x32xbf16>, vector<1600x32xbf16>, vector<1600x32xbf16>, vector<1600x32xbf16>, vector<1600x32xbf16>, vector<1600x32xbf16>, vector<1600x32xbf16>, vector<1600x32xbf16>, vector<1600x32xbf16>, vector<1600x32xbf16>, vector<1600x32xbf16>, vector<1600x32xbf16>, vector<1600x32xbf16>, vector<1600x32xbf16>, vector<1600x32xbf16>, vector<1600x32xbf16>, vector<1600x32xbf16>, vector<1600x32xbf16>, vector<1600x32xbf16>, vector<1600x32xbf16>, vector<1600x32xbf16>, vector<1600x32xbf16>, vector<1600x32xbf16>, vector<1600x32xbf16>, vector<1600x32xbf16>, vector<1600x32xbf16>, vector<1600x32xbf16>, vector<1600x32xbf16>, vector<1600x32xbf16>, vector<1600x32xbf16>, vector<1600x32xbf16>, vector<1600x32xbf16> -> vector<1600x1024xbf16>
    %mul3A_133 = arith.mulf %convert_element_type3A_127, %tile3A_132 : vector<1600x1024xbf16>
    %get3A_134 = arith.constant 0 : index
    %get3A_135 = arith.constant 0 : index
    %get3A_136 = vector.load %arg6[%get3A_134, %get3A_135] : memref<1024x32xbf16, #tpu.memory_space<vmem>>, vector<1024x32xbf16>
    %dot_general3A_137 = arith.constant dense<0.000000e+00> : vector<1600x32xf32>
    %dot_general3A_138 = tpu.matmul %mul3A_133, %get3A_136, %dot_general3A_137 {dimension_numbers = #tpu.dot_dimension_numbers<[1], [0], [0], [1], [0, 0, 1, 1], [], []>, transpose_lhs_hint = false} : vector<1600x1024xbf16>, vector<1024x32xbf16>, vector<1600x32xf32> -> vector<1600x32xf32>
    %concatenate3A_139 = tpu.concatenate %dot_general3A_27, %dot_general3A_64, %dot_general3A_101, %dot_general3A_138 in 1 : vector<1600x32xf32>, vector<1600x32xf32>, vector<1600x32xf32>, vector<1600x32xf32> -> vector<1600x128xf32>
    %swap3A = arith.constant 0 : index
    %swap3A_140 = arith.constant 0 : index
    %swap3A_141 = vector.load %arg7[%swap3A, %swap3A_140] : memref<1600x128xf32, #tpu.memory_space<vmem>>, vector<1600x128xf32>
    tpu.vector_store %arg7[%swap3A, %swap3A_140], %concatenate3A_139 {strides = array<i32>} : memref<1600x128xf32, #tpu.memory_space<vmem>>, vector<1600x128xf32>,
    return
  }
  func.func @transform_0(%arg0: i32) -> (i32, i32) {
    %c0_i32 = arith.constant 0 : i32
    %c0_i32_0 = arith.constant 0 : i32
    return %arg0, %c0_i32 : i32, i32
  }
  func.func @transform_1(%arg0: i32) -> (i32, i32) {
    %c0_i32 = arith.constant 0 : i32
    %c0_i32_0 = arith.constant 0 : i32
    return %arg0, %c0_i32 : i32, i32
  }
  func.func @transform_2(%arg0: i32) -> (i32, i32) {
    %c0_i32 = arith.constant 0 : i32
    %c0_i32_0 = arith.constant 0 : i32
    %c0_i32_1 = arith.constant 0 : i32
    return %c0_i32, %c0_i32_0 : i32, i32
  }
  func.func @transform_3(%arg0: i32) -> (i32, i32) {
    %c0_i32 = arith.constant 0 : i32
    %c0_i32_0 = arith.constant 0 : i32
    %c0_i32_1 = arith.constant 0 : i32
    return %c0_i32, %c0_i32_0 : i32, i32
  }
  func.func @transform_4(%arg0: i32) -> (i32, i32) {
    %c0_i32 = arith.constant 0 : i32
    %c0_i32_0 = arith.constant 0 : i32
    %c0_i32_1 = arith.constant 0 : i32
    return %c0_i32, %c0_i32_0 : i32, i32
  }
  func.func @transform_5(%arg0: i32) -> (i32, i32) {
    %c0_i32 = arith.constant 0 : i32
    %c0_i32_0 = arith.constant 0 : i32
    %c0_i32_1 = arith.constant 0 : i32
    return %c0_i32, %c0_i32_0 : i32, i32
  }
  func.func @transform_6(%arg0: i32) -> (i32, i32) {
    %c0_i32 = arith.constant 0 : i32
    %c0_i32_0 = arith.constant 0 : i32
    return %arg0, %c0_i32 : i32, i32
  }
}

module attributes {stable_mosaic.version = 14 : i64} {
  func.func @_node_body(%arg0: memref<2x2504x128xf32, #tpu.memory_space<vmem>>, %arg1: memref<2504x128xf32, #tpu.memory_space<vmem>>, %arg2: memref<2504x128xf32, #tpu.memory_space<vmem>>, %arg3: memref<128x128xf32, #tpu.memory_space<vmem>>, %arg4: memref<128x128xf32, #tpu.memory_space<vmem>>, %arg5: memref<128x128xf32, #tpu.memory_space<vmem>>, %arg6: memref<128x128xf32, #tpu.memory_space<vmem>>, %arg7: memref<128x128xf32, #tpu.memory_space<vmem>>, %arg8: memref<128x128xf32, #tpu.memory_space<vmem>>, %arg9: memref<128x128xf32, #tpu.memory_space<vmem>>, %arg10: memref<1x128xf32, #tpu.memory_space<vmem>>, %arg11: memref<1x128xf32, #tpu.memory_space<vmem>>, %arg12: memref<1x128xf32, #tpu.memory_space<vmem>>, %arg13: memref<1x128xf32, #tpu.memory_space<vmem>>, %arg14: memref<1x128xf32, #tpu.memory_space<vmem>>, %arg15: memref<1x128xf32, #tpu.memory_space<vmem>>, %arg16: memref<1x128xf32, #tpu.memory_space<vmem>>, %arg17: memref<2504x128xf32, #tpu.memory_space<vmem>>) attributes {dimension_semantics = [], scalar_prefetch = 0 : i64, scratch_operands = 0 : i64, tpu.core_type = #tpu.core_type<tc>} {
    %get3A = arith.constant 0 : index
    %get3A_0 = arith.constant 0 : index
    %get3A_1 = arith.constant 0 : index
    %get3A_2 = vector.load %arg0[%get3A, %get3A_0, %get3A_1] : memref<2x2504x128xf32, #tpu.memory_space<vmem>>, vector<1x2504x128xf32>
    %get3A_3 = vector.shape_cast %get3A_2 : vector<1x2504x128xf32> to vector<2504x128xf32>
    %get3A_4 = arith.constant 1 : index
    %get3A_5 = arith.constant 0 : index
    %get3A_6 = arith.constant 0 : index
    %get3A_7 = vector.load %arg0[%get3A_4, %get3A_5, %get3A_6] : memref<2x2504x128xf32, #tpu.memory_space<vmem>>, vector<1x2504x128xf32>
    %get3A_8 = vector.shape_cast %get3A_7 : vector<1x2504x128xf32> to vector<2504x128xf32>
    %add3A = arith.addf %get3A_3, %get3A_8 : vector<2504x128xf32>
    %get3A_9 = arith.constant 0 : index
    %get3A_10 = arith.constant 0 : index
    %get3A_11 = vector.load %arg1[%get3A_9, %get3A_10] : memref<2504x128xf32, #tpu.memory_space<vmem>>, vector<2504x128xf32>
    %get3A_12 = arith.constant 0 : index
    %get3A_13 = arith.constant 0 : index
    %get3A_14 = vector.load %arg2[%get3A_12, %get3A_13] : memref<2504x128xf32, #tpu.memory_space<vmem>>, vector<2504x128xf32>
    %get3A_15 = arith.constant 0 : index
    %get3A_16 = arith.constant 0 : index
    %get3A_17 = vector.load %arg3[%get3A_15, %get3A_16] : memref<128x128xf32, #tpu.memory_space<vmem>>, vector<128x128xf32>
    %dot_general3A = arith.constant dense<0.000000e+00> : vector<2504x128xf32>
    %dot_general3A_18 = tpu.matmul %get3A_11, %get3A_17, %dot_general3A {dimension_numbers = #tpu.dot_dimension_numbers<[1], [0], [0], [1], [0, 0, 1, 1], [], []>, transpose_lhs_hint = false} : vector<2504x128xf32>, vector<128x128xf32>, vector<2504x128xf32> -> vector<2504x128xf32>
    %add3A_19 = arith.addf %add3A, %dot_general3A_18 : vector<2504x128xf32>
    %get3A_20 = arith.constant 0 : index
    %get3A_21 = arith.constant 0 : index
    %get3A_22 = vector.load %arg10[%get3A_20, %get3A_21] : memref<1x128xf32, #tpu.memory_space<vmem>>, vector<1x128xf32>
    %add3A_23 = vector.broadcast %get3A_22 : vector<1x128xf32> to vector<2504x128xf32>
    %add3A_24 = arith.addf %add3A_19, %add3A_23 : vector<2504x128xf32>
    %max3A = arith.constant 0.000000e+00 : f32
    %max3A_25 = vector.broadcast %max3A : f32 to vector<2504x128xf32>
    %max3A_26 = arith.maximumf %add3A_24, %max3A_25 : vector<2504x128xf32>
    %get3A_27 = arith.constant 0 : index
    %get3A_28 = arith.constant 0 : index
    %get3A_29 = vector.load %arg4[%get3A_27, %get3A_28] : memref<128x128xf32, #tpu.memory_space<vmem>>, vector<128x128xf32>
    %dot_general3A_30 = arith.constant dense<0.000000e+00> : vector<2504x128xf32>
    %dot_general3A_31 = tpu.matmul %max3A_26, %get3A_29, %dot_general3A_30 {dimension_numbers = #tpu.dot_dimension_numbers<[1], [0], [0], [1], [0, 0, 1, 1], [], []>, transpose_lhs_hint = false} : vector<2504x128xf32>, vector<128x128xf32>, vector<2504x128xf32> -> vector<2504x128xf32>
    %get3A_32 = arith.constant 0 : index
    %get3A_33 = arith.constant 0 : index
    %get3A_34 = vector.load %arg11[%get3A_32, %get3A_33] : memref<1x128xf32, #tpu.memory_space<vmem>>, vector<1x128xf32>
    %add3A_35 = vector.broadcast %get3A_34 : vector<1x128xf32> to vector<2504x128xf32>
    %add3A_36 = arith.addf %dot_general3A_31, %add3A_35 : vector<2504x128xf32>
    %get3A_37 = arith.constant 0 : index
    %get3A_38 = arith.constant 0 : index
    %get3A_39 = vector.load %arg7[%get3A_37, %get3A_38] : memref<128x128xf32, #tpu.memory_space<vmem>>, vector<128x128xf32>
    %dot_general3A_40 = arith.constant dense<0.000000e+00> : vector<2504x128xf32>
    %dot_general3A_41 = tpu.matmul %get3A_14, %get3A_39, %dot_general3A_40 {dimension_numbers = #tpu.dot_dimension_numbers<[1], [0], [0], [1], [0, 0, 1, 1], [], []>, transpose_lhs_hint = false} : vector<2504x128xf32>, vector<128x128xf32>, vector<2504x128xf32> -> vector<2504x128xf32>
    %add3A_42 = arith.addf %add3A_36, %dot_general3A_41 : vector<2504x128xf32>
    %get3A_43 = arith.constant 0 : index
    %get3A_44 = arith.constant 0 : index
    %get3A_45 = vector.load %arg14[%get3A_43, %get3A_44] : memref<1x128xf32, #tpu.memory_space<vmem>>, vector<1x128xf32>
    %add3A_46 = vector.broadcast %get3A_45 : vector<1x128xf32> to vector<2504x128xf32>
    %add3A_47 = arith.addf %add3A_42, %add3A_46 : vector<2504x128xf32>
    %logistic3A = arith.negf %add3A_47 : vector<2504x128xf32>
    %logistic3A_48 = math.exp %logistic3A : vector<2504x128xf32>
    %logistic3A_49 = arith.constant 1.000000e+00 : f32
    %logistic3A_50 = vector.broadcast %logistic3A_49 : f32 to vector<2504x128xf32>
    %logistic3A_51 = arith.addf %logistic3A_50, %logistic3A_48 : vector<2504x128xf32>
    %logistic3A_52 = arith.divf %logistic3A_50, %logistic3A_51 : vector<2504x128xf32>
    %get3A_53 = arith.constant 0 : index
    %get3A_54 = arith.constant 0 : index
    %get3A_55 = vector.load %arg5[%get3A_53, %get3A_54] : memref<128x128xf32, #tpu.memory_space<vmem>>, vector<128x128xf32>
    %dot_general3A_56 = arith.constant dense<0.000000e+00> : vector<2504x128xf32>
    %dot_general3A_57 = tpu.matmul %max3A_26, %get3A_55, %dot_general3A_56 {dimension_numbers = #tpu.dot_dimension_numbers<[1], [0], [0], [1], [0, 0, 1, 1], [], []>, transpose_lhs_hint = false} : vector<2504x128xf32>, vector<128x128xf32>, vector<2504x128xf32> -> vector<2504x128xf32>
    %get3A_58 = arith.constant 0 : index
    %get3A_59 = arith.constant 0 : index
    %get3A_60 = vector.load %arg12[%get3A_58, %get3A_59] : memref<1x128xf32, #tpu.memory_space<vmem>>, vector<1x128xf32>
    %add3A_61 = vector.broadcast %get3A_60 : vector<1x128xf32> to vector<2504x128xf32>
    %add3A_62 = arith.addf %dot_general3A_57, %add3A_61 : vector<2504x128xf32>
    %get3A_63 = arith.constant 0 : index
    %get3A_64 = arith.constant 0 : index
    %get3A_65 = vector.load %arg8[%get3A_63, %get3A_64] : memref<128x128xf32, #tpu.memory_space<vmem>>, vector<128x128xf32>
    %dot_general3A_66 = arith.constant dense<0.000000e+00> : vector<2504x128xf32>
    %dot_general3A_67 = tpu.matmul %get3A_14, %get3A_65, %dot_general3A_66 {dimension_numbers = #tpu.dot_dimension_numbers<[1], [0], [0], [1], [0, 0, 1, 1], [], []>, transpose_lhs_hint = false} : vector<2504x128xf32>, vector<128x128xf32>, vector<2504x128xf32> -> vector<2504x128xf32>
    %add3A_68 = arith.addf %add3A_62, %dot_general3A_67 : vector<2504x128xf32>
    %get3A_69 = arith.constant 0 : index
    %get3A_70 = arith.constant 0 : index
    %get3A_71 = vector.load %arg15[%get3A_69, %get3A_70] : memref<1x128xf32, #tpu.memory_space<vmem>>, vector<1x128xf32>
    %add3A_72 = vector.broadcast %get3A_71 : vector<1x128xf32> to vector<2504x128xf32>
    %add3A_73 = arith.addf %add3A_68, %add3A_72 : vector<2504x128xf32>
    %logistic3A_74 = arith.negf %add3A_73 : vector<2504x128xf32>
    %logistic3A_75 = math.exp %logistic3A_74 : vector<2504x128xf32>
    %logistic3A_76 = arith.constant 1.000000e+00 : f32
    %logistic3A_77 = vector.broadcast %logistic3A_76 : f32 to vector<2504x128xf32>
    %logistic3A_78 = arith.addf %logistic3A_77, %logistic3A_75 : vector<2504x128xf32>
    %logistic3A_79 = arith.divf %logistic3A_77, %logistic3A_78 : vector<2504x128xf32>
    %get3A_80 = arith.constant 0 : index
    %get3A_81 = arith.constant 0 : index
    %get3A_82 = vector.load %arg6[%get3A_80, %get3A_81] : memref<128x128xf32, #tpu.memory_space<vmem>>, vector<128x128xf32>
    %dot_general3A_83 = arith.constant dense<0.000000e+00> : vector<2504x128xf32>
    %dot_general3A_84 = tpu.matmul %max3A_26, %get3A_82, %dot_general3A_83 {dimension_numbers = #tpu.dot_dimension_numbers<[1], [0], [0], [1], [0, 0, 1, 1], [], []>, transpose_lhs_hint = false} : vector<2504x128xf32>, vector<128x128xf32>, vector<2504x128xf32> -> vector<2504x128xf32>
    %get3A_85 = arith.constant 0 : index
    %get3A_86 = arith.constant 0 : index
    %get3A_87 = vector.load %arg13[%get3A_85, %get3A_86] : memref<1x128xf32, #tpu.memory_space<vmem>>, vector<1x128xf32>
    %add3A_88 = vector.broadcast %get3A_87 : vector<1x128xf32> to vector<2504x128xf32>
    %add3A_89 = arith.addf %dot_general3A_84, %add3A_88 : vector<2504x128xf32>
    %get3A_90 = arith.constant 0 : index
    %get3A_91 = arith.constant 0 : index
    %get3A_92 = vector.load %arg9[%get3A_90, %get3A_91] : memref<128x128xf32, #tpu.memory_space<vmem>>, vector<128x128xf32>
    %dot_general3A_93 = arith.constant dense<0.000000e+00> : vector<2504x128xf32>
    %dot_general3A_94 = tpu.matmul %get3A_14, %get3A_92, %dot_general3A_93 {dimension_numbers = #tpu.dot_dimension_numbers<[1], [0], [0], [1], [0, 0, 1, 1], [], []>, transpose_lhs_hint = false} : vector<2504x128xf32>, vector<128x128xf32>, vector<2504x128xf32> -> vector<2504x128xf32>
    %get3A_95 = arith.constant 0 : index
    %get3A_96 = arith.constant 0 : index
    %get3A_97 = vector.load %arg16[%get3A_95, %get3A_96] : memref<1x128xf32, #tpu.memory_space<vmem>>, vector<1x128xf32>
    %add3A_98 = vector.broadcast %get3A_97 : vector<1x128xf32> to vector<2504x128xf32>
    %add3A_99 = arith.addf %dot_general3A_94, %add3A_98 : vector<2504x128xf32>
    %mul3A = arith.mulf %logistic3A_52, %add3A_99 : vector<2504x128xf32>
    %add3A_100 = arith.addf %add3A_89, %mul3A : vector<2504x128xf32>
    %tanh3A = math.tanh %add3A_100 : vector<2504x128xf32>
    %sub3A = arith.constant 1.000000e+00 : f32
    %sub3A_101 = vector.broadcast %sub3A : f32 to vector<2504x128xf32>
    %sub3A_102 = arith.subf %sub3A_101, %logistic3A_79 : vector<2504x128xf32>
    %mul3A_103 = arith.mulf %sub3A_102, %tanh3A : vector<2504x128xf32>
    %mul3A_104 = arith.mulf %logistic3A_79, %get3A_14 : vector<2504x128xf32>
    %add3A_105 = arith.addf %mul3A_103, %mul3A_104 : vector<2504x128xf32>
    %swap3A = arith.constant 0 : index
    %swap3A_106 = arith.constant 0 : index
    %swap3A_107 = vector.load %arg17[%swap3A, %swap3A_106] : memref<2504x128xf32, #tpu.memory_space<vmem>>, vector<2504x128xf32>
    tpu.vector_store %arg17[%swap3A, %swap3A_106], %add3A_105 {strides = array<i32>} : memref<2504x128xf32, #tpu.memory_space<vmem>>, vector<2504x128xf32>,
    return
  }
}

module attributes {stable_mosaic.version = 14 : i64} {
  func.func @_final_body(%arg0: memref<2504x128xf32, #tpu.memory_space<vmem>>, %arg1: memref<2504x4xi32, #tpu.memory_space<vmem>>, %arg2: memref<32x32xf32, #tpu.memory_space<vmem>>, %arg3: memref<1x32xf32, #tpu.memory_space<vmem>>, %arg4: memref<32x32xf32, #tpu.memory_space<vmem>>, %arg5: memref<1x32xf32, #tpu.memory_space<vmem>>, %arg6: memref<4x2504x48xf32, #tpu.memory_space<vmem>>) attributes {dimension_semantics = [], scalar_prefetch = 0 : i64, scratch_operands = 0 : i64, tpu.core_type = #tpu.core_type<tc>} {
    %get3A = arith.constant 0 : index
    %get3A_0 = arith.constant 0 : index
    %get3A_1 = vector.load %arg0[%get3A, %get3A_0] : memref<2504x128xf32, #tpu.memory_space<vmem>>, vector<2504x32xf32>
    %get3A_2 = arith.constant 0 : index
    %get3A_3 = arith.constant 0 : index
    %get3A_4 = vector.load %arg2[%get3A_2, %get3A_3] : memref<32x32xf32, #tpu.memory_space<vmem>>, vector<32x32xf32>
    %dot_general3A = arith.constant dense<0.000000e+00> : vector<2504x32xf32>
    %dot_general3A_5 = tpu.matmul %get3A_1, %get3A_4, %dot_general3A {dimension_numbers = #tpu.dot_dimension_numbers<[1], [0], [0], [1], [0, 0, 1, 1], [], []>, transpose_lhs_hint = false} : vector<2504x32xf32>, vector<32x32xf32>, vector<2504x32xf32> -> vector<2504x32xf32>
    %get3A_6 = arith.constant 0 : index
    %get3A_7 = arith.constant 0 : index
    %get3A_8 = vector.load %arg3[%get3A_6, %get3A_7] : memref<1x32xf32, #tpu.memory_space<vmem>>, vector<1x32xf32>
    %add3A = vector.broadcast %get3A_8 : vector<1x32xf32> to vector<2504x32xf32>
    %add3A_9 = arith.addf %dot_general3A_5, %add3A : vector<2504x32xf32>
    %max3A = arith.constant 0.000000e+00 : f32
    %max3A_10 = vector.broadcast %max3A : f32 to vector<2504x32xf32>
    %max3A_11 = arith.maximumf %add3A_9, %max3A_10 : vector<2504x32xf32>
    %get3A_12 = arith.constant 0 : index
    %get3A_13 = arith.constant 0 : index
    %get3A_14 = vector.load %arg4[%get3A_12, %get3A_13] : memref<32x32xf32, #tpu.memory_space<vmem>>, vector<32x32xf32>
    %dot_general3A_15 = arith.constant dense<0.000000e+00> : vector<2504x32xf32>
    %dot_general3A_16 = tpu.matmul %max3A_11, %get3A_14, %dot_general3A_15 {dimension_numbers = #tpu.dot_dimension_numbers<[1], [0], [0], [1], [0, 0, 1, 1], [], []>, transpose_lhs_hint = false} : vector<2504x32xf32>, vector<32x32xf32>, vector<2504x32xf32> -> vector<2504x32xf32>
    %get3A_17 = arith.constant 0 : index
    %get3A_18 = arith.constant 0 : index
    %get3A_19 = vector.load %arg5[%get3A_17, %get3A_18] : memref<1x32xf32, #tpu.memory_space<vmem>>, vector<1x32xf32>
    %add3A_20 = vector.broadcast %get3A_19 : vector<1x32xf32> to vector<2504x32xf32>
    %add3A_21 = arith.addf %dot_general3A_16, %add3A_20 : vector<2504x32xf32>
    %get3A_22 = arith.constant 0 : index
    %get3A_23 = arith.constant 0 : index
    %get3A_24 = vector.load %arg1[%get3A_22, %get3A_23] : memref<2504x4xi32, #tpu.memory_space<vmem>>, vector<2504x1xi32>
    %iota3A = tpu.iota {dimensions = array<i32: 1>} : vector<2504x16xi32>
    %eq3A = vector.broadcast %get3A_24 : vector<2504x1xi32> to vector<2504x16xi32>
    %eq3A_25 = arith.cmpi eq, %eq3A, %iota3A : vector<2504x16xi32>
    %convert_element_type3A = arith.extui %eq3A_25 : vector<2504x16xi1> to vector<2504x16xi32>
    %convert_element_type3A_26 = arith.sitofp %convert_element_type3A : vector<2504x16xi32> to vector<2504x16xf32>
    %concatenate3A = tpu.concatenate %add3A_21, %convert_element_type3A_26 in 1 : vector<2504x32xf32>, vector<2504x16xf32> -> vector<2504x48xf32>
    %mul3A = arith.mulf %concatenate3A, %concatenate3A : vector<2504x48xf32>
    %reduce_sum3A = arith.constant dense<0.000000e+00> : vector<2504xf32>
    %reduce_sum3A_27 = vector.multi_reduction <add>, %mul3A, %reduce_sum3A [1] : vector<2504x48xf32> to vector<2504xf32>
    %broadcast_in_dim3A = vector.shape_cast %reduce_sum3A_27 : vector<2504xf32> to vector<2504x1xf32>
    %sqrt3A = math.sqrt %broadcast_in_dim3A : vector<2504x1xf32>
    %max3A_28 = arith.constant 9.99999996E-13 : f32
    %max3A_29 = vector.broadcast %max3A_28 : f32 to vector<2504x1xf32>
    %max3A_30 = arith.maximumf %sqrt3A, %max3A_29 : vector<2504x1xf32>
    %div3A = vector.broadcast %max3A_30 : vector<2504x1xf32> to vector<2504x48xf32>
    %div3A_31 = arith.divf %concatenate3A, %div3A : vector<2504x48xf32>
    %swap3A = arith.constant 0 : index
    %swap3A_32 = arith.constant 0 : index
    %swap3A_33 = arith.constant 0 : index
    %swap3A_34 = vector.load %arg6[%swap3A, %swap3A_32, %swap3A_33] : memref<4x2504x48xf32, #tpu.memory_space<vmem>>, vector<1x2504x48xf32>
    %swap3A_35 = vector.shape_cast %swap3A_34 : vector<1x2504x48xf32> to vector<2504x48xf32>
    %swap3A_36 = vector.shape_cast %div3A_31 : vector<2504x48xf32> to vector<1x2504x48xf32>
    tpu.vector_store %arg6[%swap3A, %swap3A_32, %swap3A_33], %swap3A_36 {strides = array<i32>} : memref<4x2504x48xf32, #tpu.memory_space<vmem>>, vector<1x2504x48xf32>,
    %get3A_37 = arith.constant 0 : index
    %get3A_38 = arith.constant 32 : index
    %get3A_39 = vector.load %arg0[%get3A_37, %get3A_38] : memref<2504x128xf32, #tpu.memory_space<vmem>>, vector<2504x32xf32>
    %get3A_40 = arith.constant 0 : index
    %get3A_41 = arith.constant 0 : index
    %get3A_42 = vector.load %arg2[%get3A_40, %get3A_41] : memref<32x32xf32, #tpu.memory_space<vmem>>, vector<32x32xf32>
    %dot_general3A_43 = arith.constant dense<0.000000e+00> : vector<2504x32xf32>
    %dot_general3A_44 = tpu.matmul %get3A_39, %get3A_42, %dot_general3A_43 {dimension_numbers = #tpu.dot_dimension_numbers<[1], [0], [0], [1], [0, 0, 1, 1], [], []>, transpose_lhs_hint = false} : vector<2504x32xf32>, vector<32x32xf32>, vector<2504x32xf32> -> vector<2504x32xf32>
    %get3A_45 = arith.constant 0 : index
    %get3A_46 = arith.constant 0 : index
    %get3A_47 = vector.load %arg3[%get3A_45, %get3A_46] : memref<1x32xf32, #tpu.memory_space<vmem>>, vector<1x32xf32>
    %add3A_48 = vector.broadcast %get3A_47 : vector<1x32xf32> to vector<2504x32xf32>
    %add3A_49 = arith.addf %dot_general3A_44, %add3A_48 : vector<2504x32xf32>
    %max3A_50 = arith.constant 0.000000e+00 : f32
    %max3A_51 = vector.broadcast %max3A_50 : f32 to vector<2504x32xf32>
    %max3A_52 = arith.maximumf %add3A_49, %max3A_51 : vector<2504x32xf32>
    %get3A_53 = arith.constant 0 : index
    %get3A_54 = arith.constant 0 : index
    %get3A_55 = vector.load %arg4[%get3A_53, %get3A_54] : memref<32x32xf32, #tpu.memory_space<vmem>>, vector<32x32xf32>
    %dot_general3A_56 = arith.constant dense<0.000000e+00> : vector<2504x32xf32>
    %dot_general3A_57 = tpu.matmul %max3A_52, %get3A_55, %dot_general3A_56 {dimension_numbers = #tpu.dot_dimension_numbers<[1], [0], [0], [1], [0, 0, 1, 1], [], []>, transpose_lhs_hint = false} : vector<2504x32xf32>, vector<32x32xf32>, vector<2504x32xf32> -> vector<2504x32xf32>
    %get3A_58 = arith.constant 0 : index
    %get3A_59 = arith.constant 0 : index
    %get3A_60 = vector.load %arg5[%get3A_58, %get3A_59] : memref<1x32xf32, #tpu.memory_space<vmem>>, vector<1x32xf32>
    %add3A_61 = vector.broadcast %get3A_60 : vector<1x32xf32> to vector<2504x32xf32>
    %add3A_62 = arith.addf %dot_general3A_57, %add3A_61 : vector<2504x32xf32>
    %get3A_63 = arith.constant 0 : index
    %get3A_64 = arith.constant 1 : index
    %get3A_65 = vector.load %arg1[%get3A_63, %get3A_64] : memref<2504x4xi32, #tpu.memory_space<vmem>>, vector<2504x1xi32>
    %iota3A_66 = tpu.iota {dimensions = array<i32: 1>} : vector<2504x16xi32>
    %eq3A_67 = vector.broadcast %get3A_65 : vector<2504x1xi32> to vector<2504x16xi32>
    %eq3A_68 = arith.cmpi eq, %eq3A_67, %iota3A_66 : vector<2504x16xi32>
    %convert_element_type3A_69 = arith.extui %eq3A_68 : vector<2504x16xi1> to vector<2504x16xi32>
    %convert_element_type3A_70 = arith.sitofp %convert_element_type3A_69 : vector<2504x16xi32> to vector<2504x16xf32>
    %concatenate3A_71 = tpu.concatenate %add3A_62, %convert_element_type3A_70 in 1 : vector<2504x32xf32>, vector<2504x16xf32> -> vector<2504x48xf32>
    %mul3A_72 = arith.mulf %concatenate3A_71, %concatenate3A_71 : vector<2504x48xf32>
    %reduce_sum3A_73 = arith.constant dense<0.000000e+00> : vector<2504xf32>
    %reduce_sum3A_74 = vector.multi_reduction <add>, %mul3A_72, %reduce_sum3A_73 [1] : vector<2504x48xf32> to vector<2504xf32>
    %broadcast_in_dim3A_75 = vector.shape_cast %reduce_sum3A_74 : vector<2504xf32> to vector<2504x1xf32>
    %sqrt3A_76 = math.sqrt %broadcast_in_dim3A_75 : vector<2504x1xf32>
    %max3A_77 = arith.constant 9.99999996E-13 : f32
    %max3A_78 = vector.broadcast %max3A_77 : f32 to vector<2504x1xf32>
    %max3A_79 = arith.maximumf %sqrt3A_76, %max3A_78 : vector<2504x1xf32>
    %div3A_80 = vector.broadcast %max3A_79 : vector<2504x1xf32> to vector<2504x48xf32>
    %div3A_81 = arith.divf %concatenate3A_71, %div3A_80 : vector<2504x48xf32>
    %swap3A_82 = arith.constant 1 : index
    %swap3A_83 = arith.constant 0 : index
    %swap3A_84 = arith.constant 0 : index
    %swap3A_85 = vector.load %arg6[%swap3A_82, %swap3A_83, %swap3A_84] : memref<4x2504x48xf32, #tpu.memory_space<vmem>>, vector<1x2504x48xf32>
    %swap3A_86 = vector.shape_cast %swap3A_85 : vector<1x2504x48xf32> to vector<2504x48xf32>
    %swap3A_87 = vector.shape_cast %div3A_81 : vector<2504x48xf32> to vector<1x2504x48xf32>
    tpu.vector_store %arg6[%swap3A_82, %swap3A_83, %swap3A_84], %swap3A_87 {strides = array<i32>} : memref<4x2504x48xf32, #tpu.memory_space<vmem>>, vector<1x2504x48xf32>,
    %get3A_88 = arith.constant 0 : index
    %get3A_89 = arith.constant 64 : index
    %get3A_90 = vector.load %arg0[%get3A_88, %get3A_89] : memref<2504x128xf32, #tpu.memory_space<vmem>>, vector<2504x32xf32>
    %get3A_91 = arith.constant 0 : index
    %get3A_92 = arith.constant 0 : index
    %get3A_93 = vector.load %arg2[%get3A_91, %get3A_92] : memref<32x32xf32, #tpu.memory_space<vmem>>, vector<32x32xf32>
    %dot_general3A_94 = arith.constant dense<0.000000e+00> : vector<2504x32xf32>
    %dot_general3A_95 = tpu.matmul %get3A_90, %get3A_93, %dot_general3A_94 {dimension_numbers = #tpu.dot_dimension_numbers<[1], [0], [0], [1], [0, 0, 1, 1], [], []>, transpose_lhs_hint = false} : vector<2504x32xf32>, vector<32x32xf32>, vector<2504x32xf32> -> vector<2504x32xf32>
    %get3A_96 = arith.constant 0 : index
    %get3A_97 = arith.constant 0 : index
    %get3A_98 = vector.load %arg3[%get3A_96, %get3A_97] : memref<1x32xf32, #tpu.memory_space<vmem>>, vector<1x32xf32>
    %add3A_99 = vector.broadcast %get3A_98 : vector<1x32xf32> to vector<2504x32xf32>
    %add3A_100 = arith.addf %dot_general3A_95, %add3A_99 : vector<2504x32xf32>
    %max3A_101 = arith.constant 0.000000e+00 : f32
    %max3A_102 = vector.broadcast %max3A_101 : f32 to vector<2504x32xf32>
    %max3A_103 = arith.maximumf %add3A_100, %max3A_102 : vector<2504x32xf32>
    %get3A_104 = arith.constant 0 : index
    %get3A_105 = arith.constant 0 : index
    %get3A_106 = vector.load %arg4[%get3A_104, %get3A_105] : memref<32x32xf32, #tpu.memory_space<vmem>>, vector<32x32xf32>
    %dot_general3A_107 = arith.constant dense<0.000000e+00> : vector<2504x32xf32>
    %dot_general3A_108 = tpu.matmul %max3A_103, %get3A_106, %dot_general3A_107 {dimension_numbers = #tpu.dot_dimension_numbers<[1], [0], [0], [1], [0, 0, 1, 1], [], []>, transpose_lhs_hint = false} : vector<2504x32xf32>, vector<32x32xf32>, vector<2504x32xf32> -> vector<2504x32xf32>
    %get3A_109 = arith.constant 0 : index
    %get3A_110 = arith.constant 0 : index
    %get3A_111 = vector.load %arg5[%get3A_109, %get3A_110] : memref<1x32xf32, #tpu.memory_space<vmem>>, vector<1x32xf32>
    %add3A_112 = vector.broadcast %get3A_111 : vector<1x32xf32> to vector<2504x32xf32>
    %add3A_113 = arith.addf %dot_general3A_108, %add3A_112 : vector<2504x32xf32>
    %get3A_114 = arith.constant 0 : index
    %get3A_115 = arith.constant 2 : index
    %get3A_116 = vector.load %arg1[%get3A_114, %get3A_115] : memref<2504x4xi32, #tpu.memory_space<vmem>>, vector<2504x1xi32>
    %iota3A_117 = tpu.iota {dimensions = array<i32: 1>} : vector<2504x16xi32>
    %eq3A_118 = vector.broadcast %get3A_116 : vector<2504x1xi32> to vector<2504x16xi32>
    %eq3A_119 = arith.cmpi eq, %eq3A_118, %iota3A_117 : vector<2504x16xi32>
    %convert_element_type3A_120 = arith.extui %eq3A_119 : vector<2504x16xi1> to vector<2504x16xi32>
    %convert_element_type3A_121 = arith.sitofp %convert_element_type3A_120 : vector<2504x16xi32> to vector<2504x16xf32>
    %concatenate3A_122 = tpu.concatenate %add3A_113, %convert_element_type3A_121 in 1 : vector<2504x32xf32>, vector<2504x16xf32> -> vector<2504x48xf32>
    %mul3A_123 = arith.mulf %concatenate3A_122, %concatenate3A_122 : vector<2504x48xf32>
    %reduce_sum3A_124 = arith.constant dense<0.000000e+00> : vector<2504xf32>
    %reduce_sum3A_125 = vector.multi_reduction <add>, %mul3A_123, %reduce_sum3A_124 [1] : vector<2504x48xf32> to vector<2504xf32>
    %broadcast_in_dim3A_126 = vector.shape_cast %reduce_sum3A_125 : vector<2504xf32> to vector<2504x1xf32>
    %sqrt3A_127 = math.sqrt %broadcast_in_dim3A_126 : vector<2504x1xf32>
    %max3A_128 = arith.constant 9.99999996E-13 : f32
    %max3A_129 = vector.broadcast %max3A_128 : f32 to vector<2504x1xf32>
    %max3A_130 = arith.maximumf %sqrt3A_127, %max3A_129 : vector<2504x1xf32>
    %div3A_131 = vector.broadcast %max3A_130 : vector<2504x1xf32> to vector<2504x48xf32>
    %div3A_132 = arith.divf %concatenate3A_122, %div3A_131 : vector<2504x48xf32>
    %swap3A_133 = arith.constant 2 : index
    %swap3A_134 = arith.constant 0 : index
    %swap3A_135 = arith.constant 0 : index
    %swap3A_136 = vector.load %arg6[%swap3A_133, %swap3A_134, %swap3A_135] : memref<4x2504x48xf32, #tpu.memory_space<vmem>>, vector<1x2504x48xf32>
    %swap3A_137 = vector.shape_cast %swap3A_136 : vector<1x2504x48xf32> to vector<2504x48xf32>
    %swap3A_138 = vector.shape_cast %div3A_132 : vector<2504x48xf32> to vector<1x2504x48xf32>
    tpu.vector_store %arg6[%swap3A_133, %swap3A_134, %swap3A_135], %swap3A_138 {strides = array<i32>} : memref<4x2504x48xf32, #tpu.memory_space<vmem>>, vector<1x2504x48xf32>,
    %get3A_139 = arith.constant 0 : index
    %get3A_140 = arith.constant 96 : index
    %get3A_141 = vector.load %arg0[%get3A_139, %get3A_140] : memref<2504x128xf32, #tpu.memory_space<vmem>>, vector<2504x32xf32>
    %get3A_142 = arith.constant 0 : index
    %get3A_143 = arith.constant 0 : index
    %get3A_144 = vector.load %arg2[%get3A_142, %get3A_143] : memref<32x32xf32, #tpu.memory_space<vmem>>, vector<32x32xf32>
    %dot_general3A_145 = arith.constant dense<0.000000e+00> : vector<2504x32xf32>
    %dot_general3A_146 = tpu.matmul %get3A_141, %get3A_144, %dot_general3A_145 {dimension_numbers = #tpu.dot_dimension_numbers<[1], [0], [0], [1], [0, 0, 1, 1], [], []>, transpose_lhs_hint = false} : vector<2504x32xf32>, vector<32x32xf32>, vector<2504x32xf32> -> vector<2504x32xf32>
    %get3A_147 = arith.constant 0 : index
    %get3A_148 = arith.constant 0 : index
    %get3A_149 = vector.load %arg3[%get3A_147, %get3A_148] : memref<1x32xf32, #tpu.memory_space<vmem>>, vector<1x32xf32>
    %add3A_150 = vector.broadcast %get3A_149 : vector<1x32xf32> to vector<2504x32xf32>
    %add3A_151 = arith.addf %dot_general3A_146, %add3A_150 : vector<2504x32xf32>
    %max3A_152 = arith.constant 0.000000e+00 : f32
    %max3A_153 = vector.broadcast %max3A_152 : f32 to vector<2504x32xf32>
    %max3A_154 = arith.maximumf %add3A_151, %max3A_153 : vector<2504x32xf32>
    %get3A_155 = arith.constant 0 : index
    %get3A_156 = arith.constant 0 : index
    %get3A_157 = vector.load %arg4[%get3A_155, %get3A_156] : memref<32x32xf32, #tpu.memory_space<vmem>>, vector<32x32xf32>
    %dot_general3A_158 = arith.constant dense<0.000000e+00> : vector<2504x32xf32>
    %dot_general3A_159 = tpu.matmul %max3A_154, %get3A_157, %dot_general3A_158 {dimension_numbers = #tpu.dot_dimension_numbers<[1], [0], [0], [1], [0, 0, 1, 1], [], []>, transpose_lhs_hint = false} : vector<2504x32xf32>, vector<32x32xf32>, vector<2504x32xf32> -> vector<2504x32xf32>
    %get3A_160 = arith.constant 0 : index
    %get3A_161 = arith.constant 0 : index
    %get3A_162 = vector.load %arg5[%get3A_160, %get3A_161] : memref<1x32xf32, #tpu.memory_space<vmem>>, vector<1x32xf32>
    %add3A_163 = vector.broadcast %get3A_162 : vector<1x32xf32> to vector<2504x32xf32>
    %add3A_164 = arith.addf %dot_general3A_159, %add3A_163 : vector<2504x32xf32>
    %get3A_165 = arith.constant 0 : index
    %get3A_166 = arith.constant 3 : index
    %get3A_167 = vector.load %arg1[%get3A_165, %get3A_166] : memref<2504x4xi32, #tpu.memory_space<vmem>>, vector<2504x1xi32>
    %iota3A_168 = tpu.iota {dimensions = array<i32: 1>} : vector<2504x16xi32>
    %eq3A_169 = vector.broadcast %get3A_167 : vector<2504x1xi32> to vector<2504x16xi32>
    %eq3A_170 = arith.cmpi eq, %eq3A_169, %iota3A_168 : vector<2504x16xi32>
    %convert_element_type3A_171 = arith.extui %eq3A_170 : vector<2504x16xi1> to vector<2504x16xi32>
    %convert_element_type3A_172 = arith.sitofp %convert_element_type3A_171 : vector<2504x16xi32> to vector<2504x16xf32>
    %concatenate3A_173 = tpu.concatenate %add3A_164, %convert_element_type3A_172 in 1 : vector<2504x32xf32>, vector<2504x16xf32> -> vector<2504x48xf32>
    %mul3A_174 = arith.mulf %concatenate3A_173, %concatenate3A_173 : vector<2504x48xf32>
    %reduce_sum3A_175 = arith.constant dense<0.000000e+00> : vector<2504xf32>
    %reduce_sum3A_176 = vector.multi_reduction <add>, %mul3A_174, %reduce_sum3A_175 [1] : vector<2504x48xf32> to vector<2504xf32>
    %broadcast_in_dim3A_177 = vector.shape_cast %reduce_sum3A_176 : vector<2504xf32> to vector<2504x1xf32>
    %sqrt3A_178 = math.sqrt %broadcast_in_dim3A_177 : vector<2504x1xf32>
    %max3A_179 = arith.constant 9.99999996E-13 : f32
    %max3A_180 = vector.broadcast %max3A_179 : f32 to vector<2504x1xf32>
    %max3A_181 = arith.maximumf %sqrt3A_178, %max3A_180 : vector<2504x1xf32>
    %div3A_182 = vector.broadcast %max3A_181 : vector<2504x1xf32> to vector<2504x48xf32>
    %div3A_183 = arith.divf %concatenate3A_173, %div3A_182 : vector<2504x48xf32>
    %swap3A_184 = arith.constant 3 : index
    %swap3A_185 = arith.constant 0 : index
    %swap3A_186 = arith.constant 0 : index
    %swap3A_187 = vector.load %arg6[%swap3A_184, %swap3A_185, %swap3A_186] : memref<4x2504x48xf32, #tpu.memory_space<vmem>>, vector<1x2504x48xf32>
    %swap3A_188 = vector.shape_cast %swap3A_187 : vector<1x2504x48xf32> to vector<2504x48xf32>
    %swap3A_189 = vector.shape_cast %div3A_183 : vector<2504x48xf32> to vector<1x2504x48xf32>
    tpu.vector_store %arg6[%swap3A_184, %swap3A_185, %swap3A_186], %swap3A_189 {strides = array<i32>} : memref<4x2504x48xf32, #tpu.memory_space<vmem>>, vector<1x2504x48xf32>,
    return
  }
}

</mosaic_0001>

<sc_bundles>
// kernel: kernel.12.cloned.1.call-start
scs
__scs_entry_jumppad:
0x0: {  	(pc) =	sbr.rel $0x88, $3  }
0x1: {  	(tag) =	ssettag $0x0;
	lr =	simm.s32 $0x1  }
0x2: {  	[smem:$0x3F8F] =	sst lr;
	_ =	strace $0xD0000000  }
0x3: {  	_ = 	snop  }
0x4: {  	_ = 	snop  }
0x5: {  	_ = 	snop  }
0x6: {  	_ = 	snop  }
0x7: {  	_ = 	snop  }
__scs_overlays_trampoline_lowered:
0x8: {  	[smem:$0x3F9E] =	sst s0  }
0x9: {  	[smem:$0x3F9F] =	sst s1  }
0xa: {  	[smem:$0x3FA0] =	sst s2  }
0xb: {  	[smem:$0x3FA1] =	sst s3  }
0xc: {  	[smem:$0x3FA2] =	sst s4  }
0xd: {  	[smem:$0x3FA3] =	sst s5  }
0xe: {  	[smem:$0x3FA4] =	sst s6  }
0xf: {  	[smem:$0x3FA5] =	sst s7  }
0x10: {  	[smem:$0x3FA6] =	sst s8  }
0x11: {  	[smem:$0x3FA7] =	sst s9;
	s0 =	simm.s32 @!p0 $0x0  }
0x12: {  	s1 =	sld [smem:$0x3F8D];
	s0 =	simm.s32 @p0 $0x1  }
0x13: {  	[smem:$0x3FA8] =	sst s0;
	s0 =	simm.s32 @!p1 $0x0  }
0x14: {  	s2 =	sld [smem:$0x3F8C];
	s0 =	simm.s32 @p1 $0x1  }
0x15: {  	[smem:$0x3FA9] =	sst s0;
	s0 =	simm.s32 @!p2 $0x0  }
0x16: {  	s3 =	sld [smem:$0x3FDB];
	s0 =	simm.s32 @p2 $0x1  }
0x17: {  	s4 =	simm.s32 $0x1BF5;
	[smem:$0x3FAB] =	sst s0  }
0x18: {  	s0 =	sld [smem:$0x3F8E];
	_ =	swait.ge [sflag:s4], $0x0  }
0x19: {  	s7 =	sld [smem:$0x3F8F]  }
0x1a: {  	s8 =	sadd.s32 $0xFFFFE003, lr  }
0x1b: {  	s9 =	sadd.s32 $0xFFFFFEF7, lr;
	s5 =	simm.s32 $0xFFFFFFFF;
	p2 =	slt.u32 s8, $0xFFFFF086  }
0x1c: {  	p1 =	slt.u32 s9, $0xF7A;
	s5 =	simm.s32 @!p2 $0x0  }
0x1d: {  	s5 =	simm.s32 @p1 $0x1;
	p0 =	seq.s32 s7, s2  }
0x1e: {  	s7 =	smul.u32 @!p0 $0xF7A, s2;
	p2 =	seq.s32 @!p0 s5, $0x0  }
0x1f: {  	s9 =	smul.u32 $0xF7A, s1;
	s8 =	simm.s32 @!p0 $0x1BF5;
	p2 =	por !p2, p0  }
0x20: {  	[sflag:s8] =	ssyncset.s32 @!p0 $0xFFFFF086;
	s6 =	sadd.s32 @!p0 s3, s7;
	s7 =	simm.s32 @!p0 $0x108  }
0x21: {  	s3 =	sadd.s32 s3, s9;
	s6 =	sadd.s32 @!p0 $0x88, s6;
	s7 =	simm.s32 @p2 $0x1082  }
0x22: {  	[simem:s7], [sflag:s8] =	dma.local @!p0 [hbm:s6], $0xF7A  }
0x23: {  	s9 =	sor.u32 $0xD0000000, s2;
	s6 =	simm.s32 $0x108;
	_ =	swait.ge @!p0 [sflag:s8], $0x0  }
0x24: {  	s3 =	sadd.s32 $0x88, s3;
	s6 =	simm.s32 @!p1 $0x1082;
	[sflag:s4] =	ssyncset.s32 $0xFFFFF086  }
0x25: {  	[simem:s6], [sflag:s4] =	dma.local [hbm:s3], $0xF7A  }
0x26: {  	[smem:$0x3F8F] =	sst s1;
	(tag) =	ssettag s2;
	_ =	strace s9  }
0x27: {  	s1 =	sld [smem:$0x3F9F]  }
0x28: {  	s2 =	sld [smem:$0x3FA0]  }
0x29: {  	s4 =	sld [smem:$0x3FA2]  }
0x2a: {  	p0 =	seq.s32 s5, $0x0;
	s5 =	sld [smem:$0x3FA3]  }
0x2b: {  	s6 =	sld [smem:$0x3FA4]  }
0x2c: {  	s7 =	sld [smem:$0x3FA5]  }
0x2d: {  	s3 =	simm.s32 $0x108;
	s8 =	sld [smem:$0x3FA6]  }
0x2e: {  	s3 =	simm.s32 @!p0 $0x1082;
	s9 =	sld [smem:$0x3FA7]  }
0x2f: {  	lr =	sadd.s32 s0, s3;
	s0 =	sld [smem:$0x3F9E]  }
0x30: {  	s3 =	sld [smem:$0x3FA1]  }
0x31: {  	[smem:$0x3FAA] =	sst s10  }
0x32: {  	s10 =	sld [smem:$0x3FA8];
	_ =	sdelay $0x3  }
0x33: {  	p0 =	seq.s32 s10, $0x1;
	s10 =	sld [smem:$0x3FAA];
	_ =	sdelay $0x3  }
0x34: {  	[smem:$0x3FAA] =	sst s10  }
0x35: {  	s10 =	sld [smem:$0x3FA9];
	_ =	sdelay $0x3  }
0x36: {  	p1 =	seq.s32 s10, $0x1;
	s10 =	sld [smem:$0x3FAA];
	_ =	sdelay $0x3  }
0x37: {  	[smem:$0x3FAA] =	sst s10  }
0x38: {  	s10 =	sld [smem:$0x3FAB]  }
0x39: {  	_ = 	snop;
	(pc) =	sbr.ind lr, $3  }
0x3a: {  	_ = 	snop  }
0x3b: {  	_ = 	snop  }
0x3c: {  	p2 =	seq.s32 s10, $0x1;
	s10 =	sld [smem:$0x3FAA]  }
0x3d: {  	_ =	shalt  }
0x3e: {  	_ =	shalt  }
0x3f: {  	_ =	shalt  }
0x40: {  	_ =	shalt  }
0x41: {  	_ =	shalt  }
0x42: {  	_ =	shalt  }
0x43: {  	_ =	shalt  }
0x44: {  	_ =	shalt  }
0x45: {  	_ =	shalt  }
0x46: {  	_ =	shalt  }
0x47: {  	_ =	shalt  }
0x48: {  	_ =	shalt  }
0x49: {  	_ =	shalt  }
0x4a: {  	_ =	shalt  }
0x4b: {  	_ =	shalt  }
0x4c: {  	_ =	shalt  }
0x4d: {  	_ =	shalt  }
0x4e: {  	_ =	shalt  }
0x4f: {  	_ =	shalt  }
0x50: {  	_ =	shalt  }
0x51: {  	_ =	shalt  }
0x52: {  	_ =	shalt  }
0x53: {  	_ =	shalt  }
0x54: {  	_ =	shalt  }
0x55: {  	_ =	shalt  }
0x56: {  	_ =	shalt  }
0x57: {  	_ =	shalt  }
0x58: {  	_ =	shalt  }
0x59: {  	_ =	shalt  }
0x5a: {  	_ =	shalt  }
0x5b: {  	_ =	shalt  }
0x5c: {  	_ =	shalt  }
0x5d: {  	_ =	shalt  }
0x5e: {  	_ =	shalt  }
0x5f: {  	_ =	shalt  }
0x60: {  	_ =	shalt  }
0x61: {  	_ =	shalt  }
0x62: {  	_ =	shalt  }
0x63: {  	_ =	shalt  }
0x64: {  	_ =	shalt  }
0x65: {  	_ =	shalt  }
0x66: {  	_ =	shalt  }
0x67: {  	_ =	shalt  }
0x68: {  	_ =	shalt  }
0x69: {  	_ =	shalt  }
0x6a: {  	_ =	shalt  }
0x6b: {  	_ =	shalt  }
0x6c: {  	_ =	shalt  }
0x6d: {  	_ =	shalt  }
0x6e: {  	_ =	shalt  }
0x6f: {  	_ =	shalt  }
0x70: {  	_ =	shalt  }
0x71: {  	_ =	shalt  }
0x72: {  	_ =	shalt  }
0x73: {  	_ =	shalt  }
0x74: {  	_ =	shalt  }
0x75: {  	_ =	shalt  }
0x76: {  	_ =	shalt  }
0x77: {  	_ =	shalt  }
0x78: {  	_ =	shalt  }
0x79: {  	_ =	shalt  }
0x7a: {  	_ =	shalt  }
0x7b: {  	_ =	shalt  }
0x7c: {  	_ =	shalt  }
0x7d: {  	_ =	shalt  }
0x7e: {  	_ =	shalt  }
0x7f: {  	_ =	shalt  }
0x80: {  	_ =	shalt  }
0x81: {  	_ =	shalt  }
0x82: {  	_ =	shalt  }
0x83: {  	_ =	shalt  }
0x84: {  	_ =	shalt  }
0x85: {  	_ =	shalt  }
0x86: {  	_ =	shalt  }
0x87: {  	_ =	shalt  }
.Lfunc_end0:
.L_simem_size_0:
called_computation_lowered:
.L_overlay_start_0:
0x88: {  	s2 =	sld [smem:$0x3FD9]  }
0x89: {  	s3 =	sld [smem:$0x3FFE];
	_ =	sdelay $0x1  }
0x8a: {  	s1 =	srdreg.scid  }
0x8b: {  	s0 =	sand.u32 $0x1, s1  }
0x8c: {  	s17 =	sshll.u32 s0, $0xA;
	s2 =	sadd.s32 s3, s2  }
0x8d: {  	s2 =	sadd.s32 s2, s17  }
0x8e: {  	[smem:$0x3FB6] =	sst s2  }
0x8f: {  	_ = 	snop  }
0x90: {  	s2 =	sld [smem:$0x3FD0];
	(tm) =	ssettm $0x1  }
0x91: {  	s18 =	sld [smem:$0x3FFB];
	_ =	sdelay $0x3  }
0x92: {  	_ =	strace s18  }
0x93: {  	s3 =	sld [smem:$0x3FFC];
	_ =	sdelay $0x3  }
0x94: {  	_ =	strace s3  }
0x95: {  	s3 =	sld [smem:$0x3FFD];
	_ =	sdelay $0x3  }
0x96: {  	_ =	strace s3  }
0x97: {  	_ =	strace $0x8FFFFFFF  }
0x98: {  	s19 =	sld [smem:$0x3FDB];
	_ =	sdelay $0x1  }
0x99: {  	s4 =	simm.s32 $_scs_section_size  }
0x9a: {  	s5 =	simm.s32 $_size__tile_overlayer_lowered;
	s6 =	simm.s32 $_tile_overlayer_lowered  }
0x9b: {  	s22 =	simm.s32 $0x1BFF;
	s21 =	sshll.u32 s6, $0x1;
	s3 =	sadd.s32 s4, s19  }
0x9c: {  	s7 =	simm.s32 $0x0;
	s20 =	sshll.u32 s5, $0x1;
	s5 =	sadd.s32 s21, s3  }
0x9d: {  	[timem:s7], [sflag:s22] =	dma.local [hbm:s5], s20  }
0x9e: {  	_ =	swait.ge [sflag:s22], s20  }
0x9f: {  	s4 =	ssub.s32 $0x0, s20;
	[sflag:s22] =	ssyncset.done $0x0  }
0xa0: {  	[sflag:s22] =	ssyncadd.s32 s4;
	_ =	sdelay $0x1  }
0xa1: {  	s23 =	simm.s32 $0x1B8B  }
0xa2: {  	_ =	swait.ge [sflag:s23], $0x1  }
0xa3: {  	[sflag:s23] =	ssyncset.done $0x0  }
0xa4: {  	s25 =	simm.s32 $0x1B8E;
	s24 =	sld [smem:$0x3FFE];
	[sflag:s23] =	ssyncadd.s32 $0xFFFFFFFF  }
0xa5: {  	s26 =	simm.s32 $execute0_lowered;
	[smem:$0x3FD2] =	sst s25  }
0xa6: {  	s5 =	sshll.u32 s26, $0x1;
	_ =	strace $0x80000046;
	[dreg:$0x1] =	wrdreg $0xFFFFFFFF  }
0xa7: {  	s28 =	simm.s32 $_size_execute0_lowered;
	s3 =	sadd.s32 s3, s5;
	[dreg:$0x0] =	wrdreg $0x0  }
0xa8: {  	s5 =	sshll.u32 s28, $0x1;
	[dreg:$0x2] =	wrdreg s3  }
0xa9: {  	[dreg:$0x3] =	wrdreg s5  }
0xaa: {  	[dreg:$0x4] =	wrdreg $0xC0  }
0xab: {  	_ =	task [dreg:s7], $0x5FFFF  }
0xac: {  	[dreg:$0x1] =	wrdreg $0xFFFFFFFF  }
0xad: {  	[dreg:$0x0] =	wrdreg $0x60  }
0xae: {  	[dreg:$0x2] =	wrdreg s2  }
0xaf: {  	[dreg:$0x3] =	wrdreg s24  }
0xb0: {  	[dreg:$0x4] =	wrdreg $0x9  }
0xb1: {  	_ =	task.clear_ibuf [dreg:s7], $0x5FFFF;
	_ =	strace $0x90000046  }
0xb2: {  	s29 =	simm.s32 $0x9;
	_ =	strace $0x8000004F  }
0xb3: {  	_ =	swait.ge [sflag:s29], $0x1  }
0xb4: {  	[sflag:s29] =	ssyncadd.s32 $0xFFFFFFFF  }
0xb5: {  	_ =	strace $0x9000004F  }
0xb6: {  	_ =	sfence  }
0xb7: {  	s30 =	sld [smem:$0x0];
	_ =	sdelay $0x2  }
0xb8: {  	s31 =	sshll.u32 s1, $0xD;
	s1 =	sshrl.u32 s1, $0x2  }
0xb9: {  	s3 =	sand.u32 $0x4000, s31;
	s1 =	sadd.s32 s1, s30  }
0xba: {  	s0 =	sor.u32 s3, s0;
	s1 =	sshll.u32 s1, $0x11  }
0xbb: {  	s0 =	sor.u32 s1, s0  }
0xbc: {  	s0 =	sadd.s32 $0x8F2B, s0  }
0xbd: {  	[sflag:s0] =	ssyncadd.remote.s32 $0x1  }
0xbe: {  	_ =	sfence.sel $0xFFFF  }
0xbf: {  	[dreg:$0x0] =	wrdreg $0xFFFFFFFF;
	(pc) =	sbr.abs _section_cstart, $3  }
0xc0: {  	[dreg:$0x1] =	wrdreg $0xFFFFFFFF  }
0xc1: {  	_ =	task.clear_ibuf [dreg:s7], $0x2FFFF;
	_ =	strace $0x9FFFFFFF  }
0xc2: {  	(tm) =	ssettm $0x7FFFFFFF  }
0xc3: {  	_ =	shalt  }
tec
execute0_lowered:
.L_overlay_start_1:
0x0: {  	(tag) =	ssettag $0x1  }
0x1: {  	s0 =	rddreg [dreg:$0x0];
	s1 =	srdreg.scid  }
0x2: {  	s4 =	rddreg [dreg:$0x1];
	s2 =	simm.s32 $0x0;
	s9 =	simm.s32 $0x1  }
0x3: {  	s10 =	simm.s32 $0x100;
	[dreg:$0x3] =	wrdreg s0;
	s5 =	sand.u32 $0x1, s1  }
0x4: {  	s1 =	stileid.u32;
	s0 =	rddreg [dreg:$0x2];
	s3 =	sshll.u32 s5, $0x4  }
0x5: {  	s11 =	simm.s32 $0x0;
	[smem:$0x7FF] =	sst s2;
	s3 =	sor.u32 s1, s3  }
0x6: {  	s8 =	sadd.s32 $0x17C00, s4;
	s4 =	sadd.s32 $0xDC00, s4;
	s6 =	smul.u32 $0x13, s3  }
0x7: {  	_ =	strace $0x80000047;
	[dreg:$0x5] =	wrdreg s8;
	s7 =	smul.u32 $0x14, s3  }
0x8: {  	s30 =	ssub.s32 $0x2, s5;
	p0 =	slt.u32 s3, $0x11;
	s3 =	sadd.s32 $0x11, s6  }
0x9: {  	s5 =	simm.s32 $0x14;
	[dreg:$0x4] =	wrdreg s10;
	s3 =	smov.u32 @p0 s7  }
0xa: {  	s10 =	simm.s32 $0x5;
	s31 =	sshrl.u32 s30, $0x1;
	s7 =	sshll.u32 s3, $0x5  }
0xb: {  	s8 =	ssub.s32 s30, s31;
	s5 =	simm.s32 @!p0 $0x13;
	s7 =	sand.u32 $0x1FFFFFE0, s7  }
0xc: {  	s8 =	smax.u32 s8, $0x1;
	s6 =	sadd.s32 s4, s7;
	s7 =	sadd.s32 $0xFFFFFFFF, s5  }
.LBB2_1:
0xd: {  	_ =	strace $0x80000048;
	p2 =	sne.s32 s5, $0x1  }
.Ltmp0:
0xe: {  	p0 =	seq.s32 s5, $0x1;
	s13 =	simm.s32 $0x1;
	(pc) =	sbr.rel @!p2 .LBB2_2-.Ltmp0, $4  }
0xf: {  	[tilespmem:s2], [sflag:$0x1] =	stream.linear.gather [hbm4b:s6+s2], $0x100, $0x200038;
	[tilespmem:$0x4200] =	vst v63  }
0x10: {  	s12 =	simm.s32 $0x1;
	p1 =	por $0x1, $0x1;
	s13 =	simm.s32 @p0 $0x0  }
0x11: {  	p6 =	sgt.u32 s7, $0x0;
	p4 =	por p1, p1;
	p3 =	sne.s32 s13, $0x0  }
0x12: {  	_ =	strace $0x90000048;
	p5 =	por !p6, !p3;
	p6 =	por $0x0, $0x0  }
0x13: {  	p2 =	por !p5, !p5  }
0x14: {  	s21 =	sand.u32 $0x1, s2;
	s19 =	simm.s32 $0x2;
	s14 =	sadd.s32 @p2 s3, s13  }
0x15: {  	p1 =	por p3, p3;
	s15 =	sand.u32 @p2 $0x1, s9;
	s14 =	sshll.u32 @p2 s14, $0x5  }
0x16: {  	_ =	strace @p2 $0x80000049;
	s17 =	simm.s32 @p2 $0x0;
	s14 =	sand.u32 @p2 $0x1FFFFFE0, s14  }
0x17: {  	s16 =	sshll.u32 @p2 s15, $0x8;
	s15 =	sadd.s32 @p2 $0x1, s15;
	s14 =	sadd.s32 @p2 s4, s14  }
0x18: {  	[tilespmem:s16], [sflag:s15] =	stream.linear.gather @p2 [hbm4b:s14+s17], $0x100, $0x200038;
	[tilespmem:$0x4200] =	vst v63  }
0x19: {  	s30 =	simm.s32 $0x0;
	p6 =	por $0x0, $0x0;
	_ =	strace @p2 $0x90000049  }
0x1a: {  	p0 =	sne.s32 s5, $0x2;
	s29 =	sadd.s32 $0x1, s21;
	_ =	strace $0x8000004A  }
0x1b: {  	s24 =	sadd.s32 $0x0, s3;
	p5 =	sgt.u32 s7, $0x1;
	_ =	swait.ge [sflag:s29], $0x100  }
0x1c: {  	s23 =	simm.s32 $0x1;
	s22 =	sshll.u32 s21, $0xD;
	[sflag:s29] =	ssyncset.done $0x0  }
0x1d: {  	s22 =	sor.u32 $0x200, s22;
	s16 =	sand.u32 @!p4 $0x1, s2;
	[sflag:s29] =	ssyncadd.s32 $0xFFFFFF00  }
0x1e: {  	s15 =	simm.s32 $0x1;
	s17 =	sadd.s32 $0x1, s13;
	_ =	strace $0x9000004A  }
0x1f: {  	s14 =	sand.u32 $0x100, s30;
	s15 =	simm.s32 @!p2 $0x0;
	_ =	strace $0x8000004B  }
0x20: {  	p2 =	por p4, p4;
	p4 =	por p6, p6;
	s20 =	rddreg [dreg:$0x4]  }
0x21: {  	p3 =	seq.s32 s17, s5;
	p6 =	seq.s32 s7, $0x0;
	s31 =	rddreg [dreg:$0x3]  }
0x22: {  	[tilespmem:s22], [sflag:$0x5] =	stream.indirect.gather [hbm4b:s31+s20], $0x20, s14, s20, $0x2000b8;
	[tilespmem:$0x4200] =	vst v63  }
.Ltmp1:
0x23: {  	s18 =	sadd.s32 $0x1, s15;
	s17 =	simm.s32 @p3 $0x0;
	(pc) =	sbr.rel @!p0 .LBB2_4-.Ltmp1, $4  }
0x24: {  	p1 =	por p6, p1;
	p6 =	por $0x0, $0x0;
	_ =	swait.ge [sflag:s10], $0x2000  }
0x25: {  	s15 =	simm.s32 $0x0;
	p3 =	sne.s32 s13, s17;
	[sflag:s10] =	ssyncset.done $0x0  }
0x26: {  	s23 =	simm.s32 @!p6 $0x0;
	p5 =	por !p5, !p3;
	[sflag:s10] =	ssyncadd.s32 $0xFFFFE000  }
0x27: {  	s14 =	simm.s32 $0x0;
	s20 =	simm.s32 $0x0;
	_ =	strace $0x9000004B  }
.LBB2_5:
0x28: {  	_ =	strace @p1 $0x8000004C;
	s14 =	sadd.s32 s23, s14;
	s23 =	smov.u32 s12  }
0x29: {  	s12 =	smov.u32 s19;
	s19 =	sadd.s32 $0x1, s19;
	p0 =	por p3, p3  }
0x2a: {  	s29 =	sshll.u32 @p1 s24, $0xA;
	s21 =	sadd.s32 @p1 $0x3, s21;
	s25 =	simm.s32 @!p0 $0x0  }
0x2b: {  	s26 =	rddreg [dreg:$0x5];
	s29 =	sand.u32 @p1 $0x1FFFFC00, s29;
	s25 =	simm.s32 @p0 $0x1  }
0x2c: {  	s26 =	sadd.s32 @p1 s26, s29;
	s29 =	simm.s32 @p1 $0x0;
	p0 =	sne.s32 s5, s19  }
0x2d: {  	[hbm4b:s26+s29] =	stream.linear.scatter @p1 [tilespmem:s22], [sflag:s21], $0x2000, $0x200038;
	[tilespmem:$0x4200] =	vst v63  }
0x2e: {  	s21 =	sadd.s32 @!p2 $0x3, s16;
	s16 =	simm.s32 @!p0 $0x0  }
0x2f: {  	s28 =	simm.s32 $0x1;
	[smem:$0x7FC] =	sst s25;
	s16 =	simm.s32 @p0 $0x1  }
0x30: {  	s28 =	simm.s32 @!p1 $0x0;
	_ =	strace @p1 $0x9000004C;
	[smem:$0x7FD] =	sst s16  }
0x31: {  	s20 =	sadd.s32 s28, s20;
	s25 =	sand.u32 @!p4 $0x1, s14;
	_ =	strace @!p2 $0x8000004D  }
0x32: {  	p1 =	por !p5, !p5;
	s16 =	smov.u32 s25;
	_ =	swait.ge @!p2 [sflag:s21], $0x2000  }
0x33: {  	s22 =	sand.u32 @p1 $0x1, s18;
	s25 =	sadd.s32 @p1 s3, s17;
	[sflag:s21] =	ssyncset.done @!p2 $0x0  }
0x34: {  	s26 =	sshll.u32 @p1 s22, $0x8;
	s25 =	sshll.u32 @p1 s25, $0x5;
	[sflag:s21] =	ssyncadd.s32 @!p2 $0xFFFFE000  }
0x35: {  	s21 =	sadd.s32 @p1 $0x1, s22;
	s22 =	sand.u32 @p1 $0x1FFFFFE0, s25;
	_ =	strace @!p2 $0x9000004D  }
0x36: {  	s25 =	simm.s32 @p1 $0x0;
	s22 =	sadd.s32 @p1 s4, s22;
	_ =	strace @p1 $0x80000049  }
0x37: {  	[tilespmem:s26], [sflag:s21] =	stream.linear.gather @p1 [hbm4b:s22+s25], $0x100, $0x200038;
	[tilespmem:$0x4200] =	vst v63  }
0x38: {  	s15 =	sadd.s32 s28, s15;
	s28 =	sand.u32 $0x1, s20;
	_ =	strace @p1 $0x90000049  }
0x39: {  	s28 =	sadd.s32 $0x1, s28;
	_ =	strace $0x8000004A  }
0x3a: {  	_ =	swait.ge [sflag:s28], $0x100  }
0x3b: {  	[sflag:s28] =	ssyncset.done $0x0  }
0x3c: {  	s21 =	simm.s32 $0x1;
	[sflag:s28] =	ssyncadd.s32 $0xFFFFFF00  }
0x3d: {  	s21 =	simm.s32 @!p1 $0x0;
	_ =	strace $0x9000004A  }
0x3e: {  	s18 =	sadd.s32 s21, s18;
	s21 =	sand.u32 $0x1, s15;
	_ =	strace $0x8000004B  }
0x3f: {  	s31 =	sshll.u32 s20, $0x8;
	s29 =	sshll.u32 s21, $0xD;
	s25 =	rddreg [dreg:$0x4]  }
0x40: {  	s31 =	sand.u32 $0x100, s31;
	s22 =	sor.u32 $0x200, s29;
	s26 =	rddreg [dreg:$0x3]  }
0x41: {  	[tilespmem:s22], [sflag:$0x5] =	stream.indirect.gather [hbm4b:s26+s25], $0x20, s31, s25, $0x2000b8;
	[tilespmem:$0x4200] =	vst v63  }
0x42: {  	_ =	swait.ge [sflag:s10], $0x2000  }
0x43: {  	[sflag:s10] =	ssyncset.done $0x0  }
0x44: {  	[sflag:s10] =	ssyncadd.s32 $0xFFFFE000  }
0x45: {  	s30 =	sadd.s32 $0x1, s17;
	_ =	strace $0x9000004B  }
0x46: {  	s24 =	sadd.s32 s3, s13;
	s13 =	smov.u32 s17;
	s31 =	sld [smem:$0x7FD]  }
0x47: {  	p0 =	sne.s32 s23, $0x0;
	s17 =	smov.u32 s30;
	p1 =	seq.s32 s30, s5  }
0x48: {  	s17 =	simm.s32 @p1 $0x0;
	p1 =	seq.s32 s7, s23;
	s23 =	simm.s32 $0x1  }
0x49: {  	s23 =	simm.s32 @!p0 $0x0;
	p0 =	seq.s32 s31, $0x1  }
.Ltmp2:
0x4a: {  	s30 =	sld [smem:$0x7FC];
	(pc) =	sbr.rel @p0 .LBB2_5-.Ltmp2, $4  }
0x4b: {  	p3 =	seq.s32 s12, $0x0  }
0x4c: {  	p6 =	por p3, p3;
	p5 =	slt.u32 s12, s7  }
0x4d: {  	p2 =	por p4, p4;
	p3 =	sne.s32 s13, s17;
	p4 =	seq.s32 s30, $0x1  }
0x4e: {  	p5 =	por !p5, !p3;
	p1 =	por p1, p4;
	p4 =	por p6, p6  }
0x4f: {  	p6 =	por $0x1, $0x1  }
.LBB2_7:
0x50: {  	p0 =	por !p1, !p6  }
0x51: {  	s25 =	simm.s32 $0x1;
	_ =	strace @!p0 $0x8000004C;
	s24 =	sshll.u32 @!p0 s24, $0xA  }
0x52: {  	p2 =	por p2, !p6;
	s19 =	rddreg [dreg:$0x5];
	s24 =	sand.u32 @!p0 $0x1FFFFC00, s24  }
0x53: {  	s21 =	sadd.s32 @!p0 $0x3, s21;
	s19 =	sadd.s32 @!p0 s19, s24;
	s24 =	simm.s32 @!p0 $0x0  }
0x54: {  	[hbm4b:s19+s24] =	stream.linear.scatter @!p0 [tilespmem:s22], [sflag:s21], $0x2000, $0x200038;
	[tilespmem:$0x4200] =	vst v63  }
0x55: {  	p1 =	por !p5, !p5;
	s25 =	simm.s32 @p0 $0x0;
	_ =	strace @!p0 $0x9000004C  }
0x56: {  	s16 =	sadd.s32 @!p2 $0x3, s16;
	s17 =	sadd.s32 @p1 s3, s17;
	_ =	strace @!p2 $0x8000004D  }
0x57: {  	s18 =	sand.u32 @p1 $0x1, s18;
	s17 =	sshll.u32 @p1 s17, $0x5;
	_ =	swait.ge @!p2 [sflag:s16], $0x2000  }
0x58: {  	s17 =	sand.u32 @p1 $0x1FFFFFE0, s17;
	s19 =	sadd.s32 @p6 s25, s20;
	[sflag:s16] =	ssyncset.done @!p2 $0x0  }
0x59: {  	s20 =	simm.s32 $0x0;
	s17 =	sadd.s32 @p1 s4, s17;
	[sflag:s16] =	ssyncadd.s32 @!p2 $0xFFFFE000  }
0x5a: {  	s20 =	smov.u32 @p6 s19;
	s19 =	sshll.u32 @p1 s18, $0x8;
	_ =	strace @!p2 $0x9000004D  }
0x5b: {  	s16 =	sadd.s32 @p1 $0x1, s18;
	s18 =	simm.s32 @p1 $0x0;
	_ =	strace @p1 $0x80000049  }
0x5c: {  	[tilespmem:s19], [sflag:s16] =	stream.linear.gather @p1 [hbm4b:s17+s18], $0x100, $0x200038;
	[tilespmem:$0x4200] =	vst v63  }
0x5d: {  	s26 =	sand.u32 $0x1, s20;
	_ =	strace @p1 $0x90000049  }
0x5e: {  	s16 =	sadd.s32 $0x1, s26;
	_ =	strace $0x8000004A  }
0x5f: {  	_ =	swait.ge [sflag:s16], $0x100  }
0x60: {  	[sflag:s16] =	ssyncset.done $0x0  }
0x61: {  	s15 =	sadd.s32 @p6 s25, s15;
	[sflag:s16] =	ssyncadd.s32 $0xFFFFFF00;
	s16 =	simm.s32 $0x0  }
0x62: {  	_ =	strace $0x9000004A;
	s16 =	smov.u32 @p6 s15  }
0x63: {  	_ =	strace $0x8000004B;
	s16 =	sand.u32 $0x1, s16  }
0x64: {  	s30 =	sshll.u32 s20, $0x8;
	s28 =	rddreg [dreg:$0x4];
	s31 =	sshll.u32 s16, $0xD  }
0x65: {  	s18 =	sand.u32 $0x100, s30;
	s29 =	rddreg [dreg:$0x3];
	s19 =	sor.u32 $0x200, s31  }
0x66: {  	[tilespmem:s19], [sflag:$0x5] =	stream.indirect.gather [hbm4b:s29+s28], $0x20, s18, s28, $0x2000b8;
	[tilespmem:$0x4200] =	vst v63  }
0x67: {  	_ =	swait.ge [sflag:s10], $0x2000  }
0x68: {  	p3 =	por p3, p3;
	[sflag:s10] =	ssyncset.done $0x0  }
0x69: {  	p5 =	seq.s32 s7, s12;
	s13 =	sadd.s32 s3, s13;
	[sflag:s10] =	ssyncadd.s32 $0xFFFFE000  }
0x6a: {  	s14 =	sadd.s32 @p6 s23, s14;
	p1 =	por p5, p3;
	_ =	strace $0x9000004B  }
0x6b: {  	s17 =	simm.s32 $0x0;
	s13 =	sshll.u32 @p1 s13, $0xA;
	_ =	strace @p1 $0x8000004C  }
0x6c: {  	s17 =	smov.u32 @p6 s14;
	s13 =	sand.u32 @p1 $0x1FFFFC00, s13;
	s15 =	rddreg [dreg:$0x5]  }
0x6d: {  	s14 =	sadd.s32 @p1 $0x3, s16;
	s13 =	sadd.s32 @p1 s15, s13;
	s15 =	simm.s32 @p1 $0x0  }
0x6e: {  	[hbm4b:s13+s15] =	stream.linear.scatter @p1 [tilespmem:s19], [sflag:s14], $0x2000, $0x200038;
	[tilespmem:$0x4200] =	vst v63  }
0x6f: {  	p0 =	por p4, p4;
	s13 =	sand.u32 @!p4 $0x1, s17;
	_ =	strace @p1 $0x9000004C  }
0x70: {  	s13 =	sadd.s32 @!p0 $0x3, s13;
	_ =	strace @!p0 $0x8000004D  }
0x71: {  	p1 =	sne.s32 s12, $0x0;
	s12 =	simm.s32 $0x1;
	_ =	swait.ge @!p0 [sflag:s13], $0x2000  }
0x72: {  	s12 =	simm.s32 @!p1 $0x0;
	[sflag:s13] =	ssyncset.done @!p0 $0x0  }
0x73: {  	s11 =	sadd.s32 $0x1, s11;
	s12 =	sadd.s32 s12, s17;
	[sflag:s13] =	ssyncadd.s32 @!p0 $0xFFFFE000  }
0x74: {  	s12 =	sand.u32 $0x1, s12;
	_ =	strace @!p0 $0x9000004D;
	p0 =	sne.s32 s11, s8  }
.Ltmp3:
0x75: {  	s12 =	sadd.s32 $0x3, s12;
	_ =	strace $0x8000004E;
	(pc) =	sbr.rel @p0 .LBB2_1-.Ltmp3, $4  }
.Ltmp4:
0x76: {  	_ =	swait.ge [sflag:s12], $0x2000;
	(pc) =	sbr.rel @!p0 .LBB2_8-.Ltmp4, $4  }
0x77: {  	[sflag:s12] =	ssyncset.done $0x0  }
0x78: {  	[sflag:s12] =	ssyncadd.s32 $0xFFFFE000  }
0x79: {  	_ =	strace $0x9000004E  }
0x7a: {  	_ = 	snop  }
.LBB2_2:
.Ltmp5:
0x7b: {  	(pc) =	sbr.rel .LBB2_7-.Ltmp5, $4  }
0x7c: {  	_ = 	snop  }
0x7d: {  	s14 =	simm.s32 $0x0  }
0x7e: {  	s12 =	simm.s32 $0x0;
	s15 =	simm.s32 $0x0;
	s17 =	smov.u32 s13  }
0x7f: {  	s20 =	simm.s32 $0x0;
	s18 =	simm.s32 $0x1;
	s13 =	simm.s32 $0x0  }
.LBB2_4:
.Ltmp6:
0x80: {  	(pc) =	sbr.rel .LBB2_7-.Ltmp6, $3  }
0x81: {  	_ =	sdelay $0x1  }
0x82: {  	s14 =	simm.s32 $0x0  }
0x83: {  	s15 =	simm.s32 $0x0;
	s20 =	simm.s32 $0x0;
	p6 =	por $0x1, $0x1  }
.LBB2_8:
0x84: {  	_ =	sfence.sel $0x180000  }
0x85: {  	[bflag:$0x0] =	sbarrier.arrive $0xFFFF  }
0x86: {  	p0 =	sne.s32 s1, $0x0;
	_ =	strace $0x90000047  }
0x87: {  	s0 =	sadd.s32 @!p0 $0x100000, s0;
	[bflag:$0x2] =	sbarrier.arrive $0xFFFF  }
0x88: {  	[sflag:s0] =	ssyncadd.tile.s32 @!p0 $0x1;
	_ =	shalt  }
.Lfunc_end2:
_tile_overlayer_lowered:
.L_overlay_start_2:
0x89: {  	(tag) =	ssettag $0x2  }
0x8a: {  	s0 =	rddreg [dreg:$0x0];
	s2 =	stileid.u32  }
0x8b: {  	s1 =	rddreg [dreg:$0x1];
	p0 =	sne.s32 s2, $0x0  }
0x8c: {  	s3 =	rddreg [dreg:$0x2];
	[bflag:$0x3] =	sbarrier.arrive $0xFFFF;
	s2 =	simm.s32 @!p0 $0x1C01  }
0x8d: {  	[timem:s3], [sflag:s2] =	dma.local @!p0 [hbm:s0], s1  }
0x8e: {  	s0 =	simm.s32 @!p0 $0x1  }
0x8f: {  	_ =	swait.ge @!p0 [sflag:s0], s1  }
0x90: {  	s1 =	ssub.s32 @!p0 $0x0, s1;
	[sflag:s0] =	ssyncset.done @!p0 $0x0  }
0x91: {  	[sflag:s0] =	ssyncadd.s32 @!p0 s1  }
0x92: {  	[bflag:$0x3] =	sbarrier.arrive $0xFFFF  }
0x93: {  	_ =	shalt  }

// kernel: kernel.15.cloned.1.call-start
scs
__scs_entry_jumppad:
0x0: {  	(pc) =	sbr.rel $0x88, $3  }
0x1: {  	(tag) =	ssettag $0x0;
	lr =	simm.s32 $0x1  }
0x2: {  	[smem:$0x3F8F] =	sst lr;
	_ =	strace $0xD0000000  }
0x3: {  	_ = 	snop  }
0x4: {  	_ = 	snop  }
0x5: {  	_ = 	snop  }
0x6: {  	_ = 	snop  }
0x7: {  	_ = 	snop  }
__scs_overlays_trampoline_lowered:
0x8: {  	[smem:$0x3F9E] =	sst s0  }
0x9: {  	[smem:$0x3F9F] =	sst s1  }
0xa: {  	[smem:$0x3FA0] =	sst s2  }
0xb: {  	[smem:$0x3FA1] =	sst s3  }
0xc: {  	[smem:$0x3FA2] =	sst s4  }
0xd: {  	[smem:$0x3FA3] =	sst s5  }
0xe: {  	[smem:$0x3FA4] =	sst s6  }
0xf: {  	[smem:$0x3FA5] =	sst s7  }
0x10: {  	[smem:$0x3FA6] =	sst s8  }
0x11: {  	[smem:$0x3FA7] =	sst s9;
	s0 =	simm.s32 @!p0 $0x0  }
0x12: {  	s1 =	sld [smem:$0x3F8D];
	s0 =	simm.s32 @p0 $0x1  }
0x13: {  	[smem:$0x3FA8] =	sst s0;
	s0 =	simm.s32 @!p1 $0x0  }
0x14: {  	s2 =	sld [smem:$0x3F8C];
	s0 =	simm.s32 @p1 $0x1  }
0x15: {  	[smem:$0x3FA9] =	sst s0;
	s0 =	simm.s32 @!p2 $0x0  }
0x16: {  	s3 =	sld [smem:$0x3FDB];
	s0 =	simm.s32 @p2 $0x1  }
0x17: {  	s4 =	simm.s32 $0x1BF5;
	[smem:$0x3FAB] =	sst s0  }
0x18: {  	s0 =	sld [smem:$0x3F8E];
	_ =	swait.ge [sflag:s4], $0x0  }
0x19: {  	s7 =	sld [smem:$0x3F8F]  }
0x1a: {  	s8 =	sadd.s32 $0xFFFFE003, lr  }
0x1b: {  	s9 =	sadd.s32 $0xFFFFFEF7, lr;
	s5 =	simm.s32 $0xFFFFFFFF;
	p2 =	slt.u32 s8, $0xFFFFF086  }
0x1c: {  	p1 =	slt.u32 s9, $0xF7A;
	s5 =	simm.s32 @!p2 $0x0  }
0x1d: {  	s5 =	simm.s32 @p1 $0x1;
	p0 =	seq.s32 s7, s2  }
0x1e: {  	s7 =	smul.u32 @!p0 $0xF7A, s2;
	p2 =	seq.s32 @!p0 s5, $0x0  }
0x1f: {  	s9 =	smul.u32 $0xF7A, s1;
	s8 =	simm.s32 @!p0 $0x1BF5;
	p2 =	por !p2, p0  }
0x20: {  	[sflag:s8] =	ssyncset.s32 @!p0 $0xFFFFF086;
	s6 =	sadd.s32 @!p0 s3, s7;
	s7 =	simm.s32 @!p0 $0x108  }
0x21: {  	s3 =	sadd.s32 s3, s9;
	s6 =	sadd.s32 @!p0 $0x88, s6;
	s7 =	simm.s32 @p2 $0x1082  }
0x22: {  	[simem:s7], [sflag:s8] =	dma.local @!p0 [hbm:s6], $0xF7A  }
0x23: {  	s9 =	sor.u32 $0xD0000000, s2;
	s6 =	simm.s32 $0x108;
	_ =	swait.ge @!p0 [sflag:s8], $0x0  }
0x24: {  	s3 =	sadd.s32 $0x88, s3;
	s6 =	simm.s32 @!p1 $0x1082;
	[sflag:s4] =	ssyncset.s32 $0xFFFFF086  }
0x25: {  	[simem:s6], [sflag:s4] =	dma.local [hbm:s3], $0xF7A  }
0x26: {  	[smem:$0x3F8F] =	sst s1;
	(tag) =	ssettag s2;
	_ =	strace s9  }
0x27: {  	s1 =	sld [smem:$0x3F9F]  }
0x28: {  	s2 =	sld [smem:$0x3FA0]  }
0x29: {  	s4 =	sld [smem:$0x3FA2]  }
0x2a: {  	p0 =	seq.s32 s5, $0x0;
	s5 =	sld [smem:$0x3FA3]  }
0x2b: {  	s6 =	sld [smem:$0x3FA4]  }
0x2c: {  	s7 =	sld [smem:$0x3FA5]  }
0x2d: {  	s3 =	simm.s32 $0x108;
	s8 =	sld [smem:$0x3FA6]  }
0x2e: {  	s3 =	simm.s32 @!p0 $0x1082;
	s9 =	sld [smem:$0x3FA7]  }
0x2f: {  	lr =	sadd.s32 s0, s3;
	s0 =	sld [smem:$0x3F9E]  }
0x30: {  	s3 =	sld [smem:$0x3FA1]  }
0x31: {  	[smem:$0x3FAA] =	sst s10  }
0x32: {  	s10 =	sld [smem:$0x3FA8];
	_ =	sdelay $0x3  }
0x33: {  	p0 =	seq.s32 s10, $0x1;
	s10 =	sld [smem:$0x3FAA];
	_ =	sdelay $0x3  }
0x34: {  	[smem:$0x3FAA] =	sst s10  }
0x35: {  	s10 =	sld [smem:$0x3FA9];
	_ =	sdelay $0x3  }
0x36: {  	p1 =	seq.s32 s10, $0x1;
	s10 =	sld [smem:$0x3FAA];
	_ =	sdelay $0x3  }
0x37: {  	[smem:$0x3FAA] =	sst s10  }
0x38: {  	s10 =	sld [smem:$0x3FAB]  }
0x39: {  	_ = 	snop;
	(pc) =	sbr.ind lr, $3  }
0x3a: {  	_ = 	snop  }
0x3b: {  	_ = 	snop  }
0x3c: {  	p2 =	seq.s32 s10, $0x1;
	s10 =	sld [smem:$0x3FAA]  }
0x3d: {  	_ =	shalt  }
0x3e: {  	_ =	shalt  }
0x3f: {  	_ =	shalt  }
0x40: {  	_ =	shalt  }
0x41: {  	_ =	shalt  }
0x42: {  	_ =	shalt  }
0x43: {  	_ =	shalt  }
0x44: {  	_ =	shalt  }
0x45: {  	_ =	shalt  }
0x46: {  	_ =	shalt  }
0x47: {  	_ =	shalt  }
0x48: {  	_ =	shalt  }
0x49: {  	_ =	shalt  }
0x4a: {  	_ =	shalt  }
0x4b: {  	_ =	shalt  }
0x4c: {  	_ =	shalt  }
0x4d: {  	_ =	shalt  }
0x4e: {  	_ =	shalt  }
0x4f: {  	_ =	shalt  }
0x50: {  	_ =	shalt  }
0x51: {  	_ =	shalt  }
0x52: {  	_ =	shalt  }
0x53: {  	_ =	shalt  }
0x54: {  	_ =	shalt  }
0x55: {  	_ =	shalt  }
0x56: {  	_ =	shalt  }
0x57: {  	_ =	shalt  }
0x58: {  	_ =	shalt  }
0x59: {  	_ =	shalt  }
0x5a: {  	_ =	shalt  }
0x5b: {  	_ =	shalt  }
0x5c: {  	_ =	shalt  }
0x5d: {  	_ =	shalt  }
0x5e: {  	_ =	shalt  }
0x5f: {  	_ =	shalt  }
0x60: {  	_ =	shalt  }
0x61: {  	_ =	shalt  }
0x62: {  	_ =	shalt  }
0x63: {  	_ =	shalt  }
0x64: {  	_ =	shalt  }
0x65: {  	_ =	shalt  }
0x66: {  	_ =	shalt  }
0x67: {  	_ =	shalt  }
0x68: {  	_ =	shalt  }
0x69: {  	_ =	shalt  }
0x6a: {  	_ =	shalt  }
0x6b: {  	_ =	shalt  }
0x6c: {  	_ =	shalt  }
0x6d: {  	_ =	shalt  }
0x6e: {  	_ =	shalt  }
0x6f: {  	_ =	shalt  }
0x70: {  	_ =	shalt  }
0x71: {  	_ =	shalt  }
0x72: {  	_ =	shalt  }
0x73: {  	_ =	shalt  }
0x74: {  	_ =	shalt  }
0x75: {  	_ =	shalt  }
0x76: {  	_ =	shalt  }
0x77: {  	_ =	shalt  }
0x78: {  	_ =	shalt  }
0x79: {  	_ =	shalt  }
0x7a: {  	_ =	shalt  }
0x7b: {  	_ =	shalt  }
0x7c: {  	_ =	shalt  }
0x7d: {  	_ =	shalt  }
0x7e: {  	_ =	shalt  }
0x7f: {  	_ =	shalt  }
0x80: {  	_ =	shalt  }
0x81: {  	_ =	shalt  }
0x82: {  	_ =	shalt  }
0x83: {  	_ =	shalt  }
0x84: {  	_ =	shalt  }
0x85: {  	_ =	shalt  }
0x86: {  	_ =	shalt  }
0x87: {  	_ =	shalt  }
.Lfunc_end0:
.L_simem_size_0:
called_computation.1_lowered:
.L_overlay_start_0:
0x88: {  	s2 =	sld [smem:$0x3FD9]  }
0x89: {  	s3 =	sld [smem:$0x3FFE];
	_ =	sdelay $0x1  }
0x8a: {  	s1 =	srdreg.scid  }
0x8b: {  	s0 =	sand.u32 $0x1, s1  }
0x8c: {  	s16 =	sshll.u32 s0, $0xA;
	s2 =	sadd.s32 s3, s2  }
0x8d: {  	s2 =	sadd.s32 s2, s16  }
0x8e: {  	[smem:$0x3FB6] =	sst s2  }
0x8f: {  	_ = 	snop  }
0x90: {  	(tm) =	ssettm $0x1  }
0x91: {  	s17 =	sld [smem:$0x3FFB];
	_ =	sdelay $0x3  }
0x92: {  	_ =	strace s17  }
0x93: {  	s2 =	sld [smem:$0x3FFC];
	_ =	sdelay $0x3  }
0x94: {  	_ =	strace s2  }
0x95: {  	s2 =	sld [smem:$0x3FFD];
	_ =	sdelay $0x3  }
0x96: {  	_ =	strace s2  }
0x97: {  	_ =	strace $0x8FFFFFFF  }
0x98: {  	s18 =	sld [smem:$0x3FDB];
	_ =	sdelay $0x1  }
0x99: {  	s19 =	simm.s32 $_scs_section_size  }
0x9a: {  	s4 =	simm.s32 $_size__tile_overlayer_lowered;
	s5 =	simm.s32 $_tile_overlayer_lowered  }
0x9b: {  	s22 =	simm.s32 $0x1BFF;
	s21 =	sshll.u32 s5, $0x1;
	s2 =	sadd.s32 s19, s18  }
0x9c: {  	s6 =	simm.s32 $0x0;
	s20 =	sshll.u32 s4, $0x1;
	s4 =	sadd.s32 s21, s2  }
0x9d: {  	[timem:s6], [sflag:s22] =	dma.local [hbm:s4], s20  }
0x9e: {  	_ =	swait.ge [sflag:s22], s20  }
0x9f: {  	s3 =	ssub.s32 $0x0, s20;
	[sflag:s22] =	ssyncset.done $0x0  }
0xa0: {  	[sflag:s22] =	ssyncadd.s32 s3;
	_ =	sdelay $0x1  }
0xa1: {  	s23 =	simm.s32 $0x1B8B  }
0xa2: {  	_ =	swait.ge [sflag:s23], $0x1  }
0xa3: {  	[sflag:s23] =	ssyncset.done $0x0  }
0xa4: {  	s25 =	simm.s32 $0x1B8E;
	s24 =	sld [smem:$0x3FFE];
	[sflag:s23] =	ssyncadd.s32 $0xFFFFFFFF  }
0xa5: {  	s26 =	simm.s32 $execute0_lowered;
	[smem:$0x3FD2] =	sst s25  }
0xa6: {  	s4 =	sshll.u32 s26, $0x1;
	_ =	strace $0x80000050;
	[dreg:$0x1] =	wrdreg $0xFFFFFFFF  }
0xa7: {  	s28 =	simm.s32 $_size_execute0_lowered;
	s2 =	sadd.s32 s2, s4;
	[dreg:$0x0] =	wrdreg $0x0  }
0xa8: {  	s4 =	sshll.u32 s28, $0x1;
	[dreg:$0x2] =	wrdreg s2  }
0xa9: {  	[dreg:$0x3] =	wrdreg s4  }
0xaa: {  	[dreg:$0x4] =	wrdreg $0xC0  }
0xab: {  	_ =	task [dreg:s6], $0x5FFFF  }
0xac: {  	[dreg:$0x1] =	wrdreg $0xFFFFFFFF  }
0xad: {  	[dreg:$0x0] =	wrdreg $0x60  }
0xae: {  	[dreg:$0x2] =	wrdreg s24  }
0xaf: {  	[dreg:$0x3] =	wrdreg $0x0  }
0xb0: {  	[dreg:$0x4] =	wrdreg $0x9  }
0xb1: {  	_ =	task.clear_ibuf [dreg:s6], $0x5FFFF;
	_ =	strace $0x90000050  }
0xb2: {  	s29 =	simm.s32 $0x9;
	_ =	strace $0x80000058  }
0xb3: {  	_ =	swait.ge [sflag:s29], $0x1  }
0xb4: {  	[sflag:s29] =	ssyncadd.s32 $0xFFFFFFFF  }
0xb5: {  	_ =	strace $0x90000058  }
0xb6: {  	_ =	sfence  }
0xb7: {  	s30 =	sld [smem:$0x0];
	_ =	sdelay $0x2  }
0xb8: {  	s31 =	sshll.u32 s1, $0xD;
	s1 =	sshrl.u32 s1, $0x2  }
0xb9: {  	s3 =	sand.u32 $0x4000, s31;
	s1 =	sadd.s32 s1, s30  }
0xba: {  	s0 =	sor.u32 s3, s0;
	s1 =	sshll.u32 s1, $0x11  }
0xbb: {  	s0 =	sor.u32 s1, s0  }
0xbc: {  	s0 =	sadd.s32 $0x8F2B, s0  }
0xbd: {  	[sflag:s0] =	ssyncadd.remote.s32 $0x1  }
0xbe: {  	_ =	sfence.sel $0xFFFF  }
0xbf: {  	[dreg:$0x0] =	wrdreg $0xFFFFFFFF;
	(pc) =	sbr.abs _section_cstart, $3  }
0xc0: {  	[dreg:$0x1] =	wrdreg $0xFFFFFFFF  }
0xc1: {  	_ =	task.clear_ibuf [dreg:s6], $0x2FFFF;
	_ =	strace $0x9FFFFFFF  }
0xc2: {  	(tm) =	ssettm $0x7FFFFFFF  }
0xc3: {  	_ =	shalt  }
tec
execute0_lowered:
.L_overlay_start_1:
0x0: {  	(tag) =	ssettag $0x1  }
0x1: {  	s7 =	rddreg [dreg:$0x0]  }
0x2: {  	s1 =	rddreg [dreg:$0x1];
	s2 =	simm.s32 $0x0  }
0x3: {  	s3 =	srdreg.scid;
	s0 =	stileid.u32;
	s17 =	simm.s32 $0x5  }
0x4: {  	s18 =	simm.s32 $0x1;
	[smem:$0x7FF] =	sst s2;
	s4 =	sadd.s32 $0x17C00, s7  }
0x5: {  	s5 =	sadd.s32 $0x12C00, s7;
	s6 =	sand.u32 $0x1, s3;
	s12 =	smul.u32 $0x4E40, s0  }
0x6: {  	s29 =	sshll.u32 s0, $0x6;
	_ =	strace $0x80000051;
	s8 =	smul.u32 $0x9C80, s6  }
0x7: {  	s9 =	sshll.u32 s6, $0x4;
	s10 =	ssub.s32 $0x2, s6;
	s6 =	sadd.s32 $0xB4000, s7  }
0x8: {  	s9 =	sor.u32 s0, s9;
	s11 =	sshrl.u32 s10, $0x1;
	s30 =	sadd.s32 s12, s1  }
0x9: {  	s20 =	sshrl.u32 s12, $0x3;
	s13 =	smul.u32 $0x13, s9;
	s15 =	ssub.s32 s10, s11  }
0xa: {  	s10 =	smul.u32 $0x14, s9;
	p0 =	slt.u32 s9, $0x11;
	s9 =	simm.s32 $0x14  }
0xb: {  	s14 =	sadd.s32 s8, s7;
	s8 =	sor.u32 $0x1C01, s29;
	s9 =	simm.s32 @!p0 $0x13  }
0xc: {  	s19 =	sadd.s32 $0xB4A00, s14;
	s12 =	smax.u32 s15, $0x1;
	s14 =	simm.s32 $0x4E40  }
0xd: {  	s15 =	simm.s32 $0x8E40;
	s7 =	sadd.s32 $0x11, s13;
	s16 =	sadd.s32 $0xFFFFFFFF, s9  }
0xe: {  	s13 =	sshrl.u32 s30, $0x3;
	s19 =	sadd.s32 s20, s19;
	s7 =	smov.u32 @p0 s10  }
0xf: {  	s20 =	simm.s32 $0x0;
	s10 =	sshll.u32 s7, $0xA;
	s31 =	sshll.u32 s7, $0x5  }
0x10: {  	[dreg:$0x3] =	wrdreg s16;
	s10 =	sand.u32 $0x1FFFFC00, s10;
	s11 =	sand.u32 $0x1FFFFFE0, s31  }
0x11: {  	s16 =	simm.s32 $0x100;
	s10 =	sadd.s32 s4, s10;
	s11 =	sadd.s32 s5, s11  }
.LBB2_1:
0x12: {  	[spmem:s13], [sflag:s8] =	dma.local [hbm:s6], $0x9C8  }
0x13: {  	_ =	swait.ge [sflag:s18], $0x9C8  }
0x14: {  	[sflag:s18] =	ssyncset.done $0x0  }
0x15: {  	[sflag:s18] =	ssyncadd.s32 $0xFFFFF638  }
0x16: {  	[bflag:$0x0] =	sbarrier.arrive $0xFFFF  }
0x17: {  	s23 =	simm.s32 $0x0;
	_ =	strace $0x80000052  }
0x18: {  	[tilespmem:s14], [sflag:$0x1] =	stream.linear.gather [hbm4b:s10+s2], $0x2000, $0x200038;
	[tilespmem:$0x9040] =	vst v63  }
0x19: {  	s21 =	simm.s32 $0x0;
	s24 =	simm.s32 $0x1;
	s22 =	simm.s32 $0x0  }
0x1a: {  	[tilespmem:s15], [sflag:$0x3] =	stream.linear.gather [hbm4b:s11+s2], $0x100, $0x200038;
	[tilespmem:$0x9040] =	vst v63  }
0x1b: {  	s26 =	simm.s32 $0x1;
	s25 =	simm.s32 $0x0;
	_ =	strace $0x90000052  }
.LBB2_2:
0x1c: {  	s28 =	smov.u32 s23;
	s23 =	sadd.s32 $0x1, s23  }
0x1d: {  	p0 =	seq.s32 s23, s9  }
0x1e: {  	s23 =	simm.s32 @p0 $0x0  }
0x1f: {  	s29 =	smov.u32 s26;
	p0 =	seq.s32 s28, s23  }
0x20: {  	s26 =	sadd.s32 @!p0 s7, s23;
	s30 =	sand.u32 @!p0 $0x1, s29  }
0x21: {  	_ =	strace @!p0 $0x80000053;
	s3 =	simm.s32 @!p0 $0x0;
	s0 =	sshll.u32 @!p0 s26, $0xA  }
0x22: {  	s31 =	sshll.u32 @!p0 s30, $0xD;
	s30 =	sadd.s32 @!p0 $0x1, s30;
	s0 =	sand.u32 @!p0 $0x1FFFFC00, s0  }
0x23: {  	s26 =	sshll.u32 @!p0 s26, $0x5;
	s31 =	sor.u32 @!p0 $0x4E40, s31;
	s0 =	sadd.s32 @!p0 s4, s0  }
0x24: {  	[tilespmem:s31], [sflag:s30] =	stream.linear.gather @!p0 [hbm4b:s0+s3], $0x2000, $0x200038;
	[tilespmem:$0x9040] =	vst v63  }
0x25: {  	s26 =	sand.u32 @!p0 $0x1FFFFFE0, s26;
	s0 =	sand.u32 @!p0 $0x1, s24  }
0x26: {  	s26 =	sadd.s32 @!p0 s5, s26;
	_ =	strace @!p0 $0x90000053;
	s30 =	sshll.u32 @!p0 s0, $0x8  }
0x27: {  	s0 =	sadd.s32 @!p0 $0x3, s0;
	_ =	strace @!p0 $0x80000054;
	s30 =	sor.u32 @!p0 $0x8E40, s30  }
0x28: {  	[tilespmem:s30], [sflag:s0] =	stream.linear.gather @!p0 [hbm4b:s26+s3], $0x100, $0x200038;
	[tilespmem:$0x9040] =	vst v63  }
0x29: {  	s31 =	sand.u32 $0x1, s22;
	_ =	strace @!p0 $0x90000054  }
0x2a: {  	s0 =	sadd.s32 $0x1, s31;
	_ =	strace $0x80000055  }
0x2b: {  	_ =	swait.ge [sflag:s0], $0x2000  }
0x2c: {  	[sflag:s0] =	ssyncset.done $0x0  }
0x2d: {  	[sflag:s0] =	ssyncadd.s32 $0xFFFFE000  }
0x2e: {  	s3 =	sand.u32 $0x1, s21;
	_ =	strace $0x90000055  }
0x2f: {  	s0 =	sadd.s32 $0x3, s3;
	_ =	strace $0x80000056  }
0x30: {  	_ =	swait.ge [sflag:s0], $0x100  }
0x31: {  	[sflag:s0] =	ssyncset.done $0x0  }
0x32: {  	s26 =	sshll.u32 s22, $0xD;
	s30 =	sshll.u32 s21, $0x8;
	[sflag:s0] =	ssyncadd.s32 $0xFFFFFF00  }
0x33: {  	s3 =	sand.u32 $0x100, s30;
	s0 =	sand.u32 $0x2000, s26;
	_ =	strace $0x90000056  }
0x34: {  	s3 =	sor.u32 $0x8E40, s3;
	s0 =	sor.u32 $0x4E40, s0;
	_ =	strace $0x80000057  }
0x35: {  	[spmem:s1] =	stream.indirect.scatter.add.f32 [tilespmem:s0], [sflag:$0x5], $0x20, s3, s16, $0x2000b8;
	[tilespmem:$0x9040] =	vst v63  }
0x36: {  	_ =	swait.ge [sflag:s17], $0x2000  }
0x37: {  	[sflag:s17] =	ssyncset.done $0x0  }
0x38: {  	[sflag:s17] =	ssyncadd.s32 $0xFFFFE000  }
0x39: {  	s25 =	sadd.s32 $0x1, s25;
	_ =	strace $0x90000057  }
0x3a: {  	s26 =	sadd.s32 @!p0 $0x1, s29;
	s3 =	simm.s32 @!p0 $0x1;
	s31 =	rddreg [dreg:$0x3]  }
0x3b: {  	s26 =	smov.u32 @p0 s29;
	s3 =	simm.s32 @p0 $0x0;
	p0 =	sne.s32 s31, s25  }
.Ltmp0:
0x3c: {  	_ = 	snop;
	(pc) =	sbr.rel @p0 .LBB2_2-.Ltmp0, $4  }
0x3d: {  	_ = 	snop  }
0x3e: {  	p1 =	sne.s32 s28, s23;
	s28 =	simm.s32 $0x1  }
0x3f: {  	s28 =	simm.s32 @!p1 $0x0  }
0x40: {  	s22 =	sadd.s32 s28, s22;
	s21 =	sadd.s32 s28, s21;
	s24 =	sadd.s32 s24, s3  }
0x41: {  	s0 =	sand.u32 $0x1, s22  }
0x42: {  	_ =	strace $0x80000055;
	s0 =	sadd.s32 $0x1, s0  }
0x43: {  	_ =	swait.ge [sflag:s0], $0x2000  }
0x44: {  	[sflag:s0] =	ssyncset.done $0x0  }
0x45: {  	[sflag:s0] =	ssyncadd.s32 $0xFFFFE000  }
0x46: {  	s30 =	sand.u32 $0x1, s21;
	_ =	strace $0x90000055  }
0x47: {  	s0 =	sadd.s32 $0x3, s30;
	_ =	strace $0x80000056  }
0x48: {  	_ =	swait.ge [sflag:s0], $0x100  }
0x49: {  	[sflag:s0] =	ssyncset.done $0x0  }
0x4a: {  	s31 =	sshll.u32 s22, $0xD;
	s3 =	sshll.u32 s21, $0x8;
	[sflag:s0] =	ssyncadd.s32 $0xFFFFFF00  }
0x4b: {  	s3 =	sand.u32 $0x100, s3;
	s0 =	sand.u32 $0x2000, s31;
	_ =	strace $0x90000056  }
0x4c: {  	s3 =	sor.u32 $0x8E40, s3;
	s0 =	sor.u32 $0x4E40, s0;
	_ =	strace $0x80000057  }
0x4d: {  	[spmem:s1] =	stream.indirect.scatter.add.f32 [tilespmem:s0], [sflag:$0x5], $0x20, s3, s16, $0x2000b8;
	[tilespmem:$0x9040] =	vst v63  }
0x4e: {  	_ =	swait.ge [sflag:s17], $0x2000  }
0x4f: {  	[sflag:s17] =	ssyncset.done $0x0  }
0x50: {  	s20 =	sadd.s32 $0x1, s20;
	[sflag:s17] =	ssyncadd.s32 $0xFFFFE000  }
0x51: {  	p0 =	sne.s32 s20, s12;
	_ =	strace $0x90000057  }
.Ltmp1:
0x52: {  	[bflag:$0x0] =	sbarrier.arrive $0xFFFF;
	(pc) =	sbr.rel @p0 .LBB2_1-.Ltmp1, $4  }
0x53: {  	[hbm:s19], [sflag:s8] =	dma.local [spmem:s13], $0x9C8  }
0x54: {  	_ =	swait.ge [sflag:s18], $0x9C8  }
0x55: {  	[sflag:s18] =	ssyncset.done $0x0  }
0x56: {  	[sflag:s18] =	ssyncadd.s32 $0xFFFFF638  }
0x57: {  	_ =	sfence.sel $0x180000  }
0x58: {  	[bflag:$0x0] =	sbarrier.arrive $0xFFFF  }
0x59: {  	_ =	strace $0x90000051  }
0x5a: {  	s0 =	stileid.u32;
	[bflag:$0x2] =	sbarrier.arrive $0xFFFF  }
0x5b: {  	p0 =	sne.s32 s0, $0x0;
	s0 =	rddreg [dreg:$0x2]  }
0x5c: {  	s0 =	sadd.s32 @!p0 $0x100000, s0  }
0x5d: {  	[sflag:s0] =	ssyncadd.tile.s32 @!p0 $0x1;
	_ =	shalt  }
.Lfunc_end2:
_tile_overlayer_lowered:
.L_overlay_start_2:
0x5e: {  	(tag) =	ssettag $0x2  }
0x5f: {  	s0 =	rddreg [dreg:$0x0];
	s2 =	stileid.u32  }
0x60: {  	s1 =	rddreg [dreg:$0x1];
	p0 =	sne.s32 s2, $0x0  }
0x61: {  	s3 =	rddreg [dreg:$0x2];
	[bflag:$0x3] =	sbarrier.arrive $0xFFFF;
	s2 =	simm.s32 @!p0 $0x1C01  }
0x62: {  	[timem:s3], [sflag:s2] =	dma.local @!p0 [hbm:s0], s1  }
0x63: {  	s0 =	simm.s32 @!p0 $0x1  }
0x64: {  	_ =	swait.ge @!p0 [sflag:s0], s1  }
0x65: {  	s1 =	ssub.s32 @!p0 $0x0, s1;
	[sflag:s0] =	ssyncset.done @!p0 $0x0  }
0x66: {  	[sflag:s0] =	ssyncadd.s32 @!p0 s1  }
0x67: {  	[bflag:$0x3] =	sbarrier.arrive $0xFFFF  }
0x68: {  	_ =	shalt  }

// kernel: kernel.18.cloned.1.call-start
scs
__scs_entry_jumppad:
0x0: {  	(pc) =	sbr.rel $0x88, $3  }
0x1: {  	(tag) =	ssettag $0x0;
	lr =	simm.s32 $0x1  }
0x2: {  	[smem:$0x3F8F] =	sst lr;
	_ =	strace $0xD0000000  }
0x3: {  	_ = 	snop  }
0x4: {  	_ = 	snop  }
0x5: {  	_ = 	snop  }
0x6: {  	_ = 	snop  }
0x7: {  	_ = 	snop  }
__scs_overlays_trampoline_lowered:
0x8: {  	[smem:$0x3F9E] =	sst s0  }
0x9: {  	[smem:$0x3F9F] =	sst s1  }
0xa: {  	[smem:$0x3FA0] =	sst s2  }
0xb: {  	[smem:$0x3FA1] =	sst s3  }
0xc: {  	[smem:$0x3FA2] =	sst s4  }
0xd: {  	[smem:$0x3FA3] =	sst s5  }
0xe: {  	[smem:$0x3FA4] =	sst s6  }
0xf: {  	[smem:$0x3FA5] =	sst s7  }
0x10: {  	[smem:$0x3FA6] =	sst s8  }
0x11: {  	[smem:$0x3FA7] =	sst s9;
	s0 =	simm.s32 @!p0 $0x0  }
0x12: {  	s1 =	sld [smem:$0x3F8D];
	s0 =	simm.s32 @p0 $0x1  }
0x13: {  	[smem:$0x3FA8] =	sst s0;
	s0 =	simm.s32 @!p1 $0x0  }
0x14: {  	s2 =	sld [smem:$0x3F8C];
	s0 =	simm.s32 @p1 $0x1  }
0x15: {  	[smem:$0x3FA9] =	sst s0;
	s0 =	simm.s32 @!p2 $0x0  }
0x16: {  	s3 =	sld [smem:$0x3FDB];
	s0 =	simm.s32 @p2 $0x1  }
0x17: {  	s4 =	simm.s32 $0x1BF5;
	[smem:$0x3FAB] =	sst s0  }
0x18: {  	s0 =	sld [smem:$0x3F8E];
	_ =	swait.ge [sflag:s4], $0x0  }
0x19: {  	s7 =	sld [smem:$0x3F8F]  }
0x1a: {  	s8 =	sadd.s32 $0xFFFFE003, lr  }
0x1b: {  	s9 =	sadd.s32 $0xFFFFFEF7, lr;
	s5 =	simm.s32 $0xFFFFFFFF;
	p2 =	slt.u32 s8, $0xFFFFF086  }
0x1c: {  	p1 =	slt.u32 s9, $0xF7A;
	s5 =	simm.s32 @!p2 $0x0  }
0x1d: {  	s5 =	simm.s32 @p1 $0x1;
	p0 =	seq.s32 s7, s2  }
0x1e: {  	s7 =	smul.u32 @!p0 $0xF7A, s2;
	p2 =	seq.s32 @!p0 s5, $0x0  }
0x1f: {  	s9 =	smul.u32 $0xF7A, s1;
	s8 =	simm.s32 @!p0 $0x1BF5;
	p2 =	por !p2, p0  }
0x20: {  	[sflag:s8] =	ssyncset.s32 @!p0 $0xFFFFF086;
	s6 =	sadd.s32 @!p0 s3, s7;
	s7 =	simm.s32 @!p0 $0x108  }
0x21: {  	s3 =	sadd.s32 s3, s9;
	s6 =	sadd.s32 @!p0 $0x88, s6;
	s7 =	simm.s32 @p2 $0x1082  }
0x22: {  	[simem:s7], [sflag:s8] =	dma.local @!p0 [hbm:s6], $0xF7A  }
0x23: {  	s9 =	sor.u32 $0xD0000000, s2;
	s6 =	simm.s32 $0x108;
	_ =	swait.ge @!p0 [sflag:s8], $0x0  }
0x24: {  	s3 =	sadd.s32 $0x88, s3;
	s6 =	simm.s32 @!p1 $0x1082;
	[sflag:s4] =	ssyncset.s32 $0xFFFFF086  }
0x25: {  	[simem:s6], [sflag:s4] =	dma.local [hbm:s3], $0xF7A  }
0x26: {  	[smem:$0x3F8F] =	sst s1;
	(tag) =	ssettag s2;
	_ =	strace s9  }
0x27: {  	s1 =	sld [smem:$0x3F9F]  }
0x28: {  	s2 =	sld [smem:$0x3FA0]  }
0x29: {  	s4 =	sld [smem:$0x3FA2]  }
0x2a: {  	p0 =	seq.s32 s5, $0x0;
	s5 =	sld [smem:$0x3FA3]  }
0x2b: {  	s6 =	sld [smem:$0x3FA4]  }
0x2c: {  	s7 =	sld [smem:$0x3FA5]  }
0x2d: {  	s3 =	simm.s32 $0x108;
	s8 =	sld [smem:$0x3FA6]  }
0x2e: {  	s3 =	simm.s32 @!p0 $0x1082;
	s9 =	sld [smem:$0x3FA7]  }
0x2f: {  	lr =	sadd.s32 s0, s3;
	s0 =	sld [smem:$0x3F9E]  }
0x30: {  	s3 =	sld [smem:$0x3FA1]  }
0x31: {  	[smem:$0x3FAA] =	sst s10  }
0x32: {  	s10 =	sld [smem:$0x3FA8];
	_ =	sdelay $0x3  }
0x33: {  	p0 =	seq.s32 s10, $0x1;
	s10 =	sld [smem:$0x3FAA];
	_ =	sdelay $0x3  }
0x34: {  	[smem:$0x3FAA] =	sst s10  }
0x35: {  	s10 =	sld [smem:$0x3FA9];
	_ =	sdelay $0x3  }
0x36: {  	p1 =	seq.s32 s10, $0x1;
	s10 =	sld [smem:$0x3FAA];
	_ =	sdelay $0x3  }
0x37: {  	[smem:$0x3FAA] =	sst s10  }
0x38: {  	s10 =	sld [smem:$0x3FAB]  }
0x39: {  	_ = 	snop;
	(pc) =	sbr.ind lr, $3  }
0x3a: {  	_ = 	snop  }
0x3b: {  	_ = 	snop  }
0x3c: {  	p2 =	seq.s32 s10, $0x1;
	s10 =	sld [smem:$0x3FAA]  }
0x3d: {  	_ =	shalt  }
0x3e: {  	_ =	shalt  }
0x3f: {  	_ =	shalt  }
0x40: {  	_ =	shalt  }
0x41: {  	_ =	shalt  }
0x42: {  	_ =	shalt  }
0x43: {  	_ =	shalt  }
0x44: {  	_ =	shalt  }
0x45: {  	_ =	shalt  }
0x46: {  	_ =	shalt  }
0x47: {  	_ =	shalt  }
0x48: {  	_ =	shalt  }
0x49: {  	_ =	shalt  }
0x4a: {  	_ =	shalt  }
0x4b: {  	_ =	shalt  }
0x4c: {  	_ =	shalt  }
0x4d: {  	_ =	shalt  }
0x4e: {  	_ =	shalt  }
0x4f: {  	_ =	shalt  }
0x50: {  	_ =	shalt  }
0x51: {  	_ =	shalt  }
0x52: {  	_ =	shalt  }
0x53: {  	_ =	shalt  }
0x54: {  	_ =	shalt  }
0x55: {  	_ =	shalt  }
0x56: {  	_ =	shalt  }
0x57: {  	_ =	shalt  }
0x58: {  	_ =	shalt  }
0x59: {  	_ =	shalt  }
0x5a: {  	_ =	shalt  }
0x5b: {  	_ =	shalt  }
0x5c: {  	_ =	shalt  }
0x5d: {  	_ =	shalt  }
0x5e: {  	_ =	shalt  }
0x5f: {  	_ =	shalt  }
0x60: {  	_ =	shalt  }
0x61: {  	_ =	shalt  }
0x62: {  	_ =	shalt  }
0x63: {  	_ =	shalt  }
0x64: {  	_ =	shalt  }
0x65: {  	_ =	shalt  }
0x66: {  	_ =	shalt  }
0x67: {  	_ =	shalt  }
0x68: {  	_ =	shalt  }
0x69: {  	_ =	shalt  }
0x6a: {  	_ =	shalt  }
0x6b: {  	_ =	shalt  }
0x6c: {  	_ =	shalt  }
0x6d: {  	_ =	shalt  }
0x6e: {  	_ =	shalt  }
0x6f: {  	_ =	shalt  }
0x70: {  	_ =	shalt  }
0x71: {  	_ =	shalt  }
0x72: {  	_ =	shalt  }
0x73: {  	_ =	shalt  }
0x74: {  	_ =	shalt  }
0x75: {  	_ =	shalt  }
0x76: {  	_ =	shalt  }
0x77: {  	_ =	shalt  }
0x78: {  	_ =	shalt  }
0x79: {  	_ =	shalt  }
0x7a: {  	_ =	shalt  }
0x7b: {  	_ =	shalt  }
0x7c: {  	_ =	shalt  }
0x7d: {  	_ =	shalt  }
0x7e: {  	_ =	shalt  }
0x7f: {  	_ =	shalt  }
0x80: {  	_ =	shalt  }
0x81: {  	_ =	shalt  }
0x82: {  	_ =	shalt  }
0x83: {  	_ =	shalt  }
0x84: {  	_ =	shalt  }
0x85: {  	_ =	shalt  }
0x86: {  	_ =	shalt  }
0x87: {  	_ =	shalt  }
.Lfunc_end0:
.L_simem_size_0:
called_computation.2_lowered:
.L_overlay_start_0:
0x88: {  	s2 =	sld [smem:$0x3FD9]  }
0x89: {  	s3 =	sld [smem:$0x3FFE];
	_ =	sdelay $0x1  }
0x8a: {  	s1 =	srdreg.scid  }
0x8b: {  	s0 =	sand.u32 $0x1, s1  }
0x8c: {  	s17 =	sshll.u32 s0, $0xA;
	s2 =	sadd.s32 s3, s2  }
0x8d: {  	s2 =	sadd.s32 s2, s17  }
0x8e: {  	[smem:$0x3FB6] =	sst s2  }
0x8f: {  	_ = 	snop  }
0x90: {  	s2 =	sld [smem:$0x3FD0];
	(tm) =	ssettm $0x1  }
0x91: {  	s18 =	sld [smem:$0x3FFB];
	_ =	sdelay $0x3  }
0x92: {  	_ =	strace s18  }
0x93: {  	s3 =	sld [smem:$0x3FFC];
	_ =	sdelay $0x3  }
0x94: {  	_ =	strace s3  }
0x95: {  	s3 =	sld [smem:$0x3FFD];
	_ =	sdelay $0x3  }
0x96: {  	_ =	strace s3  }
0x97: {  	_ =	strace $0x8FFFFFFF  }
0x98: {  	s19 =	sld [smem:$0x3FDB];
	_ =	sdelay $0x1  }
0x99: {  	s4 =	simm.s32 $_scs_section_size  }
0x9a: {  	s5 =	simm.s32 $_size__tile_overlayer_lowered;
	s6 =	simm.s32 $_tile_overlayer_lowered  }
0x9b: {  	s22 =	simm.s32 $0x1BFF;
	s21 =	sshll.u32 s6, $0x1;
	s3 =	sadd.s32 s4, s19  }
0x9c: {  	s7 =	simm.s32 $0x0;
	s20 =	sshll.u32 s5, $0x1;
	s5 =	sadd.s32 s21, s3  }
0x9d: {  	[timem:s7], [sflag:s22] =	dma.local [hbm:s5], s20  }
0x9e: {  	_ =	swait.ge [sflag:s22], s20  }
0x9f: {  	s4 =	ssub.s32 $0x0, s20;
	[sflag:s22] =	ssyncset.done $0x0  }
0xa0: {  	[sflag:s22] =	ssyncadd.s32 s4;
	_ =	sdelay $0x1  }
0xa1: {  	s23 =	simm.s32 $0x1B8B  }
0xa2: {  	_ =	swait.ge [sflag:s23], $0x1  }
0xa3: {  	[sflag:s23] =	ssyncset.done $0x0  }
0xa4: {  	s25 =	simm.s32 $0x1B8E;
	s24 =	sld [smem:$0x3FFE];
	[sflag:s23] =	ssyncadd.s32 $0xFFFFFFFF  }
0xa5: {  	s26 =	simm.s32 $execute0_lowered;
	[smem:$0x3FD2] =	sst s25  }
0xa6: {  	s5 =	sshll.u32 s26, $0x1;
	_ =	strace $0x80000059;
	[dreg:$0x1] =	wrdreg $0xFFFFFFFF  }
0xa7: {  	s28 =	simm.s32 $_size_execute0_lowered;
	s3 =	sadd.s32 s3, s5;
	[dreg:$0x0] =	wrdreg $0x0  }
0xa8: {  	s5 =	sshll.u32 s28, $0x1;
	[dreg:$0x2] =	wrdreg s3  }
0xa9: {  	[dreg:$0x3] =	wrdreg s5  }
0xaa: {  	[dreg:$0x4] =	wrdreg $0xC0  }
0xab: {  	_ =	task [dreg:s7], $0x5FFFF  }
0xac: {  	[dreg:$0x1] =	wrdreg $0xFFFFFFFF  }
0xad: {  	[dreg:$0x0] =	wrdreg $0x60  }
0xae: {  	[dreg:$0x2] =	wrdreg s2  }
0xaf: {  	[dreg:$0x3] =	wrdreg s24  }
0xb0: {  	[dreg:$0x4] =	wrdreg $0x9  }
0xb1: {  	_ =	task.clear_ibuf [dreg:s7], $0x5FFFF;
	_ =	strace $0x90000059  }
0xb2: {  	s29 =	simm.s32 $0x9;
	_ =	strace $0x80000062  }
0xb3: {  	_ =	swait.ge [sflag:s29], $0x1  }
0xb4: {  	[sflag:s29] =	ssyncadd.s32 $0xFFFFFFFF  }
0xb5: {  	_ =	strace $0x90000062  }
0xb6: {  	_ =	sfence  }
0xb7: {  	s30 =	sld [smem:$0x0];
	_ =	sdelay $0x2  }
0xb8: {  	s31 =	sshll.u32 s1, $0xD;
	s1 =	sshrl.u32 s1, $0x2  }
0xb9: {  	s3 =	sand.u32 $0x4000, s31;
	s1 =	sadd.s32 s1, s30  }
0xba: {  	s0 =	sor.u32 s3, s0;
	s1 =	sshll.u32 s1, $0x11  }
0xbb: {  	s0 =	sor.u32 s1, s0  }
0xbc: {  	s0 =	sadd.s32 $0x8F2B, s0  }
0xbd: {  	[sflag:s0] =	ssyncadd.remote.s32 $0x1  }
0xbe: {  	_ =	sfence.sel $0xFFFF  }
0xbf: {  	[dreg:$0x0] =	wrdreg $0xFFFFFFFF;
	(pc) =	sbr.abs _section_cstart, $3  }
0xc0: {  	[dreg:$0x1] =	wrdreg $0xFFFFFFFF  }
0xc1: {  	_ =	task.clear_ibuf [dreg:s7], $0x2FFFF;
	_ =	strace $0x9FFFFFFF  }
0xc2: {  	(tm) =	ssettm $0x7FFFFFFF  }
0xc3: {  	_ =	shalt  }
tec
execute0_lowered:
.L_overlay_start_1:
0x0: {  	(tag) =	ssettag $0x1  }
0x1: {  	s0 =	rddreg [dreg:$0x0];
	s1 =	srdreg.scid  }
0x2: {  	s4 =	rddreg [dreg:$0x1];
	s2 =	simm.s32 $0x0;
	s9 =	simm.s32 $0x1  }
0x3: {  	s10 =	simm.s32 $0x100;
	[dreg:$0x3] =	wrdreg s0;
	s5 =	sand.u32 $0x1, s1  }
0x4: {  	s1 =	stileid.u32;
	s0 =	rddreg [dreg:$0x2];
	s3 =	sshll.u32 s5, $0x4  }
0x5: {  	s11 =	simm.s32 $0x0;
	[smem:$0x7FF] =	sst s2;
	s3 =	sor.u32 s1, s3  }
0x6: {  	s8 =	sadd.s32 $0x17C00, s4;
	s4 =	sadd.s32 $0xDC00, s4;
	s6 =	smul.u32 $0x13, s3  }
0x7: {  	_ =	strace $0x8000005A;
	[dreg:$0x5] =	wrdreg s8;
	s7 =	smul.u32 $0x14, s3  }
0x8: {  	s30 =	ssub.s32 $0x2, s5;
	p0 =	slt.u32 s3, $0x11;
	s3 =	sadd.s32 $0x11, s6  }
0x9: {  	s5 =	simm.s32 $0x14;
	[dreg:$0x4] =	wrdreg s10;
	s3 =	smov.u32 @p0 s7  }
0xa: {  	s10 =	simm.s32 $0x5;
	s31 =	sshrl.u32 s30, $0x1;
	s7 =	sshll.u32 s3, $0x5  }
0xb: {  	s8 =	ssub.s32 s30, s31;
	s5 =	simm.s32 @!p0 $0x13;
	s7 =	sand.u32 $0x1FFFFFE0, s7  }
0xc: {  	s8 =	smax.u32 s8, $0x1;
	s6 =	sadd.s32 s4, s7;
	s7 =	sadd.s32 $0xFFFFFFFF, s5  }
.LBB2_1:
0xd: {  	_ =	strace $0x8000005B;
	p2 =	sne.s32 s5, $0x1  }
.Ltmp0:
0xe: {  	p0 =	seq.s32 s5, $0x1;
	s13 =	simm.s32 $0x1;
	(pc) =	sbr.rel @!p2 .LBB2_2-.Ltmp0, $4  }
0xf: {  	[tilespmem:s2], [sflag:$0x1] =	stream.linear.gather [hbm4b:s6+s2], $0x100, $0x200038;
	[tilespmem:$0x4200] =	vst v63  }
0x10: {  	s12 =	simm.s32 $0x1;
	p1 =	por $0x1, $0x1;
	s13 =	simm.s32 @p0 $0x0  }
0x11: {  	p6 =	sgt.u32 s7, $0x0;
	p4 =	por p1, p1;
	p3 =	sne.s32 s13, $0x0  }
0x12: {  	_ =	strace $0x9000005B;
	p5 =	por !p6, !p3;
	p6 =	por $0x0, $0x0  }
0x13: {  	p2 =	por !p5, !p5  }
0x14: {  	s21 =	sand.u32 $0x1, s2;
	s19 =	simm.s32 $0x2;
	s14 =	sadd.s32 @p2 s3, s13  }
0x15: {  	p1 =	por p3, p3;
	s15 =	sand.u32 @p2 $0x1, s9;
	s14 =	sshll.u32 @p2 s14, $0x5  }
0x16: {  	_ =	strace @p2 $0x8000005C;
	s17 =	simm.s32 @p2 $0x0;
	s14 =	sand.u32 @p2 $0x1FFFFFE0, s14  }
0x17: {  	s16 =	sshll.u32 @p2 s15, $0x8;
	s15 =	sadd.s32 @p2 $0x1, s15;
	s14 =	sadd.s32 @p2 s4, s14  }
0x18: {  	[tilespmem:s16], [sflag:s15] =	stream.linear.gather @p2 [hbm4b:s14+s17], $0x100, $0x200038;
	[tilespmem:$0x4200] =	vst v63  }
0x19: {  	s30 =	simm.s32 $0x0;
	p6 =	por $0x0, $0x0;
	_ =	strace @p2 $0x9000005C  }
0x1a: {  	p0 =	sne.s32 s5, $0x2;
	s29 =	sadd.s32 $0x1, s21;
	_ =	strace $0x8000005D  }
0x1b: {  	s24 =	sadd.s32 $0x0, s3;
	p5 =	sgt.u32 s7, $0x1;
	_ =	swait.ge [sflag:s29], $0x100  }
0x1c: {  	s23 =	simm.s32 $0x1;
	s22 =	sshll.u32 s21, $0xD;
	[sflag:s29] =	ssyncset.done $0x0  }
0x1d: {  	s22 =	sor.u32 $0x200, s22;
	s16 =	sand.u32 @!p4 $0x1, s2;
	[sflag:s29] =	ssyncadd.s32 $0xFFFFFF00  }
0x1e: {  	s15 =	simm.s32 $0x1;
	s17 =	sadd.s32 $0x1, s13;
	_ =	strace $0x9000005D  }
0x1f: {  	s14 =	sand.u32 $0x100, s30;
	s15 =	simm.s32 @!p2 $0x0;
	_ =	strace $0x8000005E  }
0x20: {  	p2 =	por p4, p4;
	p4 =	por p6, p6;
	s20 =	rddreg [dreg:$0x4]  }
0x21: {  	p3 =	seq.s32 s17, s5;
	p6 =	seq.s32 s7, $0x0;
	s31 =	rddreg [dreg:$0x3]  }
0x22: {  	[tilespmem:s22], [sflag:$0x5] =	stream.indirect.gather [hbm4b:s31+s20], $0x20, s14, s20, $0x2000b8;
	[tilespmem:$0x4200] =	vst v63  }
.Ltmp1:
0x23: {  	s18 =	sadd.s32 $0x1, s15;
	s17 =	simm.s32 @p3 $0x0;
	(pc) =	sbr.rel @!p0 .LBB2_4-.Ltmp1, $4  }
0x24: {  	p1 =	por p6, p1;
	p6 =	por $0x0, $0x0;
	_ =	swait.ge [sflag:s10], $0x2000  }
0x25: {  	s15 =	simm.s32 $0x0;
	p3 =	sne.s32 s13, s17;
	[sflag:s10] =	ssyncset.done $0x0  }
0x26: {  	s23 =	simm.s32 @!p6 $0x0;
	p5 =	por !p5, !p3;
	[sflag:s10] =	ssyncadd.s32 $0xFFFFE000  }
0x27: {  	s14 =	simm.s32 $0x0;
	s20 =	simm.s32 $0x0;
	_ =	strace $0x9000005E  }
.LBB2_5:
0x28: {  	_ =	strace @p1 $0x8000005F;
	s14 =	sadd.s32 s23, s14;
	s23 =	smov.u32 s12  }
0x29: {  	s12 =	smov.u32 s19;
	s19 =	sadd.s32 $0x1, s19;
	p0 =	por p3, p3  }
0x2a: {  	s29 =	sshll.u32 @p1 s24, $0xA;
	s21 =	sadd.s32 @p1 $0x3, s21;
	s25 =	simm.s32 @!p0 $0x0  }
0x2b: {  	s26 =	rddreg [dreg:$0x5];
	s29 =	sand.u32 @p1 $0x1FFFFC00, s29;
	s25 =	simm.s32 @p0 $0x1  }
0x2c: {  	s26 =	sadd.s32 @p1 s26, s29;
	s29 =	simm.s32 @p1 $0x0;
	p0 =	sne.s32 s5, s19  }
0x2d: {  	[hbm4b:s26+s29] =	stream.linear.scatter @p1 [tilespmem:s22], [sflag:s21], $0x2000, $0x200038;
	[tilespmem:$0x4200] =	vst v63  }
0x2e: {  	s21 =	sadd.s32 @!p2 $0x3, s16;
	s16 =	simm.s32 @!p0 $0x0  }
0x2f: {  	s28 =	simm.s32 $0x1;
	[smem:$0x7FC] =	sst s25;
	s16 =	simm.s32 @p0 $0x1  }
0x30: {  	s28 =	simm.s32 @!p1 $0x0;
	_ =	strace @p1 $0x9000005F;
	[smem:$0x7FD] =	sst s16  }
0x31: {  	s20 =	sadd.s32 s28, s20;
	s25 =	sand.u32 @!p4 $0x1, s14;
	_ =	strace @!p2 $0x80000060  }
0x32: {  	p1 =	por !p5, !p5;
	s16 =	smov.u32 s25;
	_ =	swait.ge @!p2 [sflag:s21], $0x2000  }
0x33: {  	s22 =	sand.u32 @p1 $0x1, s18;
	s25 =	sadd.s32 @p1 s3, s17;
	[sflag:s21] =	ssyncset.done @!p2 $0x0  }
0x34: {  	s26 =	sshll.u32 @p1 s22, $0x8;
	s25 =	sshll.u32 @p1 s25, $0x5;
	[sflag:s21] =	ssyncadd.s32 @!p2 $0xFFFFE000  }
0x35: {  	s21 =	sadd.s32 @p1 $0x1, s22;
	s22 =	sand.u32 @p1 $0x1FFFFFE0, s25;
	_ =	strace @!p2 $0x90000060  }
0x36: {  	s25 =	simm.s32 @p1 $0x0;
	s22 =	sadd.s32 @p1 s4, s22;
	_ =	strace @p1 $0x8000005C  }
0x37: {  	[tilespmem:s26], [sflag:s21] =	stream.linear.gather @p1 [hbm4b:s22+s25], $0x100, $0x200038;
	[tilespmem:$0x4200] =	vst v63  }
0x38: {  	s15 =	sadd.s32 s28, s15;
	s28 =	sand.u32 $0x1, s20;
	_ =	strace @p1 $0x9000005C  }
0x39: {  	s28 =	sadd.s32 $0x1, s28;
	_ =	strace $0x8000005D  }
0x3a: {  	_ =	swait.ge [sflag:s28], $0x100  }
0x3b: {  	[sflag:s28] =	ssyncset.done $0x0  }
0x3c: {  	s21 =	simm.s32 $0x1;
	[sflag:s28] =	ssyncadd.s32 $0xFFFFFF00  }
0x3d: {  	s21 =	simm.s32 @!p1 $0x0;
	_ =	strace $0x9000005D  }
0x3e: {  	s18 =	sadd.s32 s21, s18;
	s21 =	sand.u32 $0x1, s15;
	_ =	strace $0x8000005E  }
0x3f: {  	s31 =	sshll.u32 s20, $0x8;
	s29 =	sshll.u32 s21, $0xD;
	s25 =	rddreg [dreg:$0x4]  }
0x40: {  	s31 =	sand.u32 $0x100, s31;
	s22 =	sor.u32 $0x200, s29;
	s26 =	rddreg [dreg:$0x3]  }
0x41: {  	[tilespmem:s22], [sflag:$0x5] =	stream.indirect.gather [hbm4b:s26+s25], $0x20, s31, s25, $0x2000b8;
	[tilespmem:$0x4200] =	vst v63  }
0x42: {  	_ =	swait.ge [sflag:s10], $0x2000  }
0x43: {  	[sflag:s10] =	ssyncset.done $0x0  }
0x44: {  	[sflag:s10] =	ssyncadd.s32 $0xFFFFE000  }
0x45: {  	s30 =	sadd.s32 $0x1, s17;
	_ =	strace $0x9000005E  }
0x46: {  	s24 =	sadd.s32 s3, s13;
	s13 =	smov.u32 s17;
	s31 =	sld [smem:$0x7FD]  }
0x47: {  	p0 =	sne.s32 s23, $0x0;
	s17 =	smov.u32 s30;
	p1 =	seq.s32 s30, s5  }
0x48: {  	s17 =	simm.s32 @p1 $0x0;
	p1 =	seq.s32 s7, s23;
	s23 =	simm.s32 $0x1  }
0x49: {  	s23 =	simm.s32 @!p0 $0x0;
	p0 =	seq.s32 s31, $0x1  }
.Ltmp2:
0x4a: {  	s30 =	sld [smem:$0x7FC];
	(pc) =	sbr.rel @p0 .LBB2_5-.Ltmp2, $4  }
0x4b: {  	p3 =	seq.s32 s12, $0x0  }
0x4c: {  	p6 =	por p3, p3;
	p5 =	slt.u32 s12, s7  }
0x4d: {  	p2 =	por p4, p4;
	p3 =	sne.s32 s13, s17;
	p4 =	seq.s32 s30, $0x1  }
0x4e: {  	p5 =	por !p5, !p3;
	p1 =	por p1, p4;
	p4 =	por p6, p6  }
0x4f: {  	p6 =	por $0x1, $0x1  }
.LBB2_7:
0x50: {  	p0 =	por !p1, !p6  }
0x51: {  	s25 =	simm.s32 $0x1;
	_ =	strace @!p0 $0x8000005F;
	s24 =	sshll.u32 @!p0 s24, $0xA  }
0x52: {  	p2 =	por p2, !p6;
	s19 =	rddreg [dreg:$0x5];
	s24 =	sand.u32 @!p0 $0x1FFFFC00, s24  }
0x53: {  	s21 =	sadd.s32 @!p0 $0x3, s21;
	s19 =	sadd.s32 @!p0 s19, s24;
	s24 =	simm.s32 @!p0 $0x0  }
0x54: {  	[hbm4b:s19+s24] =	stream.linear.scatter @!p0 [tilespmem:s22], [sflag:s21], $0x2000, $0x200038;
	[tilespmem:$0x4200] =	vst v63  }
0x55: {  	p1 =	por !p5, !p5;
	s25 =	simm.s32 @p0 $0x0;
	_ =	strace @!p0 $0x9000005F  }
0x56: {  	s16 =	sadd.s32 @!p2 $0x3, s16;
	s17 =	sadd.s32 @p1 s3, s17;
	_ =	strace @!p2 $0x80000060  }
0x57: {  	s18 =	sand.u32 @p1 $0x1, s18;
	s17 =	sshll.u32 @p1 s17, $0x5;
	_ =	swait.ge @!p2 [sflag:s16], $0x2000  }
0x58: {  	s17 =	sand.u32 @p1 $0x1FFFFFE0, s17;
	s19 =	sadd.s32 @p6 s25, s20;
	[sflag:s16] =	ssyncset.done @!p2 $0x0  }
0x59: {  	s20 =	simm.s32 $0x0;
	s17 =	sadd.s32 @p1 s4, s17;
	[sflag:s16] =	ssyncadd.s32 @!p2 $0xFFFFE000  }
0x5a: {  	s20 =	smov.u32 @p6 s19;
	s19 =	sshll.u32 @p1 s18, $0x8;
	_ =	strace @!p2 $0x90000060  }
0x5b: {  	s16 =	sadd.s32 @p1 $0x1, s18;
	s18 =	simm.s32 @p1 $0x0;
	_ =	strace @p1 $0x8000005C  }
0x5c: {  	[tilespmem:s19], [sflag:s16] =	stream.linear.gather @p1 [hbm4b:s17+s18], $0x100, $0x200038;
	[tilespmem:$0x4200] =	vst v63  }
0x5d: {  	s26 =	sand.u32 $0x1, s20;
	_ =	strace @p1 $0x9000005C  }
0x5e: {  	s16 =	sadd.s32 $0x1, s26;
	_ =	strace $0x8000005D  }
0x5f: {  	_ =	swait.ge [sflag:s16], $0x100  }
0x60: {  	[sflag:s16] =	ssyncset.done $0x0  }
0x61: {  	s15 =	sadd.s32 @p6 s25, s15;
	[sflag:s16] =	ssyncadd.s32 $0xFFFFFF00;
	s16 =	simm.s32 $0x0  }
0x62: {  	_ =	strace $0x9000005D;
	s16 =	smov.u32 @p6 s15  }
0x63: {  	_ =	strace $0x8000005E;
	s16 =	sand.u32 $0x1, s16  }
0x64: {  	s30 =	sshll.u32 s20, $0x8;
	s28 =	rddreg [dreg:$0x4];
	s31 =	sshll.u32 s16, $0xD  }
0x65: {  	s18 =	sand.u32 $0x100, s30;
	s29 =	rddreg [dreg:$0x3];
	s19 =	sor.u32 $0x200, s31  }
0x66: {  	[tilespmem:s19], [sflag:$0x5] =	stream.indirect.gather [hbm4b:s29+s28], $0x20, s18, s28, $0x2000b8;
	[tilespmem:$0x4200] =	vst v63  }
0x67: {  	_ =	swait.ge [sflag:s10], $0x2000  }
0x68: {  	p3 =	por p3, p3;
	[sflag:s10] =	ssyncset.done $0x0  }
0x69: {  	p5 =	seq.s32 s7, s12;
	s13 =	sadd.s32 s3, s13;
	[sflag:s10] =	ssyncadd.s32 $0xFFFFE000  }
0x6a: {  	s14 =	sadd.s32 @p6 s23, s14;
	p1 =	por p5, p3;
	_ =	strace $0x9000005E  }
0x6b: {  	s17 =	simm.s32 $0x0;
	s13 =	sshll.u32 @p1 s13, $0xA;
	_ =	strace @p1 $0x8000005F  }
0x6c: {  	s17 =	smov.u32 @p6 s14;
	s13 =	sand.u32 @p1 $0x1FFFFC00, s13;
	s15 =	rddreg [dreg:$0x5]  }
0x6d: {  	s14 =	sadd.s32 @p1 $0x3, s16;
	s13 =	sadd.s32 @p1 s15, s13;
	s15 =	simm.s32 @p1 $0x0  }
0x6e: {  	[hbm4b:s13+s15] =	stream.linear.scatter @p1 [tilespmem:s19], [sflag:s14], $0x2000, $0x200038;
	[tilespmem:$0x4200] =	vst v63  }
0x6f: {  	p0 =	por p4, p4;
	s13 =	sand.u32 @!p4 $0x1, s17;
	_ =	strace @p1 $0x9000005F  }
0x70: {  	s13 =	sadd.s32 @!p0 $0x3, s13;
	_ =	strace @!p0 $0x80000060  }
0x71: {  	p1 =	sne.s32 s12, $0x0;
	s12 =	simm.s32 $0x1;
	_ =	swait.ge @!p0 [sflag:s13], $0x2000  }
0x72: {  	s12 =	simm.s32 @!p1 $0x0;
	[sflag:s13] =	ssyncset.done @!p0 $0x0  }
0x73: {  	s11 =	sadd.s32 $0x1, s11;
	s12 =	sadd.s32 s12, s17;
	[sflag:s13] =	ssyncadd.s32 @!p0 $0xFFFFE000  }
0x74: {  	s12 =	sand.u32 $0x1, s12;
	_ =	strace @!p0 $0x90000060;
	p0 =	sne.s32 s11, s8  }
.Ltmp3:
0x75: {  	s12 =	sadd.s32 $0x3, s12;
	_ =	strace $0x80000061;
	(pc) =	sbr.rel @p0 .LBB2_1-.Ltmp3, $4  }
.Ltmp4:
0x76: {  	_ =	swait.ge [sflag:s12], $0x2000;
	(pc) =	sbr.rel @!p0 .LBB2_8-.Ltmp4, $4  }
0x77: {  	[sflag:s12] =	ssyncset.done $0x0  }
0x78: {  	[sflag:s12] =	ssyncadd.s32 $0xFFFFE000  }
0x79: {  	_ =	strace $0x90000061  }
0x7a: {  	_ = 	snop  }
.LBB2_2:
.Ltmp5:
0x7b: {  	(pc) =	sbr.rel .LBB2_7-.Ltmp5, $4  }
0x7c: {  	_ = 	snop  }
0x7d: {  	s14 =	simm.s32 $0x0  }
0x7e: {  	s12 =	simm.s32 $0x0;
	s15 =	simm.s32 $0x0;
	s17 =	smov.u32 s13  }
0x7f: {  	s20 =	simm.s32 $0x0;
	s18 =	simm.s32 $0x1;
	s13 =	simm.s32 $0x0  }
.LBB2_4:
.Ltmp6:
0x80: {  	(pc) =	sbr.rel .LBB2_7-.Ltmp6, $3  }
0x81: {  	_ =	sdelay $0x1  }
0x82: {  	s14 =	simm.s32 $0x0  }
0x83: {  	s15 =	simm.s32 $0x0;
	s20 =	simm.s32 $0x0;
	p6 =	por $0x1, $0x1  }
.LBB2_8:
0x84: {  	_ =	sfence.sel $0x180000  }
0x85: {  	[bflag:$0x0] =	sbarrier.arrive $0xFFFF  }
0x86: {  	p0 =	sne.s32 s1, $0x0;
	_ =	strace $0x9000005A  }
0x87: {  	s0 =	sadd.s32 @!p0 $0x100000, s0;
	[bflag:$0x2] =	sbarrier.arrive $0xFFFF  }
0x88: {  	[sflag:s0] =	ssyncadd.tile.s32 @!p0 $0x1;
	_ =	shalt  }
.Lfunc_end2:
_tile_overlayer_lowered:
.L_overlay_start_2:
0x89: {  	(tag) =	ssettag $0x2  }
0x8a: {  	s0 =	rddreg [dreg:$0x0];
	s2 =	stileid.u32  }
0x8b: {  	s1 =	rddreg [dreg:$0x1];
	p0 =	sne.s32 s2, $0x0  }
0x8c: {  	s3 =	rddreg [dreg:$0x2];
	[bflag:$0x3] =	sbarrier.arrive $0xFFFF;
	s2 =	simm.s32 @!p0 $0x1C01  }
0x8d: {  	[timem:s3], [sflag:s2] =	dma.local @!p0 [hbm:s0], s1  }
0x8e: {  	s0 =	simm.s32 @!p0 $0x1  }
0x8f: {  	_ =	swait.ge @!p0 [sflag:s0], s1  }
0x90: {  	s1 =	ssub.s32 @!p0 $0x0, s1;
	[sflag:s0] =	ssyncset.done @!p0 $0x0  }
0x91: {  	[sflag:s0] =	ssyncadd.s32 @!p0 s1  }
0x92: {  	[bflag:$0x3] =	sbarrier.arrive $0xFFFF  }
0x93: {  	_ =	shalt  }

// kernel: kernel.21.cloned.1.call-start
scs
__scs_entry_jumppad:
0x0: {  	(pc) =	sbr.rel $0x88, $3  }
0x1: {  	(tag) =	ssettag $0x0;
	lr =	simm.s32 $0x1  }
0x2: {  	[smem:$0x3F8F] =	sst lr;
	_ =	strace $0xD0000000  }
0x3: {  	_ = 	snop  }
0x4: {  	_ = 	snop  }
0x5: {  	_ = 	snop  }
0x6: {  	_ = 	snop  }
0x7: {  	_ = 	snop  }
__scs_overlays_trampoline_lowered:
0x8: {  	[smem:$0x3F9E] =	sst s0  }
0x9: {  	[smem:$0x3F9F] =	sst s1  }
0xa: {  	[smem:$0x3FA0] =	sst s2  }
0xb: {  	[smem:$0x3FA1] =	sst s3  }
0xc: {  	[smem:$0x3FA2] =	sst s4  }
0xd: {  	[smem:$0x3FA3] =	sst s5  }
0xe: {  	[smem:$0x3FA4] =	sst s6  }
0xf: {  	[smem:$0x3FA5] =	sst s7  }
0x10: {  	[smem:$0x3FA6] =	sst s8  }
0x11: {  	[smem:$0x3FA7] =	sst s9;
	s0 =	simm.s32 @!p0 $0x0  }
0x12: {  	s1 =	sld [smem:$0x3F8D];
	s0 =	simm.s32 @p0 $0x1  }
0x13: {  	[smem:$0x3FA8] =	sst s0;
	s0 =	simm.s32 @!p1 $0x0  }
0x14: {  	s2 =	sld [smem:$0x3F8C];
	s0 =	simm.s32 @p1 $0x1  }
0x15: {  	[smem:$0x3FA9] =	sst s0;
	s0 =	simm.s32 @!p2 $0x0  }
0x16: {  	s3 =	sld [smem:$0x3FDB];
	s0 =	simm.s32 @p2 $0x1  }
0x17: {  	s4 =	simm.s32 $0x1BF5;
	[smem:$0x3FAB] =	sst s0  }
0x18: {  	s0 =	sld [smem:$0x3F8E];
	_ =	swait.ge [sflag:s4], $0x0  }
0x19: {  	s7 =	sld [smem:$0x3F8F]  }
0x1a: {  	s8 =	sadd.s32 $0xFFFFE003, lr  }
0x1b: {  	s9 =	sadd.s32 $0xFFFFFEF7, lr;
	s5 =	simm.s32 $0xFFFFFFFF;
	p2 =	slt.u32 s8, $0xFFFFF086  }
0x1c: {  	p1 =	slt.u32 s9, $0xF7A;
	s5 =	simm.s32 @!p2 $0x0  }
0x1d: {  	s5 =	simm.s32 @p1 $0x1;
	p0 =	seq.s32 s7, s2  }
0x1e: {  	s7 =	smul.u32 @!p0 $0xF7A, s2;
	p2 =	seq.s32 @!p0 s5, $0x0  }
0x1f: {  	s9 =	smul.u32 $0xF7A, s1;
	s8 =	simm.s32 @!p0 $0x1BF5;
	p2 =	por !p2, p0  }
0x20: {  	[sflag:s8] =	ssyncset.s32 @!p0 $0xFFFFF086;
	s6 =	sadd.s32 @!p0 s3, s7;
	s7 =	simm.s32 @!p0 $0x108  }
0x21: {  	s3 =	sadd.s32 s3, s9;
	s6 =	sadd.s32 @!p0 $0x88, s6;
	s7 =	simm.s32 @p2 $0x1082  }
0x22: {  	[simem:s7], [sflag:s8] =	dma.local @!p0 [hbm:s6], $0xF7A  }
0x23: {  	s9 =	sor.u32 $0xD0000000, s2;
	s6 =	simm.s32 $0x108;
	_ =	swait.ge @!p0 [sflag:s8], $0x0  }
0x24: {  	s3 =	sadd.s32 $0x88, s3;
	s6 =	simm.s32 @!p1 $0x1082;
	[sflag:s4] =	ssyncset.s32 $0xFFFFF086  }
0x25: {  	[simem:s6], [sflag:s4] =	dma.local [hbm:s3], $0xF7A  }
0x26: {  	[smem:$0x3F8F] =	sst s1;
	(tag) =	ssettag s2;
	_ =	strace s9  }
0x27: {  	s1 =	sld [smem:$0x3F9F]  }
0x28: {  	s2 =	sld [smem:$0x3FA0]  }
0x29: {  	s4 =	sld [smem:$0x3FA2]  }
0x2a: {  	p0 =	seq.s32 s5, $0x0;
	s5 =	sld [smem:$0x3FA3]  }
0x2b: {  	s6 =	sld [smem:$0x3FA4]  }
0x2c: {  	s7 =	sld [smem:$0x3FA5]  }
0x2d: {  	s3 =	simm.s32 $0x108;
	s8 =	sld [smem:$0x3FA6]  }
0x2e: {  	s3 =	simm.s32 @!p0 $0x1082;
	s9 =	sld [smem:$0x3FA7]  }
0x2f: {  	lr =	sadd.s32 s0, s3;
	s0 =	sld [smem:$0x3F9E]  }
0x30: {  	s3 =	sld [smem:$0x3FA1]  }
0x31: {  	[smem:$0x3FAA] =	sst s10  }
0x32: {  	s10 =	sld [smem:$0x3FA8];
	_ =	sdelay $0x3  }
0x33: {  	p0 =	seq.s32 s10, $0x1;
	s10 =	sld [smem:$0x3FAA];
	_ =	sdelay $0x3  }
0x34: {  	[smem:$0x3FAA] =	sst s10  }
0x35: {  	s10 =	sld [smem:$0x3FA9];
	_ =	sdelay $0x3  }
0x36: {  	p1 =	seq.s32 s10, $0x1;
	s10 =	sld [smem:$0x3FAA];
	_ =	sdelay $0x3  }
0x37: {  	[smem:$0x3FAA] =	sst s10  }
0x38: {  	s10 =	sld [smem:$0x3FAB]  }
0x39: {  	_ = 	snop;
	(pc) =	sbr.ind lr, $3  }
0x3a: {  	_ = 	snop  }
0x3b: {  	_ = 	snop  }
0x3c: {  	p2 =	seq.s32 s10, $0x1;
	s10 =	sld [smem:$0x3FAA]  }
0x3d: {  	_ =	shalt  }
0x3e: {  	_ =	shalt  }
0x3f: {  	_ =	shalt  }
0x40: {  	_ =	shalt  }
0x41: {  	_ =	shalt  }
0x42: {  	_ =	shalt  }
0x43: {  	_ =	shalt  }
0x44: {  	_ =	shalt  }
0x45: {  	_ =	shalt  }
0x46: {  	_ =	shalt  }
0x47: {  	_ =	shalt  }
0x48: {  	_ =	shalt  }
0x49: {  	_ =	shalt  }
0x4a: {  	_ =	shalt  }
0x4b: {  	_ =	shalt  }
0x4c: {  	_ =	shalt  }
0x4d: {  	_ =	shalt  }
0x4e: {  	_ =	shalt  }
0x4f: {  	_ =	shalt  }
0x50: {  	_ =	shalt  }
0x51: {  	_ =	shalt  }
0x52: {  	_ =	shalt  }
0x53: {  	_ =	shalt  }
0x54: {  	_ =	shalt  }
0x55: {  	_ =	shalt  }
0x56: {  	_ =	shalt  }
0x57: {  	_ =	shalt  }
0x58: {  	_ =	shalt  }
0x59: {  	_ =	shalt  }
0x5a: {  	_ =	shalt  }
0x5b: {  	_ =	shalt  }
0x5c: {  	_ =	shalt  }
0x5d: {  	_ =	shalt  }
0x5e: {  	_ =	shalt  }
0x5f: {  	_ =	shalt  }
0x60: {  	_ =	shalt  }
0x61: {  	_ =	shalt  }
0x62: {  	_ =	shalt  }
0x63: {  	_ =	shalt  }
0x64: {  	_ =	shalt  }
0x65: {  	_ =	shalt  }
0x66: {  	_ =	shalt  }
0x67: {  	_ =	shalt  }
0x68: {  	_ =	shalt  }
0x69: {  	_ =	shalt  }
0x6a: {  	_ =	shalt  }
0x6b: {  	_ =	shalt  }
0x6c: {  	_ =	shalt  }
0x6d: {  	_ =	shalt  }
0x6e: {  	_ =	shalt  }
0x6f: {  	_ =	shalt  }
0x70: {  	_ =	shalt  }
0x71: {  	_ =	shalt  }
0x72: {  	_ =	shalt  }
0x73: {  	_ =	shalt  }
0x74: {  	_ =	shalt  }
0x75: {  	_ =	shalt  }
0x76: {  	_ =	shalt  }
0x77: {  	_ =	shalt  }
0x78: {  	_ =	shalt  }
0x79: {  	_ =	shalt  }
0x7a: {  	_ =	shalt  }
0x7b: {  	_ =	shalt  }
0x7c: {  	_ =	shalt  }
0x7d: {  	_ =	shalt  }
0x7e: {  	_ =	shalt  }
0x7f: {  	_ =	shalt  }
0x80: {  	_ =	shalt  }
0x81: {  	_ =	shalt  }
0x82: {  	_ =	shalt  }
0x83: {  	_ =	shalt  }
0x84: {  	_ =	shalt  }
0x85: {  	_ =	shalt  }
0x86: {  	_ =	shalt  }
0x87: {  	_ =	shalt  }
.Lfunc_end0:
.L_simem_size_0:
called_computation.3_lowered:
.L_overlay_start_0:
0x88: {  	s2 =	sld [smem:$0x3FD9]  }
0x89: {  	s3 =	sld [smem:$0x3FFE];
	_ =	sdelay $0x1  }
0x8a: {  	s1 =	srdreg.scid  }
0x8b: {  	s0 =	sand.u32 $0x1, s1  }
0x8c: {  	s16 =	sshll.u32 s0, $0xA;
	s2 =	sadd.s32 s3, s2  }
0x8d: {  	s2 =	sadd.s32 s2, s16  }
0x8e: {  	[smem:$0x3FB6] =	sst s2  }
0x8f: {  	_ = 	snop  }
0x90: {  	(tm) =	ssettm $0x1  }
0x91: {  	s17 =	sld [smem:$0x3FFB];
	_ =	sdelay $0x3  }
0x92: {  	_ =	strace s17  }
0x93: {  	s2 =	sld [smem:$0x3FFC];
	_ =	sdelay $0x3  }
0x94: {  	_ =	strace s2  }
0x95: {  	s2 =	sld [smem:$0x3FFD];
	_ =	sdelay $0x3  }
0x96: {  	_ =	strace s2  }
0x97: {  	_ =	strace $0x8FFFFFFF  }
0x98: {  	s18 =	sld [smem:$0x3FDB];
	_ =	sdelay $0x1  }
0x99: {  	s19 =	simm.s32 $_scs_section_size  }
0x9a: {  	s4 =	simm.s32 $_size__tile_overlayer_lowered;
	s5 =	simm.s32 $_tile_overlayer_lowered  }
0x9b: {  	s22 =	simm.s32 $0x1BFF;
	s21 =	sshll.u32 s5, $0x1;
	s2 =	sadd.s32 s19, s18  }
0x9c: {  	s6 =	simm.s32 $0x0;
	s20 =	sshll.u32 s4, $0x1;
	s4 =	sadd.s32 s21, s2  }
0x9d: {  	[timem:s6], [sflag:s22] =	dma.local [hbm:s4], s20  }
0x9e: {  	_ =	swait.ge [sflag:s22], s20  }
0x9f: {  	s3 =	ssub.s32 $0x0, s20;
	[sflag:s22] =	ssyncset.done $0x0  }
0xa0: {  	[sflag:s22] =	ssyncadd.s32 s3;
	_ =	sdelay $0x1  }
0xa1: {  	s23 =	simm.s32 $0x1B8B  }
0xa2: {  	_ =	swait.ge [sflag:s23], $0x1  }
0xa3: {  	[sflag:s23] =	ssyncset.done $0x0  }
0xa4: {  	s25 =	simm.s32 $0x1B8E;
	s24 =	sld [smem:$0x3FFE];
	[sflag:s23] =	ssyncadd.s32 $0xFFFFFFFF  }
0xa5: {  	s26 =	simm.s32 $execute0_lowered;
	[smem:$0x3FD2] =	sst s25  }
0xa6: {  	s4 =	sshll.u32 s26, $0x1;
	_ =	strace $0x80000063;
	[dreg:$0x1] =	wrdreg $0xFFFFFFFF  }
0xa7: {  	s28 =	simm.s32 $_size_execute0_lowered;
	s2 =	sadd.s32 s2, s4;
	[dreg:$0x0] =	wrdreg $0x0  }
0xa8: {  	s4 =	sshll.u32 s28, $0x1;
	[dreg:$0x2] =	wrdreg s2  }
0xa9: {  	[dreg:$0x3] =	wrdreg s4  }
0xaa: {  	[dreg:$0x4] =	wrdreg $0xC0  }
0xab: {  	_ =	task [dreg:s6], $0x5FFFF  }
0xac: {  	[dreg:$0x1] =	wrdreg $0xFFFFFFFF  }
0xad: {  	[dreg:$0x0] =	wrdreg $0x60  }
0xae: {  	[dreg:$0x2] =	wrdreg s24  }
0xaf: {  	[dreg:$0x3] =	wrdreg $0x0  }
0xb0: {  	[dreg:$0x4] =	wrdreg $0x9  }
0xb1: {  	_ =	task.clear_ibuf [dreg:s6], $0x5FFFF;
	_ =	strace $0x90000063  }
0xb2: {  	s29 =	simm.s32 $0x9;
	_ =	strace $0x8000006B  }
0xb3: {  	_ =	swait.ge [sflag:s29], $0x1  }
0xb4: {  	[sflag:s29] =	ssyncadd.s32 $0xFFFFFFFF  }
0xb5: {  	_ =	strace $0x9000006B  }
0xb6: {  	_ =	sfence  }
0xb7: {  	s30 =	sld [smem:$0x0];
	_ =	sdelay $0x2  }
0xb8: {  	s31 =	sshll.u32 s1, $0xD;
	s1 =	sshrl.u32 s1, $0x2  }
0xb9: {  	s3 =	sand.u32 $0x4000, s31;
	s1 =	sadd.s32 s1, s30  }
0xba: {  	s0 =	sor.u32 s3, s0;
	s1 =	sshll.u32 s1, $0x11  }
0xbb: {  	s0 =	sor.u32 s1, s0  }
0xbc: {  	s0 =	sadd.s32 $0x8F2B, s0  }
0xbd: {  	[sflag:s0] =	ssyncadd.remote.s32 $0x1  }
0xbe: {  	_ =	sfence.sel $0xFFFF  }
0xbf: {  	[dreg:$0x0] =	wrdreg $0xFFFFFFFF;
	(pc) =	sbr.abs _section_cstart, $3  }
0xc0: {  	[dreg:$0x1] =	wrdreg $0xFFFFFFFF  }
0xc1: {  	_ =	task.clear_ibuf [dreg:s6], $0x2FFFF;
	_ =	strace $0x9FFFFFFF  }
0xc2: {  	(tm) =	ssettm $0x7FFFFFFF  }
0xc3: {  	_ =	shalt  }
tec
execute0_lowered:
.L_overlay_start_1:
0x0: {  	(tag) =	ssettag $0x1  }
0x1: {  	s7 =	rddreg [dreg:$0x0]  }
0x2: {  	s1 =	rddreg [dreg:$0x1];
	s2 =	simm.s32 $0x0  }
0x3: {  	s3 =	srdreg.scid;
	s0 =	stileid.u32;
	s17 =	simm.s32 $0x5  }
0x4: {  	s18 =	simm.s32 $0x1;
	[smem:$0x7FF] =	sst s2;
	s4 =	sadd.s32 $0x17C00, s7  }
0x5: {  	s5 =	sadd.s32 $0x12C00, s7;
	s6 =	sand.u32 $0x1, s3;
	s12 =	smul.u32 $0x4E40, s0  }
0x6: {  	s29 =	sshll.u32 s0, $0x6;
	_ =	strace $0x80000064;
	s8 =	smul.u32 $0x9C80, s6  }
0x7: {  	s9 =	sshll.u32 s6, $0x4;
	s10 =	ssub.s32 $0x2, s6;
	s6 =	sadd.s32 $0xB4000, s7  }
0x8: {  	s9 =	sor.u32 s0, s9;
	s11 =	sshrl.u32 s10, $0x1;
	s30 =	sadd.s32 s12, s1  }
0x9: {  	s20 =	sshrl.u32 s12, $0x3;
	s13 =	smul.u32 $0x13, s9;
	s15 =	ssub.s32 s10, s11  }
0xa: {  	s10 =	smul.u32 $0x14, s9;
	p0 =	slt.u32 s9, $0x11;
	s9 =	simm.s32 $0x14  }
0xb: {  	s14 =	sadd.s32 s8, s7;
	s8 =	sor.u32 $0x1C01, s29;
	s9 =	simm.s32 @!p0 $0x13  }
0xc: {  	s19 =	sadd.s32 $0xB4A00, s14;
	s12 =	smax.u32 s15, $0x1;
	s14 =	simm.s32 $0x4E40  }
0xd: {  	s15 =	simm.s32 $0x8E40;
	s7 =	sadd.s32 $0x11, s13;
	s16 =	sadd.s32 $0xFFFFFFFF, s9  }
0xe: {  	s13 =	sshrl.u32 s30, $0x3;
	s19 =	sadd.s32 s20, s19;
	s7 =	smov.u32 @p0 s10  }
0xf: {  	s20 =	simm.s32 $0x0;
	s10 =	sshll.u32 s7, $0xA;
	s31 =	sshll.u32 s7, $0x5  }
0x10: {  	[dreg:$0x3] =	wrdreg s16;
	s10 =	sand.u32 $0x1FFFFC00, s10;
	s11 =	sand.u32 $0x1FFFFFE0, s31  }
0x11: {  	s16 =	simm.s32 $0x100;
	s10 =	sadd.s32 s4, s10;
	s11 =	sadd.s32 s5, s11  }
.LBB2_1:
0x12: {  	[spmem:s13], [sflag:s8] =	dma.local [hbm:s6], $0x9C8  }
0x13: {  	_ =	swait.ge [sflag:s18], $0x9C8  }
0x14: {  	[sflag:s18] =	ssyncset.done $0x0  }
0x15: {  	[sflag:s18] =	ssyncadd.s32 $0xFFFFF638  }
0x16: {  	[bflag:$0x0] =	sbarrier.arrive $0xFFFF  }
0x17: {  	s23 =	simm.s32 $0x0;
	_ =	strace $0x80000065  }
0x18: {  	[tilespmem:s14], [sflag:$0x1] =	stream.linear.gather [hbm4b:s10+s2], $0x2000, $0x200038;
	[tilespmem:$0x9040] =	vst v63  }
0x19: {  	s21 =	simm.s32 $0x0;
	s24 =	simm.s32 $0x1;
	s22 =	simm.s32 $0x0  }
0x1a: {  	[tilespmem:s15], [sflag:$0x3] =	stream.linear.gather [hbm4b:s11+s2], $0x100, $0x200038;
	[tilespmem:$0x9040] =	vst v63  }
0x1b: {  	s26 =	simm.s32 $0x1;
	s25 =	simm.s32 $0x0;
	_ =	strace $0x90000065  }
.LBB2_2:
0x1c: {  	s28 =	smov.u32 s23;
	s23 =	sadd.s32 $0x1, s23  }
0x1d: {  	p0 =	seq.s32 s23, s9  }
0x1e: {  	s23 =	simm.s32 @p0 $0x0  }
0x1f: {  	s29 =	smov.u32 s26;
	p0 =	seq.s32 s28, s23  }
0x20: {  	s26 =	sadd.s32 @!p0 s7, s23;
	s30 =	sand.u32 @!p0 $0x1, s29  }
0x21: {  	_ =	strace @!p0 $0x80000066;
	s3 =	simm.s32 @!p0 $0x0;
	s0 =	sshll.u32 @!p0 s26, $0xA  }
0x22: {  	s31 =	sshll.u32 @!p0 s30, $0xD;
	s30 =	sadd.s32 @!p0 $0x1, s30;
	s0 =	sand.u32 @!p0 $0x1FFFFC00, s0  }
0x23: {  	s26 =	sshll.u32 @!p0 s26, $0x5;
	s31 =	sor.u32 @!p0 $0x4E40, s31;
	s0 =	sadd.s32 @!p0 s4, s0  }
0x24: {  	[tilespmem:s31], [sflag:s30] =	stream.linear.gather @!p0 [hbm4b:s0+s3], $0x2000, $0x200038;
	[tilespmem:$0x9040] =	vst v63  }
0x25: {  	s26 =	sand.u32 @!p0 $0x1FFFFFE0, s26;
	s0 =	sand.u32 @!p0 $0x1, s24  }
0x26: {  	s26 =	sadd.s32 @!p0 s5, s26;
	_ =	strace @!p0 $0x90000066;
	s30 =	sshll.u32 @!p0 s0, $0x8  }
0x27: {  	s0 =	sadd.s32 @!p0 $0x3, s0;
	_ =	strace @!p0 $0x80000067;
	s30 =	sor.u32 @!p0 $0x8E40, s30  }
0x28: {  	[tilespmem:s30], [sflag:s0] =	stream.linear.gather @!p0 [hbm4b:s26+s3], $0x100, $0x200038;
	[tilespmem:$0x9040] =	vst v63  }
0x29: {  	s31 =	sand.u32 $0x1, s22;
	_ =	strace @!p0 $0x90000067  }
0x2a: {  	s0 =	sadd.s32 $0x1, s31;
	_ =	strace $0x80000068  }
0x2b: {  	_ =	swait.ge [sflag:s0], $0x2000  }
0x2c: {  	[sflag:s0] =	ssyncset.done $0x0  }
0x2d: {  	[sflag:s0] =	ssyncadd.s32 $0xFFFFE000  }
0x2e: {  	s3 =	sand.u32 $0x1, s21;
	_ =	strace $0x90000068  }
0x2f: {  	s0 =	sadd.s32 $0x3, s3;
	_ =	strace $0x80000069  }
0x30: {  	_ =	swait.ge [sflag:s0], $0x100  }
0x31: {  	[sflag:s0] =	ssyncset.done $0x0  }
0x32: {  	s26 =	sshll.u32 s22, $0xD;
	s30 =	sshll.u32 s21, $0x8;
	[sflag:s0] =	ssyncadd.s32 $0xFFFFFF00  }
0x33: {  	s3 =	sand.u32 $0x100, s30;
	s0 =	sand.u32 $0x2000, s26;
	_ =	strace $0x90000069  }
0x34: {  	s3 =	sor.u32 $0x8E40, s3;
	s0 =	sor.u32 $0x4E40, s0;
	_ =	strace $0x8000006A  }
0x35: {  	[spmem:s1] =	stream.indirect.scatter.add.f32 [tilespmem:s0], [sflag:$0x5], $0x20, s3, s16, $0x2000b8;
	[tilespmem:$0x9040] =	vst v63  }
0x36: {  	_ =	swait.ge [sflag:s17], $0x2000  }
0x37: {  	[sflag:s17] =	ssyncset.done $0x0  }
0x38: {  	[sflag:s17] =	ssyncadd.s32 $0xFFFFE000  }
0x39: {  	s25 =	sadd.s32 $0x1, s25;
	_ =	strace $0x9000006A  }
0x3a: {  	s26 =	sadd.s32 @!p0 $0x1, s29;
	s3 =	simm.s32 @!p0 $0x1;
	s31 =	rddreg [dreg:$0x3]  }
0x3b: {  	s26 =	smov.u32 @p0 s29;
	s3 =	simm.s32 @p0 $0x0;
	p0 =	sne.s32 s31, s25  }
.Ltmp0:
0x3c: {  	_ = 	snop;
	(pc) =	sbr.rel @p0 .LBB2_2-.Ltmp0, $4  }
0x3d: {  	_ = 	snop  }
0x3e: {  	p1 =	sne.s32 s28, s23;
	s28 =	simm.s32 $0x1  }
0x3f: {  	s28 =	simm.s32 @!p1 $0x0  }
0x40: {  	s22 =	sadd.s32 s28, s22;
	s21 =	sadd.s32 s28, s21;
	s24 =	sadd.s32 s24, s3  }
0x41: {  	s0 =	sand.u32 $0x1, s22  }
0x42: {  	_ =	strace $0x80000068;
	s0 =	sadd.s32 $0x1, s0  }
0x43: {  	_ =	swait.ge [sflag:s0], $0x2000  }
0x44: {  	[sflag:s0] =	ssyncset.done $0x0  }
0x45: {  	[sflag:s0] =	ssyncadd.s32 $0xFFFFE000  }
0x46: {  	s30 =	sand.u32 $0x1, s21;
	_ =	strace $0x90000068  }
0x47: {  	s0 =	sadd.s32 $0x3, s30;
	_ =	strace $0x80000069  }
0x48: {  	_ =	swait.ge [sflag:s0], $0x100  }
0x49: {  	[sflag:s0] =	ssyncset.done $0x0  }
0x4a: {  	s31 =	sshll.u32 s22, $0xD;
	s3 =	sshll.u32 s21, $0x8;
	[sflag:s0] =	ssyncadd.s32 $0xFFFFFF00  }
0x4b: {  	s3 =	sand.u32 $0x100, s3;
	s0 =	sand.u32 $0x2000, s31;
	_ =	strace $0x90000069  }
0x4c: {  	s3 =	sor.u32 $0x8E40, s3;
	s0 =	sor.u32 $0x4E40, s0;
	_ =	strace $0x8000006A  }
0x4d: {  	[spmem:s1] =	stream.indirect.scatter.add.f32 [tilespmem:s0], [sflag:$0x5], $0x20, s3, s16, $0x2000b8;
	[tilespmem:$0x9040] =	vst v63  }
0x4e: {  	_ =	swait.ge [sflag:s17], $0x2000  }
0x4f: {  	[sflag:s17] =	ssyncset.done $0x0  }
0x50: {  	s20 =	sadd.s32 $0x1, s20;
	[sflag:s17] =	ssyncadd.s32 $0xFFFFE000  }
0x51: {  	p0 =	sne.s32 s20, s12;
	_ =	strace $0x9000006A  }
.Ltmp1:
0x52: {  	[bflag:$0x0] =	sbarrier.arrive $0xFFFF;
	(pc) =	sbr.rel @p0 .LBB2_1-.Ltmp1, $4  }
0x53: {  	[hbm:s19], [sflag:s8] =	dma.local [spmem:s13], $0x9C8  }
0x54: {  	_ =	swait.ge [sflag:s18], $0x9C8  }
0x55: {  	[sflag:s18] =	ssyncset.done $0x0  }
0x56: {  	[sflag:s18] =	ssyncadd.s32 $0xFFFFF638  }
0x57: {  	_ =	sfence.sel $0x180000  }
0x58: {  	[bflag:$0x0] =	sbarrier.arrive $0xFFFF  }
0x59: {  	_ =	strace $0x90000064  }
0x5a: {  	s0 =	stileid.u32;
	[bflag:$0x2] =	sbarrier.arrive $0xFFFF  }
0x5b: {  	p0 =	sne.s32 s0, $0x0;
	s0 =	rddreg [dreg:$0x2]  }
0x5c: {  	s0 =	sadd.s32 @!p0 $0x100000, s0  }
0x5d: {  	[sflag:s0] =	ssyncadd.tile.s32 @!p0 $0x1;
	_ =	shalt  }
.Lfunc_end2:
_tile_overlayer_lowered:
.L_overlay_start_2:
0x5e: {  	(tag) =	ssettag $0x2  }
0x5f: {  	s0 =	rddreg [dreg:$0x0];
	s2 =	stileid.u32  }
0x60: {  	s1 =	rddreg [dreg:$0x1];
	p0 =	sne.s32 s2, $0x0  }
0x61: {  	s3 =	rddreg [dreg:$0x2];
	[bflag:$0x3] =	sbarrier.arrive $0xFFFF;
	s2 =	simm.s32 @!p0 $0x1C01  }
0x62: {  	[timem:s3], [sflag:s2] =	dma.local @!p0 [hbm:s0], s1  }
0x63: {  	s0 =	simm.s32 @!p0 $0x1  }
0x64: {  	_ =	swait.ge @!p0 [sflag:s0], s1  }
0x65: {  	s1 =	ssub.s32 @!p0 $0x0, s1;
	[sflag:s0] =	ssyncset.done @!p0 $0x0  }
0x66: {  	[sflag:s0] =	ssyncadd.s32 @!p0 s1  }
0x67: {  	[bflag:$0x3] =	sbarrier.arrive $0xFFFF  }
0x68: {  	_ =	shalt  }

</sc_bundles>
